<compile_context>
chip_gen: v7x
topology: tpu7x:2x2x1
jax: 0.10.2.dev20260603
libtpu: 0.0.44.dev20260713+nightly
codegen_flags: <defaults>
</compile_context>

<pallas_src>
import functools

import jax
import jax.numpy as jnp
from jax import lax
from jax.experimental import pallas as pl
from jax.experimental.pallas import tpu as pltpu
from jax.experimental.pallas import tpu_sc as plsc

F32 = jnp.float32
BF16 = jnp.bfloat16
I32 = jnp.int32
NEG_INF = float("-inf")
MTILE = 256


def _gelu(x):
    return 0.5 * x * (1.0 + lax.erf(x * (2.0 ** -0.5)))


def _gate_body(E, tokens_ref, task_ids_ref, task_embed_ref, gate_w_ref,
               gate_b_ref,
               logits_ref, pos1_ref, pos2_ref, g1_ref, g2_ref,
               teid_ref, om_ref):
    N = tokens_ref.shape[1]
    D = tokens_ref.shape[2]
    x = tokens_ref[0]
    tid = task_ids_ref[0]
    te = task_embed_ref[...]
    tlog = jnp.dot(te, gate_w_ref[D:, :])
    tio = lax.broadcasted_iota(I32, tlog.shape, 0)
    tsel = jnp.sum(jnp.where(tio == tid, tlog, 0.0), axis=0, keepdims=True)
    logits = (jnp.dot(x, gate_w_ref[:D, :])
              + tsel + gate_b_ref[...][None, :])
    logits_ref[0] = logits
    io8 = lax.broadcasted_iota(I32, (N, E), 1)
    v1 = jnp.max(logits, axis=1, keepdims=True)
    i1 = jnp.min(jnp.where(logits == v1, io8, E), axis=1, keepdims=True)
    is1 = io8 == i1
    neg = jnp.where(is1, NEG_INF, logits)
    v2 = jnp.max(neg, axis=1, keepdims=True)
    i2 = jnp.min(jnp.where(neg == v2, io8, E), axis=1, keepdims=True)
    is2 = io8 == i2
    r = jnp.exp(v2 - v1)
    g1 = 1.0 / (1.0 + r)
    g1_ref[...] = g1
    g2_ref[...] = r * g1
    om_ref[...] = 1.0 - g1

    selF = jnp.where(is1 | is2, 1.0, 0.0)
    c = selF
    sh = 1
    while sh < N:
        shifted = jnp.concatenate(
            [jnp.zeros((sh, E), F32), c[:N - sh]], axis=0)
        c = c + shifted
        sh *= 2
    c_excl = c - selF
    total = c[N - 1:N, :]
    padded = jnp.floor((total + (MTILE - 1)) * (1.0 / MTILE)) * MTILE
    offinc = padded
    sh = 1
    while sh < E:
        shifted = jnp.concatenate(
            [jnp.zeros((1, sh), F32), offinc[:, :E - sh]], axis=1)
        offinc = offinc + shifted
        sh *= 2
    off = offinc - padded
    offend = offinc
    pos1 = jnp.sum(jnp.where(is1, off + c_excl, 0.0),
                   axis=1, keepdims=True)
    pos2 = jnp.sum(jnp.where(is2, off + c_excl, 0.0),
                   axis=1, keepdims=True)
    pos1_ref[...] = pos1.astype(I32)
    pos2_ref[...] = pos2.astype(I32)
    tb = (lax.broadcasted_iota(I32, (1, 32), 1) * MTILE).astype(F32)
    acc = jnp.zeros((1, 32), F32)
    for e2 in range(E):
        acc = acc + jnp.where(tb >= offend[:, e2:e2 + 1], 1.0, 0.0)
    teid_ref[...] = acc.astype(I32)


def _univ_body(tokens_ref, om_ref, uw1_ref, ub1_ref, uw2_ref, ub2_ref,
               tu_ref, xbf_s):
    f = pl.program_id(0)

    @pl.when(f == 0)
    def _cast():
        xbf_s[...] = tokens_ref[0].astype(BF16)

    xb = xbf_s[...]
    h = jnp.dot(xb, uw1_ref[...].astype(BF16), preferred_element_type=F32)
    h = _gelu(h + ub1_ref[0, 0][None, :])
    y = jnp.dot(h.astype(BF16), uw2_ref[...].astype(BF16),
                preferred_element_type=F32)
    y = jnp.where(f == 0, y + ub2_ref[0, 0][None, :], y)
    val = om_ref[...] * y

    @pl.when(f == 0)
    def _init():
        tu_ref[0] = val

    @pl.when(f != 0)
    def _add():
        tu_ref[0] += val


def _scatter_rows_body(N, P, pos1_hbm, pos2_hbm, g1_hbm, g2_hbm,
                       row_token_hbm, row_gate_hbm,
                       p1_v, p2_v, g1buf_v, g2buf_v, tok_v, zi_v, zf_v, sem):
    cid = lax.axis_index("c")
    sid = lax.axis_index("s")
    TOK = N // 16
    tok0 = sid * TOK
    io16 = lax.broadcasted_iota(I32, (16,), 0)
    ZC = P // 16

    @pl.when(cid == 0)
    def _zero():
        for k in range(ZC // 16):
            zi_v[pl.ds(k * 16, 16)] = jnp.zeros((16,), I32)
            zf_v[pl.ds(k * 16, 16)] = jnp.zeros((16,), F32)
        pltpu.sync_copy(zi_v, row_token_hbm.at[pl.ds(sid * ZC, ZC)])
        pltpu.sync_copy(zf_v, row_gate_hbm.at[pl.ds(sid * ZC, ZC)])

    plsc.subcore_barrier()

    @pl.when(cid == 0)
    def _scatter():
        pltpu.sync_copy(pos1_hbm.at[pl.ds(tok0, TOK)], p1_v)
        pltpu.sync_copy(pos2_hbm.at[pl.ds(tok0, TOK)], p2_v)
        pltpu.sync_copy(g1_hbm.at[pl.ds(tok0, TOK)], g1buf_v)
        pltpu.sync_copy(g2_hbm.at[pl.ds(tok0, TOK)], g2buf_v)
        for k in range(TOK // 16):
            tok_v[pl.ds(k * 16, 16)] = tok0 + k * 16 + io16
        pltpu.async_copy(tok_v, row_token_hbm.at[p1_v], sem).wait()
        pltpu.async_copy(g1buf_v, row_gate_hbm.at[p1_v], sem).wait()
        pltpu.async_copy(tok_v, row_token_hbm.at[p2_v], sem).wait()
        pltpu.async_copy(g2buf_v, row_gate_hbm.at[p2_v], sem).wait()


def _gather_body(P, D, row_token_hbm, tokens_hbm, xs_hbm, idx_v, rows_v, sem):
    cid = lax.axis_index("c")
    sid = lax.axis_index("s")
    wid = sid * 2 + cid
    ROWS = P // 32
    CH = 32
    for ch in range(ROWS // CH):
        p0 = wid * ROWS + ch * CH
        pltpu.sync_copy(row_token_hbm.at[pl.ds(p0, CH)], idx_v)
        pltpu.async_copy(tokens_hbm.at[idx_v], rows_v, sem).wait()
        pltpu.sync_copy(rows_v, xs_hbm.at[pl.ds(p0, CH)])


def _grouped_body(eid_sref, x_ref, gate_ref, w1_ref, b1_ref, w2_ref, b2_ref,
                  y_ref):
    t = pl.program_id(0)
    f = pl.program_id(1)
    eid = eid_sref[t]

    @pl.when(eid < 8)
    def _compute():
        xb = x_ref[...].astype(BF16)
        h = jnp.dot(xb, w1_ref[0].astype(BF16), preferred_element_type=F32)
        h = _gelu(h + b1_ref[0, 0][None, :])
        y = jnp.dot(h.astype(BF16), w2_ref[0].astype(BF16),
                    preferred_element_type=F32)
        y = jnp.where(f == 0, y + b2_ref[0, 0][None, :], y)
        val = gate_ref[...] * y

        @pl.when(f == 0)
        def _init():
            y_ref[...] = val

        @pl.when(f != 0)
        def _add():
            y_ref[...] += val


def _combine_body(N, D, y_hbm, tu_hbm, pos1_hbm, pos2_hbm, out_hbm,
                  i1_v, i2_v, b1_v, b2_v, b3_v, sem):
    cid = lax.axis_index("c")
    sid = lax.axis_index("s")
    wid = sid * 2 + cid
    TOK = N // 32
    CH = 32
    for ch in range(TOK // CH):
        t0 = wid * TOK + ch * CH
        pltpu.sync_copy(pos1_hbm.at[pl.ds(t0, CH)], i1_v)
        pltpu.sync_copy(pos2_hbm.at[pl.ds(t0, CH)], i2_v)
        pltpu.async_copy(y_hbm.at[i1_v], b1_v, sem).wait()
        pltpu.async_copy(y_hbm.at[i2_v], b2_v, sem).wait()
        pltpu.sync_copy(tu_hbm.at[pl.ds(t0, CH)], b3_v)

        def _row(r, carry):
            for cc in range(D // 16):
                sl = pl.ds(cc * 16, 16)
                b3_v[r, sl] = b3_v[r, sl] + b1_v[r, sl] + b2_v[r, sl]
            return carry

        lax.fori_loop(0, CH, _row, 0)
        pltpu.sync_copy(b3_v, out_hbm.at[pl.ds(t0, CH)])


def _moe_sparse_core(tokens, task_ids, task_embed, gate_w, gate_b,
                     w1, b1, w2, b2, uw1, ub1, uw2, ub2):
    B, N, D = tokens.shape
    E = gate_w.shape[1]
    T = task_embed.shape[0]
    F = w1.shape[2]
    FC = 1024
    NF = F // FC
    NTILES = (2 * N) // MTILE + E
    P = NTILES * MTILE

    body1 = functools.partial(_gate_body, E)
    logits, pos1, pos2, g1, g2, teid, om = pl.pallas_call(
        body1,
        grid=(1,),
        in_specs=[
            pl.BlockSpec((1, N, D), lambda f: (0, 0, 0)),
            pl.BlockSpec(memory_space=pltpu.SMEM),
            pl.BlockSpec((T, D), lambda f: (0, 0)),
            pl.BlockSpec((2 * D, E), lambda f: (0, 0)),
            pl.BlockSpec((E,), lambda f: (0,)),
        ],
        out_specs=[
            pl.BlockSpec((1, N, E), lambda f: (0, 0, 0)),
            pl.BlockSpec((N, 1), lambda f: (0, 0)),
            pl.BlockSpec((N, 1), lambda f: (0, 0)),
            pl.BlockSpec((N, 1), lambda f: (0, 0)),
            pl.BlockSpec((N, 1), lambda f: (0, 0)),
            pl.BlockSpec((1, 32), lambda f: (0, 0)),
            pl.BlockSpec((N, 1), lambda f: (0, 0)),
        ],
        out_shape=[
            jax.ShapeDtypeStruct((B, N, E), F32),
            jax.ShapeDtypeStruct((N, 1), I32),
            jax.ShapeDtypeStruct((N, 1), I32),
            jax.ShapeDtypeStruct((N, 1), F32),
            jax.ShapeDtypeStruct((N, 1), F32),
            jax.ShapeDtypeStruct((1, 32), I32),
            jax.ShapeDtypeStruct((N, 1), F32),
        ],
    )(tokens, task_ids, task_embed, gate_w, gate_b)

    mesh = plsc.VectorSubcoreMesh(core_axis_name="c", subcore_axis_name="s")
    TOK = N // 16
    tile_eid = teid.reshape(32)

    scat = functools.partial(
        pl.kernel,
        mesh=mesh,
        out_type=[
            jax.ShapeDtypeStruct((P,), I32),
            jax.ShapeDtypeStruct((P,), F32),
        ],
        scratch_types=[
            pltpu.VMEM((TOK,), I32),
            pltpu.VMEM((TOK,), I32),
            pltpu.VMEM((TOK,), F32),
            pltpu.VMEM((TOK,), F32),
            pltpu.VMEM((TOK,), I32),
            pltpu.VMEM((P // 16,), I32),
            pltpu.VMEM((P // 16,), F32),
            pltpu.SemaphoreType.DMA,
        ],
    )(functools.partial(_scatter_rows_body, N, P))
    row_token, row_gate = scat(
        pos1.reshape(N), pos2.reshape(N), g1.reshape(N), g2.reshape(N))

    gath = functools.partial(
        pl.kernel,
        mesh=mesh,
        out_type=[jax.ShapeDtypeStruct((P, D), F32)],
        scratch_types=[
            pltpu.VMEM((32,), I32),
            pltpu.VMEM((32, D), F32),
            pltpu.SemaphoreType.DMA,
        ],
    )(functools.partial(_gather_body, P, D))
    (x_sorted,) = gath(row_token, tokens.reshape(N, D))

    tu = pl.pallas_call(
        _univ_body,
        grid=(NF,),
        in_specs=[
            pl.BlockSpec((1, N, D), lambda f: (0, 0, 0)),
            pl.BlockSpec((N, 1), lambda f: (0, 0)),
            pl.BlockSpec((D, FC), lambda f: (0, f)),
            pl.BlockSpec((1, 1, FC), lambda f: (0, 0, f)),
            pl.BlockSpec((FC, D), lambda f: (f, 0)),
            pl.BlockSpec((1, 1, D), lambda f: (0, 0, 0)),
        ],
        out_specs=pl.BlockSpec((1, N, D), lambda f: (0, 0, 0)),
        out_shape=jax.ShapeDtypeStruct((B, N, D), F32),
        scratch_shapes=[pltpu.VMEM((N, D), BF16)],
    )(tokens, om, uw1, ub1.reshape(1, 1, F), uw2, ub2.reshape(1, 1, D))

    grid_spec = pltpu.PrefetchScalarGridSpec(
        num_scalar_prefetch=1,
        grid=(NTILES, NF),
        in_specs=[
            pl.BlockSpec((MTILE, D), lambda t, f, eid: (t, 0)),
            pl.BlockSpec((MTILE, 1), lambda t, f, eid: (t, 0)),
            pl.BlockSpec((1, D, FC), lambda t, f, eid: (jnp.minimum(eid[t], 7), 0, f)),
            pl.BlockSpec((1, 1, FC), lambda t, f, eid: (jnp.minimum(eid[t], 7), 0, f)),
            pl.BlockSpec((1, FC, D), lambda t, f, eid: (jnp.minimum(eid[t], 7), f, 0)),
            pl.BlockSpec((1, 1, D), lambda t, f, eid: (jnp.minimum(eid[t], 7), 0, 0)),
        ],
        out_specs=pl.BlockSpec((MTILE, D), lambda t, f, eid: (t, 0)),
    )
    y = pl.pallas_call(
        _grouped_body,
        grid_spec=grid_spec,
        out_shape=jax.ShapeDtypeStruct((P, D), F32),
    )(tile_eid, x_sorted, row_gate.reshape(P, 1),
      w1, b1.reshape(E, 1, F), w2, b2.reshape(E, 1, D))

    comb = functools.partial(
        pl.kernel,
        mesh=mesh,
        out_type=[jax.ShapeDtypeStruct((N, D), F32)],
        scratch_types=[
            pltpu.VMEM((32,), I32),
            pltpu.VMEM((32,), I32),
            pltpu.VMEM((32, D), F32),
            pltpu.VMEM((32, D), F32),
            pltpu.VMEM((32, D), F32),
            pltpu.SemaphoreType.DMA,
        ],
    )(functools.partial(_combine_body, N, D))
    (t_out,) = comb(y, tu.reshape(N, D), pos1.reshape(N), pos2.reshape(N))

    return (t_out.reshape(B, N, D), logits, pos1, pos2, g1, g2, tile_eid,
            row_token, row_gate, x_sorted, y, tu)


def kernel(tokens, task_ids, task_embed, gate_w, gate_b,
           w1, b1, w2, b2, uw1, ub1, uw2, ub2):
    t_out, logits = _moe_sparse_core(
        tokens, task_ids, task_embed, gate_w, gate_b,
        w1, b1, w2, b2, uw1, ub1, uw2, ub2)[:2]
    return t_out, logits

# --- scband reference (transcript-rebuilt; emitter-appended) ---
"""Pipeline reference for scband-task-aware-mo-e-55284819034176 (READ-ONLY COPY).

The authoritative reference and input builder live on the scoring server;
editing this copy changes nothing except your own understanding.
"""

import jax, jax.numpy as jnp
import numpy as np

B, N, D = 1, 2048, 768
E, K, T, F = 8, 2, 16, 3072


def setup_inputs(seed: int = 0):
    key = jax.random.key(seed)
    ks = jax.random.split(key, 10)
    def s(k, shape, fan):
        return jax.random.normal(k, shape, jnp.float32) * (1.0 / np.sqrt(fan))
    return {
        "tokens": jax.random.normal(ks[0], (B, N, D), jnp.float32),
        "task_ids": jax.random.randint(ks[1], (B,), 0, T),
        "task_embed": jax.random.normal(ks[2], (T, D), jnp.float32),
        "gate_w": s(ks[3], (2 * D, E), 2 * D),
        "gate_b": jnp.zeros((E,), jnp.float32),
        "w1": s(ks[4], (E, D, F), D),
        "b1": jnp.zeros((E, F), jnp.float32),
        "w2": s(ks[5], (E, F, D), F),
        "b2": jnp.zeros((E, D), jnp.float32),
        "uw1": s(ks[6], (D, F), D),
        "ub1": jnp.zeros((F,), jnp.float32),
        "uw2": s(ks[7], (F, D), F),
        "ub2": jnp.zeros((D,), jnp.float32),
    }


def reference(tokens, task_ids, task_embed, gate_w, gate_b, w1, b1, w2, b2, uw1, ub1, uw2, ub2):
    # eval mode: no noise injection, no dropout
    t_vec = jnp.take(task_embed, task_ids, axis=0)            # [B, D] embedding lookup
    t_b = jnp.broadcast_to(t_vec[:, None, :], (B, N, D))
    T_cat = jnp.concatenate([tokens, t_b], axis=-1)           # [B, N, 2D]
    logits = T_cat @ gate_w + gate_b                          # [B, N, E]
    k = min(K, E)
    topk_vals, topk_idx = jax.lax.top_k(logits, k)            # [B, N, k]
    oh = jax.nn.one_hot(topk_idx, E, dtype=logits.dtype)      # [B, N, k, E]
    sel = oh.sum(axis=-2) > 0                                 # [B, N, E]
    vals = (oh * topk_vals[..., None]).sum(axis=-2)           # scatter topk vals
    masked = jnp.where(sel, vals, -jnp.inf)
    gates = jax.nn.softmax(masked, axis=-1)                   # [B, N, E]
    outs = []
    for e in range(E):
        h = jax.nn.gelu(tokens @ w1[e] + b1[e], approximate=False)
        outs.append(h @ w2[e] + b2[e])
    expert_outs = jnp.stack(outs, axis=-2)                    # [B, N, E, D]
    T_task = jnp.sum(gates[..., None] * expert_outs, axis=-2)  # [B, N, D]
    hu = jax.nn.gelu(tokens @ uw1 + ub1, approximate=False)
    T_univ = hu @ uw2 + ub2
    max_e = jnp.max(gates, axis=-1, keepdims=True)
    omega = 1.0 - max_e
    T_out = T_task + omega * T_univ
    return (T_out, logits)

if __name__ == "__main__":
    import jax
    _d = setup_inputs()
    print(jax.jit(kernel)(*tuple(_d.values())))

</pallas_src>

<mosaic_0001>
#map = affine_map<(d0, d1) -> (0, 0)>
#map1 = affine_map<(d0, d1) -> (0)>
module attributes {stable_mosaic.version = 14 : i64} {
  func.func @_combine_body(%arg0: i32, %arg1: i32, %arg2: memref<6144x768xf32, #tpu.memory_space<hbm>>, %arg3: memref<2048x768xf32, #tpu.memory_space<hbm>>, %arg4: memref<2048xi32, #tpu.memory_space<hbm>>, %arg5: memref<2048xi32, #tpu.memory_space<hbm>>, %arg6: memref<2048x768xf32, #tpu.memory_space<hbm>>, %arg7: memref<32xi32, #tpu.memory_space<vmem>>, %arg8: memref<32xi32, #tpu.memory_space<vmem>>, %arg9: memref<32x768xf32, #tpu.memory_space<vmem>>, %arg10: memref<32x768xf32, #tpu.memory_space<vmem>>, %arg11: memref<32x768xf32, #tpu.memory_space<vmem>>, %arg12: memref<!tpu.dma_semaphore, #tpu.memory_space<semaphore_mem>>) attributes {dimension_semantics = [#tpu.dimension_semantics<core_parallel>, #tpu.dimension_semantics<subcore_parallel>], iteration_bounds = array<i64: 2, 16>, scalar_prefetch = 0 : i64, scratch_operands = 6 : i64, tpu.core_type = #tpu.core_type<sc_vector_subcore>, window_params = [{transform_indices = #map}, {transform_indices = #map}, {transform_indices = #map1}, {transform_indices = #map1}, {transform_indices = #map}]} {
    %mul3A = arith.constant 2 : i32
    %mul3A_0 = arith.muli %arg1, %mul3A : i32
    %add3A = arith.addi %mul3A_0, %arg0 : i32
    %mul3A_1 = arith.constant 64 : i32
    %mul3A_2 = arith.muli %add3A, %mul3A_1 : i32
    %add3A_3 = arith.constant 0 : i32
    %add3A_4 = arith.addi %mul3A_2, %add3A_3 : i32
    "tpu.region"() ({
      %run_scoped3A = tpu.sem_alloc : memref<!tpu.dma_semaphore, #tpu.memory_space<semaphore_mem>>
      %dma_start3A_42 = tpu.memref_slice %arg4[%add3A_4] : memref<2048xi32, #tpu.memory_space<hbm>> -> memref<32xi32, #tpu.memory_space<hbm>>
      %dma_start3A_43 = tpu.memref_slice %arg4[%add3A_4] : memref<2048xi32, #tpu.memory_space<hbm>> -> memref<32xi32, #tpu.memory_space<hbm>>
      tpu.enqueue_dma source(%dma_start3A_43 : memref<32xi32, #tpu.memory_space<hbm>>) target(%arg7 : memref<32xi32, #tpu.memory_space<vmem>>) target_semaphore(%run_scoped3A : memref<!tpu.dma_semaphore, #tpu.memory_space<semaphore_mem>>)
      %dma_wait3A_44 = tpu.memref_slice %arg4[%add3A_4] : memref<2048xi32, #tpu.memory_space<hbm>> -> memref<32xi32, #tpu.memory_space<hbm>>
      %dma_wait3A_45 = tpu.memref_slice %arg4[%add3A_4] : memref<2048xi32, #tpu.memory_space<hbm>> -> memref<32xi32, #tpu.memory_space<hbm>>
      tpu.wait_dma2 semaphore(%run_scoped3A : memref<!tpu.dma_semaphore, #tpu.memory_space<semaphore_mem>>) src(%dma_wait3A_45 : memref<32xi32, #tpu.memory_space<hbm>>) dst(%arg7 : memref<32xi32, #tpu.memory_space<vmem>>)
      tpu.yield
    }) : () -> ()
    "tpu.region"() ({
      %run_scoped3A = tpu.sem_alloc : memref<!tpu.dma_semaphore, #tpu.memory_space<semaphore_mem>>
      %dma_start3A_42 = tpu.memref_slice %arg5[%add3A_4] : memref<2048xi32, #tpu.memory_space<hbm>> -> memref<32xi32, #tpu.memory_space<hbm>>
      %dma_start3A_43 = tpu.memref_slice %arg5[%add3A_4] : memref<2048xi32, #tpu.memory_space<hbm>> -> memref<32xi32, #tpu.memory_space<hbm>>
      tpu.enqueue_dma source(%dma_start3A_43 : memref<32xi32, #tpu.memory_space<hbm>>) target(%arg8 : memref<32xi32, #tpu.memory_space<vmem>>) target_semaphore(%run_scoped3A : memref<!tpu.dma_semaphore, #tpu.memory_space<semaphore_mem>>)
      %dma_wait3A_44 = tpu.memref_slice %arg5[%add3A_4] : memref<2048xi32, #tpu.memory_space<hbm>> -> memref<32xi32, #tpu.memory_space<hbm>>
      %dma_wait3A_45 = tpu.memref_slice %arg5[%add3A_4] : memref<2048xi32, #tpu.memory_space<hbm>> -> memref<32xi32, #tpu.memory_space<hbm>>
      tpu.wait_dma2 semaphore(%run_scoped3A : memref<!tpu.dma_semaphore, #tpu.memory_space<semaphore_mem>>) src(%dma_wait3A_45 : memref<32xi32, #tpu.memory_space<hbm>>) dst(%arg8 : memref<32xi32, #tpu.memory_space<vmem>>)
      tpu.yield
    }) : () -> ()
    %dma_start3A = arith.constant 0 : i32
    %dma_start3A_5 = arith.constant 0 : i32
    %dma_start3A_6 = tpu.memref_slice %arg2[%dma_start3A, %dma_start3A_5] : memref<6144x768xf32, #tpu.memory_space<hbm>> -> memref<6144x768xf32, #tpu.memory_space<hbm>>
    tpu.enqueue_indirect_dma source(%dma_start3A_6 : memref<6144x768xf32, #tpu.memory_space<hbm>>) target(%arg9 : memref<32x768xf32, #tpu.memory_space<vmem>>) offsets(%arg7 : memref<32xi32, #tpu.memory_space<vmem>>) semaphore(%arg12 : memref<!tpu.dma_semaphore, #tpu.memory_space<semaphore_mem>>)
    %dma_wait3A = arith.constant 0 : i32
    %dma_wait3A_7 = arith.constant 0 : i32
    %dma_wait3A_8 = tpu.memref_slice %arg2[%dma_wait3A, %dma_wait3A_7] : memref<6144x768xf32, #tpu.memory_space<hbm>> -> memref<6144x768xf32, #tpu.memory_space<hbm>>
    tpu.wait_indirect_dma semaphore(%arg12 : memref<!tpu.dma_semaphore, #tpu.memory_space<semaphore_mem>>) src(%dma_wait3A_8 : memref<6144x768xf32, #tpu.memory_space<hbm>>) dst(%arg9 : memref<32x768xf32, #tpu.memory_space<vmem>>)
    %dma_start3A_9 = arith.constant 0 : i32
    %dma_start3A_10 = arith.constant 0 : i32
    %dma_start3A_11 = tpu.memref_slice %arg2[%dma_start3A_9, %dma_start3A_10] : memref<6144x768xf32, #tpu.memory_space<hbm>> -> memref<6144x768xf32, #tpu.memory_space<hbm>>
    tpu.enqueue_indirect_dma source(%dma_start3A_11 : memref<6144x768xf32, #tpu.memory_space<hbm>>) target(%arg10 : memref<32x768xf32, #tpu.memory_space<vmem>>) offsets(%arg8 : memref<32xi32, #tpu.memory_space<vmem>>) semaphore(%arg12 : memref<!tpu.dma_semaphore, #tpu.memory_space<semaphore_mem>>)
    %dma_wait3A_12 = arith.constant 0 : i32
    %dma_wait3A_13 = arith.constant 0 : i32
    %dma_wait3A_14 = tpu.memref_slice %arg2[%dma_wait3A_12, %dma_wait3A_13] : memref<6144x768xf32, #tpu.memory_space<hbm>> -> memref<6144x768xf32, #tpu.memory_space<hbm>>
    tpu.wait_indirect_dma semaphore(%arg12 : memref<!tpu.dma_semaphore, #tpu.memory_space<semaphore_mem>>) src(%dma_wait3A_14 : memref<6144x768xf32, #tpu.memory_space<hbm>>) dst(%arg10 : memref<32x768xf32, #tpu.memory_space<vmem>>)
    "tpu.region"() ({
      %run_scoped3A = tpu.sem_alloc : memref<!tpu.dma_semaphore, #tpu.memory_space<semaphore_mem>>
      %dma_start3A_42 = arith.constant 0 : i32
      %dma_start3A_43 = tpu.memref_slice %arg3[%add3A_4, %dma_start3A_42] : memref<2048x768xf32, #tpu.memory_space<hbm>> -> memref<32x768xf32, #tpu.memory_space<hbm>>
      %dma_start3A_44 = arith.constant 0 : i32
      %dma_start3A_45 = tpu.memref_slice %arg3[%add3A_4, %dma_start3A_44] : memref<2048x768xf32, #tpu.memory_space<hbm>> -> memref<32x768xf32, #tpu.memory_space<hbm>>
      tpu.enqueue_dma source(%dma_start3A_45 : memref<32x768xf32, #tpu.memory_space<hbm>>) target(%arg11 : memref<32x768xf32, #tpu.memory_space<vmem>>) target_semaphore(%run_scoped3A : memref<!tpu.dma_semaphore, #tpu.memory_space<semaphore_mem>>)
      %dma_wait3A_46 = arith.constant 0 : i32
      %dma_wait3A_47 = tpu.memref_slice %arg3[%add3A_4, %dma_wait3A_46] : memref<2048x768xf32, #tpu.memory_space<hbm>> -> memref<32x768xf32, #tpu.memory_space<hbm>>
      %dma_wait3A_48 = arith.constant 0 : i32
      %dma_wait3A_49 = tpu.memref_slice %arg3[%add3A_4, %dma_wait3A_48] : memref<2048x768xf32, #tpu.memory_space<hbm>> -> memref<32x768xf32, #tpu.memory_space<hbm>>
      tpu.wait_dma2 semaphore(%run_scoped3A : memref<!tpu.dma_semaphore, #tpu.memory_space<semaphore_mem>>) src(%dma_wait3A_49 : memref<32x768xf32, #tpu.memory_space<hbm>>) dst(%arg11 : memref<32x768xf32, #tpu.memory_space<vmem>>)
      tpu.yield
    }) : () -> ()
    %scan3A = arith.constant 0 : i32
    %scan3A_15 = arith.constant 0 : i32
    %scan3A_16 = arith.constant 32 : i32
    %scan3A_17 = arith.addi %scan3A_15, %scan3A_16 : i32
    %scan3A_18 = arith.constant 1 : i32
    scf.for %scan3A_42 = %scan3A_15 to %scan3A_17 step %scan3A_18  : i32 {
      %get3A = arith.index_cast %scan3A_42 : i32 to index
      %get3A_43 = arith.constant 0 : index
      %get3A_44 = tpu.vector_load %arg11[%get3A, %get3A_43] {strides = array<i32>} : memref<32x768xf32, #tpu.memory_space<vmem>>, vector<1x16xf32>,
      %get3A_45 = vector.shape_cast %get3A_44 : vector<1x16xf32> to vector<16xf32>
      %get3A_46 = arith.index_cast %scan3A_42 : i32 to index
      %get3A_47 = arith.constant 0 : index
      %get3A_48 = tpu.vector_load %arg9[%get3A_46, %get3A_47] {strides = array<i32>} : memref<32x768xf32, #tpu.memory_space<vmem>>, vector<1x16xf32>,
      %get3A_49 = vector.shape_cast %get3A_48 : vector<1x16xf32> to vector<16xf32>
      %add3A_50 = arith.addf %get3A_45, %get3A_49 : vector<16xf32>
      %get3A_51 = arith.index_cast %scan3A_42 : i32 to index
      %get3A_52 = arith.constant 0 : index
      %get3A_53 = tpu.vector_load %arg10[%get3A_51, %get3A_52] {strides = array<i32>} : memref<32x768xf32, #tpu.memory_space<vmem>>, vector<1x16xf32>,
      %get3A_54 = vector.shape_cast %get3A_53 : vector<1x16xf32> to vector<16xf32>
      %add3A_55 = arith.addf %add3A_50, %get3A_54 : vector<16xf32>
      %swap3A = arith.index_cast %scan3A_42 : i32 to index
      %swap3A_56 = arith.constant 0 : index
      %swap3A_57 = tpu.vector_load %arg11[%swap3A, %swap3A_56] {strides = array<i32>} : memref<32x768xf32, #tpu.memory_space<vmem>>, vector<1x16xf32>,
      %swap3A_58 = vector.shape_cast %swap3A_57 : vector<1x16xf32> to vector<16xf32>
      %swap3A_59 = vector.shape_cast %add3A_55 : vector<16xf32> to vector<1x16xf32>
      tpu.vector_store %arg11[%swap3A, %swap3A_56], %swap3A_59 {strides = array<i32>} : memref<32x768xf32, #tpu.memory_space<vmem>>, vector<1x16xf32>,
      %get3A_60 = arith.index_cast %scan3A_42 : i32 to index
      %get3A_61 = arith.constant 16 : index
      %get3A_62 = tpu.vector_load %arg11[%get3A_60, %get3A_61] {strides = array<i32>} : memref<32x768xf32, #tpu.memory_space<vmem>>, vector<1x16xf32>,
      %get3A_63 = vector.shape_cast %get3A_62 : vector<1x16xf32> to vector<16xf32>
      %get3A_64 = arith.index_cast %scan3A_42 : i32 to index
      %get3A_65 = arith.constant 16 : index
      %get3A_66 = tpu.vector_load %arg9[%get3A_64, %get3A_65] {strides = array<i32>} : memref<32x768xf32, #tpu.memory_space<vmem>>, vector<1x16xf32>,
      %get3A_67 = vector.shape_cast %get3A_66 : vector<1x16xf32> to vector<16xf32>
      %add3A_68 = arith.addf %get3A_63, %get3A_67 : vector<16xf32>
      %get3A_69 = arith.index_cast %scan3A_42 : i32 to index
      %get3A_70 = arith.constant 16 : index
      %get3A_71 = tpu.vector_load %arg10[%get3A_69, %get3A_70] {strides = array<i32>} : memref<32x768xf32, #tpu.memory_space<vmem>>, vector<1x16xf32>,
      %get3A_72 = vector.shape_cast %get3A_71 : vector<1x16xf32> to vector<16xf32>
      %add3A_73 = arith.addf %add3A_68, %get3A_72 : vector<16xf32>
      %swap3A_74 = arith.index_cast %scan3A_42 : i32 to index
      %swap3A_75 = arith.constant 16 : index
      %swap3A_76 = tpu.vector_load %arg11[%swap3A_74, %swap3A_75] {strides = array<i32>} : memref<32x768xf32, #tpu.memory_space<vmem>>, vector<1x16xf32>,
      %swap3A_77 = vector.shape_cast %swap3A_76 : vector<1x16xf32> to vector<16xf32>
      %swap3A_78 = vector.shape_cast %add3A_73 : vector<16xf32> to vector<1x16xf32>
      tpu.vector_store %arg11[%swap3A_74, %swap3A_75], %swap3A_78 {strides = array<i32>} : memref<32x768xf32, #tpu.memory_space<vmem>>, vector<1x16xf32>,
      %get3A_79 = arith.index_cast %scan3A_42 : i32 to index
      %get3A_80 = arith.constant 32 : index
      %get3A_81 = tpu.vector_load %arg11[%get3A_79, %get3A_80] {strides = array<i32>} : memref<32x768xf32, #tpu.memory_space<vmem>>, vector<1x16xf32>,
      %get3A_82 = vector.shape_cast %get3A_81 : vector<1x16xf32> to vector<16xf32>
      %get3A_83 = arith.index_cast %scan3A_42 : i32 to index
      %get3A_84 = arith.constant 32 : index
      %get3A_85 = tpu.vector_load %arg9[%get3A_83, %get3A_84] {strides = array<i32>} : memref<32x768xf32, #tpu.memory_space<vmem>>, vector<1x16xf32>,
      %get3A_86 = vector.shape_cast %get3A_85 : vector<1x16xf32> to vector<16xf32>
      %add3A_87 = arith.addf %get3A_82, %get3A_86 : vector<16xf32>
      %get3A_88 = arith.index_cast %scan3A_42 : i32 to index
      %get3A_89 = arith.constant 32 : index
      %get3A_90 = tpu.vector_load %arg10[%get3A_88, %get3A_89] {strides = array<i32>} : memref<32x768xf32, #tpu.memory_space<vmem>>, vector<1x16xf32>,
      %get3A_91 = vector.shape_cast %get3A_90 : vector<1x16xf32> to vector<16xf32>
      %add3A_92 = arith.addf %add3A_87, %get3A_91 : vector<16xf32>
      %swap3A_93 = arith.index_cast %scan3A_42 : i32 to index
      %swap3A_94 = arith.constant 32 : index
      %swap3A_95 = tpu.vector_load %arg11[%swap3A_93, %swap3A_94] {strides = array<i32>} : memref<32x768xf32, #tpu.memory_space<vmem>>, vector<1x16xf32>,
      %swap3A_96 = vector.shape_cast %swap3A_95 : vector<1x16xf32> to vector<16xf32>
      %swap3A_97 = vector.shape_cast %add3A_92 : vector<16xf32> to vector<1x16xf32>
      tpu.vector_store %arg11[%swap3A_93, %swap3A_94], %swap3A_97 {strides = array<i32>} : memref<32x768xf32, #tpu.memory_space<vmem>>, vector<1x16xf32>,
      %get3A_98 = arith.index_cast %scan3A_42 : i32 to index
      %get3A_99 = arith.constant 48 : index
      %get3A_100 = tpu.vector_load %arg11[%get3A_98, %get3A_99] {strides = array<i32>} : memref<32x768xf32, #tpu.memory_space<vmem>>, vector<1x16xf32>,
      %get3A_101 = vector.shape_cast %get3A_100 : vector<1x16xf32> to vector<16xf32>
      %get3A_102 = arith.index_cast %scan3A_42 : i32 to index
      %get3A_103 = arith.constant 48 : index
      %get3A_104 = tpu.vector_load %arg9[%get3A_102, %get3A_103] {strides = array<i32>} : memref<32x768xf32, #tpu.memory_space<vmem>>, vector<1x16xf32>,
      %get3A_105 = vector.shape_cast %get3A_104 : vector<1x16xf32> to vector<16xf32>
      %add3A_106 = arith.addf %get3A_101, %get3A_105 : vector<16xf32>
      %get3A_107 = arith.index_cast %scan3A_42 : i32 to index
      %get3A_108 = arith.constant 48 : index
      %get3A_109 = tpu.vector_load %arg10[%get3A_107, %get3A_108] {strides = array<i32>} : memref<32x768xf32, #tpu.memory_space<vmem>>, vector<1x16xf32>,
      %get3A_110 = vector.shape_cast %get3A_109 : vector<1x16xf32> to vector<16xf32>
      %add3A_111 = arith.addf %add3A_106, %get3A_110 : vector<16xf32>
      %swap3A_112 = arith.index_cast %scan3A_42 : i32 to index
      %swap3A_113 = arith.constant 48 : index
      %swap3A_114 = tpu.vector_load %arg11[%swap3A_112, %swap3A_113] {strides = array<i32>} : memref<32x768xf32, #tpu.memory_space<vmem>>, vector<1x16xf32>,
      %swap3A_115 = vector.shape_cast %swap3A_114 : vector<1x16xf32> to vector<16xf32>
      %swap3A_116 = vector.shape_cast %add3A_111 : vector<16xf32> to vector<1x16xf32>
      tpu.vector_store %arg11[%swap3A_112, %swap3A_113], %swap3A_116 {strides = array<i32>} : memref<32x768xf32, #tpu.memory_space<vmem>>, vector<1x16xf32>,
      %get3A_117 = arith.index_cast %scan3A_42 : i32 to index
      %get3A_118 = arith.constant 64 : index
      %get3A_119 = tpu.vector_load %arg11[%get3A_117, %get3A_118] {strides = array<i32>} : memref<32x768xf32, #tpu.memory_space<vmem>>, vector<1x16xf32>,
      %get3A_120 = vector.shape_cast %get3A_119 : vector<1x16xf32> to vector<16xf32>
      %get3A_121 = arith.index_cast %scan3A_42 : i32 to index
      %get3A_122 = arith.constant 64 : index
      %get3A_123 = tpu.vector_load %arg9[%get3A_121, %get3A_122] {strides = array<i32>} : memref<32x768xf32, #tpu.memory_space<vmem>>, vector<1x16xf32>,
      %get3A_124 = vector.shape_cast %get3A_123 : vector<1x16xf32> to vector<16xf32>
      %add3A_125 = arith.addf %get3A_120, %get3A_124 : vector<16xf32>
      %get3A_126 = arith.index_cast %scan3A_42 : i32 to index
      %get3A_127 = arith.constant 64 : index
      %get3A_128 = tpu.vector_load %arg10[%get3A_126, %get3A_127] {strides = array<i32>} : memref<32x768xf32, #tpu.memory_space<vmem>>, vector<1x16xf32>,
      %get3A_129 = vector.shape_cast %get3A_128 : vector<1x16xf32> to vector<16xf32>
      %add3A_130 = arith.addf %add3A_125, %get3A_129 : vector<16xf32>
      %swap3A_131 = arith.index_cast %scan3A_42 : i32 to index
      %swap3A_132 = arith.constant 64 : index
      %swap3A_133 = tpu.vector_load %arg11[%swap3A_131, %swap3A_132] {strides = array<i32>} : memref<32x768xf32, #tpu.memory_space<vmem>>, vector<1x16xf32>,
      %swap3A_134 = vector.shape_cast %swap3A_133 : vector<1x16xf32> to vector<16xf32>
      %swap3A_135 = vector.shape_cast %add3A_130 : vector<16xf32> to vector<1x16xf32>
      tpu.vector_store %arg11[%swap3A_131, %swap3A_132], %swap3A_135 {strides = array<i32>} : memref<32x768xf32, #tpu.memory_space<vmem>>, vector<1x16xf32>,
      %get3A_136 = arith.index_cast %scan3A_42 : i32 to index
      %get3A_137 = arith.constant 80 : index
      %get3A_138 = tpu.vector_load %arg11[%get3A_136, %get3A_137] {strides = array<i32>} : memref<32x768xf32, #tpu.memory_space<vmem>>, vector<1x16xf32>,
      %get3A_139 = vector.shape_cast %get3A_138 : vector<1x16xf32> to vector<16xf32>
      %get3A_140 = arith.index_cast %scan3A_42 : i32 to index
      %get3A_141 = arith.constant 80 : index
      %get3A_142 = tpu.vector_load %arg9[%get3A_140, %get3A_141] {strides = array<i32>} : memref<32x768xf32, #tpu.memory_space<vmem>>, vector<1x16xf32>,
      %get3A_143 = vector.shape_cast %get3A_142 : vector<1x16xf32> to vector<16xf32>
      %add3A_144 = arith.addf %get3A_139, %get3A_143 : vector<16xf32>
      %get3A_145 = arith.index_cast %scan3A_42 : i32 to index
      %get3A_146 = arith.constant 80 : index
      %get3A_147 = tpu.vector_load %arg10[%get3A_145, %get3A_146] {strides = array<i32>} : memref<32x768xf32, #tpu.memory_space<vmem>>, vector<1x16xf32>,
      %get3A_148 = vector.shape_cast %get3A_147 : vector<1x16xf32> to vector<16xf32>
      %add3A_149 = arith.addf %add3A_144, %get3A_148 : vector<16xf32>
      %swap3A_150 = arith.index_cast %scan3A_42 : i32 to index
      %swap3A_151 = arith.constant 80 : index
      %swap3A_152 = tpu.vector_load %arg11[%swap3A_150, %swap3A_151] {strides = array<i32>} : memref<32x768xf32, #tpu.memory_space<vmem>>, vector<1x16xf32>,
      %swap3A_153 = vector.shape_cast %swap3A_152 : vector<1x16xf32> to vector<16xf32>
      %swap3A_154 = vector.shape_cast %add3A_149 : vector<16xf32> to vector<1x16xf32>
      tpu.vector_store %arg11[%swap3A_150, %swap3A_151], %swap3A_154 {strides = array<i32>} : memref<32x768xf32, #tpu.memory_space<vmem>>, vector<1x16xf32>,
      %get3A_155 = arith.index_cast %scan3A_42 : i32 to index
      %get3A_156 = arith.constant 96 : index
      %get3A_157 = tpu.vector_load %arg11[%get3A_155, %get3A_156] {strides = array<i32>} : memref<32x768xf32, #tpu.memory_space<vmem>>, vector<1x16xf32>,
      %get3A_158 = vector.shape_cast %get3A_157 : vector<1x16xf32> to vector<16xf32>
      %get3A_159 = arith.index_cast %scan3A_42 : i32 to index
      %get3A_160 = arith.constant 96 : index
      %get3A_161 = tpu.vector_load %arg9[%get3A_159, %get3A_160] {strides = array<i32>} : memref<32x768xf32, #tpu.memory_space<vmem>>, vector<1x16xf32>,
      %get3A_162 = vector.shape_cast %get3A_161 : vector<1x16xf32> to vector<16xf32>
      %add3A_163 = arith.addf %get3A_158, %get3A_162 : vector<16xf32>
      %get3A_164 = arith.index_cast %scan3A_42 : i32 to index
      %get3A_165 = arith.constant 96 : index
      %get3A_166 = tpu.vector_load %arg10[%get3A_164, %get3A_165] {strides = array<i32>} : memref<32x768xf32, #tpu.memory_space<vmem>>, vector<1x16xf32>,
      %get3A_167 = vector.shape_cast %get3A_166 : vector<1x16xf32> to vector<16xf32>
      %add3A_168 = arith.addf %add3A_163, %get3A_167 : vector<16xf32>
      %swap3A_169 = arith.index_cast %scan3A_42 : i32 to index
      %swap3A_170 = arith.constant 96 : index
      %swap3A_171 = tpu.vector_load %arg11[%swap3A_169, %swap3A_170] {strides = array<i32>} : memref<32x768xf32, #tpu.memory_space<vmem>>, vector<1x16xf32>,
      %swap3A_172 = vector.shape_cast %swap3A_171 : vector<1x16xf32> to vector<16xf32>
      %swap3A_173 = vector.shape_cast %add3A_168 : vector<16xf32> to vector<1x16xf32>
      tpu.vector_store %arg11[%swap3A_169, %swap3A_170], %swap3A_173 {strides = array<i32>} : memref<32x768xf32, #tpu.memory_space<vmem>>, vector<1x16xf32>,
      %get3A_174 = arith.index_cast %scan3A_42 : i32 to index
      %get3A_175 = arith.constant 112 : index
      %get3A_176 = tpu.vector_load %arg11[%get3A_174, %get3A_175] {strides = array<i32>} : memref<32x768xf32, #tpu.memory_space<vmem>>, vector<1x16xf32>,
      %get3A_177 = vector.shape_cast %get3A_176 : vector<1x16xf32> to vector<16xf32>
      %get3A_178 = arith.index_cast %scan3A_42 : i32 to index
      %get3A_179 = arith.constant 112 : index
      %get3A_180 = tpu.vector_load %arg9[%get3A_178, %get3A_179] {strides = array<i32>} : memref<32x768xf32, #tpu.memory_space<vmem>>, vector<1x16xf32>,
      %get3A_181 = vector.shape_cast %get3A_180 : vector<1x16xf32> to vector<16xf32>
      %add3A_182 = arith.addf %get3A_177, %get3A_181 : vector<16xf32>
      %get3A_183 = arith.index_cast %scan3A_42 : i32 to index
      %get3A_184 = arith.constant 112 : index
      %get3A_185 = tpu.vector_load %arg10[%get3A_183, %get3A_184] {strides = array<i32>} : memref<32x768xf32, #tpu.memory_space<vmem>>, vector<1x16xf32>,
      %get3A_186 = vector.shape_cast %get3A_185 : vector<1x16xf32> to vector<16xf32>
      %add3A_187 = arith.addf %add3A_182, %get3A_186 : vector<16xf32>
      %swap3A_188 = arith.index_cast %scan3A_42 : i32 to index
      %swap3A_189 = arith.constant 112 : index
      %swap3A_190 = tpu.vector_load %arg11[%swap3A_188, %swap3A_189] {strides = array<i32>} : memref<32x768xf32, #tpu.memory_space<vmem>>, vector<1x16xf32>,
      %swap3A_191 = vector.shape_cast %swap3A_190 : vector<1x16xf32> to vector<16xf32>
      %swap3A_192 = vector.shape_cast %add3A_187 : vector<16xf32> to vector<1x16xf32>
      tpu.vector_store %arg11[%swap3A_188, %swap3A_189], %swap3A_192 {strides = array<i32>} : memref<32x768xf32, #tpu.memory_space<vmem>>, vector<1x16xf32>,
      %get3A_193 = arith.index_cast %scan3A_42 : i32 to index
      %get3A_194 = arith.constant 128 : index
      %get3A_195 = tpu.vector_load %arg11[%get3A_193, %get3A_194] {strides = array<i32>} : memref<32x768xf32, #tpu.memory_space<vmem>>, vector<1x16xf32>,
      %get3A_196 = vector.shape_cast %get3A_195 : vector<1x16xf32> to vector<16xf32>
      %get3A_197 = arith.index_cast %scan3A_42 : i32 to index
      %get3A_198 = arith.constant 128 : index
      %get3A_199 = tpu.vector_load %arg9[%get3A_197, %get3A_198] {strides = array<i32>} : memref<32x768xf32, #tpu.memory_space<vmem>>, vector<1x16xf32>,
      %get3A_200 = vector.shape_cast %get3A_199 : vector<1x16xf32> to vector<16xf32>
      %add3A_201 = arith.addf %get3A_196, %get3A_200 : vector<16xf32>
      %get3A_202 = arith.index_cast %scan3A_42 : i32 to index
      %get3A_203 = arith.constant 128 : index
      %get3A_204 = tpu.vector_load %arg10[%get3A_202, %get3A_203] {strides = array<i32>} : memref<32x768xf32, #tpu.memory_space<vmem>>, vector<1x16xf32>,
      %get3A_205 = vector.shape_cast %get3A_204 : vector<1x16xf32> to vector<16xf32>
      %add3A_206 = arith.addf %add3A_201, %get3A_205 : vector<16xf32>
      %swap3A_207 = arith.index_cast %scan3A_42 : i32 to index
      %swap3A_208 = arith.constant 128 : index
      %swap3A_209 = tpu.vector_load %arg11[%swap3A_207, %swap3A_208] {strides = array<i32>} : memref<32x768xf32, #tpu.memory_space<vmem>>, vector<1x16xf32>,
      %swap3A_210 = vector.shape_cast %swap3A_209 : vector<1x16xf32> to vector<16xf32>
      %swap3A_211 = vector.shape_cast %add3A_206 : vector<16xf32> to vector<1x16xf32>
      tpu.vector_store %arg11[%swap3A_207, %swap3A_208], %swap3A_211 {strides = array<i32>} : memref<32x768xf32, #tpu.memory_space<vmem>>, vector<1x16xf32>,
      %get3A_212 = arith.index_cast %scan3A_42 : i32 to index
      %get3A_213 = arith.constant 144 : index
      %get3A_214 = tpu.vector_load %arg11[%get3A_212, %get3A_213] {strides = array<i32>} : memref<32x768xf32, #tpu.memory_space<vmem>>, vector<1x16xf32>,
      %get3A_215 = vector.shape_cast %get3A_214 : vector<1x16xf32> to vector<16xf32>
      %get3A_216 = arith.index_cast %scan3A_42 : i32 to index
      %get3A_217 = arith.constant 144 : index
      %get3A_218 = tpu.vector_load %arg9[%get3A_216, %get3A_217] {strides = array<i32>} : memref<32x768xf32, #tpu.memory_space<vmem>>, vector<1x16xf32>,
      %get3A_219 = vector.shape_cast %get3A_218 : vector<1x16xf32> to vector<16xf32>
      %add3A_220 = arith.addf %get3A_215, %get3A_219 : vector<16xf32>
      %get3A_221 = arith.index_cast %scan3A_42 : i32 to index
      %get3A_222 = arith.constant 144 : index
      %get3A_223 = tpu.vector_load %arg10[%get3A_221, %get3A_222] {strides = array<i32>} : memref<32x768xf32, #tpu.memory_space<vmem>>, vector<1x16xf32>,
      %get3A_224 = vector.shape_cast %get3A_223 : vector<1x16xf32> to vector<16xf32>
      %add3A_225 = arith.addf %add3A_220, %get3A_224 : vector<16xf32>
      %swap3A_226 = arith.index_cast %scan3A_42 : i32 to index
      %swap3A_227 = arith.constant 144 : index
      %swap3A_228 = tpu.vector_load %arg11[%swap3A_226, %swap3A_227] {strides = array<i32>} : memref<32x768xf32, #tpu.memory_space<vmem>>, vector<1x16xf32>,
      %swap3A_229 = vector.shape_cast %swap3A_228 : vector<1x16xf32> to vector<16xf32>
      %swap3A_230 = vector.shape_cast %add3A_225 : vector<16xf32> to vector<1x16xf32>
      tpu.vector_store %arg11[%swap3A_226, %swap3A_227], %swap3A_230 {strides = array<i32>} : memref<32x768xf32, #tpu.memory_space<vmem>>, vector<1x16xf32>,
      %get3A_231 = arith.index_cast %scan3A_42 : i32 to index
      %get3A_232 = arith.constant 160 : index
      %get3A_233 = tpu.vector_load %arg11[%get3A_231, %get3A_232] {strides = array<i32>} : memref<32x768xf32, #tpu.memory_space<vmem>>, vector<1x16xf32>,
      %get3A_234 = vector.shape_cast %get3A_233 : vector<1x16xf32> to vector<16xf32>
      %get3A_235 = arith.index_cast %scan3A_42 : i32 to index
      %get3A_236 = arith.constant 160 : index
      %get3A_237 = tpu.vector_load %arg9[%get3A_235, %get3A_236] {strides = array<i32>} : memref<32x768xf32, #tpu.memory_space<vmem>>, vector<1x16xf32>,
      %get3A_238 = vector.shape_cast %get3A_237 : vector<1x16xf32> to vector<16xf32>
      %add3A_239 = arith.addf %get3A_234, %get3A_238 : vector<16xf32>
      %get3A_240 = arith.index_cast %scan3A_42 : i32 to index
      %get3A_241 = arith.constant 160 : index
      %get3A_242 = tpu.vector_load %arg10[%get3A_240, %get3A_241] {strides = array<i32>} : memref<32x768xf32, #tpu.memory_space<vmem>>, vector<1x16xf32>,
      %get3A_243 = vector.shape_cast %get3A_242 : vector<1x16xf32> to vector<16xf32>
      %add3A_244 = arith.addf %add3A_239, %get3A_243 : vector<16xf32>
      %swap3A_245 = arith.index_cast %scan3A_42 : i32 to index
      %swap3A_246 = arith.constant 160 : index
      %swap3A_247 = tpu.vector_load %arg11[%swap3A_245, %swap3A_246] {strides = array<i32>} : memref<32x768xf32, #tpu.memory_space<vmem>>, vector<1x16xf32>,
      %swap3A_248 = vector.shape_cast %swap3A_247 : vector<1x16xf32> to vector<16xf32>
      %swap3A_249 = vector.shape_cast %add3A_244 : vector<16xf32> to vector<1x16xf32>
      tpu.vector_store %arg11[%swap3A_245, %swap3A_246], %swap3A_249 {strides = array<i32>} : memref<32x768xf32, #tpu.memory_space<vmem>>, vector<1x16xf32>,
      %get3A_250 = arith.index_cast %scan3A_42 : i32 to index
      %get3A_251 = arith.constant 176 : index
      %get3A_252 = tpu.vector_load %arg11[%get3A_250, %get3A_251] {strides = array<i32>} : memref<32x768xf32, #tpu.memory_space<vmem>>, vector<1x16xf32>,
      %get3A_253 = vector.shape_cast %get3A_252 : vector<1x16xf32> to vector<16xf32>
      %get3A_254 = arith.index_cast %scan3A_42 : i32 to index
      %get3A_255 = arith.constant 176 : index
      %get3A_256 = tpu.vector_load %arg9[%get3A_254, %get3A_255] {strides = array<i32>} : memref<32x768xf32, #tpu.memory_space<vmem>>, vector<1x16xf32>,
      %get3A_257 = vector.shape_cast %get3A_256 : vector<1x16xf32> to vector<16xf32>
      %add3A_258 = arith.addf %get3A_253, %get3A_257 : vector<16xf32>
      %get3A_259 = arith.index_cast %scan3A_42 : i32 to index
      %get3A_260 = arith.constant 176 : index
      %get3A_261 = tpu.vector_load %arg10[%get3A_259, %get3A_260] {strides = array<i32>} : memref<32x768xf32, #tpu.memory_space<vmem>>, vector<1x16xf32>,
      %get3A_262 = vector.shape_cast %get3A_261 : vector<1x16xf32> to vector<16xf32>
      %add3A_263 = arith.addf %add3A_258, %get3A_262 : vector<16xf32>
      %swap3A_264 = arith.index_cast %scan3A_42 : i32 to index
      %swap3A_265 = arith.constant 176 : index
      %swap3A_266 = tpu.vector_load %arg11[%swap3A_264, %swap3A_265] {strides = array<i32>} : memref<32x768xf32, #tpu.memory_space<vmem>>, vector<1x16xf32>,
      %swap3A_267 = vector.shape_cast %swap3A_266 : vector<1x16xf32> to vector<16xf32>
      %swap3A_268 = vector.shape_cast %add3A_263 : vector<16xf32> to vector<1x16xf32>
      tpu.vector_store %arg11[%swap3A_264, %swap3A_265], %swap3A_268 {strides = array<i32>} : memref<32x768xf32, #tpu.memory_space<vmem>>, vector<1x16xf32>,
      %get3A_269 = arith.index_cast %scan3A_42 : i32 to index
      %get3A_270 = arith.constant 192 : index
      %get3A_271 = tpu.vector_load %arg11[%get3A_269, %get3A_270] {strides = array<i32>} : memref<32x768xf32, #tpu.memory_space<vmem>>, vector<1x16xf32>,
      %get3A_272 = vector.shape_cast %get3A_271 : vector<1x16xf32> to vector<16xf32>
      %get3A_273 = arith.index_cast %scan3A_42 : i32 to index
      %get3A_274 = arith.constant 192 : index
      %get3A_275 = tpu.vector_load %arg9[%get3A_273, %get3A_274] {strides = array<i32>} : memref<32x768xf32, #tpu.memory_space<vmem>>, vector<1x16xf32>,
      %get3A_276 = vector.shape_cast %get3A_275 : vector<1x16xf32> to vector<16xf32>
      %add3A_277 = arith.addf %get3A_272, %get3A_276 : vector<16xf32>
      %get3A_278 = arith.index_cast %scan3A_42 : i32 to index
      %get3A_279 = arith.constant 192 : index
      %get3A_280 = tpu.vector_load %arg10[%get3A_278, %get3A_279] {strides = array<i32>} : memref<32x768xf32, #tpu.memory_space<vmem>>, vector<1x16xf32>,
      %get3A_281 = vector.shape_cast %get3A_280 : vector<1x16xf32> to vector<16xf32>
      %add3A_282 = arith.addf %add3A_277, %get3A_281 : vector<16xf32>
      %swap3A_283 = arith.index_cast %scan3A_42 : i32 to index
      %swap3A_284 = arith.constant 192 : index
      %swap3A_285 = tpu.vector_load %arg11[%swap3A_283, %swap3A_284] {strides = array<i32>} : memref<32x768xf32, #tpu.memory_space<vmem>>, vector<1x16xf32>,
      %swap3A_286 = vector.shape_cast %swap3A_285 : vector<1x16xf32> to vector<16xf32>
      %swap3A_287 = vector.shape_cast %add3A_282 : vector<16xf32> to vector<1x16xf32>
      tpu.vector_store %arg11[%swap3A_283, %swap3A_284], %swap3A_287 {strides = array<i32>} : memref<32x768xf32, #tpu.memory_space<vmem>>, vector<1x16xf32>,
      %get3A_288 = arith.index_cast %scan3A_42 : i32 to index
      %get3A_289 = arith.constant 208 : index
      %get3A_290 = tpu.vector_load %arg11[%get3A_288, %get3A_289] {strides = array<i32>} : memref<32x768xf32, #tpu.memory_space<vmem>>, vector<1x16xf32>,
      %get3A_291 = vector.shape_cast %get3A_290 : vector<1x16xf32> to vector<16xf32>
      %get3A_292 = arith.index_cast %scan3A_42 : i32 to index
      %get3A_293 = arith.constant 208 : index
      %get3A_294 = tpu.vector_load %arg9[%get3A_292, %get3A_293] {strides = array<i32>} : memref<32x768xf32, #tpu.memory_space<vmem>>, vector<1x16xf32>,
      %get3A_295 = vector.shape_cast %get3A_294 : vector<1x16xf32> to vector<16xf32>
      %add3A_296 = arith.addf %get3A_291, %get3A_295 : vector<16xf32>
      %get3A_297 = arith.index_cast %scan3A_42 : i32 to index
      %get3A_298 = arith.constant 208 : index
      %get3A_299 = tpu.vector_load %arg10[%get3A_297, %get3A_298] {strides = array<i32>} : memref<32x768xf32, #tpu.memory_space<vmem>>, vector<1x16xf32>,
      %get3A_300 = vector.shape_cast %get3A_299 : vector<1x16xf32> to vector<16xf32>
      %add3A_301 = arith.addf %add3A_296, %get3A_300 : vector<16xf32>
      %swap3A_302 = arith.index_cast %scan3A_42 : i32 to index
      %swap3A_303 = arith.constant 208 : index
      %swap3A_304 = tpu.vector_load %arg11[%swap3A_302, %swap3A_303] {strides = array<i32>} : memref<32x768xf32, #tpu.memory_space<vmem>>, vector<1x16xf32>,
      %swap3A_305 = vector.shape_cast %swap3A_304 : vector<1x16xf32> to vector<16xf32>
      %swap3A_306 = vector.shape_cast %add3A_301 : vector<16xf32> to vector<1x16xf32>
      tpu.vector_store %arg11[%swap3A_302, %swap3A_303], %swap3A_306 {strides = array<i32>} : memref<32x768xf32, #tpu.memory_space<vmem>>, vector<1x16xf32>,
      %get3A_307 = arith.index_cast %scan3A_42 : i32 to index
      %get3A_308 = arith.constant 224 : index
      %get3A_309 = tpu.vector_load %arg11[%get3A_307, %get3A_308] {strides = array<i32>} : memref<32x768xf32, #tpu.memory_space<vmem>>, vector<1x16xf32>,
      %get3A_310 = vector.shape_cast %get3A_309 : vector<1x16xf32> to vector<16xf32>
      %get3A_311 = arith.index_cast %scan3A_42 : i32 to index
      %get3A_312 = arith.constant 224 : index
      %get3A_313 = tpu.vector_load %arg9[%get3A_311, %get3A_312] {strides = array<i32>} : memref<32x768xf32, #tpu.memory_space<vmem>>, vector<1x16xf32>,
      %get3A_314 = vector.shape_cast %get3A_313 : vector<1x16xf32> to vector<16xf32>
      %add3A_315 = arith.addf %get3A_310, %get3A_314 : vector<16xf32>
      %get3A_316 = arith.index_cast %scan3A_42 : i32 to index
      %get3A_317 = arith.constant 224 : index
      %get3A_318 = tpu.vector_load %arg10[%get3A_316, %get3A_317] {strides = array<i32>} : memref<32x768xf32, #tpu.memory_space<vmem>>, vector<1x16xf32>,
      %get3A_319 = vector.shape_cast %get3A_318 : vector<1x16xf32> to vector<16xf32>
      %add3A_320 = arith.addf %add3A_315, %get3A_319 : vector<16xf32>
      %swap3A_321 = arith.index_cast %scan3A_42 : i32 to index
      %swap3A_322 = arith.constant 224 : index
      %swap3A_323 = tpu.vector_load %arg11[%swap3A_321, %swap3A_322] {strides = array<i32>} : memref<32x768xf32, #tpu.memory_space<vmem>>, vector<1x16xf32>,
      %swap3A_324 = vector.shape_cast %swap3A_323 : vector<1x16xf32> to vector<16xf32>
      %swap3A_325 = vector.shape_cast %add3A_320 : vector<16xf32> to vector<1x16xf32>
      tpu.vector_store %arg11[%swap3A_321, %swap3A_322], %swap3A_325 {strides = array<i32>} : memref<32x768xf32, #tpu.memory_space<vmem>>, vector<1x16xf32>,
      %get3A_326 = arith.index_cast %scan3A_42 : i32 to index
      %get3A_327 = arith.constant 240 : index
      %get3A_328 = tpu.vector_load %arg11[%get3A_326, %get3A_327] {strides = array<i32>} : memref<32x768xf32, #tpu.memory_space<vmem>>, vector<1x16xf32>,
      %get3A_329 = vector.shape_cast %get3A_328 : vector<1x16xf32> to vector<16xf32>
      %get3A_330 = arith.index_cast %scan3A_42 : i32 to index
      %get3A_331 = arith.constant 240 : index
      %get3A_332 = tpu.vector_load %arg9[%get3A_330, %get3A_331] {strides = array<i32>} : memref<32x768xf32, #tpu.memory_space<vmem>>, vector<1x16xf32>,
      %get3A_333 = vector.shape_cast %get3A_332 : vector<1x16xf32> to vector<16xf32>
      %add3A_334 = arith.addf %get3A_329, %get3A_333 : vector<16xf32>
      %get3A_335 = arith.index_cast %scan3A_42 : i32 to index
      %get3A_336 = arith.constant 240 : index
      %get3A_337 = tpu.vector_load %arg10[%get3A_335, %get3A_336] {strides = array<i32>} : memref<32x768xf32, #tpu.memory_space<vmem>>, vector<1x16xf32>,
      %get3A_338 = vector.shape_cast %get3A_337 : vector<1x16xf32> to vector<16xf32>
      %add3A_339 = arith.addf %add3A_334, %get3A_338 : vector<16xf32>
      %swap3A_340 = arith.index_cast %scan3A_42 : i32 to index
      %swap3A_341 = arith.constant 240 : index
      %swap3A_342 = tpu.vector_load %arg11[%swap3A_340, %swap3A_341] {strides = array<i32>} : memref<32x768xf32, #tpu.memory_space<vmem>>, vector<1x16xf32>,
      %swap3A_343 = vector.shape_cast %swap3A_342 : vector<1x16xf32> to vector<16xf32>
      %swap3A_344 = vector.shape_cast %add3A_339 : vector<16xf32> to vector<1x16xf32>
      tpu.vector_store %arg11[%swap3A_340, %swap3A_341], %swap3A_344 {strides = array<i32>} : memref<32x768xf32, #tpu.memory_space<vmem>>, vector<1x16xf32>,
      %get3A_345 = arith.index_cast %scan3A_42 : i32 to index
      %get3A_346 = arith.constant 256 : index
      %get3A_347 = tpu.vector_load %arg11[%get3A_345, %get3A_346] {strides = array<i32>} : memref<32x768xf32, #tpu.memory_space<vmem>>, vector<1x16xf32>,
      %get3A_348 = vector.shape_cast %get3A_347 : vector<1x16xf32> to vector<16xf32>
      %get3A_349 = arith.index_cast %scan3A_42 : i32 to index
      %get3A_350 = arith.constant 256 : index
      %get3A_351 = tpu.vector_load %arg9[%get3A_349, %get3A_350] {strides = array<i32>} : memref<32x768xf32, #tpu.memory_space<vmem>>, vector<1x16xf32>,
      %get3A_352 = vector.shape_cast %get3A_351 : vector<1x16xf32> to vector<16xf32>
      %add3A_353 = arith.addf %get3A_348, %get3A_352 : vector<16xf32>
      %get3A_354 = arith.index_cast %scan3A_42 : i32 to index
      %get3A_355 = arith.constant 256 : index
      %get3A_356 = tpu.vector_load %arg10[%get3A_354, %get3A_355] {strides = array<i32>} : memref<32x768xf32, #tpu.memory_space<vmem>>, vector<1x16xf32>,
      %get3A_357 = vector.shape_cast %get3A_356 : vector<1x16xf32> to vector<16xf32>
      %add3A_358 = arith.addf %add3A_353, %get3A_357 : vector<16xf32>
      %swap3A_359 = arith.index_cast %scan3A_42 : i32 to index
      %swap3A_360 = arith.constant 256 : index
      %swap3A_361 = tpu.vector_load %arg11[%swap3A_359, %swap3A_360] {strides = array<i32>} : memref<32x768xf32, #tpu.memory_space<vmem>>, vector<1x16xf32>,
      %swap3A_362 = vector.shape_cast %swap3A_361 : vector<1x16xf32> to vector<16xf32>
      %swap3A_363 = vector.shape_cast %add3A_358 : vector<16xf32> to vector<1x16xf32>
      tpu.vector_store %arg11[%swap3A_359, %swap3A_360], %swap3A_363 {strides = array<i32>} : memref<32x768xf32, #tpu.memory_space<vmem>>, vector<1x16xf32>,
      %get3A_364 = arith.index_cast %scan3A_42 : i32 to index
      %get3A_365 = arith.constant 272 : index
      %get3A_366 = tpu.vector_load %arg11[%get3A_364, %get3A_365] {strides = array<i32>} : memref<32x768xf32, #tpu.memory_space<vmem>>, vector<1x16xf32>,
      %get3A_367 = vector.shape_cast %get3A_366 : vector<1x16xf32> to vector<16xf32>
      %get3A_368 = arith.index_cast %scan3A_42 : i32 to index
      %get3A_369 = arith.constant 272 : index
      %get3A_370 = tpu.vector_load %arg9[%get3A_368, %get3A_369] {strides = array<i32>} : memref<32x768xf32, #tpu.memory_space<vmem>>, vector<1x16xf32>,
      %get3A_371 = vector.shape_cast %get3A_370 : vector<1x16xf32> to vector<16xf32>
      %add3A_372 = arith.addf %get3A_367, %get3A_371 : vector<16xf32>
      %get3A_373 = arith.index_cast %scan3A_42 : i32 to index
      %get3A_374 = arith.constant 272 : index
      %get3A_375 = tpu.vector_load %arg10[%get3A_373, %get3A_374] {strides = array<i32>} : memref<32x768xf32, #tpu.memory_space<vmem>>, vector<1x16xf32>,
      %get3A_376 = vector.shape_cast %get3A_375 : vector<1x16xf32> to vector<16xf32>
      %add3A_377 = arith.addf %add3A_372, %get3A_376 : vector<16xf32>
      %swap3A_378 = arith.index_cast %scan3A_42 : i32 to index
      %swap3A_379 = arith.constant 272 : index
      %swap3A_380 = tpu.vector_load %arg11[%swap3A_378, %swap3A_379] {strides = array<i32>} : memref<32x768xf32, #tpu.memory_space<vmem>>, vector<1x16xf32>,
      %swap3A_381 = vector.shape_cast %swap3A_380 : vector<1x16xf32> to vector<16xf32>
      %swap3A_382 = vector.shape_cast %add3A_377 : vector<16xf32> to vector<1x16xf32>
      tpu.vector_store %arg11[%swap3A_378, %swap3A_379], %swap3A_382 {strides = array<i32>} : memref<32x768xf32, #tpu.memory_space<vmem>>, vector<1x16xf32>,
      %get3A_383 = arith.index_cast %scan3A_42 : i32 to index
      %get3A_384 = arith.constant 288 : index
      %get3A_385 = tpu.vector_load %arg11[%get3A_383, %get3A_384] {strides = array<i32>} : memref<32x768xf32, #tpu.memory_space<vmem>>, vector<1x16xf32>,
      %get3A_386 = vector.shape_cast %get3A_385 : vector<1x16xf32> to vector<16xf32>
      %get3A_387 = arith.index_cast %scan3A_42 : i32 to index
      %get3A_388 = arith.constant 288 : index
      %get3A_389 = tpu.vector_load %arg9[%get3A_387, %get3A_388] {strides = array<i32>} : memref<32x768xf32, #tpu.memory_space<vmem>>, vector<1x16xf32>,
      %get3A_390 = vector.shape_cast %get3A_389 : vector<1x16xf32> to vector<16xf32>
      %add3A_391 = arith.addf %get3A_386, %get3A_390 : vector<16xf32>
      %get3A_392 = arith.index_cast %scan3A_42 : i32 to index
      %get3A_393 = arith.constant 288 : index
      %get3A_394 = tpu.vector_load %arg10[%get3A_392, %get3A_393] {strides = array<i32>} : memref<32x768xf32, #tpu.memory_space<vmem>>, vector<1x16xf32>,
      %get3A_395 = vector.shape_cast %get3A_394 : vector<1x16xf32> to vector<16xf32>
      %add3A_396 = arith.addf %add3A_391, %get3A_395 : vector<16xf32>
      %swap3A_397 = arith.index_cast %scan3A_42 : i32 to index
      %swap3A_398 = arith.constant 288 : index
      %swap3A_399 = tpu.vector_load %arg11[%swap3A_397, %swap3A_398] {strides = array<i32>} : memref<32x768xf32, #tpu.memory_space<vmem>>, vector<1x16xf32>,
      %swap3A_400 = vector.shape_cast %swap3A_399 : vector<1x16xf32> to vector<16xf32>
      %swap3A_401 = vector.shape_cast %add3A_396 : vector<16xf32> to vector<1x16xf32>
      tpu.vector_store %arg11[%swap3A_397, %swap3A_398], %swap3A_401 {strides = array<i32>} : memref<32x768xf32, #tpu.memory_space<vmem>>, vector<1x16xf32>,
      %get3A_402 = arith.index_cast %scan3A_42 : i32 to index
      %get3A_403 = arith.constant 304 : index
      %get3A_404 = tpu.vector_load %arg11[%get3A_402, %get3A_403] {strides = array<i32>} : memref<32x768xf32, #tpu.memory_space<vmem>>, vector<1x16xf32>,
      %get3A_405 = vector.shape_cast %get3A_404 : vector<1x16xf32> to vector<16xf32>
      %get3A_406 = arith.index_cast %scan3A_42 : i32 to index
      %get3A_407 = arith.constant 304 : index
      %get3A_408 = tpu.vector_load %arg9[%get3A_406, %get3A_407] {strides = array<i32>} : memref<32x768xf32, #tpu.memory_space<vmem>>, vector<1x16xf32>,
      %get3A_409 = vector.shape_cast %get3A_408 : vector<1x16xf32> to vector<16xf32>
      %add3A_410 = arith.addf %get3A_405, %get3A_409 : vector<16xf32>
      %get3A_411 = arith.index_cast %scan3A_42 : i32 to index
      %get3A_412 = arith.constant 304 : index
      %get3A_413 = tpu.vector_load %arg10[%get3A_411, %get3A_412] {strides = array<i32>} : memref<32x768xf32, #tpu.memory_space<vmem>>, vector<1x16xf32>,
      %get3A_414 = vector.shape_cast %get3A_413 : vector<1x16xf32> to vector<16xf32>
      %add3A_415 = arith.addf %add3A_410, %get3A_414 : vector<16xf32>
      %swap3A_416 = arith.index_cast %scan3A_42 : i32 to index
      %swap3A_417 = arith.constant 304 : index
      %swap3A_418 = tpu.vector_load %arg11[%swap3A_416, %swap3A_417] {strides = array<i32>} : memref<32x768xf32, #tpu.memory_space<vmem>>, vector<1x16xf32>,
      %swap3A_419 = vector.shape_cast %swap3A_418 : vector<1x16xf32> to vector<16xf32>
      %swap3A_420 = vector.shape_cast %add3A_415 : vector<16xf32> to vector<1x16xf32>
      tpu.vector_store %arg11[%swap3A_416, %swap3A_417], %swap3A_420 {strides = array<i32>} : memref<32x768xf32, #tpu.memory_space<vmem>>, vector<1x16xf32>,
      %get3A_421 = arith.index_cast %scan3A_42 : i32 to index
      %get3A_422 = arith.constant 320 : index
      %get3A_423 = tpu.vector_load %arg11[%get3A_421, %get3A_422] {strides = array<i32>} : memref<32x768xf32, #tpu.memory_space<vmem>>, vector<1x16xf32>,
      %get3A_424 = vector.shape_cast %get3A_423 : vector<1x16xf32> to vector<16xf32>
      %get3A_425 = arith.index_cast %scan3A_42 : i32 to index
      %get3A_426 = arith.constant 320 : index
      %get3A_427 = tpu.vector_load %arg9[%get3A_425, %get3A_426] {strides = array<i32>} : memref<32x768xf32, #tpu.memory_space<vmem>>, vector<1x16xf32>,
      %get3A_428 = vector.shape_cast %get3A_427 : vector<1x16xf32> to vector<16xf32>
      %add3A_429 = arith.addf %get3A_424, %get3A_428 : vector<16xf32>
      %get3A_430 = arith.index_cast %scan3A_42 : i32 to index
      %get3A_431 = arith.constant 320 : index
      %get3A_432 = tpu.vector_load %arg10[%get3A_430, %get3A_431] {strides = array<i32>} : memref<32x768xf32, #tpu.memory_space<vmem>>, vector<1x16xf32>,
      %get3A_433 = vector.shape_cast %get3A_432 : vector<1x16xf32> to vector<16xf32>
      %add3A_434 = arith.addf %add3A_429, %get3A_433 : vector<16xf32>
      %swap3A_435 = arith.index_cast %scan3A_42 : i32 to index
      %swap3A_436 = arith.constant 320 : index
      %swap3A_437 = tpu.vector_load %arg11[%swap3A_435, %swap3A_436] {strides = array<i32>} : memref<32x768xf32, #tpu.memory_space<vmem>>, vector<1x16xf32>,
      %swap3A_438 = vector.shape_cast %swap3A_437 : vector<1x16xf32> to vector<16xf32>
      %swap3A_439 = vector.shape_cast %add3A_434 : vector<16xf32> to vector<1x16xf32>
      tpu.vector_store %arg11[%swap3A_435, %swap3A_436], %swap3A_439 {strides = array<i32>} : memref<32x768xf32, #tpu.memory_space<vmem>>, vector<1x16xf32>,
      %get3A_440 = arith.index_cast %scan3A_42 : i32 to index
      %get3A_441 = arith.constant 336 : index
      %get3A_442 = tpu.vector_load %arg11[%get3A_440, %get3A_441] {strides = array<i32>} : memref<32x768xf32, #tpu.memory_space<vmem>>, vector<1x16xf32>,
      %get3A_443 = vector.shape_cast %get3A_442 : vector<1x16xf32> to vector<16xf32>
      %get3A_444 = arith.index_cast %scan3A_42 : i32 to index
      %get3A_445 = arith.constant 336 : index
      %get3A_446 = tpu.vector_load %arg9[%get3A_444, %get3A_445] {strides = array<i32>} : memref<32x768xf32, #tpu.memory_space<vmem>>, vector<1x16xf32>,
      %get3A_447 = vector.shape_cast %get3A_446 : vector<1x16xf32> to vector<16xf32>
      %add3A_448 = arith.addf %get3A_443, %get3A_447 : vector<16xf32>
      %get3A_449 = arith.index_cast %scan3A_42 : i32 to index
      %get3A_450 = arith.constant 336 : index
      %get3A_451 = tpu.vector_load %arg10[%get3A_449, %get3A_450] {strides = array<i32>} : memref<32x768xf32, #tpu.memory_space<vmem>>, vector<1x16xf32>,
      %get3A_452 = vector.shape_cast %get3A_451 : vector<1x16xf32> to vector<16xf32>
      %add3A_453 = arith.addf %add3A_448, %get3A_452 : vector<16xf32>
      %swap3A_454 = arith.index_cast %scan3A_42 : i32 to index
      %swap3A_455 = arith.constant 336 : index
      %swap3A_456 = tpu.vector_load %arg11[%swap3A_454, %swap3A_455] {strides = array<i32>} : memref<32x768xf32, #tpu.memory_space<vmem>>, vector<1x16xf32>,
      %swap3A_457 = vector.shape_cast %swap3A_456 : vector<1x16xf32> to vector<16xf32>
      %swap3A_458 = vector.shape_cast %add3A_453 : vector<16xf32> to vector<1x16xf32>
      tpu.vector_store %arg11[%swap3A_454, %swap3A_455], %swap3A_458 {strides = array<i32>} : memref<32x768xf32, #tpu.memory_space<vmem>>, vector<1x16xf32>,
      %get3A_459 = arith.index_cast %scan3A_42 : i32 to index
      %get3A_460 = arith.constant 352 : index
      %get3A_461 = tpu.vector_load %arg11[%get3A_459, %get3A_460] {strides = array<i32>} : memref<32x768xf32, #tpu.memory_space<vmem>>, vector<1x16xf32>,
      %get3A_462 = vector.shape_cast %get3A_461 : vector<1x16xf32> to vector<16xf32>
      %get3A_463 = arith.index_cast %scan3A_42 : i32 to index
      %get3A_464 = arith.constant 352 : index
      %get3A_465 = tpu.vector_load %arg9[%get3A_463, %get3A_464] {strides = array<i32>} : memref<32x768xf32, #tpu.memory_space<vmem>>, vector<1x16xf32>,
      %get3A_466 = vector.shape_cast %get3A_465 : vector<1x16xf32> to vector<16xf32>
      %add3A_467 = arith.addf %get3A_462, %get3A_466 : vector<16xf32>
      %get3A_468 = arith.index_cast %scan3A_42 : i32 to index
      %get3A_469 = arith.constant 352 : index
      %get3A_470 = tpu.vector_load %arg10[%get3A_468, %get3A_469] {strides = array<i32>} : memref<32x768xf32, #tpu.memory_space<vmem>>, vector<1x16xf32>,
      %get3A_471 = vector.shape_cast %get3A_470 : vector<1x16xf32> to vector<16xf32>
      %add3A_472 = arith.addf %add3A_467, %get3A_471 : vector<16xf32>
      %swap3A_473 = arith.index_cast %scan3A_42 : i32 to index
      %swap3A_474 = arith.constant 352 : index
      %swap3A_475 = tpu.vector_load %arg11[%swap3A_473, %swap3A_474] {strides = array<i32>} : memref<32x768xf32, #tpu.memory_space<vmem>>, vector<1x16xf32>,
      %swap3A_476 = vector.shape_cast %swap3A_475 : vector<1x16xf32> to vector<16xf32>
      %swap3A_477 = vector.shape_cast %add3A_472 : vector<16xf32> to vector<1x16xf32>
      tpu.vector_store %arg11[%swap3A_473, %swap3A_474], %swap3A_477 {strides = array<i32>} : memref<32x768xf32, #tpu.memory_space<vmem>>, vector<1x16xf32>,
      %get3A_478 = arith.index_cast %scan3A_42 : i32 to index
      %get3A_479 = arith.constant 368 : index
      %get3A_480 = tpu.vector_load %arg11[%get3A_478, %get3A_479] {strides = array<i32>} : memref<32x768xf32, #tpu.memory_space<vmem>>, vector<1x16xf32>,
      %get3A_481 = vector.shape_cast %get3A_480 : vector<1x16xf32> to vector<16xf32>
      %get3A_482 = arith.index_cast %scan3A_42 : i32 to index
      %get3A_483 = arith.constant 368 : index
      %get3A_484 = tpu.vector_load %arg9[%get3A_482, %get3A_483] {strides = array<i32>} : memref<32x768xf32, #tpu.memory_space<vmem>>, vector<1x16xf32>,
      %get3A_485 = vector.shape_cast %get3A_484 : vector<1x16xf32> to vector<16xf32>
      %add3A_486 = arith.addf %get3A_481, %get3A_485 : vector<16xf32>
      %get3A_487 = arith.index_cast %scan3A_42 : i32 to index
      %get3A_488 = arith.constant 368 : index
      %get3A_489 = tpu.vector_load %arg10[%get3A_487, %get3A_488] {strides = array<i32>} : memref<32x768xf32, #tpu.memory_space<vmem>>, vector<1x16xf32>,
      %get3A_490 = vector.shape_cast %get3A_489 : vector<1x16xf32> to vector<16xf32>
      %add3A_491 = arith.addf %add3A_486, %get3A_490 : vector<16xf32>
      %swap3A_492 = arith.index_cast %scan3A_42 : i32 to index
      %swap3A_493 = arith.constant 368 : index
      %swap3A_494 = tpu.vector_load %arg11[%swap3A_492, %swap3A_493] {strides = array<i32>} : memref<32x768xf32, #tpu.memory_space<vmem>>, vector<1x16xf32>,
      %swap3A_495 = vector.shape_cast %swap3A_494 : vector<1x16xf32> to vector<16xf32>
      %swap3A_496 = vector.shape_cast %add3A_491 : vector<16xf32> to vector<1x16xf32>
      tpu.vector_store %arg11[%swap3A_492, %swap3A_493], %swap3A_496 {strides = array<i32>} : memref<32x768xf32, #tpu.memory_space<vmem>>, vector<1x16xf32>,
      %get3A_497 = arith.index_cast %scan3A_42 : i32 to index
      %get3A_498 = arith.constant 384 : index
      %get3A_499 = tpu.vector_load %arg11[%get3A_497, %get3A_498] {strides = array<i32>} : memref<32x768xf32, #tpu.memory_space<vmem>>, vector<1x16xf32>,
      %get3A_500 = vector.shape_cast %get3A_499 : vector<1x16xf32> to vector<16xf32>
      %get3A_501 = arith.index_cast %scan3A_42 : i32 to index
      %get3A_502 = arith.constant 384 : index
      %get3A_503 = tpu.vector_load %arg9[%get3A_501, %get3A_502] {strides = array<i32>} : memref<32x768xf32, #tpu.memory_space<vmem>>, vector<1x16xf32>,
      %get3A_504 = vector.shape_cast %get3A_503 : vector<1x16xf32> to vector<16xf32>
      %add3A_505 = arith.addf %get3A_500, %get3A_504 : vector<16xf32>
      %get3A_506 = arith.index_cast %scan3A_42 : i32 to index
      %get3A_507 = arith.constant 384 : index
      %get3A_508 = tpu.vector_load %arg10[%get3A_506, %get3A_507] {strides = array<i32>} : memref<32x768xf32, #tpu.memory_space<vmem>>, vector<1x16xf32>,
      %get3A_509 = vector.shape_cast %get3A_508 : vector<1x16xf32> to vector<16xf32>
      %add3A_510 = arith.addf %add3A_505, %get3A_509 : vector<16xf32>
      %swap3A_511 = arith.index_cast %scan3A_42 : i32 to index
      %swap3A_512 = arith.constant 384 : index
      %swap3A_513 = tpu.vector_load %arg11[%swap3A_511, %swap3A_512] {strides = array<i32>} : memref<32x768xf32, #tpu.memory_space<vmem>>, vector<1x16xf32>,
      %swap3A_514 = vector.shape_cast %swap3A_513 : vector<1x16xf32> to vector<16xf32>
      %swap3A_515 = vector.shape_cast %add3A_510 : vector<16xf32> to vector<1x16xf32>
      tpu.vector_store %arg11[%swap3A_511, %swap3A_512], %swap3A_515 {strides = array<i32>} : memref<32x768xf32, #tpu.memory_space<vmem>>, vector<1x16xf32>,
      %get3A_516 = arith.index_cast %scan3A_42 : i32 to index
      %get3A_517 = arith.constant 400 : index
      %get3A_518 = tpu.vector_load %arg11[%get3A_516, %get3A_517] {strides = array<i32>} : memref<32x768xf32, #tpu.memory_space<vmem>>, vector<1x16xf32>,
      %get3A_519 = vector.shape_cast %get3A_518 : vector<1x16xf32> to vector<16xf32>
      %get3A_520 = arith.index_cast %scan3A_42 : i32 to index
      %get3A_521 = arith.constant 400 : index
      %get3A_522 = tpu.vector_load %arg9[%get3A_520, %get3A_521] {strides = array<i32>} : memref<32x768xf32, #tpu.memory_space<vmem>>, vector<1x16xf32>,
      %get3A_523 = vector.shape_cast %get3A_522 : vector<1x16xf32> to vector<16xf32>
      %add3A_524 = arith.addf %get3A_519, %get3A_523 : vector<16xf32>
      %get3A_525 = arith.index_cast %scan3A_42 : i32 to index
      %get3A_526 = arith.constant 400 : index
      %get3A_527 = tpu.vector_load %arg10[%get3A_525, %get3A_526] {strides = array<i32>} : memref<32x768xf32, #tpu.memory_space<vmem>>, vector<1x16xf32>,
      %get3A_528 = vector.shape_cast %get3A_527 : vector<1x16xf32> to vector<16xf32>
      %add3A_529 = arith.addf %add3A_524, %get3A_528 : vector<16xf32>
      %swap3A_530 = arith.index_cast %scan3A_42 : i32 to index
      %swap3A_531 = arith.constant 400 : index
      %swap3A_532 = tpu.vector_load %arg11[%swap3A_530, %swap3A_531] {strides = array<i32>} : memref<32x768xf32, #tpu.memory_space<vmem>>, vector<1x16xf32>,
      %swap3A_533 = vector.shape_cast %swap3A_532 : vector<1x16xf32> to vector<16xf32>
      %swap3A_534 = vector.shape_cast %add3A_529 : vector<16xf32> to vector<1x16xf32>
      tpu.vector_store %arg11[%swap3A_530, %swap3A_531], %swap3A_534 {strides = array<i32>} : memref<32x768xf32, #tpu.memory_space<vmem>>, vector<1x16xf32>,
      %get3A_535 = arith.index_cast %scan3A_42 : i32 to index
      %get3A_536 = arith.constant 416 : index
      %get3A_537 = tpu.vector_load %arg11[%get3A_535, %get3A_536] {strides = array<i32>} : memref<32x768xf32, #tpu.memory_space<vmem>>, vector<1x16xf32>,
      %get3A_538 = vector.shape_cast %get3A_537 : vector<1x16xf32> to vector<16xf32>
      %get3A_539 = arith.index_cast %scan3A_42 : i32 to index
      %get3A_540 = arith.constant 416 : index
      %get3A_541 = tpu.vector_load %arg9[%get3A_539, %get3A_540] {strides = array<i32>} : memref<32x768xf32, #tpu.memory_space<vmem>>, vector<1x16xf32>,
      %get3A_542 = vector.shape_cast %get3A_541 : vector<1x16xf32> to vector<16xf32>
      %add3A_543 = arith.addf %get3A_538, %get3A_542 : vector<16xf32>
      %get3A_544 = arith.index_cast %scan3A_42 : i32 to index
      %get3A_545 = arith.constant 416 : index
      %get3A_546 = tpu.vector_load %arg10[%get3A_544, %get3A_545] {strides = array<i32>} : memref<32x768xf32, #tpu.memory_space<vmem>>, vector<1x16xf32>,
      %get3A_547 = vector.shape_cast %get3A_546 : vector<1x16xf32> to vector<16xf32>
      %add3A_548 = arith.addf %add3A_543, %get3A_547 : vector<16xf32>
      %swap3A_549 = arith.index_cast %scan3A_42 : i32 to index
      %swap3A_550 = arith.constant 416 : index
      %swap3A_551 = tpu.vector_load %arg11[%swap3A_549, %swap3A_550] {strides = array<i32>} : memref<32x768xf32, #tpu.memory_space<vmem>>, vector<1x16xf32>,
      %swap3A_552 = vector.shape_cast %swap3A_551 : vector<1x16xf32> to vector<16xf32>
      %swap3A_553 = vector.shape_cast %add3A_548 : vector<16xf32> to vector<1x16xf32>
      tpu.vector_store %arg11[%swap3A_549, %swap3A_550], %swap3A_553 {strides = array<i32>} : memref<32x768xf32, #tpu.memory_space<vmem>>, vector<1x16xf32>,
      %get3A_554 = arith.index_cast %scan3A_42 : i32 to index
      %get3A_555 = arith.constant 432 : index
      %get3A_556 = tpu.vector_load %arg11[%get3A_554, %get3A_555] {strides = array<i32>} : memref<32x768xf32, #tpu.memory_space<vmem>>, vector<1x16xf32>,
      %get3A_557 = vector.shape_cast %get3A_556 : vector<1x16xf32> to vector<16xf32>
      %get3A_558 = arith.index_cast %scan3A_42 : i32 to index
      %get3A_559 = arith.constant 432 : index
      %get3A_560 = tpu.vector_load %arg9[%get3A_558, %get3A_559] {strides = array<i32>} : memref<32x768xf32, #tpu.memory_space<vmem>>, vector<1x16xf32>,
      %get3A_561 = vector.shape_cast %get3A_560 : vector<1x16xf32> to vector<16xf32>
      %add3A_562 = arith.addf %get3A_557, %get3A_561 : vector<16xf32>
      %get3A_563 = arith.index_cast %scan3A_42 : i32 to index
      %get3A_564 = arith.constant 432 : index
      %get3A_565 = tpu.vector_load %arg10[%get3A_563, %get3A_564] {strides = array<i32>} : memref<32x768xf32, #tpu.memory_space<vmem>>, vector<1x16xf32>,
      %get3A_566 = vector.shape_cast %get3A_565 : vector<1x16xf32> to vector<16xf32>
      %add3A_567 = arith.addf %add3A_562, %get3A_566 : vector<16xf32>
      %swap3A_568 = arith.index_cast %scan3A_42 : i32 to index
      %swap3A_569 = arith.constant 432 : index
      %swap3A_570 = tpu.vector_load %arg11[%swap3A_568, %swap3A_569] {strides = array<i32>} : memref<32x768xf32, #tpu.memory_space<vmem>>, vector<1x16xf32>,
      %swap3A_571 = vector.shape_cast %swap3A_570 : vector<1x16xf32> to vector<16xf32>
      %swap3A_572 = vector.shape_cast %add3A_567 : vector<16xf32> to vector<1x16xf32>
      tpu.vector_store %arg11[%swap3A_568, %swap3A_569], %swap3A_572 {strides = array<i32>} : memref<32x768xf32, #tpu.memory_space<vmem>>, vector<1x16xf32>,
      %get3A_573 = arith.index_cast %scan3A_42 : i32 to index
      %get3A_574 = arith.constant 448 : index
      %get3A_575 = tpu.vector_load %arg11[%get3A_573, %get3A_574] {strides = array<i32>} : memref<32x768xf32, #tpu.memory_space<vmem>>, vector<1x16xf32>,
      %get3A_576 = vector.shape_cast %get3A_575 : vector<1x16xf32> to vector<16xf32>
      %get3A_577 = arith.index_cast %scan3A_42 : i32 to index
      %get3A_578 = arith.constant 448 : index
      %get3A_579 = tpu.vector_load %arg9[%get3A_577, %get3A_578] {strides = array<i32>} : memref<32x768xf32, #tpu.memory_space<vmem>>, vector<1x16xf32>,
      %get3A_580 = vector.shape_cast %get3A_579 : vector<1x16xf32> to vector<16xf32>
      %add3A_581 = arith.addf %get3A_576, %get3A_580 : vector<16xf32>
      %get3A_582 = arith.index_cast %scan3A_42 : i32 to index
      %get3A_583 = arith.constant 448 : index
      %get3A_584 = tpu.vector_load %arg10[%get3A_582, %get3A_583] {strides = array<i32>} : memref<32x768xf32, #tpu.memory_space<vmem>>, vector<1x16xf32>,
      %get3A_585 = vector.shape_cast %get3A_584 : vector<1x16xf32> to vector<16xf32>
      %add3A_586 = arith.addf %add3A_581, %get3A_585 : vector<16xf32>
      %swap3A_587 = arith.index_cast %scan3A_42 : i32 to index
      %swap3A_588 = arith.constant 448 : index
      %swap3A_589 = tpu.vector_load %arg11[%swap3A_587, %swap3A_588] {strides = array<i32>} : memref<32x768xf32, #tpu.memory_space<vmem>>, vector<1x16xf32>,
      %swap3A_590 = vector.shape_cast %swap3A_589 : vector<1x16xf32> to vector<16xf32>
      %swap3A_591 = vector.shape_cast %add3A_586 : vector<16xf32> to vector<1x16xf32>
      tpu.vector_store %arg11[%swap3A_587, %swap3A_588], %swap3A_591 {strides = array<i32>} : memref<32x768xf32, #tpu.memory_space<vmem>>, vector<1x16xf32>,
      %get3A_592 = arith.index_cast %scan3A_42 : i32 to index
      %get3A_593 = arith.constant 464 : index
      %get3A_594 = tpu.vector_load %arg11[%get3A_592, %get3A_593] {strides = array<i32>} : memref<32x768xf32, #tpu.memory_space<vmem>>, vector<1x16xf32>,
      %get3A_595 = vector.shape_cast %get3A_594 : vector<1x16xf32> to vector<16xf32>
      %get3A_596 = arith.index_cast %scan3A_42 : i32 to index
      %get3A_597 = arith.constant 464 : index
      %get3A_598 = tpu.vector_load %arg9[%get3A_596, %get3A_597] {strides = array<i32>} : memref<32x768xf32, #tpu.memory_space<vmem>>, vector<1x16xf32>,
      %get3A_599 = vector.shape_cast %get3A_598 : vector<1x16xf32> to vector<16xf32>
      %add3A_600 = arith.addf %get3A_595, %get3A_599 : vector<16xf32>
      %get3A_601 = arith.index_cast %scan3A_42 : i32 to index
      %get3A_602 = arith.constant 464 : index
      %get3A_603 = tpu.vector_load %arg10[%get3A_601, %get3A_602] {strides = array<i32>} : memref<32x768xf32, #tpu.memory_space<vmem>>, vector<1x16xf32>,
      %get3A_604 = vector.shape_cast %get3A_603 : vector<1x16xf32> to vector<16xf32>
      %add3A_605 = arith.addf %add3A_600, %get3A_604 : vector<16xf32>
      %swap3A_606 = arith.index_cast %scan3A_42 : i32 to index
      %swap3A_607 = arith.constant 464 : index
      %swap3A_608 = tpu.vector_load %arg11[%swap3A_606, %swap3A_607] {strides = array<i32>} : memref<32x768xf32, #tpu.memory_space<vmem>>, vector<1x16xf32>,
      %swap3A_609 = vector.shape_cast %swap3A_608 : vector<1x16xf32> to vector<16xf32>
      %swap3A_610 = vector.shape_cast %add3A_605 : vector<16xf32> to vector<1x16xf32>
      tpu.vector_store %arg11[%swap3A_606, %swap3A_607], %swap3A_610 {strides = array<i32>} : memref<32x768xf32, #tpu.memory_space<vmem>>, vector<1x16xf32>,
      %get3A_611 = arith.index_cast %scan3A_42 : i32 to index
      %get3A_612 = arith.constant 480 : index
      %get3A_613 = tpu.vector_load %arg11[%get3A_611, %get3A_612] {strides = array<i32>} : memref<32x768xf32, #tpu.memory_space<vmem>>, vector<1x16xf32>,
      %get3A_614 = vector.shape_cast %get3A_613 : vector<1x16xf32> to vector<16xf32>
      %get3A_615 = arith.index_cast %scan3A_42 : i32 to index
      %get3A_616 = arith.constant 480 : index
      %get3A_617 = tpu.vector_load %arg9[%get3A_615, %get3A_616] {strides = array<i32>} : memref<32x768xf32, #tpu.memory_space<vmem>>, vector<1x16xf32>,
      %get3A_618 = vector.shape_cast %get3A_617 : vector<1x16xf32> to vector<16xf32>
      %add3A_619 = arith.addf %get3A_614, %get3A_618 : vector<16xf32>
      %get3A_620 = arith.index_cast %scan3A_42 : i32 to index
      %get3A_621 = arith.constant 480 : index
      %get3A_622 = tpu.vector_load %arg10[%get3A_620, %get3A_621] {strides = array<i32>} : memref<32x768xf32, #tpu.memory_space<vmem>>, vector<1x16xf32>,
      %get3A_623 = vector.shape_cast %get3A_622 : vector<1x16xf32> to vector<16xf32>
      %add3A_624 = arith.addf %add3A_619, %get3A_623 : vector<16xf32>
      %swap3A_625 = arith.index_cast %scan3A_42 : i32 to index
      %swap3A_626 = arith.constant 480 : index
      %swap3A_627 = tpu.vector_load %arg11[%swap3A_625, %swap3A_626] {strides = array<i32>} : memref<32x768xf32, #tpu.memory_space<vmem>>, vector<1x16xf32>,
      %swap3A_628 = vector.shape_cast %swap3A_627 : vector<1x16xf32> to vector<16xf32>
      %swap3A_629 = vector.shape_cast %add3A_624 : vector<16xf32> to vector<1x16xf32>
      tpu.vector_store %arg11[%swap3A_625, %swap3A_626], %swap3A_629 {strides = array<i32>} : memref<32x768xf32, #tpu.memory_space<vmem>>, vector<1x16xf32>,
      %get3A_630 = arith.index_cast %scan3A_42 : i32 to index
      %get3A_631 = arith.constant 496 : index
      %get3A_632 = tpu.vector_load %arg11[%get3A_630, %get3A_631] {strides = array<i32>} : memref<32x768xf32, #tpu.memory_space<vmem>>, vector<1x16xf32>,
      %get3A_633 = vector.shape_cast %get3A_632 : vector<1x16xf32> to vector<16xf32>
      %get3A_634 = arith.index_cast %scan3A_42 : i32 to index
      %get3A_635 = arith.constant 496 : index
      %get3A_636 = tpu.vector_load %arg9[%get3A_634, %get3A_635] {strides = array<i32>} : memref<32x768xf32, #tpu.memory_space<vmem>>, vector<1x16xf32>,
      %get3A_637 = vector.shape_cast %get3A_636 : vector<1x16xf32> to vector<16xf32>
      %add3A_638 = arith.addf %get3A_633, %get3A_637 : vector<16xf32>
      %get3A_639 = arith.index_cast %scan3A_42 : i32 to index
      %get3A_640 = arith.constant 496 : index
      %get3A_641 = tpu.vector_load %arg10[%get3A_639, %get3A_640] {strides = array<i32>} : memref<32x768xf32, #tpu.memory_space<vmem>>, vector<1x16xf32>,
      %get3A_642 = vector.shape_cast %get3A_641 : vector<1x16xf32> to vector<16xf32>
      %add3A_643 = arith.addf %add3A_638, %get3A_642 : vector<16xf32>
      %swap3A_644 = arith.index_cast %scan3A_42 : i32 to index
      %swap3A_645 = arith.constant 496 : index
      %swap3A_646 = tpu.vector_load %arg11[%swap3A_644, %swap3A_645] {strides = array<i32>} : memref<32x768xf32, #tpu.memory_space<vmem>>, vector<1x16xf32>,
      %swap3A_647 = vector.shape_cast %swap3A_646 : vector<1x16xf32> to vector<16xf32>
      %swap3A_648 = vector.shape_cast %add3A_643 : vector<16xf32> to vector<1x16xf32>
      tpu.vector_store %arg11[%swap3A_644, %swap3A_645], %swap3A_648 {strides = array<i32>} : memref<32x768xf32, #tpu.memory_space<vmem>>, vector<1x16xf32>,
      %get3A_649 = arith.index_cast %scan3A_42 : i32 to index
      %get3A_650 = arith.constant 512 : index
      %get3A_651 = tpu.vector_load %arg11[%get3A_649, %get3A_650] {strides = array<i32>} : memref<32x768xf32, #tpu.memory_space<vmem>>, vector<1x16xf32>,
      %get3A_652 = vector.shape_cast %get3A_651 : vector<1x16xf32> to vector<16xf32>
      %get3A_653 = arith.index_cast %scan3A_42 : i32 to index
      %get3A_654 = arith.constant 512 : index
      %get3A_655 = tpu.vector_load %arg9[%get3A_653, %get3A_654] {strides = array<i32>} : memref<32x768xf32, #tpu.memory_space<vmem>>, vector<1x16xf32>,
      %get3A_656 = vector.shape_cast %get3A_655 : vector<1x16xf32> to vector<16xf32>
      %add3A_657 = arith.addf %get3A_652, %get3A_656 : vector<16xf32>
      %get3A_658 = arith.index_cast %scan3A_42 : i32 to index
      %get3A_659 = arith.constant 512 : index
      %get3A_660 = tpu.vector_load %arg10[%get3A_658, %get3A_659] {strides = array<i32>} : memref<32x768xf32, #tpu.memory_space<vmem>>, vector<1x16xf32>,
      %get3A_661 = vector.shape_cast %get3A_660 : vector<1x16xf32> to vector<16xf32>
      %add3A_662 = arith.addf %add3A_657, %get3A_661 : vector<16xf32>
      %swap3A_663 = arith.index_cast %scan3A_42 : i32 to index
      %swap3A_664 = arith.constant 512 : index
      %swap3A_665 = tpu.vector_load %arg11[%swap3A_663, %swap3A_664] {strides = array<i32>} : memref<32x768xf32, #tpu.memory_space<vmem>>, vector<1x16xf32>,
      %swap3A_666 = vector.shape_cast %swap3A_665 : vector<1x16xf32> to vector<16xf32>
      %swap3A_667 = vector.shape_cast %add3A_662 : vector<16xf32> to vector<1x16xf32>
      tpu.vector_store %arg11[%swap3A_663, %swap3A_664], %swap3A_667 {strides = array<i32>} : memref<32x768xf32, #tpu.memory_space<vmem>>, vector<1x16xf32>,
      %get3A_668 = arith.index_cast %scan3A_42 : i32 to index
      %get3A_669 = arith.constant 528 : index
      %get3A_670 = tpu.vector_load %arg11[%get3A_668, %get3A_669] {strides = array<i32>} : memref<32x768xf32, #tpu.memory_space<vmem>>, vector<1x16xf32>,
      %get3A_671 = vector.shape_cast %get3A_670 : vector<1x16xf32> to vector<16xf32>
      %get3A_672 = arith.index_cast %scan3A_42 : i32 to index
      %get3A_673 = arith.constant 528 : index
      %get3A_674 = tpu.vector_load %arg9[%get3A_672, %get3A_673] {strides = array<i32>} : memref<32x768xf32, #tpu.memory_space<vmem>>, vector<1x16xf32>,
      %get3A_675 = vector.shape_cast %get3A_674 : vector<1x16xf32> to vector<16xf32>
      %add3A_676 = arith.addf %get3A_671, %get3A_675 : vector<16xf32>
      %get3A_677 = arith.index_cast %scan3A_42 : i32 to index
      %get3A_678 = arith.constant 528 : index
      %get3A_679 = tpu.vector_load %arg10[%get3A_677, %get3A_678] {strides = array<i32>} : memref<32x768xf32, #tpu.memory_space<vmem>>, vector<1x16xf32>,
      %get3A_680 = vector.shape_cast %get3A_679 : vector<1x16xf32> to vector<16xf32>
      %add3A_681 = arith.addf %add3A_676, %get3A_680 : vector<16xf32>
      %swap3A_682 = arith.index_cast %scan3A_42 : i32 to index
      %swap3A_683 = arith.constant 528 : index
      %swap3A_684 = tpu.vector_load %arg11[%swap3A_682, %swap3A_683] {strides = array<i32>} : memref<32x768xf32, #tpu.memory_space<vmem>>, vector<1x16xf32>,
      %swap3A_685 = vector.shape_cast %swap3A_684 : vector<1x16xf32> to vector<16xf32>
      %swap3A_686 = vector.shape_cast %add3A_681 : vector<16xf32> to vector<1x16xf32>
      tpu.vector_store %arg11[%swap3A_682, %swap3A_683], %swap3A_686 {strides = array<i32>} : memref<32x768xf32, #tpu.memory_space<vmem>>, vector<1x16xf32>,
      %get3A_687 = arith.index_cast %scan3A_42 : i32 to index
      %get3A_688 = arith.constant 544 : index
      %get3A_689 = tpu.vector_load %arg11[%get3A_687, %get3A_688] {strides = array<i32>} : memref<32x768xf32, #tpu.memory_space<vmem>>, vector<1x16xf32>,
      %get3A_690 = vector.shape_cast %get3A_689 : vector<1x16xf32> to vector<16xf32>
      %get3A_691 = arith.index_cast %scan3A_42 : i32 to index
      %get3A_692 = arith.constant 544 : index
      %get3A_693 = tpu.vector_load %arg9[%get3A_691, %get3A_692] {strides = array<i32>} : memref<32x768xf32, #tpu.memory_space<vmem>>, vector<1x16xf32>,
      %get3A_694 = vector.shape_cast %get3A_693 : vector<1x16xf32> to vector<16xf32>
      %add3A_695 = arith.addf %get3A_690, %get3A_694 : vector<16xf32>
      %get3A_696 = arith.index_cast %scan3A_42 : i32 to index
      %get3A_697 = arith.constant 544 : index
      %get3A_698 = tpu.vector_load %arg10[%get3A_696, %get3A_697] {strides = array<i32>} : memref<32x768xf32, #tpu.memory_space<vmem>>, vector<1x16xf32>,
      %get3A_699 = vector.shape_cast %get3A_698 : vector<1x16xf32> to vector<16xf32>
      %add3A_700 = arith.addf %add3A_695, %get3A_699 : vector<16xf32>
      %swap3A_701 = arith.index_cast %scan3A_42 : i32 to index
      %swap3A_702 = arith.constant 544 : index
      %swap3A_703 = tpu.vector_load %arg11[%swap3A_701, %swap3A_702] {strides = array<i32>} : memref<32x768xf32, #tpu.memory_space<vmem>>, vector<1x16xf32>,
      %swap3A_704 = vector.shape_cast %swap3A_703 : vector<1x16xf32> to vector<16xf32>
      %swap3A_705 = vector.shape_cast %add3A_700 : vector<16xf32> to vector<1x16xf32>
      tpu.vector_store %arg11[%swap3A_701, %swap3A_702], %swap3A_705 {strides = array<i32>} : memref<32x768xf32, #tpu.memory_space<vmem>>, vector<1x16xf32>,
      %get3A_706 = arith.index_cast %scan3A_42 : i32 to index
      %get3A_707 = arith.constant 560 : index
      %get3A_708 = tpu.vector_load %arg11[%get3A_706, %get3A_707] {strides = array<i32>} : memref<32x768xf32, #tpu.memory_space<vmem>>, vector<1x16xf32>,
      %get3A_709 = vector.shape_cast %get3A_708 : vector<1x16xf32> to vector<16xf32>
      %get3A_710 = arith.index_cast %scan3A_42 : i32 to index
      %get3A_711 = arith.constant 560 : index
      %get3A_712 = tpu.vector_load %arg9[%get3A_710, %get3A_711] {strides = array<i32>} : memref<32x768xf32, #tpu.memory_space<vmem>>, vector<1x16xf32>,
      %get3A_713 = vector.shape_cast %get3A_712 : vector<1x16xf32> to vector<16xf32>
      %add3A_714 = arith.addf %get3A_709, %get3A_713 : vector<16xf32>
      %get3A_715 = arith.index_cast %scan3A_42 : i32 to index
      %get3A_716 = arith.constant 560 : index
      %get3A_717 = tpu.vector_load %arg10[%get3A_715, %get3A_716] {strides = array<i32>} : memref<32x768xf32, #tpu.memory_space<vmem>>, vector<1x16xf32>,
      %get3A_718 = vector.shape_cast %get3A_717 : vector<1x16xf32> to vector<16xf32>
      %add3A_719 = arith.addf %add3A_714, %get3A_718 : vector<16xf32>
      %swap3A_720 = arith.index_cast %scan3A_42 : i32 to index
      %swap3A_721 = arith.constant 560 : index
      %swap3A_722 = tpu.vector_load %arg11[%swap3A_720, %swap3A_721] {strides = array<i32>} : memref<32x768xf32, #tpu.memory_space<vmem>>, vector<1x16xf32>,
      %swap3A_723 = vector.shape_cast %swap3A_722 : vector<1x16xf32> to vector<16xf32>
      %swap3A_724 = vector.shape_cast %add3A_719 : vector<16xf32> to vector<1x16xf32>
      tpu.vector_store %arg11[%swap3A_720, %swap3A_721], %swap3A_724 {strides = array<i32>} : memref<32x768xf32, #tpu.memory_space<vmem>>, vector<1x16xf32>,
      %get3A_725 = arith.index_cast %scan3A_42 : i32 to index
      %get3A_726 = arith.constant 576 : index
      %get3A_727 = tpu.vector_load %arg11[%get3A_725, %get3A_726] {strides = array<i32>} : memref<32x768xf32, #tpu.memory_space<vmem>>, vector<1x16xf32>,
      %get3A_728 = vector.shape_cast %get3A_727 : vector<1x16xf32> to vector<16xf32>
      %get3A_729 = arith.index_cast %scan3A_42 : i32 to index
      %get3A_730 = arith.constant 576 : index
      %get3A_731 = tpu.vector_load %arg9[%get3A_729, %get3A_730] {strides = array<i32>} : memref<32x768xf32, #tpu.memory_space<vmem>>, vector<1x16xf32>,
      %get3A_732 = vector.shape_cast %get3A_731 : vector<1x16xf32> to vector<16xf32>
      %add3A_733 = arith.addf %get3A_728, %get3A_732 : vector<16xf32>
      %get3A_734 = arith.index_cast %scan3A_42 : i32 to index
      %get3A_735 = arith.constant 576 : index
      %get3A_736 = tpu.vector_load %arg10[%get3A_734, %get3A_735] {strides = array<i32>} : memref<32x768xf32, #tpu.memory_space<vmem>>, vector<1x16xf32>,
      %get3A_737 = vector.shape_cast %get3A_736 : vector<1x16xf32> to vector<16xf32>
      %add3A_738 = arith.addf %add3A_733, %get3A_737 : vector<16xf32>
      %swap3A_739 = arith.index_cast %scan3A_42 : i32 to index
      %swap3A_740 = arith.constant 576 : index
      %swap3A_741 = tpu.vector_load %arg11[%swap3A_739, %swap3A_740] {strides = array<i32>} : memref<32x768xf32, #tpu.memory_space<vmem>>, vector<1x16xf32>,
      %swap3A_742 = vector.shape_cast %swap3A_741 : vector<1x16xf32> to vector<16xf32>
      %swap3A_743 = vector.shape_cast %add3A_738 : vector<16xf32> to vector<1x16xf32>
      tpu.vector_store %arg11[%swap3A_739, %swap3A_740], %swap3A_743 {strides = array<i32>} : memref<32x768xf32, #tpu.memory_space<vmem>>, vector<1x16xf32>,
      %get3A_744 = arith.index_cast %scan3A_42 : i32 to index
      %get3A_745 = arith.constant 592 : index
      %get3A_746 = tpu.vector_load %arg11[%get3A_744, %get3A_745] {strides = array<i32>} : memref<32x768xf32, #tpu.memory_space<vmem>>, vector<1x16xf32>,
      %get3A_747 = vector.shape_cast %get3A_746 : vector<1x16xf32> to vector<16xf32>
      %get3A_748 = arith.index_cast %scan3A_42 : i32 to index
      %get3A_749 = arith.constant 592 : index
      %get3A_750 = tpu.vector_load %arg9[%get3A_748, %get3A_749] {strides = array<i32>} : memref<32x768xf32, #tpu.memory_space<vmem>>, vector<1x16xf32>,
      %get3A_751 = vector.shape_cast %get3A_750 : vector<1x16xf32> to vector<16xf32>
      %add3A_752 = arith.addf %get3A_747, %get3A_751 : vector<16xf32>
      %get3A_753 = arith.index_cast %scan3A_42 : i32 to index
      %get3A_754 = arith.constant 592 : index
      %get3A_755 = tpu.vector_load %arg10[%get3A_753, %get3A_754] {strides = array<i32>} : memref<32x768xf32, #tpu.memory_space<vmem>>, vector<1x16xf32>,
      %get3A_756 = vector.shape_cast %get3A_755 : vector<1x16xf32> to vector<16xf32>
      %add3A_757 = arith.addf %add3A_752, %get3A_756 : vector<16xf32>
      %swap3A_758 = arith.index_cast %scan3A_42 : i32 to index
      %swap3A_759 = arith.constant 592 : index
      %swap3A_760 = tpu.vector_load %arg11[%swap3A_758, %swap3A_759] {strides = array<i32>} : memref<32x768xf32, #tpu.memory_space<vmem>>, vector<1x16xf32>,
      %swap3A_761 = vector.shape_cast %swap3A_760 : vector<1x16xf32> to vector<16xf32>
      %swap3A_762 = vector.shape_cast %add3A_757 : vector<16xf32> to vector<1x16xf32>
      tpu.vector_store %arg11[%swap3A_758, %swap3A_759], %swap3A_762 {strides = array<i32>} : memref<32x768xf32, #tpu.memory_space<vmem>>, vector<1x16xf32>,
      %get3A_763 = arith.index_cast %scan3A_42 : i32 to index
      %get3A_764 = arith.constant 608 : index
      %get3A_765 = tpu.vector_load %arg11[%get3A_763, %get3A_764] {strides = array<i32>} : memref<32x768xf32, #tpu.memory_space<vmem>>, vector<1x16xf32>,
      %get3A_766 = vector.shape_cast %get3A_765 : vector<1x16xf32> to vector<16xf32>
      %get3A_767 = arith.index_cast %scan3A_42 : i32 to index
      %get3A_768 = arith.constant 608 : index
      %get3A_769 = tpu.vector_load %arg9[%get3A_767, %get3A_768] {strides = array<i32>} : memref<32x768xf32, #tpu.memory_space<vmem>>, vector<1x16xf32>,
      %get3A_770 = vector.shape_cast %get3A_769 : vector<1x16xf32> to vector<16xf32>
      %add3A_771 = arith.addf %get3A_766, %get3A_770 : vector<16xf32>
      %get3A_772 = arith.index_cast %scan3A_42 : i32 to index
      %get3A_773 = arith.constant 608 : index
      %get3A_774 = tpu.vector_load %arg10[%get3A_772, %get3A_773] {strides = array<i32>} : memref<32x768xf32, #tpu.memory_space<vmem>>, vector<1x16xf32>,
      %get3A_775 = vector.shape_cast %get3A_774 : vector<1x16xf32> to vector<16xf32>
      %add3A_776 = arith.addf %add3A_771, %get3A_775 : vector<16xf32>
      %swap3A_777 = arith.index_cast %scan3A_42 : i32 to index
      %swap3A_778 = arith.constant 608 : index
      %swap3A_779 = tpu.vector_load %arg11[%swap3A_777, %swap3A_778] {strides = array<i32>} : memref<32x768xf32, #tpu.memory_space<vmem>>, vector<1x16xf32>,
      %swap3A_780 = vector.shape_cast %swap3A_779 : vector<1x16xf32> to vector<16xf32>
      %swap3A_781 = vector.shape_cast %add3A_776 : vector<16xf32> to vector<1x16xf32>
      tpu.vector_store %arg11[%swap3A_777, %swap3A_778], %swap3A_781 {strides = array<i32>} : memref<32x768xf32, #tpu.memory_space<vmem>>, vector<1x16xf32>,
      %get3A_782 = arith.index_cast %scan3A_42 : i32 to index
      %get3A_783 = arith.constant 624 : index
      %get3A_784 = tpu.vector_load %arg11[%get3A_782, %get3A_783] {strides = array<i32>} : memref<32x768xf32, #tpu.memory_space<vmem>>, vector<1x16xf32>,
      %get3A_785 = vector.shape_cast %get3A_784 : vector<1x16xf32> to vector<16xf32>
      %get3A_786 = arith.index_cast %scan3A_42 : i32 to index
      %get3A_787 = arith.constant 624 : index
      %get3A_788 = tpu.vector_load %arg9[%get3A_786, %get3A_787] {strides = array<i32>} : memref<32x768xf32, #tpu.memory_space<vmem>>, vector<1x16xf32>,
      %get3A_789 = vector.shape_cast %get3A_788 : vector<1x16xf32> to vector<16xf32>
      %add3A_790 = arith.addf %get3A_785, %get3A_789 : vector<16xf32>
      %get3A_791 = arith.index_cast %scan3A_42 : i32 to index
      %get3A_792 = arith.constant 624 : index
      %get3A_793 = tpu.vector_load %arg10[%get3A_791, %get3A_792] {strides = array<i32>} : memref<32x768xf32, #tpu.memory_space<vmem>>, vector<1x16xf32>,
      %get3A_794 = vector.shape_cast %get3A_793 : vector<1x16xf32> to vector<16xf32>
      %add3A_795 = arith.addf %add3A_790, %get3A_794 : vector<16xf32>
      %swap3A_796 = arith.index_cast %scan3A_42 : i32 to index
      %swap3A_797 = arith.constant 624 : index
      %swap3A_798 = tpu.vector_load %arg11[%swap3A_796, %swap3A_797] {strides = array<i32>} : memref<32x768xf32, #tpu.memory_space<vmem>>, vector<1x16xf32>,
      %swap3A_799 = vector.shape_cast %swap3A_798 : vector<1x16xf32> to vector<16xf32>
      %swap3A_800 = vector.shape_cast %add3A_795 : vector<16xf32> to vector<1x16xf32>
      tpu.vector_store %arg11[%swap3A_796, %swap3A_797], %swap3A_800 {strides = array<i32>} : memref<32x768xf32, #tpu.memory_space<vmem>>, vector<1x16xf32>,
      %get3A_801 = arith.index_cast %scan3A_42 : i32 to index
      %get3A_802 = arith.constant 640 : index
      %get3A_803 = tpu.vector_load %arg11[%get3A_801, %get3A_802] {strides = array<i32>} : memref<32x768xf32, #tpu.memory_space<vmem>>, vector<1x16xf32>,
      %get3A_804 = vector.shape_cast %get3A_803 : vector<1x16xf32> to vector<16xf32>
      %get3A_805 = arith.index_cast %scan3A_42 : i32 to index
      %get3A_806 = arith.constant 640 : index
      %get3A_807 = tpu.vector_load %arg9[%get3A_805, %get3A_806] {strides = array<i32>} : memref<32x768xf32, #tpu.memory_space<vmem>>, vector<1x16xf32>,
      %get3A_808 = vector.shape_cast %get3A_807 : vector<1x16xf32> to vector<16xf32>
      %add3A_809 = arith.addf %get3A_804, %get3A_808 : vector<16xf32>
      %get3A_810 = arith.index_cast %scan3A_42 : i32 to index
      %get3A_811 = arith.constant 640 : index
      %get3A_812 = tpu.vector_load %arg10[%get3A_810, %get3A_811] {strides = array<i32>} : memref<32x768xf32, #tpu.memory_space<vmem>>, vector<1x16xf32>,
      %get3A_813 = vector.shape_cast %get3A_812 : vector<1x16xf32> to vector<16xf32>
      %add3A_814 = arith.addf %add3A_809, %get3A_813 : vector<16xf32>
      %swap3A_815 = arith.index_cast %scan3A_42 : i32 to index
      %swap3A_816 = arith.constant 640 : index
      %swap3A_817 = tpu.vector_load %arg11[%swap3A_815, %swap3A_816] {strides = array<i32>} : memref<32x768xf32, #tpu.memory_space<vmem>>, vector<1x16xf32>,
      %swap3A_818 = vector.shape_cast %swap3A_817 : vector<1x16xf32> to vector<16xf32>
      %swap3A_819 = vector.shape_cast %add3A_814 : vector<16xf32> to vector<1x16xf32>
      tpu.vector_store %arg11[%swap3A_815, %swap3A_816], %swap3A_819 {strides = array<i32>} : memref<32x768xf32, #tpu.memory_space<vmem>>, vector<1x16xf32>,
      %get3A_820 = arith.index_cast %scan3A_42 : i32 to index
      %get3A_821 = arith.constant 656 : index
      %get3A_822 = tpu.vector_load %arg11[%get3A_820, %get3A_821] {strides = array<i32>} : memref<32x768xf32, #tpu.memory_space<vmem>>, vector<1x16xf32>,
      %get3A_823 = vector.shape_cast %get3A_822 : vector<1x16xf32> to vector<16xf32>
      %get3A_824 = arith.index_cast %scan3A_42 : i32 to index
      %get3A_825 = arith.constant 656 : index
      %get3A_826 = tpu.vector_load %arg9[%get3A_824, %get3A_825] {strides = array<i32>} : memref<32x768xf32, #tpu.memory_space<vmem>>, vector<1x16xf32>,
      %get3A_827 = vector.shape_cast %get3A_826 : vector<1x16xf32> to vector<16xf32>
      %add3A_828 = arith.addf %get3A_823, %get3A_827 : vector<16xf32>
      %get3A_829 = arith.index_cast %scan3A_42 : i32 to index
      %get3A_830 = arith.constant 656 : index
      %get3A_831 = tpu.vector_load %arg10[%get3A_829, %get3A_830] {strides = array<i32>} : memref<32x768xf32, #tpu.memory_space<vmem>>, vector<1x16xf32>,
      %get3A_832 = vector.shape_cast %get3A_831 : vector<1x16xf32> to vector<16xf32>
      %add3A_833 = arith.addf %add3A_828, %get3A_832 : vector<16xf32>
      %swap3A_834 = arith.index_cast %scan3A_42 : i32 to index
      %swap3A_835 = arith.constant 656 : index
      %swap3A_836 = tpu.vector_load %arg11[%swap3A_834, %swap3A_835] {strides = array<i32>} : memref<32x768xf32, #tpu.memory_space<vmem>>, vector<1x16xf32>,
      %swap3A_837 = vector.shape_cast %swap3A_836 : vector<1x16xf32> to vector<16xf32>
      %swap3A_838 = vector.shape_cast %add3A_833 : vector<16xf32> to vector<1x16xf32>
      tpu.vector_store %arg11[%swap3A_834, %swap3A_835], %swap3A_838 {strides = array<i32>} : memref<32x768xf32, #tpu.memory_space<vmem>>, vector<1x16xf32>,
      %get3A_839 = arith.index_cast %scan3A_42 : i32 to index
      %get3A_840 = arith.constant 672 : index
      %get3A_841 = tpu.vector_load %arg11[%get3A_839, %get3A_840] {strides = array<i32>} : memref<32x768xf32, #tpu.memory_space<vmem>>, vector<1x16xf32>,
      %get3A_842 = vector.shape_cast %get3A_841 : vector<1x16xf32> to vector<16xf32>
      %get3A_843 = arith.index_cast %scan3A_42 : i32 to index
      %get3A_844 = arith.constant 672 : index
      %get3A_845 = tpu.vector_load %arg9[%get3A_843, %get3A_844] {strides = array<i32>} : memref<32x768xf32, #tpu.memory_space<vmem>>, vector<1x16xf32>,
      %get3A_846 = vector.shape_cast %get3A_845 : vector<1x16xf32> to vector<16xf32>
      %add3A_847 = arith.addf %get3A_842, %get3A_846 : vector<16xf32>
      %get3A_848 = arith.index_cast %scan3A_42 : i32 to index
      %get3A_849 = arith.constant 672 : index
      %get3A_850 = tpu.vector_load %arg10[%get3A_848, %get3A_849] {strides = array<i32>} : memref<32x768xf32, #tpu.memory_space<vmem>>, vector<1x16xf32>,
      %get3A_851 = vector.shape_cast %get3A_850 : vector<1x16xf32> to vector<16xf32>
      %add3A_852 = arith.addf %add3A_847, %get3A_851 : vector<16xf32>
      %swap3A_853 = arith.index_cast %scan3A_42 : i32 to index
      %swap3A_854 = arith.constant 672 : index
      %swap3A_855 = tpu.vector_load %arg11[%swap3A_853, %swap3A_854] {strides = array<i32>} : memref<32x768xf32, #tpu.memory_space<vmem>>, vector<1x16xf32>,
      %swap3A_856 = vector.shape_cast %swap3A_855 : vector<1x16xf32> to vector<16xf32>
      %swap3A_857 = vector.shape_cast %add3A_852 : vector<16xf32> to vector<1x16xf32>
      tpu.vector_store %arg11[%swap3A_853, %swap3A_854], %swap3A_857 {strides = array<i32>} : memref<32x768xf32, #tpu.memory_space<vmem>>, vector<1x16xf32>,
      %get3A_858 = arith.index_cast %scan3A_42 : i32 to index
      %get3A_859 = arith.constant 688 : index
      %get3A_860 = tpu.vector_load %arg11[%get3A_858, %get3A_859] {strides = array<i32>} : memref<32x768xf32, #tpu.memory_space<vmem>>, vector<1x16xf32>,
      %get3A_861 = vector.shape_cast %get3A_860 : vector<1x16xf32> to vector<16xf32>
      %get3A_862 = arith.index_cast %scan3A_42 : i32 to index
      %get3A_863 = arith.constant 688 : index
      %get3A_864 = tpu.vector_load %arg9[%get3A_862, %get3A_863] {strides = array<i32>} : memref<32x768xf32, #tpu.memory_space<vmem>>, vector<1x16xf32>,
      %get3A_865 = vector.shape_cast %get3A_864 : vector<1x16xf32> to vector<16xf32>
      %add3A_866 = arith.addf %get3A_861, %get3A_865 : vector<16xf32>
      %get3A_867 = arith.index_cast %scan3A_42 : i32 to index
      %get3A_868 = arith.constant 688 : index
      %get3A_869 = tpu.vector_load %arg10[%get3A_867, %get3A_868] {strides = array<i32>} : memref<32x768xf32, #tpu.memory_space<vmem>>, vector<1x16xf32>,
      %get3A_870 = vector.shape_cast %get3A_869 : vector<1x16xf32> to vector<16xf32>
      %add3A_871 = arith.addf %add3A_866, %get3A_870 : vector<16xf32>
      %swap3A_872 = arith.index_cast %scan3A_42 : i32 to index
      %swap3A_873 = arith.constant 688 : index
      %swap3A_874 = tpu.vector_load %arg11[%swap3A_872, %swap3A_873] {strides = array<i32>} : memref<32x768xf32, #tpu.memory_space<vmem>>, vector<1x16xf32>,
      %swap3A_875 = vector.shape_cast %swap3A_874 : vector<1x16xf32> to vector<16xf32>
      %swap3A_876 = vector.shape_cast %add3A_871 : vector<16xf32> to vector<1x16xf32>
      tpu.vector_store %arg11[%swap3A_872, %swap3A_873], %swap3A_876 {strides = array<i32>} : memref<32x768xf32, #tpu.memory_space<vmem>>, vector<1x16xf32>,
      %get3A_877 = arith.index_cast %scan3A_42 : i32 to index
      %get3A_878 = arith.constant 704 : index
      %get3A_879 = tpu.vector_load %arg11[%get3A_877, %get3A_878] {strides = array<i32>} : memref<32x768xf32, #tpu.memory_space<vmem>>, vector<1x16xf32>,
      %get3A_880 = vector.shape_cast %get3A_879 : vector<1x16xf32> to vector<16xf32>
      %get3A_881 = arith.index_cast %scan3A_42 : i32 to index
      %get3A_882 = arith.constant 704 : index
      %get3A_883 = tpu.vector_load %arg9[%get3A_881, %get3A_882] {strides = array<i32>} : memref<32x768xf32, #tpu.memory_space<vmem>>, vector<1x16xf32>,
      %get3A_884 = vector.shape_cast %get3A_883 : vector<1x16xf32> to vector<16xf32>
      %add3A_885 = arith.addf %get3A_880, %get3A_884 : vector<16xf32>
      %get3A_886 = arith.index_cast %scan3A_42 : i32 to index
      %get3A_887 = arith.constant 704 : index
      %get3A_888 = tpu.vector_load %arg10[%get3A_886, %get3A_887] {strides = array<i32>} : memref<32x768xf32, #tpu.memory_space<vmem>>, vector<1x16xf32>,
      %get3A_889 = vector.shape_cast %get3A_888 : vector<1x16xf32> to vector<16xf32>
      %add3A_890 = arith.addf %add3A_885, %get3A_889 : vector<16xf32>
      %swap3A_891 = arith.index_cast %scan3A_42 : i32 to index
      %swap3A_892 = arith.constant 704 : index
      %swap3A_893 = tpu.vector_load %arg11[%swap3A_891, %swap3A_892] {strides = array<i32>} : memref<32x768xf32, #tpu.memory_space<vmem>>, vector<1x16xf32>,
      %swap3A_894 = vector.shape_cast %swap3A_893 : vector<1x16xf32> to vector<16xf32>
      %swap3A_895 = vector.shape_cast %add3A_890 : vector<16xf32> to vector<1x16xf32>
      tpu.vector_store %arg11[%swap3A_891, %swap3A_892], %swap3A_895 {strides = array<i32>} : memref<32x768xf32, #tpu.memory_space<vmem>>, vector<1x16xf32>,
      %get3A_896 = arith.index_cast %scan3A_42 : i32 to index
      %get3A_897 = arith.constant 720 : index
      %get3A_898 = tpu.vector_load %arg11[%get3A_896, %get3A_897] {strides = array<i32>} : memref<32x768xf32, #tpu.memory_space<vmem>>, vector<1x16xf32>,
      %get3A_899 = vector.shape_cast %get3A_898 : vector<1x16xf32> to vector<16xf32>
      %get3A_900 = arith.index_cast %scan3A_42 : i32 to index
      %get3A_901 = arith.constant 720 : index
      %get3A_902 = tpu.vector_load %arg9[%get3A_900, %get3A_901] {strides = array<i32>} : memref<32x768xf32, #tpu.memory_space<vmem>>, vector<1x16xf32>,
      %get3A_903 = vector.shape_cast %get3A_902 : vector<1x16xf32> to vector<16xf32>
      %add3A_904 = arith.addf %get3A_899, %get3A_903 : vector<16xf32>
      %get3A_905 = arith.index_cast %scan3A_42 : i32 to index
      %get3A_906 = arith.constant 720 : index
      %get3A_907 = tpu.vector_load %arg10[%get3A_905, %get3A_906] {strides = array<i32>} : memref<32x768xf32, #tpu.memory_space<vmem>>, vector<1x16xf32>,
      %get3A_908 = vector.shape_cast %get3A_907 : vector<1x16xf32> to vector<16xf32>
      %add3A_909 = arith.addf %add3A_904, %get3A_908 : vector<16xf32>
      %swap3A_910 = arith.index_cast %scan3A_42 : i32 to index
      %swap3A_911 = arith.constant 720 : index
      %swap3A_912 = tpu.vector_load %arg11[%swap3A_910, %swap3A_911] {strides = array<i32>} : memref<32x768xf32, #tpu.memory_space<vmem>>, vector<1x16xf32>,
      %swap3A_913 = vector.shape_cast %swap3A_912 : vector<1x16xf32> to vector<16xf32>
      %swap3A_914 = vector.shape_cast %add3A_909 : vector<16xf32> to vector<1x16xf32>
      tpu.vector_store %arg11[%swap3A_910, %swap3A_911], %swap3A_914 {strides = array<i32>} : memref<32x768xf32, #tpu.memory_space<vmem>>, vector<1x16xf32>,
      %get3A_915 = arith.index_cast %scan3A_42 : i32 to index
      %get3A_916 = arith.constant 736 : index
      %get3A_917 = tpu.vector_load %arg11[%get3A_915, %get3A_916] {strides = array<i32>} : memref<32x768xf32, #tpu.memory_space<vmem>>, vector<1x16xf32>,
      %get3A_918 = vector.shape_cast %get3A_917 : vector<1x16xf32> to vector<16xf32>
      %get3A_919 = arith.index_cast %scan3A_42 : i32 to index
      %get3A_920 = arith.constant 736 : index
      %get3A_921 = tpu.vector_load %arg9[%get3A_919, %get3A_920] {strides = array<i32>} : memref<32x768xf32, #tpu.memory_space<vmem>>, vector<1x16xf32>,
      %get3A_922 = vector.shape_cast %get3A_921 : vector<1x16xf32> to vector<16xf32>
      %add3A_923 = arith.addf %get3A_918, %get3A_922 : vector<16xf32>
      %get3A_924 = arith.index_cast %scan3A_42 : i32 to index
      %get3A_925 = arith.constant 736 : index
      %get3A_926 = tpu.vector_load %arg10[%get3A_924, %get3A_925] {strides = array<i32>} : memref<32x768xf32, #tpu.memory_space<vmem>>, vector<1x16xf32>,
      %get3A_927 = vector.shape_cast %get3A_926 : vector<1x16xf32> to vector<16xf32>
      %add3A_928 = arith.addf %add3A_923, %get3A_927 : vector<16xf32>
      %swap3A_929 = arith.index_cast %scan3A_42 : i32 to index
      %swap3A_930 = arith.constant 736 : index
      %swap3A_931 = tpu.vector_load %arg11[%swap3A_929, %swap3A_930] {strides = array<i32>} : memref<32x768xf32, #tpu.memory_space<vmem>>, vector<1x16xf32>,
      %swap3A_932 = vector.shape_cast %swap3A_931 : vector<1x16xf32> to vector<16xf32>
      %swap3A_933 = vector.shape_cast %add3A_928 : vector<16xf32> to vector<1x16xf32>
      tpu.vector_store %arg11[%swap3A_929, %swap3A_930], %swap3A_933 {strides = array<i32>} : memref<32x768xf32, #tpu.memory_space<vmem>>, vector<1x16xf32>,
      %get3A_934 = arith.index_cast %scan3A_42 : i32 to index
      %get3A_935 = arith.constant 752 : index
      %get3A_936 = tpu.vector_load %arg11[%get3A_934, %get3A_935] {strides = array<i32>} : memref<32x768xf32, #tpu.memory_space<vmem>>, vector<1x16xf32>,
      %get3A_937 = vector.shape_cast %get3A_936 : vector<1x16xf32> to vector<16xf32>
      %get3A_938 = arith.index_cast %scan3A_42 : i32 to index
      %get3A_939 = arith.constant 752 : index
      %get3A_940 = tpu.vector_load %arg9[%get3A_938, %get3A_939] {strides = array<i32>} : memref<32x768xf32, #tpu.memory_space<vmem>>, vector<1x16xf32>,
      %get3A_941 = vector.shape_cast %get3A_940 : vector<1x16xf32> to vector<16xf32>
      %add3A_942 = arith.addf %get3A_937, %get3A_941 : vector<16xf32>
      %get3A_943 = arith.index_cast %scan3A_42 : i32 to index
      %get3A_944 = arith.constant 752 : index
      %get3A_945 = tpu.vector_load %arg10[%get3A_943, %get3A_944] {strides = array<i32>} : memref<32x768xf32, #tpu.memory_space<vmem>>, vector<1x16xf32>,
      %get3A_946 = vector.shape_cast %get3A_945 : vector<1x16xf32> to vector<16xf32>
      %add3A_947 = arith.addf %add3A_942, %get3A_946 : vector<16xf32>
      %swap3A_948 = arith.index_cast %scan3A_42 : i32 to index
      %swap3A_949 = arith.constant 752 : index
      %swap3A_950 = tpu.vector_load %arg11[%swap3A_948, %swap3A_949] {strides = array<i32>} : memref<32x768xf32, #tpu.memory_space<vmem>>, vector<1x16xf32>,
      %swap3A_951 = vector.shape_cast %swap3A_950 : vector<1x16xf32> to vector<16xf32>
      %swap3A_952 = vector.shape_cast %add3A_947 : vector<16xf32> to vector<1x16xf32>
      tpu.vector_store %arg11[%swap3A_948, %swap3A_949], %swap3A_952 {strides = array<i32>} : memref<32x768xf32, #tpu.memory_space<vmem>>, vector<1x16xf32>,
    }
    %scan3A_19 = arith.constant 32 : i32
    "tpu.region"() ({
      %run_scoped3A = tpu.sem_alloc : memref<!tpu.dma_semaphore, #tpu.memory_space<semaphore_mem>>
      %dma_start3A_42 = arith.constant 0 : i32
      %dma_start3A_43 = tpu.memref_slice %arg6[%add3A_4, %dma_start3A_42] : memref<2048x768xf32, #tpu.memory_space<hbm>> -> memref<32x768xf32, #tpu.memory_space<hbm>>
      %dma_start3A_44 = arith.constant 0 : i32
      %dma_start3A_45 = tpu.memref_slice %arg6[%add3A_4, %dma_start3A_44] : memref<2048x768xf32, #tpu.memory_space<hbm>> -> memref<32x768xf32, #tpu.memory_space<hbm>>
      tpu.enqueue_dma source(%arg11 : memref<32x768xf32, #tpu.memory_space<vmem>>) target(%dma_start3A_45 : memref<32x768xf32, #tpu.memory_space<hbm>>) target_semaphore(%run_scoped3A : memref<!tpu.dma_semaphore, #tpu.memory_space<semaphore_mem>>)
      %dma_wait3A_46 = arith.constant 0 : i32
      %dma_wait3A_47 = tpu.memref_slice %arg6[%add3A_4, %dma_wait3A_46] : memref<2048x768xf32, #tpu.memory_space<hbm>> -> memref<32x768xf32, #tpu.memory_space<hbm>>
      %dma_wait3A_48 = arith.constant 0 : i32
      %dma_wait3A_49 = tpu.memref_slice %arg6[%add3A_4, %dma_wait3A_48] : memref<2048x768xf32, #tpu.memory_space<hbm>> -> memref<32x768xf32, #tpu.memory_space<hbm>>
      tpu.wait_dma2 semaphore(%run_scoped3A : memref<!tpu.dma_semaphore, #tpu.memory_space<semaphore_mem>>) src(%arg11 : memref<32x768xf32, #tpu.memory_space<vmem>>) dst(%dma_wait3A_49 : memref<32x768xf32, #tpu.memory_space<hbm>>)
      tpu.yield
    }) : () -> ()
    %mul3A_20 = arith.constant 64 : i32
    %mul3A_21 = arith.muli %add3A, %mul3A_20 : i32
    %add3A_22 = arith.constant 32 : i32
    %add3A_23 = arith.addi %mul3A_21, %add3A_22 : i32
    "tpu.region"() ({
      %run_scoped3A = tpu.sem_alloc : memref<!tpu.dma_semaphore, #tpu.memory_space<semaphore_mem>>
      %dma_start3A_42 = tpu.memref_slice %arg4[%add3A_23] : memref<2048xi32, #tpu.memory_space<hbm>> -> memref<32xi32, #tpu.memory_space<hbm>>
      %dma_start3A_43 = tpu.memref_slice %arg4[%add3A_23] : memref<2048xi32, #tpu.memory_space<hbm>> -> memref<32xi32, #tpu.memory_space<hbm>>
      tpu.enqueue_dma source(%dma_start3A_43 : memref<32xi32, #tpu.memory_space<hbm>>) target(%arg7 : memref<32xi32, #tpu.memory_space<vmem>>) target_semaphore(%run_scoped3A : memref<!tpu.dma_semaphore, #tpu.memory_space<semaphore_mem>>)
      %dma_wait3A_44 = tpu.memref_slice %arg4[%add3A_23] : memref<2048xi32, #tpu.memory_space<hbm>> -> memref<32xi32, #tpu.memory_space<hbm>>
      %dma_wait3A_45 = tpu.memref_slice %arg4[%add3A_23] : memref<2048xi32, #tpu.memory_space<hbm>> -> memref<32xi32, #tpu.memory_space<hbm>>
      tpu.wait_dma2 semaphore(%run_scoped3A : memref<!tpu.dma_semaphore, #tpu.memory_space<semaphore_mem>>) src(%dma_wait3A_45 : memref<32xi32, #tpu.memory_space<hbm>>) dst(%arg7 : memref<32xi32, #tpu.memory_space<vmem>>)
      tpu.yield
    }) : () -> ()
    "tpu.region"() ({
      %run_scoped3A = tpu.sem_alloc : memref<!tpu.dma_semaphore, #tpu.memory_space<semaphore_mem>>
      %dma_start3A_42 = tpu.memref_slice %arg5[%add3A_23] : memref<2048xi32, #tpu.memory_space<hbm>> -> memref<32xi32, #tpu.memory_space<hbm>>
      %dma_start3A_43 = tpu.memref_slice %arg5[%add3A_23] : memref<2048xi32, #tpu.memory_space<hbm>> -> memref<32xi32, #tpu.memory_space<hbm>>
      tpu.enqueue_dma source(%dma_start3A_43 : memref<32xi32, #tpu.memory_space<hbm>>) target(%arg8 : memref<32xi32, #tpu.memory_space<vmem>>) target_semaphore(%run_scoped3A : memref<!tpu.dma_semaphore, #tpu.memory_space<semaphore_mem>>)
      %dma_wait3A_44 = tpu.memref_slice %arg5[%add3A_23] : memref<2048xi32, #tpu.memory_space<hbm>> -> memref<32xi32, #tpu.memory_space<hbm>>
      %dma_wait3A_45 = tpu.memref_slice %arg5[%add3A_23] : memref<2048xi32, #tpu.memory_space<hbm>> -> memref<32xi32, #tpu.memory_space<hbm>>
      tpu.wait_dma2 semaphore(%run_scoped3A : memref<!tpu.dma_semaphore, #tpu.memory_space<semaphore_mem>>) src(%dma_wait3A_45 : memref<32xi32, #tpu.memory_space<hbm>>) dst(%arg8 : memref<32xi32, #tpu.memory_space<vmem>>)
      tpu.yield
    }) : () -> ()
    %dma_start3A_24 = arith.constant 0 : i32
    %dma_start3A_25 = arith.constant 0 : i32
    %dma_start3A_26 = tpu.memref_slice %arg2[%dma_start3A_24, %dma_start3A_25] : memref<6144x768xf32, #tpu.memory_space<hbm>> -> memref<6144x768xf32, #tpu.memory_space<hbm>>
    tpu.enqueue_indirect_dma source(%dma_start3A_26 : memref<6144x768xf32, #tpu.memory_space<hbm>>) target(%arg9 : memref<32x768xf32, #tpu.memory_space<vmem>>) offsets(%arg7 : memref<32xi32, #tpu.memory_space<vmem>>) semaphore(%arg12 : memref<!tpu.dma_semaphore, #tpu.memory_space<semaphore_mem>>)
    %dma_wait3A_27 = arith.constant 0 : i32
    %dma_wait3A_28 = arith.constant 0 : i32
    %dma_wait3A_29 = tpu.memref_slice %arg2[%dma_wait3A_27, %dma_wait3A_28] : memref<6144x768xf32, #tpu.memory_space<hbm>> -> memref<6144x768xf32, #tpu.memory_space<hbm>>
    tpu.wait_indirect_dma semaphore(%arg12 : memref<!tpu.dma_semaphore, #tpu.memory_space<semaphore_mem>>) src(%dma_wait3A_29 : memref<6144x768xf32, #tpu.memory_space<hbm>>) dst(%arg9 : memref<32x768xf32, #tpu.memory_space<vmem>>)
    %dma_start3A_30 = arith.constant 0 : i32
    %dma_start3A_31 = arith.constant 0 : i32
    %dma_start3A_32 = tpu.memref_slice %arg2[%dma_start3A_30, %dma_start3A_31] : memref<6144x768xf32, #tpu.memory_space<hbm>> -> memref<6144x768xf32, #tpu.memory_space<hbm>>
    tpu.enqueue_indirect_dma source(%dma_start3A_32 : memref<6144x768xf32, #tpu.memory_space<hbm>>) target(%arg10 : memref<32x768xf32, #tpu.memory_space<vmem>>) offsets(%arg8 : memref<32xi32, #tpu.memory_space<vmem>>) semaphore(%arg12 : memref<!tpu.dma_semaphore, #tpu.memory_space<semaphore_mem>>)
    %dma_wait3A_33 = arith.constant 0 : i32
    %dma_wait3A_34 = arith.constant 0 : i32
    %dma_wait3A_35 = tpu.memref_slice %arg2[%dma_wait3A_33, %dma_wait3A_34] : memref<6144x768xf32, #tpu.memory_space<hbm>> -> memref<6144x768xf32, #tpu.memory_space<hbm>>
    tpu.wait_indirect_dma semaphore(%arg12 : memref<!tpu.dma_semaphore, #tpu.memory_space<semaphore_mem>>) src(%dma_wait3A_35 : memref<6144x768xf32, #tpu.memory_space<hbm>>) dst(%arg10 : memref<32x768xf32, #tpu.memory_space<vmem>>)
    "tpu.region"() ({
      %run_scoped3A = tpu.sem_alloc : memref<!tpu.dma_semaphore, #tpu.memory_space<semaphore_mem>>
      %dma_start3A_42 = arith.constant 0 : i32
      %dma_start3A_43 = tpu.memref_slice %arg3[%add3A_23, %dma_start3A_42] : memref<2048x768xf32, #tpu.memory_space<hbm>> -> memref<32x768xf32, #tpu.memory_space<hbm>>
      %dma_start3A_44 = arith.constant 0 : i32
      %dma_start3A_45 = tpu.memref_slice %arg3[%add3A_23, %dma_start3A_44] : memref<2048x768xf32, #tpu.memory_space<hbm>> -> memref<32x768xf32, #tpu.memory_space<hbm>>
      tpu.enqueue_dma source(%dma_start3A_45 : memref<32x768xf32, #tpu.memory_space<hbm>>) target(%arg11 : memref<32x768xf32, #tpu.memory_space<vmem>>) target_semaphore(%run_scoped3A : memref<!tpu.dma_semaphore, #tpu.memory_space<semaphore_mem>>)
      %dma_wait3A_46 = arith.constant 0 : i32
      %dma_wait3A_47 = tpu.memref_slice %arg3[%add3A_23, %dma_wait3A_46] : memref<2048x768xf32, #tpu.memory_space<hbm>> -> memref<32x768xf32, #tpu.memory_space<hbm>>
      %dma_wait3A_48 = arith.constant 0 : i32
      %dma_wait3A_49 = tpu.memref_slice %arg3[%add3A_23, %dma_wait3A_48] : memref<2048x768xf32, #tpu.memory_space<hbm>> -> memref<32x768xf32, #tpu.memory_space<hbm>>
      tpu.wait_dma2 semaphore(%run_scoped3A : memref<!tpu.dma_semaphore, #tpu.memory_space<semaphore_mem>>) src(%dma_wait3A_49 : memref<32x768xf32, #tpu.memory_space<hbm>>) dst(%arg11 : memref<32x768xf32, #tpu.memory_space<vmem>>)
      tpu.yield
    }) : () -> ()
    %scan3A_36 = arith.constant 0 : i32
    %scan3A_37 = arith.constant 0 : i32
    %scan3A_38 = arith.constant 32 : i32
    %scan3A_39 = arith.addi %scan3A_37, %scan3A_38 : i32
    %scan3A_40 = arith.constant 1 : i32
    scf.for %scan3A_42 = %scan3A_37 to %scan3A_39 step %scan3A_40  : i32 {
      %get3A = arith.index_cast %scan3A_42 : i32 to index
      %get3A_43 = arith.constant 0 : index
      %get3A_44 = tpu.vector_load %arg11[%get3A, %get3A_43] {strides = array<i32>} : memref<32x768xf32, #tpu.memory_space<vmem>>, vector<1x16xf32>,
      %get3A_45 = vector.shape_cast %get3A_44 : vector<1x16xf32> to vector<16xf32>
      %get3A_46 = arith.index_cast %scan3A_42 : i32 to index
      %get3A_47 = arith.constant 0 : index
      %get3A_48 = tpu.vector_load %arg9[%get3A_46, %get3A_47] {strides = array<i32>} : memref<32x768xf32, #tpu.memory_space<vmem>>, vector<1x16xf32>,
      %get3A_49 = vector.shape_cast %get3A_48 : vector<1x16xf32> to vector<16xf32>
      %add3A_50 = arith.addf %get3A_45, %get3A_49 : vector<16xf32>
      %get3A_51 = arith.index_cast %scan3A_42 : i32 to index
      %get3A_52 = arith.constant 0 : index
      %get3A_53 = tpu.vector_load %arg10[%get3A_51, %get3A_52] {strides = array<i32>} : memref<32x768xf32, #tpu.memory_space<vmem>>, vector<1x16xf32>,
      %get3A_54 = vector.shape_cast %get3A_53 : vector<1x16xf32> to vector<16xf32>
      %add3A_55 = arith.addf %add3A_50, %get3A_54 : vector<16xf32>
      %swap3A = arith.index_cast %scan3A_42 : i32 to index
      %swap3A_56 = arith.constant 0 : index
      %swap3A_57 = tpu.vector_load %arg11[%swap3A, %swap3A_56] {strides = array<i32>} : memref<32x768xf32, #tpu.memory_space<vmem>>, vector<1x16xf32>,
      %swap3A_58 = vector.shape_cast %swap3A_57 : vector<1x16xf32> to vector<16xf32>
      %swap3A_59 = vector.shape_cast %add3A_55 : vector<16xf32> to vector<1x16xf32>
      tpu.vector_store %arg11[%swap3A, %swap3A_56], %swap3A_59 {strides = array<i32>} : memref<32x768xf32, #tpu.memory_space<vmem>>, vector<1x16xf32>,
      %get3A_60 = arith.index_cast %scan3A_42 : i32 to index
      %get3A_61 = arith.constant 16 : index
      %get3A_62 = tpu.vector_load %arg11[%get3A_60, %get3A_61] {strides = array<i32>} : memref<32x768xf32, #tpu.memory_space<vmem>>, vector<1x16xf32>,
      %get3A_63 = vector.shape_cast %get3A_62 : vector<1x16xf32> to vector<16xf32>
      %get3A_64 = arith.index_cast %scan3A_42 : i32 to index
      %get3A_65 = arith.constant 16 : index
      %get3A_66 = tpu.vector_load %arg9[%get3A_64, %get3A_65] {strides = array<i32>} : memref<32x768xf32, #tpu.memory_space<vmem>>, vector<1x16xf32>,
      %get3A_67 = vector.shape_cast %get3A_66 : vector<1x16xf32> to vector<16xf32>
      %add3A_68 = arith.addf %get3A_63, %get3A_67 : vector<16xf32>
      %get3A_69 = arith.index_cast %scan3A_42 : i32 to index
      %get3A_70 = arith.constant 16 : index
      %get3A_71 = tpu.vector_load %arg10[%get3A_69, %get3A_70] {strides = array<i32>} : memref<32x768xf32, #tpu.memory_space<vmem>>, vector<1x16xf32>,
      %get3A_72 = vector.shape_cast %get3A_71 : vector<1x16xf32> to vector<16xf32>
      %add3A_73 = arith.addf %add3A_68, %get3A_72 : vector<16xf32>
      %swap3A_74 = arith.index_cast %scan3A_42 : i32 to index
      %swap3A_75 = arith.constant 16 : index
      %swap3A_76 = tpu.vector_load %arg11[%swap3A_74, %swap3A_75] {strides = array<i32>} : memref<32x768xf32, #tpu.memory_space<vmem>>, vector<1x16xf32>,
      %swap3A_77 = vector.shape_cast %swap3A_76 : vector<1x16xf32> to vector<16xf32>
      %swap3A_78 = vector.shape_cast %add3A_73 : vector<16xf32> to vector<1x16xf32>
      tpu.vector_store %arg11[%swap3A_74, %swap3A_75], %swap3A_78 {strides = array<i32>} : memref<32x768xf32, #tpu.memory_space<vmem>>, vector<1x16xf32>,
      %get3A_79 = arith.index_cast %scan3A_42 : i32 to index
      %get3A_80 = arith.constant 32 : index
      %get3A_81 = tpu.vector_load %arg11[%get3A_79, %get3A_80] {strides = array<i32>} : memref<32x768xf32, #tpu.memory_space<vmem>>, vector<1x16xf32>,
      %get3A_82 = vector.shape_cast %get3A_81 : vector<1x16xf32> to vector<16xf32>
      %get3A_83 = arith.index_cast %scan3A_42 : i32 to index
      %get3A_84 = arith.constant 32 : index
      %get3A_85 = tpu.vector_load %arg9[%get3A_83, %get3A_84] {strides = array<i32>} : memref<32x768xf32, #tpu.memory_space<vmem>>, vector<1x16xf32>,
      %get3A_86 = vector.shape_cast %get3A_85 : vector<1x16xf32> to vector<16xf32>
      %add3A_87 = arith.addf %get3A_82, %get3A_86 : vector<16xf32>
      %get3A_88 = arith.index_cast %scan3A_42 : i32 to index
      %get3A_89 = arith.constant 32 : index
      %get3A_90 = tpu.vector_load %arg10[%get3A_88, %get3A_89] {strides = array<i32>} : memref<32x768xf32, #tpu.memory_space<vmem>>, vector<1x16xf32>,
      %get3A_91 = vector.shape_cast %get3A_90 : vector<1x16xf32> to vector<16xf32>
      %add3A_92 = arith.addf %add3A_87, %get3A_91 : vector<16xf32>
      %swap3A_93 = arith.index_cast %scan3A_42 : i32 to index
      %swap3A_94 = arith.constant 32 : index
      %swap3A_95 = tpu.vector_load %arg11[%swap3A_93, %swap3A_94] {strides = array<i32>} : memref<32x768xf32, #tpu.memory_space<vmem>>, vector<1x16xf32>,
      %swap3A_96 = vector.shape_cast %swap3A_95 : vector<1x16xf32> to vector<16xf32>
      %swap3A_97 = vector.shape_cast %add3A_92 : vector<16xf32> to vector<1x16xf32>
      tpu.vector_store %arg11[%swap3A_93, %swap3A_94], %swap3A_97 {strides = array<i32>} : memref<32x768xf32, #tpu.memory_space<vmem>>, vector<1x16xf32>,
      %get3A_98 = arith.index_cast %scan3A_42 : i32 to index
      %get3A_99 = arith.constant 48 : index
      %get3A_100 = tpu.vector_load %arg11[%get3A_98, %get3A_99] {strides = array<i32>} : memref<32x768xf32, #tpu.memory_space<vmem>>, vector<1x16xf32>,
      %get3A_101 = vector.shape_cast %get3A_100 : vector<1x16xf32> to vector<16xf32>
      %get3A_102 = arith.index_cast %scan3A_42 : i32 to index
      %get3A_103 = arith.constant 48 : index
      %get3A_104 = tpu.vector_load %arg9[%get3A_102, %get3A_103] {strides = array<i32>} : memref<32x768xf32, #tpu.memory_space<vmem>>, vector<1x16xf32>,
      %get3A_105 = vector.shape_cast %get3A_104 : vector<1x16xf32> to vector<16xf32>
      %add3A_106 = arith.addf %get3A_101, %get3A_105 : vector<16xf32>
      %get3A_107 = arith.index_cast %scan3A_42 : i32 to index
      %get3A_108 = arith.constant 48 : index
      %get3A_109 = tpu.vector_load %arg10[%get3A_107, %get3A_108] {strides = array<i32>} : memref<32x768xf32, #tpu.memory_space<vmem>>, vector<1x16xf32>,
      %get3A_110 = vector.shape_cast %get3A_109 : vector<1x16xf32> to vector<16xf32>
      %add3A_111 = arith.addf %add3A_106, %get3A_110 : vector<16xf32>
      %swap3A_112 = arith.index_cast %scan3A_42 : i32 to index
      %swap3A_113 = arith.constant 48 : index
      %swap3A_114 = tpu.vector_load %arg11[%swap3A_112, %swap3A_113] {strides = array<i32>} : memref<32x768xf32, #tpu.memory_space<vmem>>, vector<1x16xf32>,
      %swap3A_115 = vector.shape_cast %swap3A_114 : vector<1x16xf32> to vector<16xf32>
      %swap3A_116 = vector.shape_cast %add3A_111 : vector<16xf32> to vector<1x16xf32>
      tpu.vector_store %arg11[%swap3A_112, %swap3A_113], %swap3A_116 {strides = array<i32>} : memref<32x768xf32, #tpu.memory_space<vmem>>, vector<1x16xf32>,
      %get3A_117 = arith.index_cast %scan3A_42 : i32 to index
      %get3A_118 = arith.constant 64 : index
      %get3A_119 = tpu.vector_load %arg11[%get3A_117, %get3A_118] {strides = array<i32>} : memref<32x768xf32, #tpu.memory_space<vmem>>, vector<1x16xf32>,
      %get3A_120 = vector.shape_cast %get3A_119 : vector<1x16xf32> to vector<16xf32>
      %get3A_121 = arith.index_cast %scan3A_42 : i32 to index
      %get3A_122 = arith.constant 64 : index
      %get3A_123 = tpu.vector_load %arg9[%get3A_121, %get3A_122] {strides = array<i32>} : memref<32x768xf32, #tpu.memory_space<vmem>>, vector<1x16xf32>,
      %get3A_124 = vector.shape_cast %get3A_123 : vector<1x16xf32> to vector<16xf32>
      %add3A_125 = arith.addf %get3A_120, %get3A_124 : vector<16xf32>
      %get3A_126 = arith.index_cast %scan3A_42 : i32 to index
      %get3A_127 = arith.constant 64 : index
      %get3A_128 = tpu.vector_load %arg10[%get3A_126, %get3A_127] {strides = array<i32>} : memref<32x768xf32, #tpu.memory_space<vmem>>, vector<1x16xf32>,
      %get3A_129 = vector.shape_cast %get3A_128 : vector<1x16xf32> to vector<16xf32>
      %add3A_130 = arith.addf %add3A_125, %get3A_129 : vector<16xf32>
      %swap3A_131 = arith.index_cast %scan3A_42 : i32 to index
      %swap3A_132 = arith.constant 64 : index
      %swap3A_133 = tpu.vector_load %arg11[%swap3A_131, %swap3A_132] {strides = array<i32>} : memref<32x768xf32, #tpu.memory_space<vmem>>, vector<1x16xf32>,
      %swap3A_134 = vector.shape_cast %swap3A_133 : vector<1x16xf32> to vector<16xf32>
      %swap3A_135 = vector.shape_cast %add3A_130 : vector<16xf32> to vector<1x16xf32>
      tpu.vector_store %arg11[%swap3A_131, %swap3A_132], %swap3A_135 {strides = array<i32>} : memref<32x768xf32, #tpu.memory_space<vmem>>, vector<1x16xf32>,
      %get3A_136 = arith.index_cast %scan3A_42 : i32 to index
      %get3A_137 = arith.constant 80 : index
      %get3A_138 = tpu.vector_load %arg11[%get3A_136, %get3A_137] {strides = array<i32>} : memref<32x768xf32, #tpu.memory_space<vmem>>, vector<1x16xf32>,
      %get3A_139 = vector.shape_cast %get3A_138 : vector<1x16xf32> to vector<16xf32>
      %get3A_140 = arith.index_cast %scan3A_42 : i32 to index
      %get3A_141 = arith.constant 80 : index
      %get3A_142 = tpu.vector_load %arg9[%get3A_140, %get3A_141] {strides = array<i32>} : memref<32x768xf32, #tpu.memory_space<vmem>>, vector<1x16xf32>,
      %get3A_143 = vector.shape_cast %get3A_142 : vector<1x16xf32> to vector<16xf32>
      %add3A_144 = arith.addf %get3A_139, %get3A_143 : vector<16xf32>
      %get3A_145 = arith.index_cast %scan3A_42 : i32 to index
      %get3A_146 = arith.constant 80 : index
      %get3A_147 = tpu.vector_load %arg10[%get3A_145, %get3A_146] {strides = array<i32>} : memref<32x768xf32, #tpu.memory_space<vmem>>, vector<1x16xf32>,
      %get3A_148 = vector.shape_cast %get3A_147 : vector<1x16xf32> to vector<16xf32>
      %add3A_149 = arith.addf %add3A_144, %get3A_148 : vector<16xf32>
      %swap3A_150 = arith.index_cast %scan3A_42 : i32 to index
      %swap3A_151 = arith.constant 80 : index
      %swap3A_152 = tpu.vector_load %arg11[%swap3A_150, %swap3A_151] {strides = array<i32>} : memref<32x768xf32, #tpu.memory_space<vmem>>, vector<1x16xf32>,
      %swap3A_153 = vector.shape_cast %swap3A_152 : vector<1x16xf32> to vector<16xf32>
      %swap3A_154 = vector.shape_cast %add3A_149 : vector<16xf32> to vector<1x16xf32>
      tpu.vector_store %arg11[%swap3A_150, %swap3A_151], %swap3A_154 {strides = array<i32>} : memref<32x768xf32, #tpu.memory_space<vmem>>, vector<1x16xf32>,
      %get3A_155 = arith.index_cast %scan3A_42 : i32 to index
      %get3A_156 = arith.constant 96 : index
      %get3A_157 = tpu.vector_load %arg11[%get3A_155, %get3A_156] {strides = array<i32>} : memref<32x768xf32, #tpu.memory_space<vmem>>, vector<1x16xf32>,
      %get3A_158 = vector.shape_cast %get3A_157 : vector<1x16xf32> to vector<16xf32>
      %get3A_159 = arith.index_cast %scan3A_42 : i32 to index
      %get3A_160 = arith.constant 96 : index
      %get3A_161 = tpu.vector_load %arg9[%get3A_159, %get3A_160] {strides = array<i32>} : memref<32x768xf32, #tpu.memory_space<vmem>>, vector<1x16xf32>,
      %get3A_162 = vector.shape_cast %get3A_161 : vector<1x16xf32> to vector<16xf32>
      %add3A_163 = arith.addf %get3A_158, %get3A_162 : vector<16xf32>
      %get3A_164 = arith.index_cast %scan3A_42 : i32 to index
      %get3A_165 = arith.constant 96 : index
      %get3A_166 = tpu.vector_load %arg10[%get3A_164, %get3A_165] {strides = array<i32>} : memref<32x768xf32, #tpu.memory_space<vmem>>, vector<1x16xf32>,
      %get3A_167 = vector.shape_cast %get3A_166 : vector<1x16xf32> to vector<16xf32>
      %add3A_168 = arith.addf %add3A_163, %get3A_167 : vector<16xf32>
      %swap3A_169 = arith.index_cast %scan3A_42 : i32 to index
      %swap3A_170 = arith.constant 96 : index
      %swap3A_171 = tpu.vector_load %arg11[%swap3A_169, %swap3A_170] {strides = array<i32>} : memref<32x768xf32, #tpu.memory_space<vmem>>, vector<1x16xf32>,
      %swap3A_172 = vector.shape_cast %swap3A_171 : vector<1x16xf32> to vector<16xf32>
      %swap3A_173 = vector.shape_cast %add3A_168 : vector<16xf32> to vector<1x16xf32>
      tpu.vector_store %arg11[%swap3A_169, %swap3A_170], %swap3A_173 {strides = array<i32>} : memref<32x768xf32, #tpu.memory_space<vmem>>, vector<1x16xf32>,
      %get3A_174 = arith.index_cast %scan3A_42 : i32 to index
      %get3A_175 = arith.constant 112 : index
      %get3A_176 = tpu.vector_load %arg11[%get3A_174, %get3A_175] {strides = array<i32>} : memref<32x768xf32, #tpu.memory_space<vmem>>, vector<1x16xf32>,
      %get3A_177 = vector.shape_cast %get3A_176 : vector<1x16xf32> to vector<16xf32>
      %get3A_178 = arith.index_cast %scan3A_42 : i32 to index
      %get3A_179 = arith.constant 112 : index
      %get3A_180 = tpu.vector_load %arg9[%get3A_178, %get3A_179] {strides = array<i32>} : memref<32x768xf32, #tpu.memory_space<vmem>>, vector<1x16xf32>,
      %get3A_181 = vector.shape_cast %get3A_180 : vector<1x16xf32> to vector<16xf32>
      %add3A_182 = arith.addf %get3A_177, %get3A_181 : vector<16xf32>
      %get3A_183 = arith.index_cast %scan3A_42 : i32 to index
      %get3A_184 = arith.constant 112 : index
      %get3A_185 = tpu.vector_load %arg10[%get3A_183, %get3A_184] {strides = array<i32>} : memref<32x768xf32, #tpu.memory_space<vmem>>, vector<1x16xf32>,
      %get3A_186 = vector.shape_cast %get3A_185 : vector<1x16xf32> to vector<16xf32>
      %add3A_187 = arith.addf %add3A_182, %get3A_186 : vector<16xf32>
      %swap3A_188 = arith.index_cast %scan3A_42 : i32 to index
      %swap3A_189 = arith.constant 112 : index
      %swap3A_190 = tpu.vector_load %arg11[%swap3A_188, %swap3A_189] {strides = array<i32>} : memref<32x768xf32, #tpu.memory_space<vmem>>, vector<1x16xf32>,
      %swap3A_191 = vector.shape_cast %swap3A_190 : vector<1x16xf32> to vector<16xf32>
      %swap3A_192 = vector.shape_cast %add3A_187 : vector<16xf32> to vector<1x16xf32>
      tpu.vector_store %arg11[%swap3A_188, %swap3A_189], %swap3A_192 {strides = array<i32>} : memref<32x768xf32, #tpu.memory_space<vmem>>, vector<1x16xf32>,
      %get3A_193 = arith.index_cast %scan3A_42 : i32 to index
      %get3A_194 = arith.constant 128 : index
      %get3A_195 = tpu.vector_load %arg11[%get3A_193, %get3A_194] {strides = array<i32>} : memref<32x768xf32, #tpu.memory_space<vmem>>, vector<1x16xf32>,
      %get3A_196 = vector.shape_cast %get3A_195 : vector<1x16xf32> to vector<16xf32>
      %get3A_197 = arith.index_cast %scan3A_42 : i32 to index
      %get3A_198 = arith.constant 128 : index
      %get3A_199 = tpu.vector_load %arg9[%get3A_197, %get3A_198] {strides = array<i32>} : memref<32x768xf32, #tpu.memory_space<vmem>>, vector<1x16xf32>,
      %get3A_200 = vector.shape_cast %get3A_199 : vector<1x16xf32> to vector<16xf32>
      %add3A_201 = arith.addf %get3A_196, %get3A_200 : vector<16xf32>
      %get3A_202 = arith.index_cast %scan3A_42 : i32 to index
      %get3A_203 = arith.constant 128 : index
      %get3A_204 = tpu.vector_load %arg10[%get3A_202, %get3A_203] {strides = array<i32>} : memref<32x768xf32, #tpu.memory_space<vmem>>, vector<1x16xf32>,
      %get3A_205 = vector.shape_cast %get3A_204 : vector<1x16xf32> to vector<16xf32>
      %add3A_206 = arith.addf %add3A_201, %get3A_205 : vector<16xf32>
      %swap3A_207 = arith.index_cast %scan3A_42 : i32 to index
      %swap3A_208 = arith.constant 128 : index
      %swap3A_209 = tpu.vector_load %arg11[%swap3A_207, %swap3A_208] {strides = array<i32>} : memref<32x768xf32, #tpu.memory_space<vmem>>, vector<1x16xf32>,
      %swap3A_210 = vector.shape_cast %swap3A_209 : vector<1x16xf32> to vector<16xf32>
      %swap3A_211 = vector.shape_cast %add3A_206 : vector<16xf32> to vector<1x16xf32>
      tpu.vector_store %arg11[%swap3A_207, %swap3A_208], %swap3A_211 {strides = array<i32>} : memref<32x768xf32, #tpu.memory_space<vmem>>, vector<1x16xf32>,
      %get3A_212 = arith.index_cast %scan3A_42 : i32 to index
      %get3A_213 = arith.constant 144 : index
      %get3A_214 = tpu.vector_load %arg11[%get3A_212, %get3A_213] {strides = array<i32>} : memref<32x768xf32, #tpu.memory_space<vmem>>, vector<1x16xf32>,
      %get3A_215 = vector.shape_cast %get3A_214 : vector<1x16xf32> to vector<16xf32>
      %get3A_216 = arith.index_cast %scan3A_42 : i32 to index
      %get3A_217 = arith.constant 144 : index
      %get3A_218 = tpu.vector_load %arg9[%get3A_216, %get3A_217] {strides = array<i32>} : memref<32x768xf32, #tpu.memory_space<vmem>>, vector<1x16xf32>,
      %get3A_219 = vector.shape_cast %get3A_218 : vector<1x16xf32> to vector<16xf32>
      %add3A_220 = arith.addf %get3A_215, %get3A_219 : vector<16xf32>
      %get3A_221 = arith.index_cast %scan3A_42 : i32 to index
      %get3A_222 = arith.constant 144 : index
      %get3A_223 = tpu.vector_load %arg10[%get3A_221, %get3A_222] {strides = array<i32>} : memref<32x768xf32, #tpu.memory_space<vmem>>, vector<1x16xf32>,
      %get3A_224 = vector.shape_cast %get3A_223 : vector<1x16xf32> to vector<16xf32>
      %add3A_225 = arith.addf %add3A_220, %get3A_224 : vector<16xf32>
      %swap3A_226 = arith.index_cast %scan3A_42 : i32 to index
      %swap3A_227 = arith.constant 144 : index
      %swap3A_228 = tpu.vector_load %arg11[%swap3A_226, %swap3A_227] {strides = array<i32>} : memref<32x768xf32, #tpu.memory_space<vmem>>, vector<1x16xf32>,
      %swap3A_229 = vector.shape_cast %swap3A_228 : vector<1x16xf32> to vector<16xf32>
      %swap3A_230 = vector.shape_cast %add3A_225 : vector<16xf32> to vector<1x16xf32>
      tpu.vector_store %arg11[%swap3A_226, %swap3A_227], %swap3A_230 {strides = array<i32>} : memref<32x768xf32, #tpu.memory_space<vmem>>, vector<1x16xf32>,
      %get3A_231 = arith.index_cast %scan3A_42 : i32 to index
      %get3A_232 = arith.constant 160 : index
      %get3A_233 = tpu.vector_load %arg11[%get3A_231, %get3A_232] {strides = array<i32>} : memref<32x768xf32, #tpu.memory_space<vmem>>, vector<1x16xf32>,
      %get3A_234 = vector.shape_cast %get3A_233 : vector<1x16xf32> to vector<16xf32>
      %get3A_235 = arith.index_cast %scan3A_42 : i32 to index
      %get3A_236 = arith.constant 160 : index
      %get3A_237 = tpu.vector_load %arg9[%get3A_235, %get3A_236] {strides = array<i32>} : memref<32x768xf32, #tpu.memory_space<vmem>>, vector<1x16xf32>,
      %get3A_238 = vector.shape_cast %get3A_237 : vector<1x16xf32> to vector<16xf32>
      %add3A_239 = arith.addf %get3A_234, %get3A_238 : vector<16xf32>
      %get3A_240 = arith.index_cast %scan3A_42 : i32 to index
      %get3A_241 = arith.constant 160 : index
      %get3A_242 = tpu.vector_load %arg10[%get3A_240, %get3A_241] {strides = array<i32>} : memref<32x768xf32, #tpu.memory_space<vmem>>, vector<1x16xf32>,
      %get3A_243 = vector.shape_cast %get3A_242 : vector<1x16xf32> to vector<16xf32>
      %add3A_244 = arith.addf %add3A_239, %get3A_243 : vector<16xf32>
      %swap3A_245 = arith.index_cast %scan3A_42 : i32 to index
      %swap3A_246 = arith.constant 160 : index
      %swap3A_247 = tpu.vector_load %arg11[%swap3A_245, %swap3A_246] {strides = array<i32>} : memref<32x768xf32, #tpu.memory_space<vmem>>, vector<1x16xf32>,
      %swap3A_248 = vector.shape_cast %swap3A_247 : vector<1x16xf32> to vector<16xf32>
      %swap3A_249 = vector.shape_cast %add3A_244 : vector<16xf32> to vector<1x16xf32>
      tpu.vector_store %arg11[%swap3A_245, %swap3A_246], %swap3A_249 {strides = array<i32>} : memref<32x768xf32, #tpu.memory_space<vmem>>, vector<1x16xf32>,
      %get3A_250 = arith.index_cast %scan3A_42 : i32 to index
      %get3A_251 = arith.constant 176 : index
      %get3A_252 = tpu.vector_load %arg11[%get3A_250, %get3A_251] {strides = array<i32>} : memref<32x768xf32, #tpu.memory_space<vmem>>, vector<1x16xf32>,
      %get3A_253 = vector.shape_cast %get3A_252 : vector<1x16xf32> to vector<16xf32>
      %get3A_254 = arith.index_cast %scan3A_42 : i32 to index
      %get3A_255 = arith.constant 176 : index
      %get3A_256 = tpu.vector_load %arg9[%get3A_254, %get3A_255] {strides = array<i32>} : memref<32x768xf32, #tpu.memory_space<vmem>>, vector<1x16xf32>,
      %get3A_257 = vector.shape_cast %get3A_256 : vector<1x16xf32> to vector<16xf32>
      %add3A_258 = arith.addf %get3A_253, %get3A_257 : vector<16xf32>
      %get3A_259 = arith.index_cast %scan3A_42 : i32 to index
      %get3A_260 = arith.constant 176 : index
      %get3A_261 = tpu.vector_load %arg10[%get3A_259, %get3A_260] {strides = array<i32>} : memref<32x768xf32, #tpu.memory_space<vmem>>, vector<1x16xf32>,
      %get3A_262 = vector.shape_cast %get3A_261 : vector<1x16xf32> to vector<16xf32>
      %add3A_263 = arith.addf %add3A_258, %get3A_262 : vector<16xf32>
      %swap3A_264 = arith.index_cast %scan3A_42 : i32 to index
      %swap3A_265 = arith.constant 176 : index
      %swap3A_266 = tpu.vector_load %arg11[%swap3A_264, %swap3A_265] {strides = array<i32>} : memref<32x768xf32, #tpu.memory_space<vmem>>, vector<1x16xf32>,
      %swap3A_267 = vector.shape_cast %swap3A_266 : vector<1x16xf32> to vector<16xf32>
      %swap3A_268 = vector.shape_cast %add3A_263 : vector<16xf32> to vector<1x16xf32>
      tpu.vector_store %arg11[%swap3A_264, %swap3A_265], %swap3A_268 {strides = array<i32>} : memref<32x768xf32, #tpu.memory_space<vmem>>, vector<1x16xf32>,
      %get3A_269 = arith.index_cast %scan3A_42 : i32 to index
      %get3A_270 = arith.constant 192 : index
      %get3A_271 = tpu.vector_load %arg11[%get3A_269, %get3A_270] {strides = array<i32>} : memref<32x768xf32, #tpu.memory_space<vmem>>, vector<1x16xf32>,
      %get3A_272 = vector.shape_cast %get3A_271 : vector<1x16xf32> to vector<16xf32>
      %get3A_273 = arith.index_cast %scan3A_42 : i32 to index
      %get3A_274 = arith.constant 192 : index
      %get3A_275 = tpu.vector_load %arg9[%get3A_273, %get3A_274] {strides = array<i32>} : memref<32x768xf32, #tpu.memory_space<vmem>>, vector<1x16xf32>,
      %get3A_276 = vector.shape_cast %get3A_275 : vector<1x16xf32> to vector<16xf32>
      %add3A_277 = arith.addf %get3A_272, %get3A_276 : vector<16xf32>
      %get3A_278 = arith.index_cast %scan3A_42 : i32 to index
      %get3A_279 = arith.constant 192 : index
      %get3A_280 = tpu.vector_load %arg10[%get3A_278, %get3A_279] {strides = array<i32>} : memref<32x768xf32, #tpu.memory_space<vmem>>, vector<1x16xf32>,
      %get3A_281 = vector.shape_cast %get3A_280 : vector<1x16xf32> to vector<16xf32>
      %add3A_282 = arith.addf %add3A_277, %get3A_281 : vector<16xf32>
      %swap3A_283 = arith.index_cast %scan3A_42 : i32 to index
      %swap3A_284 = arith.constant 192 : index
      %swap3A_285 = tpu.vector_load %arg11[%swap3A_283, %swap3A_284] {strides = array<i32>} : memref<32x768xf32, #tpu.memory_space<vmem>>, vector<1x16xf32>,
      %swap3A_286 = vector.shape_cast %swap3A_285 : vector<1x16xf32> to vector<16xf32>
      %swap3A_287 = vector.shape_cast %add3A_282 : vector<16xf32> to vector<1x16xf32>
      tpu.vector_store %arg11[%swap3A_283, %swap3A_284], %swap3A_287 {strides = array<i32>} : memref<32x768xf32, #tpu.memory_space<vmem>>, vector<1x16xf32>,
      %get3A_288 = arith.index_cast %scan3A_42 : i32 to index
      %get3A_289 = arith.constant 208 : index
      %get3A_290 = tpu.vector_load %arg11[%get3A_288, %get3A_289] {strides = array<i32>} : memref<32x768xf32, #tpu.memory_space<vmem>>, vector<1x16xf32>,
      %get3A_291 = vector.shape_cast %get3A_290 : vector<1x16xf32> to vector<16xf32>
      %get3A_292 = arith.index_cast %scan3A_42 : i32 to index
      %get3A_293 = arith.constant 208 : index
      %get3A_294 = tpu.vector_load %arg9[%get3A_292, %get3A_293] {strides = array<i32>} : memref<32x768xf32, #tpu.memory_space<vmem>>, vector<1x16xf32>,
      %get3A_295 = vector.shape_cast %get3A_294 : vector<1x16xf32> to vector<16xf32>
      %add3A_296 = arith.addf %get3A_291, %get3A_295 : vector<16xf32>
      %get3A_297 = arith.index_cast %scan3A_42 : i32 to index
      %get3A_298 = arith.constant 208 : index
      %get3A_299 = tpu.vector_load %arg10[%get3A_297, %get3A_298] {strides = array<i32>} : memref<32x768xf32, #tpu.memory_space<vmem>>, vector<1x16xf32>,
      %get3A_300 = vector.shape_cast %get3A_299 : vector<1x16xf32> to vector<16xf32>
      %add3A_301 = arith.addf %add3A_296, %get3A_300 : vector<16xf32>
      %swap3A_302 = arith.index_cast %scan3A_42 : i32 to index
      %swap3A_303 = arith.constant 208 : index
      %swap3A_304 = tpu.vector_load %arg11[%swap3A_302, %swap3A_303] {strides = array<i32>} : memref<32x768xf32, #tpu.memory_space<vmem>>, vector<1x16xf32>,
      %swap3A_305 = vector.shape_cast %swap3A_304 : vector<1x16xf32> to vector<16xf32>
      %swap3A_306 = vector.shape_cast %add3A_301 : vector<16xf32> to vector<1x16xf32>
      tpu.vector_store %arg11[%swap3A_302, %swap3A_303], %swap3A_306 {strides = array<i32>} : memref<32x768xf32, #tpu.memory_space<vmem>>, vector<1x16xf32>,
      %get3A_307 = arith.index_cast %scan3A_42 : i32 to index
      %get3A_308 = arith.constant 224 : index
      %get3A_309 = tpu.vector_load %arg11[%get3A_307, %get3A_308] {strides = array<i32>} : memref<32x768xf32, #tpu.memory_space<vmem>>, vector<1x16xf32>,
      %get3A_310 = vector.shape_cast %get3A_309 : vector<1x16xf32> to vector<16xf32>
      %get3A_311 = arith.index_cast %scan3A_42 : i32 to index
      %get3A_312 = arith.constant 224 : index
      %get3A_313 = tpu.vector_load %arg9[%get3A_311, %get3A_312] {strides = array<i32>} : memref<32x768xf32, #tpu.memory_space<vmem>>, vector<1x16xf32>,
      %get3A_314 = vector.shape_cast %get3A_313 : vector<1x16xf32> to vector<16xf32>
      %add3A_315 = arith.addf %get3A_310, %get3A_314 : vector<16xf32>
      %get3A_316 = arith.index_cast %scan3A_42 : i32 to index
      %get3A_317 = arith.constant 224 : index
      %get3A_318 = tpu.vector_load %arg10[%get3A_316, %get3A_317] {strides = array<i32>} : memref<32x768xf32, #tpu.memory_space<vmem>>, vector<1x16xf32>,
      %get3A_319 = vector.shape_cast %get3A_318 : vector<1x16xf32> to vector<16xf32>
      %add3A_320 = arith.addf %add3A_315, %get3A_319 : vector<16xf32>
      %swap3A_321 = arith.index_cast %scan3A_42 : i32 to index
      %swap3A_322 = arith.constant 224 : index
      %swap3A_323 = tpu.vector_load %arg11[%swap3A_321, %swap3A_322] {strides = array<i32>} : memref<32x768xf32, #tpu.memory_space<vmem>>, vector<1x16xf32>,
      %swap3A_324 = vector.shape_cast %swap3A_323 : vector<1x16xf32> to vector<16xf32>
      %swap3A_325 = vector.shape_cast %add3A_320 : vector<16xf32> to vector<1x16xf32>
      tpu.vector_store %arg11[%swap3A_321, %swap3A_322], %swap3A_325 {strides = array<i32>} : memref<32x768xf32, #tpu.memory_space<vmem>>, vector<1x16xf32>,
      %get3A_326 = arith.index_cast %scan3A_42 : i32 to index
      %get3A_327 = arith.constant 240 : index
      %get3A_328 = tpu.vector_load %arg11[%get3A_326, %get3A_327] {strides = array<i32>} : memref<32x768xf32, #tpu.memory_space<vmem>>, vector<1x16xf32>,
      %get3A_329 = vector.shape_cast %get3A_328 : vector<1x16xf32> to vector<16xf32>
      %get3A_330 = arith.index_cast %scan3A_42 : i32 to index
      %get3A_331 = arith.constant 240 : index
      %get3A_332 = tpu.vector_load %arg9[%get3A_330, %get3A_331] {strides = array<i32>} : memref<32x768xf32, #tpu.memory_space<vmem>>, vector<1x16xf32>,
      %get3A_333 = vector.shape_cast %get3A_332 : vector<1x16xf32> to vector<16xf32>
      %add3A_334 = arith.addf %get3A_329, %get3A_333 : vector<16xf32>
      %get3A_335 = arith.index_cast %scan3A_42 : i32 to index
      %get3A_336 = arith.constant 240 : index
      %get3A_337 = tpu.vector_load %arg10[%get3A_335, %get3A_336] {strides = array<i32>} : memref<32x768xf32, #tpu.memory_space<vmem>>, vector<1x16xf32>,
      %get3A_338 = vector.shape_cast %get3A_337 : vector<1x16xf32> to vector<16xf32>
      %add3A_339 = arith.addf %add3A_334, %get3A_338 : vector<16xf32>
      %swap3A_340 = arith.index_cast %scan3A_42 : i32 to index
      %swap3A_341 = arith.constant 240 : index
      %swap3A_342 = tpu.vector_load %arg11[%swap3A_340, %swap3A_341] {strides = array<i32>} : memref<32x768xf32, #tpu.memory_space<vmem>>, vector<1x16xf32>,
      %swap3A_343 = vector.shape_cast %swap3A_342 : vector<1x16xf32> to vector<16xf32>
      %swap3A_344 = vector.shape_cast %add3A_339 : vector<16xf32> to vector<1x16xf32>
      tpu.vector_store %arg11[%swap3A_340, %swap3A_341], %swap3A_344 {strides = array<i32>} : memref<32x768xf32, #tpu.memory_space<vmem>>, vector<1x16xf32>,
      %get3A_345 = arith.index_cast %scan3A_42 : i32 to index
      %get3A_346 = arith.constant 256 : index
      %get3A_347 = tpu.vector_load %arg11[%get3A_345, %get3A_346] {strides = array<i32>} : memref<32x768xf32, #tpu.memory_space<vmem>>, vector<1x16xf32>,
      %get3A_348 = vector.shape_cast %get3A_347 : vector<1x16xf32> to vector<16xf32>
      %get3A_349 = arith.index_cast %scan3A_42 : i32 to index
      %get3A_350 = arith.constant 256 : index
      %get3A_351 = tpu.vector_load %arg9[%get3A_349, %get3A_350] {strides = array<i32>} : memref<32x768xf32, #tpu.memory_space<vmem>>, vector<1x16xf32>,
      %get3A_352 = vector.shape_cast %get3A_351 : vector<1x16xf32> to vector<16xf32>
      %add3A_353 = arith.addf %get3A_348, %get3A_352 : vector<16xf32>
      %get3A_354 = arith.index_cast %scan3A_42 : i32 to index
      %get3A_355 = arith.constant 256 : index
      %get3A_356 = tpu.vector_load %arg10[%get3A_354, %get3A_355] {strides = array<i32>} : memref<32x768xf32, #tpu.memory_space<vmem>>, vector<1x16xf32>,
      %get3A_357 = vector.shape_cast %get3A_356 : vector<1x16xf32> to vector<16xf32>
      %add3A_358 = arith.addf %add3A_353, %get3A_357 : vector<16xf32>
      %swap3A_359 = arith.index_cast %scan3A_42 : i32 to index
      %swap3A_360 = arith.constant 256 : index
      %swap3A_361 = tpu.vector_load %arg11[%swap3A_359, %swap3A_360] {strides = array<i32>} : memref<32x768xf32, #tpu.memory_space<vmem>>, vector<1x16xf32>,
      %swap3A_362 = vector.shape_cast %swap3A_361 : vector<1x16xf32> to vector<16xf32>
      %swap3A_363 = vector.shape_cast %add3A_358 : vector<16xf32> to vector<1x16xf32>
      tpu.vector_store %arg11[%swap3A_359, %swap3A_360], %swap3A_363 {strides = array<i32>} : memref<32x768xf32, #tpu.memory_space<vmem>>, vector<1x16xf32>,
      %get3A_364 = arith.index_cast %scan3A_42 : i32 to index
      %get3A_365 = arith.constant 272 : index
      %get3A_366 = tpu.vector_load %arg11[%get3A_364, %get3A_365] {strides = array<i32>} : memref<32x768xf32, #tpu.memory_space<vmem>>, vector<1x16xf32>,
      %get3A_367 = vector.shape_cast %get3A_366 : vector<1x16xf32> to vector<16xf32>
      %get3A_368 = arith.index_cast %scan3A_42 : i32 to index
      %get3A_369 = arith.constant 272 : index
      %get3A_370 = tpu.vector_load %arg9[%get3A_368, %get3A_369] {strides = array<i32>} : memref<32x768xf32, #tpu.memory_space<vmem>>, vector<1x16xf32>,
      %get3A_371 = vector.shape_cast %get3A_370 : vector<1x16xf32> to vector<16xf32>
      %add3A_372 = arith.addf %get3A_367, %get3A_371 : vector<16xf32>
      %get3A_373 = arith.index_cast %scan3A_42 : i32 to index
      %get3A_374 = arith.constant 272 : index
      %get3A_375 = tpu.vector_load %arg10[%get3A_373, %get3A_374] {strides = array<i32>} : memref<32x768xf32, #tpu.memory_space<vmem>>, vector<1x16xf32>,
      %get3A_376 = vector.shape_cast %get3A_375 : vector<1x16xf32> to vector<16xf32>
      %add3A_377 = arith.addf %add3A_372, %get3A_376 : vector<16xf32>
      %swap3A_378 = arith.index_cast %scan3A_42 : i32 to index
      %swap3A_379 = arith.constant 272 : index
      %swap3A_380 = tpu.vector_load %arg11[%swap3A_378, %swap3A_379] {strides = array<i32>} : memref<32x768xf32, #tpu.memory_space<vmem>>, vector<1x16xf32>,
      %swap3A_381 = vector.shape_cast %swap3A_380 : vector<1x16xf32> to vector<16xf32>
      %swap3A_382 = vector.shape_cast %add3A_377 : vector<16xf32> to vector<1x16xf32>
      tpu.vector_store %arg11[%swap3A_378, %swap3A_379], %swap3A_382 {strides = array<i32>} : memref<32x768xf32, #tpu.memory_space<vmem>>, vector<1x16xf32>,
      %get3A_383 = arith.index_cast %scan3A_42 : i32 to index
      %get3A_384 = arith.constant 288 : index
      %get3A_385 = tpu.vector_load %arg11[%get3A_383, %get3A_384] {strides = array<i32>} : memref<32x768xf32, #tpu.memory_space<vmem>>, vector<1x16xf32>,
      %get3A_386 = vector.shape_cast %get3A_385 : vector<1x16xf32> to vector<16xf32>
      %get3A_387 = arith.index_cast %scan3A_42 : i32 to index
      %get3A_388 = arith.constant 288 : index
      %get3A_389 = tpu.vector_load %arg9[%get3A_387, %get3A_388] {strides = array<i32>} : memref<32x768xf32, #tpu.memory_space<vmem>>, vector<1x16xf32>,
      %get3A_390 = vector.shape_cast %get3A_389 : vector<1x16xf32> to vector<16xf32>
      %add3A_391 = arith.addf %get3A_386, %get3A_390 : vector<16xf32>
      %get3A_392 = arith.index_cast %scan3A_42 : i32 to index
      %get3A_393 = arith.constant 288 : index
      %get3A_394 = tpu.vector_load %arg10[%get3A_392, %get3A_393] {strides = array<i32>} : memref<32x768xf32, #tpu.memory_space<vmem>>, vector<1x16xf32>,
      %get3A_395 = vector.shape_cast %get3A_394 : vector<1x16xf32> to vector<16xf32>
      %add3A_396 = arith.addf %add3A_391, %get3A_395 : vector<16xf32>
      %swap3A_397 = arith.index_cast %scan3A_42 : i32 to index
      %swap3A_398 = arith.constant 288 : index
      %swap3A_399 = tpu.vector_load %arg11[%swap3A_397, %swap3A_398] {strides = array<i32>} : memref<32x768xf32, #tpu.memory_space<vmem>>, vector<1x16xf32>,
      %swap3A_400 = vector.shape_cast %swap3A_399 : vector<1x16xf32> to vector<16xf32>
      %swap3A_401 = vector.shape_cast %add3A_396 : vector<16xf32> to vector<1x16xf32>
      tpu.vector_store %arg11[%swap3A_397, %swap3A_398], %swap3A_401 {strides = array<i32>} : memref<32x768xf32, #tpu.memory_space<vmem>>, vector<1x16xf32>,
      %get3A_402 = arith.index_cast %scan3A_42 : i32 to index
      %get3A_403 = arith.constant 304 : index
      %get3A_404 = tpu.vector_load %arg11[%get3A_402, %get3A_403] {strides = array<i32>} : memref<32x768xf32, #tpu.memory_space<vmem>>, vector<1x16xf32>,
      %get3A_405 = vector.shape_cast %get3A_404 : vector<1x16xf32> to vector<16xf32>
      %get3A_406 = arith.index_cast %scan3A_42 : i32 to index
      %get3A_407 = arith.constant 304 : index
      %get3A_408 = tpu.vector_load %arg9[%get3A_406, %get3A_407] {strides = array<i32>} : memref<32x768xf32, #tpu.memory_space<vmem>>, vector<1x16xf32>,
      %get3A_409 = vector.shape_cast %get3A_408 : vector<1x16xf32> to vector<16xf32>
      %add3A_410 = arith.addf %get3A_405, %get3A_409 : vector<16xf32>
      %get3A_411 = arith.index_cast %scan3A_42 : i32 to index
      %get3A_412 = arith.constant 304 : index
      %get3A_413 = tpu.vector_load %arg10[%get3A_411, %get3A_412] {strides = array<i32>} : memref<32x768xf32, #tpu.memory_space<vmem>>, vector<1x16xf32>,
      %get3A_414 = vector.shape_cast %get3A_413 : vector<1x16xf32> to vector<16xf32>
      %add3A_415 = arith.addf %add3A_410, %get3A_414 : vector<16xf32>
      %swap3A_416 = arith.index_cast %scan3A_42 : i32 to index
      %swap3A_417 = arith.constant 304 : index
      %swap3A_418 = tpu.vector_load %arg11[%swap3A_416, %swap3A_417] {strides = array<i32>} : memref<32x768xf32, #tpu.memory_space<vmem>>, vector<1x16xf32>,
      %swap3A_419 = vector.shape_cast %swap3A_418 : vector<1x16xf32> to vector<16xf32>
      %swap3A_420 = vector.shape_cast %add3A_415 : vector<16xf32> to vector<1x16xf32>
      tpu.vector_store %arg11[%swap3A_416, %swap3A_417], %swap3A_420 {strides = array<i32>} : memref<32x768xf32, #tpu.memory_space<vmem>>, vector<1x16xf32>,
      %get3A_421 = arith.index_cast %scan3A_42 : i32 to index
      %get3A_422 = arith.constant 320 : index
      %get3A_423 = tpu.vector_load %arg11[%get3A_421, %get3A_422] {strides = array<i32>} : memref<32x768xf32, #tpu.memory_space<vmem>>, vector<1x16xf32>,
      %get3A_424 = vector.shape_cast %get3A_423 : vector<1x16xf32> to vector<16xf32>
      %get3A_425 = arith.index_cast %scan3A_42 : i32 to index
      %get3A_426 = arith.constant 320 : index
      %get3A_427 = tpu.vector_load %arg9[%get3A_425, %get3A_426] {strides = array<i32>} : memref<32x768xf32, #tpu.memory_space<vmem>>, vector<1x16xf32>,
      %get3A_428 = vector.shape_cast %get3A_427 : vector<1x16xf32> to vector<16xf32>
      %add3A_429 = arith.addf %get3A_424, %get3A_428 : vector<16xf32>
      %get3A_430 = arith.index_cast %scan3A_42 : i32 to index
      %get3A_431 = arith.constant 320 : index
      %get3A_432 = tpu.vector_load %arg10[%get3A_430, %get3A_431] {strides = array<i32>} : memref<32x768xf32, #tpu.memory_space<vmem>>, vector<1x16xf32>,
      %get3A_433 = vector.shape_cast %get3A_432 : vector<1x16xf32> to vector<16xf32>
      %add3A_434 = arith.addf %add3A_429, %get3A_433 : vector<16xf32>
      %swap3A_435 = arith.index_cast %scan3A_42 : i32 to index
      %swap3A_436 = arith.constant 320 : index
      %swap3A_437 = tpu.vector_load %arg11[%swap3A_435, %swap3A_436] {strides = array<i32>} : memref<32x768xf32, #tpu.memory_space<vmem>>, vector<1x16xf32>,
      %swap3A_438 = vector.shape_cast %swap3A_437 : vector<1x16xf32> to vector<16xf32>
      %swap3A_439 = vector.shape_cast %add3A_434 : vector<16xf32> to vector<1x16xf32>
      tpu.vector_store %arg11[%swap3A_435, %swap3A_436], %swap3A_439 {strides = array<i32>} : memref<32x768xf32, #tpu.memory_space<vmem>>, vector<1x16xf32>,
      %get3A_440 = arith.index_cast %scan3A_42 : i32 to index
      %get3A_441 = arith.constant 336 : index
      %get3A_442 = tpu.vector_load %arg11[%get3A_440, %get3A_441] {strides = array<i32>} : memref<32x768xf32, #tpu.memory_space<vmem>>, vector<1x16xf32>,
      %get3A_443 = vector.shape_cast %get3A_442 : vector<1x16xf32> to vector<16xf32>
      %get3A_444 = arith.index_cast %scan3A_42 : i32 to index
      %get3A_445 = arith.constant 336 : index
      %get3A_446 = tpu.vector_load %arg9[%get3A_444, %get3A_445] {strides = array<i32>} : memref<32x768xf32, #tpu.memory_space<vmem>>, vector<1x16xf32>,
      %get3A_447 = vector.shape_cast %get3A_446 : vector<1x16xf32> to vector<16xf32>
      %add3A_448 = arith.addf %get3A_443, %get3A_447 : vector<16xf32>
      %get3A_449 = arith.index_cast %scan3A_42 : i32 to index
      %get3A_450 = arith.constant 336 : index
      %get3A_451 = tpu.vector_load %arg10[%get3A_449, %get3A_450] {strides = array<i32>} : memref<32x768xf32, #tpu.memory_space<vmem>>, vector<1x16xf32>,
      %get3A_452 = vector.shape_cast %get3A_451 : vector<1x16xf32> to vector<16xf32>
      %add3A_453 = arith.addf %add3A_448, %get3A_452 : vector<16xf32>
      %swap3A_454 = arith.index_cast %scan3A_42 : i32 to index
      %swap3A_455 = arith.constant 336 : index
      %swap3A_456 = tpu.vector_load %arg11[%swap3A_454, %swap3A_455] {strides = array<i32>} : memref<32x768xf32, #tpu.memory_space<vmem>>, vector<1x16xf32>,
      %swap3A_457 = vector.shape_cast %swap3A_456 : vector<1x16xf32> to vector<16xf32>
      %swap3A_458 = vector.shape_cast %add3A_453 : vector<16xf32> to vector<1x16xf32>
      tpu.vector_store %arg11[%swap3A_454, %swap3A_455], %swap3A_458 {strides = array<i32>} : memref<32x768xf32, #tpu.memory_space<vmem>>, vector<1x16xf32>,
      %get3A_459 = arith.index_cast %scan3A_42 : i32 to index
      %get3A_460 = arith.constant 352 : index
      %get3A_461 = tpu.vector_load %arg11[%get3A_459, %get3A_460] {strides = array<i32>} : memref<32x768xf32, #tpu.memory_space<vmem>>, vector<1x16xf32>,
      %get3A_462 = vector.shape_cast %get3A_461 : vector<1x16xf32> to vector<16xf32>
      %get3A_463 = arith.index_cast %scan3A_42 : i32 to index
      %get3A_464 = arith.constant 352 : index
      %get3A_465 = tpu.vector_load %arg9[%get3A_463, %get3A_464] {strides = array<i32>} : memref<32x768xf32, #tpu.memory_space<vmem>>, vector<1x16xf32>,
      %get3A_466 = vector.shape_cast %get3A_465 : vector<1x16xf32> to vector<16xf32>
      %add3A_467 = arith.addf %get3A_462, %get3A_466 : vector<16xf32>
      %get3A_468 = arith.index_cast %scan3A_42 : i32 to index
      %get3A_469 = arith.constant 352 : index
      %get3A_470 = tpu.vector_load %arg10[%get3A_468, %get3A_469] {strides = array<i32>} : memref<32x768xf32, #tpu.memory_space<vmem>>, vector<1x16xf32>,
      %get3A_471 = vector.shape_cast %get3A_470 : vector<1x16xf32> to vector<16xf32>
      %add3A_472 = arith.addf %add3A_467, %get3A_471 : vector<16xf32>
      %swap3A_473 = arith.index_cast %scan3A_42 : i32 to index
      %swap3A_474 = arith.constant 352 : index
      %swap3A_475 = tpu.vector_load %arg11[%swap3A_473, %swap3A_474] {strides = array<i32>} : memref<32x768xf32, #tpu.memory_space<vmem>>, vector<1x16xf32>,
      %swap3A_476 = vector.shape_cast %swap3A_475 : vector<1x16xf32> to vector<16xf32>
      %swap3A_477 = vector.shape_cast %add3A_472 : vector<16xf32> to vector<1x16xf32>
      tpu.vector_store %arg11[%swap3A_473, %swap3A_474], %swap3A_477 {strides = array<i32>} : memref<32x768xf32, #tpu.memory_space<vmem>>, vector<1x16xf32>,
      %get3A_478 = arith.index_cast %scan3A_42 : i32 to index
      %get3A_479 = arith.constant 368 : index
      %get3A_480 = tpu.vector_load %arg11[%get3A_478, %get3A_479] {strides = array<i32>} : memref<32x768xf32, #tpu.memory_space<vmem>>, vector<1x16xf32>,
      %get3A_481 = vector.shape_cast %get3A_480 : vector<1x16xf32> to vector<16xf32>
      %get3A_482 = arith.index_cast %scan3A_42 : i32 to index
      %get3A_483 = arith.constant 368 : index
      %get3A_484 = tpu.vector_load %arg9[%get3A_482, %get3A_483] {strides = array<i32>} : memref<32x768xf32, #tpu.memory_space<vmem>>, vector<1x16xf32>,
      %get3A_485 = vector.shape_cast %get3A_484 : vector<1x16xf32> to vector<16xf32>
      %add3A_486 = arith.addf %get3A_481, %get3A_485 : vector<16xf32>
      %get3A_487 = arith.index_cast %scan3A_42 : i32 to index
      %get3A_488 = arith.constant 368 : index
      %get3A_489 = tpu.vector_load %arg10[%get3A_487, %get3A_488] {strides = array<i32>} : memref<32x768xf32, #tpu.memory_space<vmem>>, vector<1x16xf32>,
      %get3A_490 = vector.shape_cast %get3A_489 : vector<1x16xf32> to vector<16xf32>
      %add3A_491 = arith.addf %add3A_486, %get3A_490 : vector<16xf32>
      %swap3A_492 = arith.index_cast %scan3A_42 : i32 to index
      %swap3A_493 = arith.constant 368 : index
      %swap3A_494 = tpu.vector_load %arg11[%swap3A_492, %swap3A_493] {strides = array<i32>} : memref<32x768xf32, #tpu.memory_space<vmem>>, vector<1x16xf32>,
      %swap3A_495 = vector.shape_cast %swap3A_494 : vector<1x16xf32> to vector<16xf32>
      %swap3A_496 = vector.shape_cast %add3A_491 : vector<16xf32> to vector<1x16xf32>
      tpu.vector_store %arg11[%swap3A_492, %swap3A_493], %swap3A_496 {strides = array<i32>} : memref<32x768xf32, #tpu.memory_space<vmem>>, vector<1x16xf32>,
      %get3A_497 = arith.index_cast %scan3A_42 : i32 to index
      %get3A_498 = arith.constant 384 : index
      %get3A_499 = tpu.vector_load %arg11[%get3A_497, %get3A_498] {strides = array<i32>} : memref<32x768xf32, #tpu.memory_space<vmem>>, vector<1x16xf32>,
      %get3A_500 = vector.shape_cast %get3A_499 : vector<1x16xf32> to vector<16xf32>
      %get3A_501 = arith.index_cast %scan3A_42 : i32 to index
      %get3A_502 = arith.constant 384 : index
      %get3A_503 = tpu.vector_load %arg9[%get3A_501, %get3A_502] {strides = array<i32>} : memref<32x768xf32, #tpu.memory_space<vmem>>, vector<1x16xf32>,
      %get3A_504 = vector.shape_cast %get3A_503 : vector<1x16xf32> to vector<16xf32>
      %add3A_505 = arith.addf %get3A_500, %get3A_504 : vector<16xf32>
      %get3A_506 = arith.index_cast %scan3A_42 : i32 to index
      %get3A_507 = arith.constant 384 : index
      %get3A_508 = tpu.vector_load %arg10[%get3A_506, %get3A_507] {strides = array<i32>} : memref<32x768xf32, #tpu.memory_space<vmem>>, vector<1x16xf32>,
      %get3A_509 = vector.shape_cast %get3A_508 : vector<1x16xf32> to vector<16xf32>
      %add3A_510 = arith.addf %add3A_505, %get3A_509 : vector<16xf32>
      %swap3A_511 = arith.index_cast %scan3A_42 : i32 to index
      %swap3A_512 = arith.constant 384 : index
      %swap3A_513 = tpu.vector_load %arg11[%swap3A_511, %swap3A_512] {strides = array<i32>} : memref<32x768xf32, #tpu.memory_space<vmem>>, vector<1x16xf32>,
      %swap3A_514 = vector.shape_cast %swap3A_513 : vector<1x16xf32> to vector<16xf32>
      %swap3A_515 = vector.shape_cast %add3A_510 : vector<16xf32> to vector<1x16xf32>
      tpu.vector_store %arg11[%swap3A_511, %swap3A_512], %swap3A_515 {strides = array<i32>} : memref<32x768xf32, #tpu.memory_space<vmem>>, vector<1x16xf32>,
      %get3A_516 = arith.index_cast %scan3A_42 : i32 to index
      %get3A_517 = arith.constant 400 : index
      %get3A_518 = tpu.vector_load %arg11[%get3A_516, %get3A_517] {strides = array<i32>} : memref<32x768xf32, #tpu.memory_space<vmem>>, vector<1x16xf32>,
      %get3A_519 = vector.shape_cast %get3A_518 : vector<1x16xf32> to vector<16xf32>
      %get3A_520 = arith.index_cast %scan3A_42 : i32 to index
      %get3A_521 = arith.constant 400 : index
      %get3A_522 = tpu.vector_load %arg9[%get3A_520, %get3A_521] {strides = array<i32>} : memref<32x768xf32, #tpu.memory_space<vmem>>, vector<1x16xf32>,
      %get3A_523 = vector.shape_cast %get3A_522 : vector<1x16xf32> to vector<16xf32>
      %add3A_524 = arith.addf %get3A_519, %get3A_523 : vector<16xf32>
      %get3A_525 = arith.index_cast %scan3A_42 : i32 to index
      %get3A_526 = arith.constant 400 : index
      %get3A_527 = tpu.vector_load %arg10[%get3A_525, %get3A_526] {strides = array<i32>} : memref<32x768xf32, #tpu.memory_space<vmem>>, vector<1x16xf32>,
      %get3A_528 = vector.shape_cast %get3A_527 : vector<1x16xf32> to vector<16xf32>
      %add3A_529 = arith.addf %add3A_524, %get3A_528 : vector<16xf32>
      %swap3A_530 = arith.index_cast %scan3A_42 : i32 to index
      %swap3A_531 = arith.constant 400 : index
      %swap3A_532 = tpu.vector_load %arg11[%swap3A_530, %swap3A_531] {strides = array<i32>} : memref<32x768xf32, #tpu.memory_space<vmem>>, vector<1x16xf32>,
      %swap3A_533 = vector.shape_cast %swap3A_532 : vector<1x16xf32> to vector<16xf32>
      %swap3A_534 = vector.shape_cast %add3A_529 : vector<16xf32> to vector<1x16xf32>
      tpu.vector_store %arg11[%swap3A_530, %swap3A_531], %swap3A_534 {strides = array<i32>} : memref<32x768xf32, #tpu.memory_space<vmem>>, vector<1x16xf32>,
      %get3A_535 = arith.index_cast %scan3A_42 : i32 to index
      %get3A_536 = arith.constant 416 : index
      %get3A_537 = tpu.vector_load %arg11[%get3A_535, %get3A_536] {strides = array<i32>} : memref<32x768xf32, #tpu.memory_space<vmem>>, vector<1x16xf32>,
      %get3A_538 = vector.shape_cast %get3A_537 : vector<1x16xf32> to vector<16xf32>
      %get3A_539 = arith.index_cast %scan3A_42 : i32 to index
      %get3A_540 = arith.constant 416 : index
      %get3A_541 = tpu.vector_load %arg9[%get3A_539, %get3A_540] {strides = array<i32>} : memref<32x768xf32, #tpu.memory_space<vmem>>, vector<1x16xf32>,
      %get3A_542 = vector.shape_cast %get3A_541 : vector<1x16xf32> to vector<16xf32>
      %add3A_543 = arith.addf %get3A_538, %get3A_542 : vector<16xf32>
      %get3A_544 = arith.index_cast %scan3A_42 : i32 to index
      %get3A_545 = arith.constant 416 : index
      %get3A_546 = tpu.vector_load %arg10[%get3A_544, %get3A_545] {strides = array<i32>} : memref<32x768xf32, #tpu.memory_space<vmem>>, vector<1x16xf32>,
      %get3A_547 = vector.shape_cast %get3A_546 : vector<1x16xf32> to vector<16xf32>
      %add3A_548 = arith.addf %add3A_543, %get3A_547 : vector<16xf32>
      %swap3A_549 = arith.index_cast %scan3A_42 : i32 to index
      %swap3A_550 = arith.constant 416 : index
      %swap3A_551 = tpu.vector_load %arg11[%swap3A_549, %swap3A_550] {strides = array<i32>} : memref<32x768xf32, #tpu.memory_space<vmem>>, vector<1x16xf32>,
      %swap3A_552 = vector.shape_cast %swap3A_551 : vector<1x16xf32> to vector<16xf32>
      %swap3A_553 = vector.shape_cast %add3A_548 : vector<16xf32> to vector<1x16xf32>
      tpu.vector_store %arg11[%swap3A_549, %swap3A_550], %swap3A_553 {strides = array<i32>} : memref<32x768xf32, #tpu.memory_space<vmem>>, vector<1x16xf32>,
      %get3A_554 = arith.index_cast %scan3A_42 : i32 to index
      %get3A_555 = arith.constant 432 : index
      %get3A_556 = tpu.vector_load %arg11[%get3A_554, %get3A_555] {strides = array<i32>} : memref<32x768xf32, #tpu.memory_space<vmem>>, vector<1x16xf32>,
      %get3A_557 = vector.shape_cast %get3A_556 : vector<1x16xf32> to vector<16xf32>
      %get3A_558 = arith.index_cast %scan3A_42 : i32 to index
      %get3A_559 = arith.constant 432 : index
      %get3A_560 = tpu.vector_load %arg9[%get3A_558, %get3A_559] {strides = array<i32>} : memref<32x768xf32, #tpu.memory_space<vmem>>, vector<1x16xf32>,
      %get3A_561 = vector.shape_cast %get3A_560 : vector<1x16xf32> to vector<16xf32>
      %add3A_562 = arith.addf %get3A_557, %get3A_561 : vector<16xf32>
      %get3A_563 = arith.index_cast %scan3A_42 : i32 to index
      %get3A_564 = arith.constant 432 : index
      %get3A_565 = tpu.vector_load %arg10[%get3A_563, %get3A_564] {strides = array<i32>} : memref<32x768xf32, #tpu.memory_space<vmem>>, vector<1x16xf32>,
      %get3A_566 = vector.shape_cast %get3A_565 : vector<1x16xf32> to vector<16xf32>
      %add3A_567 = arith.addf %add3A_562, %get3A_566 : vector<16xf32>
      %swap3A_568 = arith.index_cast %scan3A_42 : i32 to index
      %swap3A_569 = arith.constant 432 : index
      %swap3A_570 = tpu.vector_load %arg11[%swap3A_568, %swap3A_569] {strides = array<i32>} : memref<32x768xf32, #tpu.memory_space<vmem>>, vector<1x16xf32>,
      %swap3A_571 = vector.shape_cast %swap3A_570 : vector<1x16xf32> to vector<16xf32>
      %swap3A_572 = vector.shape_cast %add3A_567 : vector<16xf32> to vector<1x16xf32>
      tpu.vector_store %arg11[%swap3A_568, %swap3A_569], %swap3A_572 {strides = array<i32>} : memref<32x768xf32, #tpu.memory_space<vmem>>, vector<1x16xf32>,
      %get3A_573 = arith.index_cast %scan3A_42 : i32 to index
      %get3A_574 = arith.constant 448 : index
      %get3A_575 = tpu.vector_load %arg11[%get3A_573, %get3A_574] {strides = array<i32>} : memref<32x768xf32, #tpu.memory_space<vmem>>, vector<1x16xf32>,
      %get3A_576 = vector.shape_cast %get3A_575 : vector<1x16xf32> to vector<16xf32>
      %get3A_577 = arith.index_cast %scan3A_42 : i32 to index
      %get3A_578 = arith.constant 448 : index
      %get3A_579 = tpu.vector_load %arg9[%get3A_577, %get3A_578] {strides = array<i32>} : memref<32x768xf32, #tpu.memory_space<vmem>>, vector<1x16xf32>,
      %get3A_580 = vector.shape_cast %get3A_579 : vector<1x16xf32> to vector<16xf32>
      %add3A_581 = arith.addf %get3A_576, %get3A_580 : vector<16xf32>
      %get3A_582 = arith.index_cast %scan3A_42 : i32 to index
      %get3A_583 = arith.constant 448 : index
      %get3A_584 = tpu.vector_load %arg10[%get3A_582, %get3A_583] {strides = array<i32>} : memref<32x768xf32, #tpu.memory_space<vmem>>, vector<1x16xf32>,
      %get3A_585 = vector.shape_cast %get3A_584 : vector<1x16xf32> to vector<16xf32>
      %add3A_586 = arith.addf %add3A_581, %get3A_585 : vector<16xf32>
      %swap3A_587 = arith.index_cast %scan3A_42 : i32 to index
      %swap3A_588 = arith.constant 448 : index
      %swap3A_589 = tpu.vector_load %arg11[%swap3A_587, %swap3A_588] {strides = array<i32>} : memref<32x768xf32, #tpu.memory_space<vmem>>, vector<1x16xf32>,
      %swap3A_590 = vector.shape_cast %swap3A_589 : vector<1x16xf32> to vector<16xf32>
      %swap3A_591 = vector.shape_cast %add3A_586 : vector<16xf32> to vector<1x16xf32>
      tpu.vector_store %arg11[%swap3A_587, %swap3A_588], %swap3A_591 {strides = array<i32>} : memref<32x768xf32, #tpu.memory_space<vmem>>, vector<1x16xf32>,
      %get3A_592 = arith.index_cast %scan3A_42 : i32 to index
      %get3A_593 = arith.constant 464 : index
      %get3A_594 = tpu.vector_load %arg11[%get3A_592, %get3A_593] {strides = array<i32>} : memref<32x768xf32, #tpu.memory_space<vmem>>, vector<1x16xf32>,
      %get3A_595 = vector.shape_cast %get3A_594 : vector<1x16xf32> to vector<16xf32>
      %get3A_596 = arith.index_cast %scan3A_42 : i32 to index
      %get3A_597 = arith.constant 464 : index
      %get3A_598 = tpu.vector_load %arg9[%get3A_596, %get3A_597] {strides = array<i32>} : memref<32x768xf32, #tpu.memory_space<vmem>>, vector<1x16xf32>,
      %get3A_599 = vector.shape_cast %get3A_598 : vector<1x16xf32> to vector<16xf32>
      %add3A_600 = arith.addf %get3A_595, %get3A_599 : vector<16xf32>
      %get3A_601 = arith.index_cast %scan3A_42 : i32 to index
      %get3A_602 = arith.constant 464 : index
      %get3A_603 = tpu.vector_load %arg10[%get3A_601, %get3A_602] {strides = array<i32>} : memref<32x768xf32, #tpu.memory_space<vmem>>, vector<1x16xf32>,
      %get3A_604 = vector.shape_cast %get3A_603 : vector<1x16xf32> to vector<16xf32>
      %add3A_605 = arith.addf %add3A_600, %get3A_604 : vector<16xf32>
      %swap3A_606 = arith.index_cast %scan3A_42 : i32 to index
      %swap3A_607 = arith.constant 464 : index
      %swap3A_608 = tpu.vector_load %arg11[%swap3A_606, %swap3A_607] {strides = array<i32>} : memref<32x768xf32, #tpu.memory_space<vmem>>, vector<1x16xf32>,
      %swap3A_609 = vector.shape_cast %swap3A_608 : vector<1x16xf32> to vector<16xf32>
      %swap3A_610 = vector.shape_cast %add3A_605 : vector<16xf32> to vector<1x16xf32>
      tpu.vector_store %arg11[%swap3A_606, %swap3A_607], %swap3A_610 {strides = array<i32>} : memref<32x768xf32, #tpu.memory_space<vmem>>, vector<1x16xf32>,
      %get3A_611 = arith.index_cast %scan3A_42 : i32 to index
      %get3A_612 = arith.constant 480 : index
      %get3A_613 = tpu.vector_load %arg11[%get3A_611, %get3A_612] {strides = array<i32>} : memref<32x768xf32, #tpu.memory_space<vmem>>, vector<1x16xf32>,
      %get3A_614 = vector.shape_cast %get3A_613 : vector<1x16xf32> to vector<16xf32>
      %get3A_615 = arith.index_cast %scan3A_42 : i32 to index
      %get3A_616 = arith.constant 480 : index
      %get3A_617 = tpu.vector_load %arg9[%get3A_615, %get3A_616] {strides = array<i32>} : memref<32x768xf32, #tpu.memory_space<vmem>>, vector<1x16xf32>,
      %get3A_618 = vector.shape_cast %get3A_617 : vector<1x16xf32> to vector<16xf32>
      %add3A_619 = arith.addf %get3A_614, %get3A_618 : vector<16xf32>
      %get3A_620 = arith.index_cast %scan3A_42 : i32 to index
      %get3A_621 = arith.constant 480 : index
      %get3A_622 = tpu.vector_load %arg10[%get3A_620, %get3A_621] {strides = array<i32>} : memref<32x768xf32, #tpu.memory_space<vmem>>, vector<1x16xf32>,
      %get3A_623 = vector.shape_cast %get3A_622 : vector<1x16xf32> to vector<16xf32>
      %add3A_624 = arith.addf %add3A_619, %get3A_623 : vector<16xf32>
      %swap3A_625 = arith.index_cast %scan3A_42 : i32 to index
      %swap3A_626 = arith.constant 480 : index
      %swap3A_627 = tpu.vector_load %arg11[%swap3A_625, %swap3A_626] {strides = array<i32>} : memref<32x768xf32, #tpu.memory_space<vmem>>, vector<1x16xf32>,
      %swap3A_628 = vector.shape_cast %swap3A_627 : vector<1x16xf32> to vector<16xf32>
      %swap3A_629 = vector.shape_cast %add3A_624 : vector<16xf32> to vector<1x16xf32>
      tpu.vector_store %arg11[%swap3A_625, %swap3A_626], %swap3A_629 {strides = array<i32>} : memref<32x768xf32, #tpu.memory_space<vmem>>, vector<1x16xf32>,
      %get3A_630 = arith.index_cast %scan3A_42 : i32 to index
      %get3A_631 = arith.constant 496 : index
      %get3A_632 = tpu.vector_load %arg11[%get3A_630, %get3A_631] {strides = array<i32>} : memref<32x768xf32, #tpu.memory_space<vmem>>, vector<1x16xf32>,
      %get3A_633 = vector.shape_cast %get3A_632 : vector<1x16xf32> to vector<16xf32>
      %get3A_634 = arith.index_cast %scan3A_42 : i32 to index
      %get3A_635 = arith.constant 496 : index
      %get3A_636 = tpu.vector_load %arg9[%get3A_634, %get3A_635] {strides = array<i32>} : memref<32x768xf32, #tpu.memory_space<vmem>>, vector<1x16xf32>,
      %get3A_637 = vector.shape_cast %get3A_636 : vector<1x16xf32> to vector<16xf32>
      %add3A_638 = arith.addf %get3A_633, %get3A_637 : vector<16xf32>
      %get3A_639 = arith.index_cast %scan3A_42 : i32 to index
      %get3A_640 = arith.constant 496 : index
      %get3A_641 = tpu.vector_load %arg10[%get3A_639, %get3A_640] {strides = array<i32>} : memref<32x768xf32, #tpu.memory_space<vmem>>, vector<1x16xf32>,
      %get3A_642 = vector.shape_cast %get3A_641 : vector<1x16xf32> to vector<16xf32>
      %add3A_643 = arith.addf %add3A_638, %get3A_642 : vector<16xf32>
      %swap3A_644 = arith.index_cast %scan3A_42 : i32 to index
      %swap3A_645 = arith.constant 496 : index
      %swap3A_646 = tpu.vector_load %arg11[%swap3A_644, %swap3A_645] {strides = array<i32>} : memref<32x768xf32, #tpu.memory_space<vmem>>, vector<1x16xf32>,
      %swap3A_647 = vector.shape_cast %swap3A_646 : vector<1x16xf32> to vector<16xf32>
      %swap3A_648 = vector.shape_cast %add3A_643 : vector<16xf32> to vector<1x16xf32>
      tpu.vector_store %arg11[%swap3A_644, %swap3A_645], %swap3A_648 {strides = array<i32>} : memref<32x768xf32, #tpu.memory_space<vmem>>, vector<1x16xf32>,
      %get3A_649 = arith.index_cast %scan3A_42 : i32 to index
      %get3A_650 = arith.constant 512 : index
      %get3A_651 = tpu.vector_load %arg11[%get3A_649, %get3A_650] {strides = array<i32>} : memref<32x768xf32, #tpu.memory_space<vmem>>, vector<1x16xf32>,
      %get3A_652 = vector.shape_cast %get3A_651 : vector<1x16xf32> to vector<16xf32>
      %get3A_653 = arith.index_cast %scan3A_42 : i32 to index
      %get3A_654 = arith.constant 512 : index
      %get3A_655 = tpu.vector_load %arg9[%get3A_653, %get3A_654] {strides = array<i32>} : memref<32x768xf32, #tpu.memory_space<vmem>>, vector<1x16xf32>,
      %get3A_656 = vector.shape_cast %get3A_655 : vector<1x16xf32> to vector<16xf32>
      %add3A_657 = arith.addf %get3A_652, %get3A_656 : vector<16xf32>
      %get3A_658 = arith.index_cast %scan3A_42 : i32 to index
      %get3A_659 = arith.constant 512 : index
      %get3A_660 = tpu.vector_load %arg10[%get3A_658, %get3A_659] {strides = array<i32>} : memref<32x768xf32, #tpu.memory_space<vmem>>, vector<1x16xf32>,
      %get3A_661 = vector.shape_cast %get3A_660 : vector<1x16xf32> to vector<16xf32>
      %add3A_662 = arith.addf %add3A_657, %get3A_661 : vector<16xf32>
      %swap3A_663 = arith.index_cast %scan3A_42 : i32 to index
      %swap3A_664 = arith.constant 512 : index
      %swap3A_665 = tpu.vector_load %arg11[%swap3A_663, %swap3A_664] {strides = array<i32>} : memref<32x768xf32, #tpu.memory_space<vmem>>, vector<1x16xf32>,
      %swap3A_666 = vector.shape_cast %swap3A_665 : vector<1x16xf32> to vector<16xf32>
      %swap3A_667 = vector.shape_cast %add3A_662 : vector<16xf32> to vector<1x16xf32>
      tpu.vector_store %arg11[%swap3A_663, %swap3A_664], %swap3A_667 {strides = array<i32>} : memref<32x768xf32, #tpu.memory_space<vmem>>, vector<1x16xf32>,
      %get3A_668 = arith.index_cast %scan3A_42 : i32 to index
      %get3A_669 = arith.constant 528 : index
      %get3A_670 = tpu.vector_load %arg11[%get3A_668, %get3A_669] {strides = array<i32>} : memref<32x768xf32, #tpu.memory_space<vmem>>, vector<1x16xf32>,
      %get3A_671 = vector.shape_cast %get3A_670 : vector<1x16xf32> to vector<16xf32>
      %get3A_672 = arith.index_cast %scan3A_42 : i32 to index
      %get3A_673 = arith.constant 528 : index
      %get3A_674 = tpu.vector_load %arg9[%get3A_672, %get3A_673] {strides = array<i32>} : memref<32x768xf32, #tpu.memory_space<vmem>>, vector<1x16xf32>,
      %get3A_675 = vector.shape_cast %get3A_674 : vector<1x16xf32> to vector<16xf32>
      %add3A_676 = arith.addf %get3A_671, %get3A_675 : vector<16xf32>
      %get3A_677 = arith.index_cast %scan3A_42 : i32 to index
      %get3A_678 = arith.constant 528 : index
      %get3A_679 = tpu.vector_load %arg10[%get3A_677, %get3A_678] {strides = array<i32>} : memref<32x768xf32, #tpu.memory_space<vmem>>, vector<1x16xf32>,
      %get3A_680 = vector.shape_cast %get3A_679 : vector<1x16xf32> to vector<16xf32>
      %add3A_681 = arith.addf %add3A_676, %get3A_680 : vector<16xf32>
      %swap3A_682 = arith.index_cast %scan3A_42 : i32 to index
      %swap3A_683 = arith.constant 528 : index
      %swap3A_684 = tpu.vector_load %arg11[%swap3A_682, %swap3A_683] {strides = array<i32>} : memref<32x768xf32, #tpu.memory_space<vmem>>, vector<1x16xf32>,
      %swap3A_685 = vector.shape_cast %swap3A_684 : vector<1x16xf32> to vector<16xf32>
      %swap3A_686 = vector.shape_cast %add3A_681 : vector<16xf32> to vector<1x16xf32>
      tpu.vector_store %arg11[%swap3A_682, %swap3A_683], %swap3A_686 {strides = array<i32>} : memref<32x768xf32, #tpu.memory_space<vmem>>, vector<1x16xf32>,
      %get3A_687 = arith.index_cast %scan3A_42 : i32 to index
      %get3A_688 = arith.constant 544 : index
      %get3A_689 = tpu.vector_load %arg11[%get3A_687, %get3A_688] {strides = array<i32>} : memref<32x768xf32, #tpu.memory_space<vmem>>, vector<1x16xf32>,
      %get3A_690 = vector.shape_cast %get3A_689 : vector<1x16xf32> to vector<16xf32>
      %get3A_691 = arith.index_cast %scan3A_42 : i32 to index
      %get3A_692 = arith.constant 544 : index
      %get3A_693 = tpu.vector_load %arg9[%get3A_691, %get3A_692] {strides = array<i32>} : memref<32x768xf32, #tpu.memory_space<vmem>>, vector<1x16xf32>,
      %get3A_694 = vector.shape_cast %get3A_693 : vector<1x16xf32> to vector<16xf32>
      %add3A_695 = arith.addf %get3A_690, %get3A_694 : vector<16xf32>
      %get3A_696 = arith.index_cast %scan3A_42 : i32 to index
      %get3A_697 = arith.constant 544 : index
      %get3A_698 = tpu.vector_load %arg10[%get3A_696, %get3A_697] {strides = array<i32>} : memref<32x768xf32, #tpu.memory_space<vmem>>, vector<1x16xf32>,
      %get3A_699 = vector.shape_cast %get3A_698 : vector<1x16xf32> to vector<16xf32>
      %add3A_700 = arith.addf %add3A_695, %get3A_699 : vector<16xf32>
      %swap3A_701 = arith.index_cast %scan3A_42 : i32 to index
      %swap3A_702 = arith.constant 544 : index
      %swap3A_703 = tpu.vector_load %arg11[%swap3A_701, %swap3A_702] {strides = array<i32>} : memref<32x768xf32, #tpu.memory_space<vmem>>, vector<1x16xf32>,
      %swap3A_704 = vector.shape_cast %swap3A_703 : vector<1x16xf32> to vector<16xf32>
      %swap3A_705 = vector.shape_cast %add3A_700 : vector<16xf32> to vector<1x16xf32>
      tpu.vector_store %arg11[%swap3A_701, %swap3A_702], %swap3A_705 {strides = array<i32>} : memref<32x768xf32, #tpu.memory_space<vmem>>, vector<1x16xf32>,
      %get3A_706 = arith.index_cast %scan3A_42 : i32 to index
      %get3A_707 = arith.constant 560 : index
      %get3A_708 = tpu.vector_load %arg11[%get3A_706, %get3A_707] {strides = array<i32>} : memref<32x768xf32, #tpu.memory_space<vmem>>, vector<1x16xf32>,
      %get3A_709 = vector.shape_cast %get3A_708 : vector<1x16xf32> to vector<16xf32>
      %get3A_710 = arith.index_cast %scan3A_42 : i32 to index
      %get3A_711 = arith.constant 560 : index
      %get3A_712 = tpu.vector_load %arg9[%get3A_710, %get3A_711] {strides = array<i32>} : memref<32x768xf32, #tpu.memory_space<vmem>>, vector<1x16xf32>,
      %get3A_713 = vector.shape_cast %get3A_712 : vector<1x16xf32> to vector<16xf32>
      %add3A_714 = arith.addf %get3A_709, %get3A_713 : vector<16xf32>
      %get3A_715 = arith.index_cast %scan3A_42 : i32 to index
      %get3A_716 = arith.constant 560 : index
      %get3A_717 = tpu.vector_load %arg10[%get3A_715, %get3A_716] {strides = array<i32>} : memref<32x768xf32, #tpu.memory_space<vmem>>, vector<1x16xf32>,
      %get3A_718 = vector.shape_cast %get3A_717 : vector<1x16xf32> to vector<16xf32>
      %add3A_719 = arith.addf %add3A_714, %get3A_718 : vector<16xf32>
      %swap3A_720 = arith.index_cast %scan3A_42 : i32 to index
      %swap3A_721 = arith.constant 560 : index
      %swap3A_722 = tpu.vector_load %arg11[%swap3A_720, %swap3A_721] {strides = array<i32>} : memref<32x768xf32, #tpu.memory_space<vmem>>, vector<1x16xf32>,
      %swap3A_723 = vector.shape_cast %swap3A_722 : vector<1x16xf32> to vector<16xf32>
      %swap3A_724 = vector.shape_cast %add3A_719 : vector<16xf32> to vector<1x16xf32>
      tpu.vector_store %arg11[%swap3A_720, %swap3A_721], %swap3A_724 {strides = array<i32>} : memref<32x768xf32, #tpu.memory_space<vmem>>, vector<1x16xf32>,
      %get3A_725 = arith.index_cast %scan3A_42 : i32 to index
      %get3A_726 = arith.constant 576 : index
      %get3A_727 = tpu.vector_load %arg11[%get3A_725, %get3A_726] {strides = array<i32>} : memref<32x768xf32, #tpu.memory_space<vmem>>, vector<1x16xf32>,
      %get3A_728 = vector.shape_cast %get3A_727 : vector<1x16xf32> to vector<16xf32>
      %get3A_729 = arith.index_cast %scan3A_42 : i32 to index
      %get3A_730 = arith.constant 576 : index
      %get3A_731 = tpu.vector_load %arg9[%get3A_729, %get3A_730] {strides = array<i32>} : memref<32x768xf32, #tpu.memory_space<vmem>>, vector<1x16xf32>,
      %get3A_732 = vector.shape_cast %get3A_731 : vector<1x16xf32> to vector<16xf32>
      %add3A_733 = arith.addf %get3A_728, %get3A_732 : vector<16xf32>
      %get3A_734 = arith.index_cast %scan3A_42 : i32 to index
      %get3A_735 = arith.constant 576 : index
      %get3A_736 = tpu.vector_load %arg10[%get3A_734, %get3A_735] {strides = array<i32>} : memref<32x768xf32, #tpu.memory_space<vmem>>, vector<1x16xf32>,
      %get3A_737 = vector.shape_cast %get3A_736 : vector<1x16xf32> to vector<16xf32>
      %add3A_738 = arith.addf %add3A_733, %get3A_737 : vector<16xf32>
      %swap3A_739 = arith.index_cast %scan3A_42 : i32 to index
      %swap3A_740 = arith.constant 576 : index
      %swap3A_741 = tpu.vector_load %arg11[%swap3A_739, %swap3A_740] {strides = array<i32>} : memref<32x768xf32, #tpu.memory_space<vmem>>, vector<1x16xf32>,
      %swap3A_742 = vector.shape_cast %swap3A_741 : vector<1x16xf32> to vector<16xf32>
      %swap3A_743 = vector.shape_cast %add3A_738 : vector<16xf32> to vector<1x16xf32>
      tpu.vector_store %arg11[%swap3A_739, %swap3A_740], %swap3A_743 {strides = array<i32>} : memref<32x768xf32, #tpu.memory_space<vmem>>, vector<1x16xf32>,
      %get3A_744 = arith.index_cast %scan3A_42 : i32 to index
      %get3A_745 = arith.constant 592 : index
      %get3A_746 = tpu.vector_load %arg11[%get3A_744, %get3A_745] {strides = array<i32>} : memref<32x768xf32, #tpu.memory_space<vmem>>, vector<1x16xf32>,
      %get3A_747 = vector.shape_cast %get3A_746 : vector<1x16xf32> to vector<16xf32>
      %get3A_748 = arith.index_cast %scan3A_42 : i32 to index
      %get3A_749 = arith.constant 592 : index
      %get3A_750 = tpu.vector_load %arg9[%get3A_748, %get3A_749] {strides = array<i32>} : memref<32x768xf32, #tpu.memory_space<vmem>>, vector<1x16xf32>,
      %get3A_751 = vector.shape_cast %get3A_750 : vector<1x16xf32> to vector<16xf32>
      %add3A_752 = arith.addf %get3A_747, %get3A_751 : vector<16xf32>
      %get3A_753 = arith.index_cast %scan3A_42 : i32 to index
      %get3A_754 = arith.constant 592 : index
      %get3A_755 = tpu.vector_load %arg10[%get3A_753, %get3A_754] {strides = array<i32>} : memref<32x768xf32, #tpu.memory_space<vmem>>, vector<1x16xf32>,
      %get3A_756 = vector.shape_cast %get3A_755 : vector<1x16xf32> to vector<16xf32>
      %add3A_757 = arith.addf %add3A_752, %get3A_756 : vector<16xf32>
      %swap3A_758 = arith.index_cast %scan3A_42 : i32 to index
      %swap3A_759 = arith.constant 592 : index
      %swap3A_760 = tpu.vector_load %arg11[%swap3A_758, %swap3A_759] {strides = array<i32>} : memref<32x768xf32, #tpu.memory_space<vmem>>, vector<1x16xf32>,
      %swap3A_761 = vector.shape_cast %swap3A_760 : vector<1x16xf32> to vector<16xf32>
      %swap3A_762 = vector.shape_cast %add3A_757 : vector<16xf32> to vector<1x16xf32>
      tpu.vector_store %arg11[%swap3A_758, %swap3A_759], %swap3A_762 {strides = array<i32>} : memref<32x768xf32, #tpu.memory_space<vmem>>, vector<1x16xf32>,
      %get3A_763 = arith.index_cast %scan3A_42 : i32 to index
      %get3A_764 = arith.constant 608 : index
      %get3A_765 = tpu.vector_load %arg11[%get3A_763, %get3A_764] {strides = array<i32>} : memref<32x768xf32, #tpu.memory_space<vmem>>, vector<1x16xf32>,
      %get3A_766 = vector.shape_cast %get3A_765 : vector<1x16xf32> to vector<16xf32>
      %get3A_767 = arith.index_cast %scan3A_42 : i32 to index
      %get3A_768 = arith.constant 608 : index
      %get3A_769 = tpu.vector_load %arg9[%get3A_767, %get3A_768] {strides = array<i32>} : memref<32x768xf32, #tpu.memory_space<vmem>>, vector<1x16xf32>,
      %get3A_770 = vector.shape_cast %get3A_769 : vector<1x16xf32> to vector<16xf32>
      %add3A_771 = arith.addf %get3A_766, %get3A_770 : vector<16xf32>
      %get3A_772 = arith.index_cast %scan3A_42 : i32 to index
      %get3A_773 = arith.constant 608 : index
      %get3A_774 = tpu.vector_load %arg10[%get3A_772, %get3A_773] {strides = array<i32>} : memref<32x768xf32, #tpu.memory_space<vmem>>, vector<1x16xf32>,
      %get3A_775 = vector.shape_cast %get3A_774 : vector<1x16xf32> to vector<16xf32>
      %add3A_776 = arith.addf %add3A_771, %get3A_775 : vector<16xf32>
      %swap3A_777 = arith.index_cast %scan3A_42 : i32 to index
      %swap3A_778 = arith.constant 608 : index
      %swap3A_779 = tpu.vector_load %arg11[%swap3A_777, %swap3A_778] {strides = array<i32>} : memref<32x768xf32, #tpu.memory_space<vmem>>, vector<1x16xf32>,
      %swap3A_780 = vector.shape_cast %swap3A_779 : vector<1x16xf32> to vector<16xf32>
      %swap3A_781 = vector.shape_cast %add3A_776 : vector<16xf32> to vector<1x16xf32>
      tpu.vector_store %arg11[%swap3A_777, %swap3A_778], %swap3A_781 {strides = array<i32>} : memref<32x768xf32, #tpu.memory_space<vmem>>, vector<1x16xf32>,
      %get3A_782 = arith.index_cast %scan3A_42 : i32 to index
      %get3A_783 = arith.constant 624 : index
      %get3A_784 = tpu.vector_load %arg11[%get3A_782, %get3A_783] {strides = array<i32>} : memref<32x768xf32, #tpu.memory_space<vmem>>, vector<1x16xf32>,
      %get3A_785 = vector.shape_cast %get3A_784 : vector<1x16xf32> to vector<16xf32>
      %get3A_786 = arith.index_cast %scan3A_42 : i32 to index
      %get3A_787 = arith.constant 624 : index
      %get3A_788 = tpu.vector_load %arg9[%get3A_786, %get3A_787] {strides = array<i32>} : memref<32x768xf32, #tpu.memory_space<vmem>>, vector<1x16xf32>,
      %get3A_789 = vector.shape_cast %get3A_788 : vector<1x16xf32> to vector<16xf32>
      %add3A_790 = arith.addf %get3A_785, %get3A_789 : vector<16xf32>
      %get3A_791 = arith.index_cast %scan3A_42 : i32 to index
      %get3A_792 = arith.constant 624 : index
      %get3A_793 = tpu.vector_load %arg10[%get3A_791, %get3A_792] {strides = array<i32>} : memref<32x768xf32, #tpu.memory_space<vmem>>, vector<1x16xf32>,
      %get3A_794 = vector.shape_cast %get3A_793 : vector<1x16xf32> to vector<16xf32>
      %add3A_795 = arith.addf %add3A_790, %get3A_794 : vector<16xf32>
      %swap3A_796 = arith.index_cast %scan3A_42 : i32 to index
      %swap3A_797 = arith.constant 624 : index
      %swap3A_798 = tpu.vector_load %arg11[%swap3A_796, %swap3A_797] {strides = array<i32>} : memref<32x768xf32, #tpu.memory_space<vmem>>, vector<1x16xf32>,
      %swap3A_799 = vector.shape_cast %swap3A_798 : vector<1x16xf32> to vector<16xf32>
      %swap3A_800 = vector.shape_cast %add3A_795 : vector<16xf32> to vector<1x16xf32>
      tpu.vector_store %arg11[%swap3A_796, %swap3A_797], %swap3A_800 {strides = array<i32>} : memref<32x768xf32, #tpu.memory_space<vmem>>, vector<1x16xf32>,
      %get3A_801 = arith.index_cast %scan3A_42 : i32 to index
      %get3A_802 = arith.constant 640 : index
      %get3A_803 = tpu.vector_load %arg11[%get3A_801, %get3A_802] {strides = array<i32>} : memref<32x768xf32, #tpu.memory_space<vmem>>, vector<1x16xf32>,
      %get3A_804 = vector.shape_cast %get3A_803 : vector<1x16xf32> to vector<16xf32>
      %get3A_805 = arith.index_cast %scan3A_42 : i32 to index
      %get3A_806 = arith.constant 640 : index
      %get3A_807 = tpu.vector_load %arg9[%get3A_805, %get3A_806] {strides = array<i32>} : memref<32x768xf32, #tpu.memory_space<vmem>>, vector<1x16xf32>,
      %get3A_808 = vector.shape_cast %get3A_807 : vector<1x16xf32> to vector<16xf32>
      %add3A_809 = arith.addf %get3A_804, %get3A_808 : vector<16xf32>
      %get3A_810 = arith.index_cast %scan3A_42 : i32 to index
      %get3A_811 = arith.constant 640 : index
      %get3A_812 = tpu.vector_load %arg10[%get3A_810, %get3A_811] {strides = array<i32>} : memref<32x768xf32, #tpu.memory_space<vmem>>, vector<1x16xf32>,
      %get3A_813 = vector.shape_cast %get3A_812 : vector<1x16xf32> to vector<16xf32>
      %add3A_814 = arith.addf %add3A_809, %get3A_813 : vector<16xf32>
      %swap3A_815 = arith.index_cast %scan3A_42 : i32 to index
      %swap3A_816 = arith.constant 640 : index
      %swap3A_817 = tpu.vector_load %arg11[%swap3A_815, %swap3A_816] {strides = array<i32>} : memref<32x768xf32, #tpu.memory_space<vmem>>, vector<1x16xf32>,
      %swap3A_818 = vector.shape_cast %swap3A_817 : vector<1x16xf32> to vector<16xf32>
      %swap3A_819 = vector.shape_cast %add3A_814 : vector<16xf32> to vector<1x16xf32>
      tpu.vector_store %arg11[%swap3A_815, %swap3A_816], %swap3A_819 {strides = array<i32>} : memref<32x768xf32, #tpu.memory_space<vmem>>, vector<1x16xf32>,
      %get3A_820 = arith.index_cast %scan3A_42 : i32 to index
      %get3A_821 = arith.constant 656 : index
      %get3A_822 = tpu.vector_load %arg11[%get3A_820, %get3A_821] {strides = array<i32>} : memref<32x768xf32, #tpu.memory_space<vmem>>, vector<1x16xf32>,
      %get3A_823 = vector.shape_cast %get3A_822 : vector<1x16xf32> to vector<16xf32>
      %get3A_824 = arith.index_cast %scan3A_42 : i32 to index
      %get3A_825 = arith.constant 656 : index
      %get3A_826 = tpu.vector_load %arg9[%get3A_824, %get3A_825] {strides = array<i32>} : memref<32x768xf32, #tpu.memory_space<vmem>>, vector<1x16xf32>,
      %get3A_827 = vector.shape_cast %get3A_826 : vector<1x16xf32> to vector<16xf32>
      %add3A_828 = arith.addf %get3A_823, %get3A_827 : vector<16xf32>
      %get3A_829 = arith.index_cast %scan3A_42 : i32 to index
      %get3A_830 = arith.constant 656 : index
      %get3A_831 = tpu.vector_load %arg10[%get3A_829, %get3A_830] {strides = array<i32>} : memref<32x768xf32, #tpu.memory_space<vmem>>, vector<1x16xf32>,
      %get3A_832 = vector.shape_cast %get3A_831 : vector<1x16xf32> to vector<16xf32>
      %add3A_833 = arith.addf %add3A_828, %get3A_832 : vector<16xf32>
      %swap3A_834 = arith.index_cast %scan3A_42 : i32 to index
      %swap3A_835 = arith.constant 656 : index
      %swap3A_836 = tpu.vector_load %arg11[%swap3A_834, %swap3A_835] {strides = array<i32>} : memref<32x768xf32, #tpu.memory_space<vmem>>, vector<1x16xf32>,
      %swap3A_837 = vector.shape_cast %swap3A_836 : vector<1x16xf32> to vector<16xf32>
      %swap3A_838 = vector.shape_cast %add3A_833 : vector<16xf32> to vector<1x16xf32>
      tpu.vector_store %arg11[%swap3A_834, %swap3A_835], %swap3A_838 {strides = array<i32>} : memref<32x768xf32, #tpu.memory_space<vmem>>, vector<1x16xf32>,
      %get3A_839 = arith.index_cast %scan3A_42 : i32 to index
      %get3A_840 = arith.constant 672 : index
      %get3A_841 = tpu.vector_load %arg11[%get3A_839, %get3A_840] {strides = array<i32>} : memref<32x768xf32, #tpu.memory_space<vmem>>, vector<1x16xf32>,
      %get3A_842 = vector.shape_cast %get3A_841 : vector<1x16xf32> to vector<16xf32>
      %get3A_843 = arith.index_cast %scan3A_42 : i32 to index
      %get3A_844 = arith.constant 672 : index
      %get3A_845 = tpu.vector_load %arg9[%get3A_843, %get3A_844] {strides = array<i32>} : memref<32x768xf32, #tpu.memory_space<vmem>>, vector<1x16xf32>,
      %get3A_846 = vector.shape_cast %get3A_845 : vector<1x16xf32> to vector<16xf32>
      %add3A_847 = arith.addf %get3A_842, %get3A_846 : vector<16xf32>
      %get3A_848 = arith.index_cast %scan3A_42 : i32 to index
      %get3A_849 = arith.constant 672 : index
      %get3A_850 = tpu.vector_load %arg10[%get3A_848, %get3A_849] {strides = array<i32>} : memref<32x768xf32, #tpu.memory_space<vmem>>, vector<1x16xf32>,
      %get3A_851 = vector.shape_cast %get3A_850 : vector<1x16xf32> to vector<16xf32>
      %add3A_852 = arith.addf %add3A_847, %get3A_851 : vector<16xf32>
      %swap3A_853 = arith.index_cast %scan3A_42 : i32 to index
      %swap3A_854 = arith.constant 672 : index
      %swap3A_855 = tpu.vector_load %arg11[%swap3A_853, %swap3A_854] {strides = array<i32>} : memref<32x768xf32, #tpu.memory_space<vmem>>, vector<1x16xf32>,
      %swap3A_856 = vector.shape_cast %swap3A_855 : vector<1x16xf32> to vector<16xf32>
      %swap3A_857 = vector.shape_cast %add3A_852 : vector<16xf32> to vector<1x16xf32>
      tpu.vector_store %arg11[%swap3A_853, %swap3A_854], %swap3A_857 {strides = array<i32>} : memref<32x768xf32, #tpu.memory_space<vmem>>, vector<1x16xf32>,
      %get3A_858 = arith.index_cast %scan3A_42 : i32 to index
      %get3A_859 = arith.constant 688 : index
      %get3A_860 = tpu.vector_load %arg11[%get3A_858, %get3A_859] {strides = array<i32>} : memref<32x768xf32, #tpu.memory_space<vmem>>, vector<1x16xf32>,
      %get3A_861 = vector.shape_cast %get3A_860 : vector<1x16xf32> to vector<16xf32>
      %get3A_862 = arith.index_cast %scan3A_42 : i32 to index
      %get3A_863 = arith.constant 688 : index
      %get3A_864 = tpu.vector_load %arg9[%get3A_862, %get3A_863] {strides = array<i32>} : memref<32x768xf32, #tpu.memory_space<vmem>>, vector<1x16xf32>,
      %get3A_865 = vector.shape_cast %get3A_864 : vector<1x16xf32> to vector<16xf32>
      %add3A_866 = arith.addf %get3A_861, %get3A_865 : vector<16xf32>
      %get3A_867 = arith.index_cast %scan3A_42 : i32 to index
      %get3A_868 = arith.constant 688 : index
      %get3A_869 = tpu.vector_load %arg10[%get3A_867, %get3A_868] {strides = array<i32>} : memref<32x768xf32, #tpu.memory_space<vmem>>, vector<1x16xf32>,
      %get3A_870 = vector.shape_cast %get3A_869 : vector<1x16xf32> to vector<16xf32>
      %add3A_871 = arith.addf %add3A_866, %get3A_870 : vector<16xf32>
      %swap3A_872 = arith.index_cast %scan3A_42 : i32 to index
      %swap3A_873 = arith.constant 688 : index
      %swap3A_874 = tpu.vector_load %arg11[%swap3A_872, %swap3A_873] {strides = array<i32>} : memref<32x768xf32, #tpu.memory_space<vmem>>, vector<1x16xf32>,
      %swap3A_875 = vector.shape_cast %swap3A_874 : vector<1x16xf32> to vector<16xf32>
      %swap3A_876 = vector.shape_cast %add3A_871 : vector<16xf32> to vector<1x16xf32>
      tpu.vector_store %arg11[%swap3A_872, %swap3A_873], %swap3A_876 {strides = array<i32>} : memref<32x768xf32, #tpu.memory_space<vmem>>, vector<1x16xf32>,
      %get3A_877 = arith.index_cast %scan3A_42 : i32 to index
      %get3A_878 = arith.constant 704 : index
      %get3A_879 = tpu.vector_load %arg11[%get3A_877, %get3A_878] {strides = array<i32>} : memref<32x768xf32, #tpu.memory_space<vmem>>, vector<1x16xf32>,
      %get3A_880 = vector.shape_cast %get3A_879 : vector<1x16xf32> to vector<16xf32>
      %get3A_881 = arith.index_cast %scan3A_42 : i32 to index
      %get3A_882 = arith.constant 704 : index
      %get3A_883 = tpu.vector_load %arg9[%get3A_881, %get3A_882] {strides = array<i32>} : memref<32x768xf32, #tpu.memory_space<vmem>>, vector<1x16xf32>,
      %get3A_884 = vector.shape_cast %get3A_883 : vector<1x16xf32> to vector<16xf32>
      %add3A_885 = arith.addf %get3A_880, %get3A_884 : vector<16xf32>
      %get3A_886 = arith.index_cast %scan3A_42 : i32 to index
      %get3A_887 = arith.constant 704 : index
      %get3A_888 = tpu.vector_load %arg10[%get3A_886, %get3A_887] {strides = array<i32>} : memref<32x768xf32, #tpu.memory_space<vmem>>, vector<1x16xf32>,
      %get3A_889 = vector.shape_cast %get3A_888 : vector<1x16xf32> to vector<16xf32>
      %add3A_890 = arith.addf %add3A_885, %get3A_889 : vector<16xf32>
      %swap3A_891 = arith.index_cast %scan3A_42 : i32 to index
      %swap3A_892 = arith.constant 704 : index
      %swap3A_893 = tpu.vector_load %arg11[%swap3A_891, %swap3A_892] {strides = array<i32>} : memref<32x768xf32, #tpu.memory_space<vmem>>, vector<1x16xf32>,
      %swap3A_894 = vector.shape_cast %swap3A_893 : vector<1x16xf32> to vector<16xf32>
      %swap3A_895 = vector.shape_cast %add3A_890 : vector<16xf32> to vector<1x16xf32>
      tpu.vector_store %arg11[%swap3A_891, %swap3A_892], %swap3A_895 {strides = array<i32>} : memref<32x768xf32, #tpu.memory_space<vmem>>, vector<1x16xf32>,
      %get3A_896 = arith.index_cast %scan3A_42 : i32 to index
      %get3A_897 = arith.constant 720 : index
      %get3A_898 = tpu.vector_load %arg11[%get3A_896, %get3A_897] {strides = array<i32>} : memref<32x768xf32, #tpu.memory_space<vmem>>, vector<1x16xf32>,
      %get3A_899 = vector.shape_cast %get3A_898 : vector<1x16xf32> to vector<16xf32>
      %get3A_900 = arith.index_cast %scan3A_42 : i32 to index
      %get3A_901 = arith.constant 720 : index
      %get3A_902 = tpu.vector_load %arg9[%get3A_900, %get3A_901] {strides = array<i32>} : memref<32x768xf32, #tpu.memory_space<vmem>>, vector<1x16xf32>,
      %get3A_903 = vector.shape_cast %get3A_902 : vector<1x16xf32> to vector<16xf32>
      %add3A_904 = arith.addf %get3A_899, %get3A_903 : vector<16xf32>
      %get3A_905 = arith.index_cast %scan3A_42 : i32 to index
      %get3A_906 = arith.constant 720 : index
      %get3A_907 = tpu.vector_load %arg10[%get3A_905, %get3A_906] {strides = array<i32>} : memref<32x768xf32, #tpu.memory_space<vmem>>, vector<1x16xf32>,
      %get3A_908 = vector.shape_cast %get3A_907 : vector<1x16xf32> to vector<16xf32>
      %add3A_909 = arith.addf %add3A_904, %get3A_908 : vector<16xf32>
      %swap3A_910 = arith.index_cast %scan3A_42 : i32 to index
      %swap3A_911 = arith.constant 720 : index
      %swap3A_912 = tpu.vector_load %arg11[%swap3A_910, %swap3A_911] {strides = array<i32>} : memref<32x768xf32, #tpu.memory_space<vmem>>, vector<1x16xf32>,
      %swap3A_913 = vector.shape_cast %swap3A_912 : vector<1x16xf32> to vector<16xf32>
      %swap3A_914 = vector.shape_cast %add3A_909 : vector<16xf32> to vector<1x16xf32>
      tpu.vector_store %arg11[%swap3A_910, %swap3A_911], %swap3A_914 {strides = array<i32>} : memref<32x768xf32, #tpu.memory_space<vmem>>, vector<1x16xf32>,
      %get3A_915 = arith.index_cast %scan3A_42 : i32 to index
      %get3A_916 = arith.constant 736 : index
      %get3A_917 = tpu.vector_load %arg11[%get3A_915, %get3A_916] {strides = array<i32>} : memref<32x768xf32, #tpu.memory_space<vmem>>, vector<1x16xf32>,
      %get3A_918 = vector.shape_cast %get3A_917 : vector<1x16xf32> to vector<16xf32>
      %get3A_919 = arith.index_cast %scan3A_42 : i32 to index
      %get3A_920 = arith.constant 736 : index
      %get3A_921 = tpu.vector_load %arg9[%get3A_919, %get3A_920] {strides = array<i32>} : memref<32x768xf32, #tpu.memory_space<vmem>>, vector<1x16xf32>,
      %get3A_922 = vector.shape_cast %get3A_921 : vector<1x16xf32> to vector<16xf32>
      %add3A_923 = arith.addf %get3A_918, %get3A_922 : vector<16xf32>
      %get3A_924 = arith.index_cast %scan3A_42 : i32 to index
      %get3A_925 = arith.constant 736 : index
      %get3A_926 = tpu.vector_load %arg10[%get3A_924, %get3A_925] {strides = array<i32>} : memref<32x768xf32, #tpu.memory_space<vmem>>, vector<1x16xf32>,
      %get3A_927 = vector.shape_cast %get3A_926 : vector<1x16xf32> to vector<16xf32>
      %add3A_928 = arith.addf %add3A_923, %get3A_927 : vector<16xf32>
      %swap3A_929 = arith.index_cast %scan3A_42 : i32 to index
      %swap3A_930 = arith.constant 736 : index
      %swap3A_931 = tpu.vector_load %arg11[%swap3A_929, %swap3A_930] {strides = array<i32>} : memref<32x768xf32, #tpu.memory_space<vmem>>, vector<1x16xf32>,
      %swap3A_932 = vector.shape_cast %swap3A_931 : vector<1x16xf32> to vector<16xf32>
      %swap3A_933 = vector.shape_cast %add3A_928 : vector<16xf32> to vector<1x16xf32>
      tpu.vector_store %arg11[%swap3A_929, %swap3A_930], %swap3A_933 {strides = array<i32>} : memref<32x768xf32, #tpu.memory_space<vmem>>, vector<1x16xf32>,
      %get3A_934 = arith.index_cast %scan3A_42 : i32 to index
      %get3A_935 = arith.constant 752 : index
      %get3A_936 = tpu.vector_load %arg11[%get3A_934, %get3A_935] {strides = array<i32>} : memref<32x768xf32, #tpu.memory_space<vmem>>, vector<1x16xf32>,
      %get3A_937 = vector.shape_cast %get3A_936 : vector<1x16xf32> to vector<16xf32>
      %get3A_938 = arith.index_cast %scan3A_42 : i32 to index
      %get3A_939 = arith.constant 752 : index
      %get3A_940 = tpu.vector_load %arg9[%get3A_938, %get3A_939] {strides = array<i32>} : memref<32x768xf32, #tpu.memory_space<vmem>>, vector<1x16xf32>,
      %get3A_941 = vector.shape_cast %get3A_940 : vector<1x16xf32> to vector<16xf32>
      %add3A_942 = arith.addf %get3A_937, %get3A_941 : vector<16xf32>
      %get3A_943 = arith.index_cast %scan3A_42 : i32 to index
      %get3A_944 = arith.constant 752 : index
      %get3A_945 = tpu.vector_load %arg10[%get3A_943, %get3A_944] {strides = array<i32>} : memref<32x768xf32, #tpu.memory_space<vmem>>, vector<1x16xf32>,
      %get3A_946 = vector.shape_cast %get3A_945 : vector<1x16xf32> to vector<16xf32>
      %add3A_947 = arith.addf %add3A_942, %get3A_946 : vector<16xf32>
      %swap3A_948 = arith.index_cast %scan3A_42 : i32 to index
      %swap3A_949 = arith.constant 752 : index
      %swap3A_950 = tpu.vector_load %arg11[%swap3A_948, %swap3A_949] {strides = array<i32>} : memref<32x768xf32, #tpu.memory_space<vmem>>, vector<1x16xf32>,
      %swap3A_951 = vector.shape_cast %swap3A_950 : vector<1x16xf32> to vector<16xf32>
      %swap3A_952 = vector.shape_cast %add3A_947 : vector<16xf32> to vector<1x16xf32>
      tpu.vector_store %arg11[%swap3A_948, %swap3A_949], %swap3A_952 {strides = array<i32>} : memref<32x768xf32, #tpu.memory_space<vmem>>, vector<1x16xf32>,
    }
    %scan3A_41 = arith.constant 32 : i32
    "tpu.region"() ({
      %run_scoped3A = tpu.sem_alloc : memref<!tpu.dma_semaphore, #tpu.memory_space<semaphore_mem>>
      %dma_start3A_42 = arith.constant 0 : i32
      %dma_start3A_43 = tpu.memref_slice %arg6[%add3A_23, %dma_start3A_42] : memref<2048x768xf32, #tpu.memory_space<hbm>> -> memref<32x768xf32, #tpu.memory_space<hbm>>
      %dma_start3A_44 = arith.constant 0 : i32
      %dma_start3A_45 = tpu.memref_slice %arg6[%add3A_23, %dma_start3A_44] : memref<2048x768xf32, #tpu.memory_space<hbm>> -> memref<32x768xf32, #tpu.memory_space<hbm>>
      tpu.enqueue_dma source(%arg11 : memref<32x768xf32, #tpu.memory_space<vmem>>) target(%dma_start3A_45 : memref<32x768xf32, #tpu.memory_space<hbm>>) target_semaphore(%run_scoped3A : memref<!tpu.dma_semaphore, #tpu.memory_space<semaphore_mem>>)
      %dma_wait3A_46 = arith.constant 0 : i32
      %dma_wait3A_47 = tpu.memref_slice %arg6[%add3A_23, %dma_wait3A_46] : memref<2048x768xf32, #tpu.memory_space<hbm>> -> memref<32x768xf32, #tpu.memory_space<hbm>>
      %dma_wait3A_48 = arith.constant 0 : i32
      %dma_wait3A_49 = tpu.memref_slice %arg6[%add3A_23, %dma_wait3A_48] : memref<2048x768xf32, #tpu.memory_space<hbm>> -> memref<32x768xf32, #tpu.memory_space<hbm>>
      tpu.wait_dma2 semaphore(%run_scoped3A : memref<!tpu.dma_semaphore, #tpu.memory_space<semaphore_mem>>) src(%arg11 : memref<32x768xf32, #tpu.memory_space<vmem>>) dst(%dma_wait3A_49 : memref<32x768xf32, #tpu.memory_space<hbm>>)
      tpu.yield
    }) : () -> ()
    return
  }
}

#map = affine_map<(d0, d1) -> (0)>
#map1 = affine_map<(d0, d1) -> (0, 0)>
module attributes {stable_mosaic.version = 14 : i64} {
  func.func @_gather_body(%arg0: i32, %arg1: i32, %arg2: memref<6144xi32, #tpu.memory_space<hbm>>, %arg3: memref<2048x768xf32, #tpu.memory_space<hbm>>, %arg4: memref<6144x768xf32, #tpu.memory_space<hbm>>, %arg5: memref<32xi32, #tpu.memory_space<vmem>>, %arg6: memref<32x768xf32, #tpu.memory_space<vmem>>, %arg7: memref<!tpu.dma_semaphore, #tpu.memory_space<semaphore_mem>>) attributes {dimension_semantics = [#tpu.dimension_semantics<core_parallel>, #tpu.dimension_semantics<subcore_parallel>], iteration_bounds = array<i64: 2, 16>, scalar_prefetch = 0 : i64, scratch_operands = 3 : i64, tpu.core_type = #tpu.core_type<sc_vector_subcore>, window_params = [{transform_indices = #map}, {transform_indices = #map1}, {transform_indices = #map1}]} {
    %mul3A = arith.constant 2 : i32
    %mul3A_0 = arith.muli %arg1, %mul3A : i32
    %add3A = arith.addi %mul3A_0, %arg0 : i32
    %mul3A_1 = arith.constant 192 : i32
    %mul3A_2 = arith.muli %add3A, %mul3A_1 : i32
    %add3A_3 = arith.constant 0 : i32
    %add3A_4 = arith.addi %mul3A_2, %add3A_3 : i32
    "tpu.region"() ({
      %run_scoped3A = tpu.sem_alloc : memref<!tpu.dma_semaphore, #tpu.memory_space<semaphore_mem>>
      %dma_start3A_59 = tpu.memref_slice %arg2[%add3A_4] : memref<6144xi32, #tpu.memory_space<hbm>> -> memref<32xi32, #tpu.memory_space<hbm>>
      %dma_start3A_60 = tpu.memref_slice %arg2[%add3A_4] : memref<6144xi32, #tpu.memory_space<hbm>> -> memref<32xi32, #tpu.memory_space<hbm>>
      tpu.enqueue_dma source(%dma_start3A_60 : memref<32xi32, #tpu.memory_space<hbm>>) target(%arg5 : memref<32xi32, #tpu.memory_space<vmem>>) target_semaphore(%run_scoped3A : memref<!tpu.dma_semaphore, #tpu.memory_space<semaphore_mem>>)
      %dma_wait3A_61 = tpu.memref_slice %arg2[%add3A_4] : memref<6144xi32, #tpu.memory_space<hbm>> -> memref<32xi32, #tpu.memory_space<hbm>>
      %dma_wait3A_62 = tpu.memref_slice %arg2[%add3A_4] : memref<6144xi32, #tpu.memory_space<hbm>> -> memref<32xi32, #tpu.memory_space<hbm>>
      tpu.wait_dma2 semaphore(%run_scoped3A : memref<!tpu.dma_semaphore, #tpu.memory_space<semaphore_mem>>) src(%dma_wait3A_62 : memref<32xi32, #tpu.memory_space<hbm>>) dst(%arg5 : memref<32xi32, #tpu.memory_space<vmem>>)
      tpu.yield
    }) : () -> ()
    %dma_start3A = arith.constant 0 : i32
    %dma_start3A_5 = arith.constant 0 : i32
    %dma_start3A_6 = tpu.memref_slice %arg3[%dma_start3A, %dma_start3A_5] : memref<2048x768xf32, #tpu.memory_space<hbm>> -> memref<2048x768xf32, #tpu.memory_space<hbm>>
    tpu.enqueue_indirect_dma source(%dma_start3A_6 : memref<2048x768xf32, #tpu.memory_space<hbm>>) target(%arg6 : memref<32x768xf32, #tpu.memory_space<vmem>>) offsets(%arg5 : memref<32xi32, #tpu.memory_space<vmem>>) semaphore(%arg7 : memref<!tpu.dma_semaphore, #tpu.memory_space<semaphore_mem>>)
    %dma_wait3A = arith.constant 0 : i32
    %dma_wait3A_7 = arith.constant 0 : i32
    %dma_wait3A_8 = tpu.memref_slice %arg3[%dma_wait3A, %dma_wait3A_7] : memref<2048x768xf32, #tpu.memory_space<hbm>> -> memref<2048x768xf32, #tpu.memory_space<hbm>>
    tpu.wait_indirect_dma semaphore(%arg7 : memref<!tpu.dma_semaphore, #tpu.memory_space<semaphore_mem>>) src(%dma_wait3A_8 : memref<2048x768xf32, #tpu.memory_space<hbm>>) dst(%arg6 : memref<32x768xf32, #tpu.memory_space<vmem>>)
    "tpu.region"() ({
      %run_scoped3A = tpu.sem_alloc : memref<!tpu.dma_semaphore, #tpu.memory_space<semaphore_mem>>
      %dma_start3A_59 = arith.constant 0 : i32
      %dma_start3A_60 = tpu.memref_slice %arg4[%add3A_4, %dma_start3A_59] : memref<6144x768xf32, #tpu.memory_space<hbm>> -> memref<32x768xf32, #tpu.memory_space<hbm>>
      %dma_start3A_61 = arith.constant 0 : i32
      %dma_start3A_62 = tpu.memref_slice %arg4[%add3A_4, %dma_start3A_61] : memref<6144x768xf32, #tpu.memory_space<hbm>> -> memref<32x768xf32, #tpu.memory_space<hbm>>
      tpu.enqueue_dma source(%arg6 : memref<32x768xf32, #tpu.memory_space<vmem>>) target(%dma_start3A_62 : memref<32x768xf32, #tpu.memory_space<hbm>>) target_semaphore(%run_scoped3A : memref<!tpu.dma_semaphore, #tpu.memory_space<semaphore_mem>>)
      %dma_wait3A_63 = arith.constant 0 : i32
      %dma_wait3A_64 = tpu.memref_slice %arg4[%add3A_4, %dma_wait3A_63] : memref<6144x768xf32, #tpu.memory_space<hbm>> -> memref<32x768xf32, #tpu.memory_space<hbm>>
      %dma_wait3A_65 = arith.constant 0 : i32
      %dma_wait3A_66 = tpu.memref_slice %arg4[%add3A_4, %dma_wait3A_65] : memref<6144x768xf32, #tpu.memory_space<hbm>> -> memref<32x768xf32, #tpu.memory_space<hbm>>
      tpu.wait_dma2 semaphore(%run_scoped3A : memref<!tpu.dma_semaphore, #tpu.memory_space<semaphore_mem>>) src(%arg6 : memref<32x768xf32, #tpu.memory_space<vmem>>) dst(%dma_wait3A_66 : memref<32x768xf32, #tpu.memory_space<hbm>>)
      tpu.yield
    }) : () -> ()
    %mul3A_9 = arith.constant 192 : i32
    %mul3A_10 = arith.muli %add3A, %mul3A_9 : i32
    %add3A_11 = arith.constant 32 : i32
    %add3A_12 = arith.addi %mul3A_10, %add3A_11 : i32
    "tpu.region"() ({
      %run_scoped3A = tpu.sem_alloc : memref<!tpu.dma_semaphore, #tpu.memory_space<semaphore_mem>>
      %dma_start3A_59 = tpu.memref_slice %arg2[%add3A_12] : memref<6144xi32, #tpu.memory_space<hbm>> -> memref<32xi32, #tpu.memory_space<hbm>>
      %dma_start3A_60 = tpu.memref_slice %arg2[%add3A_12] : memref<6144xi32, #tpu.memory_space<hbm>> -> memref<32xi32, #tpu.memory_space<hbm>>
      tpu.enqueue_dma source(%dma_start3A_60 : memref<32xi32, #tpu.memory_space<hbm>>) target(%arg5 : memref<32xi32, #tpu.memory_space<vmem>>) target_semaphore(%run_scoped3A : memref<!tpu.dma_semaphore, #tpu.memory_space<semaphore_mem>>)
      %dma_wait3A_61 = tpu.memref_slice %arg2[%add3A_12] : memref<6144xi32, #tpu.memory_space<hbm>> -> memref<32xi32, #tpu.memory_space<hbm>>
      %dma_wait3A_62 = tpu.memref_slice %arg2[%add3A_12] : memref<6144xi32, #tpu.memory_space<hbm>> -> memref<32xi32, #tpu.memory_space<hbm>>
      tpu.wait_dma2 semaphore(%run_scoped3A : memref<!tpu.dma_semaphore, #tpu.memory_space<semaphore_mem>>) src(%dma_wait3A_62 : memref<32xi32, #tpu.memory_space<hbm>>) dst(%arg5 : memref<32xi32, #tpu.memory_space<vmem>>)
      tpu.yield
    }) : () -> ()
    %dma_start3A_13 = arith.constant 0 : i32
    %dma_start3A_14 = arith.constant 0 : i32
    %dma_start3A_15 = tpu.memref_slice %arg3[%dma_start3A_13, %dma_start3A_14] : memref<2048x768xf32, #tpu.memory_space<hbm>> -> memref<2048x768xf32, #tpu.memory_space<hbm>>
    tpu.enqueue_indirect_dma source(%dma_start3A_15 : memref<2048x768xf32, #tpu.memory_space<hbm>>) target(%arg6 : memref<32x768xf32, #tpu.memory_space<vmem>>) offsets(%arg5 : memref<32xi32, #tpu.memory_space<vmem>>) semaphore(%arg7 : memref<!tpu.dma_semaphore, #tpu.memory_space<semaphore_mem>>)
    %dma_wait3A_16 = arith.constant 0 : i32
    %dma_wait3A_17 = arith.constant 0 : i32
    %dma_wait3A_18 = tpu.memref_slice %arg3[%dma_wait3A_16, %dma_wait3A_17] : memref<2048x768xf32, #tpu.memory_space<hbm>> -> memref<2048x768xf32, #tpu.memory_space<hbm>>
    tpu.wait_indirect_dma semaphore(%arg7 : memref<!tpu.dma_semaphore, #tpu.memory_space<semaphore_mem>>) src(%dma_wait3A_18 : memref<2048x768xf32, #tpu.memory_space<hbm>>) dst(%arg6 : memref<32x768xf32, #tpu.memory_space<vmem>>)
    "tpu.region"() ({
      %run_scoped3A = tpu.sem_alloc : memref<!tpu.dma_semaphore, #tpu.memory_space<semaphore_mem>>
      %dma_start3A_59 = arith.constant 0 : i32
      %dma_start3A_60 = tpu.memref_slice %arg4[%add3A_12, %dma_start3A_59] : memref<6144x768xf32, #tpu.memory_space<hbm>> -> memref<32x768xf32, #tpu.memory_space<hbm>>
      %dma_start3A_61 = arith.constant 0 : i32
      %dma_start3A_62 = tpu.memref_slice %arg4[%add3A_12, %dma_start3A_61] : memref<6144x768xf32, #tpu.memory_space<hbm>> -> memref<32x768xf32, #tpu.memory_space<hbm>>
      tpu.enqueue_dma source(%arg6 : memref<32x768xf32, #tpu.memory_space<vmem>>) target(%dma_start3A_62 : memref<32x768xf32, #tpu.memory_space<hbm>>) target_semaphore(%run_scoped3A : memref<!tpu.dma_semaphore, #tpu.memory_space<semaphore_mem>>)
      %dma_wait3A_63 = arith.constant 0 : i32
      %dma_wait3A_64 = tpu.memref_slice %arg4[%add3A_12, %dma_wait3A_63] : memref<6144x768xf32, #tpu.memory_space<hbm>> -> memref<32x768xf32, #tpu.memory_space<hbm>>
      %dma_wait3A_65 = arith.constant 0 : i32
      %dma_wait3A_66 = tpu.memref_slice %arg4[%add3A_12, %dma_wait3A_65] : memref<6144x768xf32, #tpu.memory_space<hbm>> -> memref<32x768xf32, #tpu.memory_space<hbm>>
      tpu.wait_dma2 semaphore(%run_scoped3A : memref<!tpu.dma_semaphore, #tpu.memory_space<semaphore_mem>>) src(%arg6 : memref<32x768xf32, #tpu.memory_space<vmem>>) dst(%dma_wait3A_66 : memref<32x768xf32, #tpu.memory_space<hbm>>)
      tpu.yield
    }) : () -> ()
    %mul3A_19 = arith.constant 192 : i32
    %mul3A_20 = arith.muli %add3A, %mul3A_19 : i32
    %add3A_21 = arith.constant 64 : i32
    %add3A_22 = arith.addi %mul3A_20, %add3A_21 : i32
    "tpu.region"() ({
      %run_scoped3A = tpu.sem_alloc : memref<!tpu.dma_semaphore, #tpu.memory_space<semaphore_mem>>
      %dma_start3A_59 = tpu.memref_slice %arg2[%add3A_22] : memref<6144xi32, #tpu.memory_space<hbm>> -> memref<32xi32, #tpu.memory_space<hbm>>
      %dma_start3A_60 = tpu.memref_slice %arg2[%add3A_22] : memref<6144xi32, #tpu.memory_space<hbm>> -> memref<32xi32, #tpu.memory_space<hbm>>
      tpu.enqueue_dma source(%dma_start3A_60 : memref<32xi32, #tpu.memory_space<hbm>>) target(%arg5 : memref<32xi32, #tpu.memory_space<vmem>>) target_semaphore(%run_scoped3A : memref<!tpu.dma_semaphore, #tpu.memory_space<semaphore_mem>>)
      %dma_wait3A_61 = tpu.memref_slice %arg2[%add3A_22] : memref<6144xi32, #tpu.memory_space<hbm>> -> memref<32xi32, #tpu.memory_space<hbm>>
      %dma_wait3A_62 = tpu.memref_slice %arg2[%add3A_22] : memref<6144xi32, #tpu.memory_space<hbm>> -> memref<32xi32, #tpu.memory_space<hbm>>
      tpu.wait_dma2 semaphore(%run_scoped3A : memref<!tpu.dma_semaphore, #tpu.memory_space<semaphore_mem>>) src(%dma_wait3A_62 : memref<32xi32, #tpu.memory_space<hbm>>) dst(%arg5 : memref<32xi32, #tpu.memory_space<vmem>>)
      tpu.yield
    }) : () -> ()
    %dma_start3A_23 = arith.constant 0 : i32
    %dma_start3A_24 = arith.constant 0 : i32
    %dma_start3A_25 = tpu.memref_slice %arg3[%dma_start3A_23, %dma_start3A_24] : memref<2048x768xf32, #tpu.memory_space<hbm>> -> memref<2048x768xf32, #tpu.memory_space<hbm>>
    tpu.enqueue_indirect_dma source(%dma_start3A_25 : memref<2048x768xf32, #tpu.memory_space<hbm>>) target(%arg6 : memref<32x768xf32, #tpu.memory_space<vmem>>) offsets(%arg5 : memref<32xi32, #tpu.memory_space<vmem>>) semaphore(%arg7 : memref<!tpu.dma_semaphore, #tpu.memory_space<semaphore_mem>>)
    %dma_wait3A_26 = arith.constant 0 : i32
    %dma_wait3A_27 = arith.constant 0 : i32
    %dma_wait3A_28 = tpu.memref_slice %arg3[%dma_wait3A_26, %dma_wait3A_27] : memref<2048x768xf32, #tpu.memory_space<hbm>> -> memref<2048x768xf32, #tpu.memory_space<hbm>>
    tpu.wait_indirect_dma semaphore(%arg7 : memref<!tpu.dma_semaphore, #tpu.memory_space<semaphore_mem>>) src(%dma_wait3A_28 : memref<2048x768xf32, #tpu.memory_space<hbm>>) dst(%arg6 : memref<32x768xf32, #tpu.memory_space<vmem>>)
    "tpu.region"() ({
      %run_scoped3A = tpu.sem_alloc : memref<!tpu.dma_semaphore, #tpu.memory_space<semaphore_mem>>
      %dma_start3A_59 = arith.constant 0 : i32
      %dma_start3A_60 = tpu.memref_slice %arg4[%add3A_22, %dma_start3A_59] : memref<6144x768xf32, #tpu.memory_space<hbm>> -> memref<32x768xf32, #tpu.memory_space<hbm>>
      %dma_start3A_61 = arith.constant 0 : i32
      %dma_start3A_62 = tpu.memref_slice %arg4[%add3A_22, %dma_start3A_61] : memref<6144x768xf32, #tpu.memory_space<hbm>> -> memref<32x768xf32, #tpu.memory_space<hbm>>
      tpu.enqueue_dma source(%arg6 : memref<32x768xf32, #tpu.memory_space<vmem>>) target(%dma_start3A_62 : memref<32x768xf32, #tpu.memory_space<hbm>>) target_semaphore(%run_scoped3A : memref<!tpu.dma_semaphore, #tpu.memory_space<semaphore_mem>>)
      %dma_wait3A_63 = arith.constant 0 : i32
      %dma_wait3A_64 = tpu.memref_slice %arg4[%add3A_22, %dma_wait3A_63] : memref<6144x768xf32, #tpu.memory_space<hbm>> -> memref<32x768xf32, #tpu.memory_space<hbm>>
      %dma_wait3A_65 = arith.constant 0 : i32
      %dma_wait3A_66 = tpu.memref_slice %arg4[%add3A_22, %dma_wait3A_65] : memref<6144x768xf32, #tpu.memory_space<hbm>> -> memref<32x768xf32, #tpu.memory_space<hbm>>
      tpu.wait_dma2 semaphore(%run_scoped3A : memref<!tpu.dma_semaphore, #tpu.memory_space<semaphore_mem>>) src(%arg6 : memref<32x768xf32, #tpu.memory_space<vmem>>) dst(%dma_wait3A_66 : memref<32x768xf32, #tpu.memory_space<hbm>>)
      tpu.yield
    }) : () -> ()
    %mul3A_29 = arith.constant 192 : i32
    %mul3A_30 = arith.muli %add3A, %mul3A_29 : i32
    %add3A_31 = arith.constant 96 : i32
    %add3A_32 = arith.addi %mul3A_30, %add3A_31 : i32
    "tpu.region"() ({
      %run_scoped3A = tpu.sem_alloc : memref<!tpu.dma_semaphore, #tpu.memory_space<semaphore_mem>>
      %dma_start3A_59 = tpu.memref_slice %arg2[%add3A_32] : memref<6144xi32, #tpu.memory_space<hbm>> -> memref<32xi32, #tpu.memory_space<hbm>>
      %dma_start3A_60 = tpu.memref_slice %arg2[%add3A_32] : memref<6144xi32, #tpu.memory_space<hbm>> -> memref<32xi32, #tpu.memory_space<hbm>>
      tpu.enqueue_dma source(%dma_start3A_60 : memref<32xi32, #tpu.memory_space<hbm>>) target(%arg5 : memref<32xi32, #tpu.memory_space<vmem>>) target_semaphore(%run_scoped3A : memref<!tpu.dma_semaphore, #tpu.memory_space<semaphore_mem>>)
      %dma_wait3A_61 = tpu.memref_slice %arg2[%add3A_32] : memref<6144xi32, #tpu.memory_space<hbm>> -> memref<32xi32, #tpu.memory_space<hbm>>
      %dma_wait3A_62 = tpu.memref_slice %arg2[%add3A_32] : memref<6144xi32, #tpu.memory_space<hbm>> -> memref<32xi32, #tpu.memory_space<hbm>>
      tpu.wait_dma2 semaphore(%run_scoped3A : memref<!tpu.dma_semaphore, #tpu.memory_space<semaphore_mem>>) src(%dma_wait3A_62 : memref<32xi32, #tpu.memory_space<hbm>>) dst(%arg5 : memref<32xi32, #tpu.memory_space<vmem>>)
      tpu.yield
    }) : () -> ()
    %dma_start3A_33 = arith.constant 0 : i32
    %dma_start3A_34 = arith.constant 0 : i32
    %dma_start3A_35 = tpu.memref_slice %arg3[%dma_start3A_33, %dma_start3A_34] : memref<2048x768xf32, #tpu.memory_space<hbm>> -> memref<2048x768xf32, #tpu.memory_space<hbm>>
    tpu.enqueue_indirect_dma source(%dma_start3A_35 : memref<2048x768xf32, #tpu.memory_space<hbm>>) target(%arg6 : memref<32x768xf32, #tpu.memory_space<vmem>>) offsets(%arg5 : memref<32xi32, #tpu.memory_space<vmem>>) semaphore(%arg7 : memref<!tpu.dma_semaphore, #tpu.memory_space<semaphore_mem>>)
    %dma_wait3A_36 = arith.constant 0 : i32
    %dma_wait3A_37 = arith.constant 0 : i32
    %dma_wait3A_38 = tpu.memref_slice %arg3[%dma_wait3A_36, %dma_wait3A_37] : memref<2048x768xf32, #tpu.memory_space<hbm>> -> memref<2048x768xf32, #tpu.memory_space<hbm>>
    tpu.wait_indirect_dma semaphore(%arg7 : memref<!tpu.dma_semaphore, #tpu.memory_space<semaphore_mem>>) src(%dma_wait3A_38 : memref<2048x768xf32, #tpu.memory_space<hbm>>) dst(%arg6 : memref<32x768xf32, #tpu.memory_space<vmem>>)
    "tpu.region"() ({
      %run_scoped3A = tpu.sem_alloc : memref<!tpu.dma_semaphore, #tpu.memory_space<semaphore_mem>>
      %dma_start3A_59 = arith.constant 0 : i32
      %dma_start3A_60 = tpu.memref_slice %arg4[%add3A_32, %dma_start3A_59] : memref<6144x768xf32, #tpu.memory_space<hbm>> -> memref<32x768xf32, #tpu.memory_space<hbm>>
      %dma_start3A_61 = arith.constant 0 : i32
      %dma_start3A_62 = tpu.memref_slice %arg4[%add3A_32, %dma_start3A_61] : memref<6144x768xf32, #tpu.memory_space<hbm>> -> memref<32x768xf32, #tpu.memory_space<hbm>>
      tpu.enqueue_dma source(%arg6 : memref<32x768xf32, #tpu.memory_space<vmem>>) target(%dma_start3A_62 : memref<32x768xf32, #tpu.memory_space<hbm>>) target_semaphore(%run_scoped3A : memref<!tpu.dma_semaphore, #tpu.memory_space<semaphore_mem>>)
      %dma_wait3A_63 = arith.constant 0 : i32
      %dma_wait3A_64 = tpu.memref_slice %arg4[%add3A_32, %dma_wait3A_63] : memref<6144x768xf32, #tpu.memory_space<hbm>> -> memref<32x768xf32, #tpu.memory_space<hbm>>
      %dma_wait3A_65 = arith.constant 0 : i32
      %dma_wait3A_66 = tpu.memref_slice %arg4[%add3A_32, %dma_wait3A_65] : memref<6144x768xf32, #tpu.memory_space<hbm>> -> memref<32x768xf32, #tpu.memory_space<hbm>>
      tpu.wait_dma2 semaphore(%run_scoped3A : memref<!tpu.dma_semaphore, #tpu.memory_space<semaphore_mem>>) src(%arg6 : memref<32x768xf32, #tpu.memory_space<vmem>>) dst(%dma_wait3A_66 : memref<32x768xf32, #tpu.memory_space<hbm>>)
      tpu.yield
    }) : () -> ()
    %mul3A_39 = arith.constant 192 : i32
    %mul3A_40 = arith.muli %add3A, %mul3A_39 : i32
    %add3A_41 = arith.constant 128 : i32
    %add3A_42 = arith.addi %mul3A_40, %add3A_41 : i32
    "tpu.region"() ({
      %run_scoped3A = tpu.sem_alloc : memref<!tpu.dma_semaphore, #tpu.memory_space<semaphore_mem>>
      %dma_start3A_59 = tpu.memref_slice %arg2[%add3A_42] : memref<6144xi32, #tpu.memory_space<hbm>> -> memref<32xi32, #tpu.memory_space<hbm>>
      %dma_start3A_60 = tpu.memref_slice %arg2[%add3A_42] : memref<6144xi32, #tpu.memory_space<hbm>> -> memref<32xi32, #tpu.memory_space<hbm>>
      tpu.enqueue_dma source(%dma_start3A_60 : memref<32xi32, #tpu.memory_space<hbm>>) target(%arg5 : memref<32xi32, #tpu.memory_space<vmem>>) target_semaphore(%run_scoped3A : memref<!tpu.dma_semaphore, #tpu.memory_space<semaphore_mem>>)
      %dma_wait3A_61 = tpu.memref_slice %arg2[%add3A_42] : memref<6144xi32, #tpu.memory_space<hbm>> -> memref<32xi32, #tpu.memory_space<hbm>>
      %dma_wait3A_62 = tpu.memref_slice %arg2[%add3A_42] : memref<6144xi32, #tpu.memory_space<hbm>> -> memref<32xi32, #tpu.memory_space<hbm>>
      tpu.wait_dma2 semaphore(%run_scoped3A : memref<!tpu.dma_semaphore, #tpu.memory_space<semaphore_mem>>) src(%dma_wait3A_62 : memref<32xi32, #tpu.memory_space<hbm>>) dst(%arg5 : memref<32xi32, #tpu.memory_space<vmem>>)
      tpu.yield
    }) : () -> ()
    %dma_start3A_43 = arith.constant 0 : i32
    %dma_start3A_44 = arith.constant 0 : i32
    %dma_start3A_45 = tpu.memref_slice %arg3[%dma_start3A_43, %dma_start3A_44] : memref<2048x768xf32, #tpu.memory_space<hbm>> -> memref<2048x768xf32, #tpu.memory_space<hbm>>
    tpu.enqueue_indirect_dma source(%dma_start3A_45 : memref<2048x768xf32, #tpu.memory_space<hbm>>) target(%arg6 : memref<32x768xf32, #tpu.memory_space<vmem>>) offsets(%arg5 : memref<32xi32, #tpu.memory_space<vmem>>) semaphore(%arg7 : memref<!tpu.dma_semaphore, #tpu.memory_space<semaphore_mem>>)
    %dma_wait3A_46 = arith.constant 0 : i32
    %dma_wait3A_47 = arith.constant 0 : i32
    %dma_wait3A_48 = tpu.memref_slice %arg3[%dma_wait3A_46, %dma_wait3A_47] : memref<2048x768xf32, #tpu.memory_space<hbm>> -> memref<2048x768xf32, #tpu.memory_space<hbm>>
    tpu.wait_indirect_dma semaphore(%arg7 : memref<!tpu.dma_semaphore, #tpu.memory_space<semaphore_mem>>) src(%dma_wait3A_48 : memref<2048x768xf32, #tpu.memory_space<hbm>>) dst(%arg6 : memref<32x768xf32, #tpu.memory_space<vmem>>)
    "tpu.region"() ({
      %run_scoped3A = tpu.sem_alloc : memref<!tpu.dma_semaphore, #tpu.memory_space<semaphore_mem>>
      %dma_start3A_59 = arith.constant 0 : i32
      %dma_start3A_60 = tpu.memref_slice %arg4[%add3A_42, %dma_start3A_59] : memref<6144x768xf32, #tpu.memory_space<hbm>> -> memref<32x768xf32, #tpu.memory_space<hbm>>
      %dma_start3A_61 = arith.constant 0 : i32
      %dma_start3A_62 = tpu.memref_slice %arg4[%add3A_42, %dma_start3A_61] : memref<6144x768xf32, #tpu.memory_space<hbm>> -> memref<32x768xf32, #tpu.memory_space<hbm>>
      tpu.enqueue_dma source(%arg6 : memref<32x768xf32, #tpu.memory_space<vmem>>) target(%dma_start3A_62 : memref<32x768xf32, #tpu.memory_space<hbm>>) target_semaphore(%run_scoped3A : memref<!tpu.dma_semaphore, #tpu.memory_space<semaphore_mem>>)
      %dma_wait3A_63 = arith.constant 0 : i32
      %dma_wait3A_64 = tpu.memref_slice %arg4[%add3A_42, %dma_wait3A_63] : memref<6144x768xf32, #tpu.memory_space<hbm>> -> memref<32x768xf32, #tpu.memory_space<hbm>>
      %dma_wait3A_65 = arith.constant 0 : i32
      %dma_wait3A_66 = tpu.memref_slice %arg4[%add3A_42, %dma_wait3A_65] : memref<6144x768xf32, #tpu.memory_space<hbm>> -> memref<32x768xf32, #tpu.memory_space<hbm>>
      tpu.wait_dma2 semaphore(%run_scoped3A : memref<!tpu.dma_semaphore, #tpu.memory_space<semaphore_mem>>) src(%arg6 : memref<32x768xf32, #tpu.memory_space<vmem>>) dst(%dma_wait3A_66 : memref<32x768xf32, #tpu.memory_space<hbm>>)
      tpu.yield
    }) : () -> ()
    %mul3A_49 = arith.constant 192 : i32
    %mul3A_50 = arith.muli %add3A, %mul3A_49 : i32
    %add3A_51 = arith.constant 160 : i32
    %add3A_52 = arith.addi %mul3A_50, %add3A_51 : i32
    "tpu.region"() ({
      %run_scoped3A = tpu.sem_alloc : memref<!tpu.dma_semaphore, #tpu.memory_space<semaphore_mem>>
      %dma_start3A_59 = tpu.memref_slice %arg2[%add3A_52] : memref<6144xi32, #tpu.memory_space<hbm>> -> memref<32xi32, #tpu.memory_space<hbm>>
      %dma_start3A_60 = tpu.memref_slice %arg2[%add3A_52] : memref<6144xi32, #tpu.memory_space<hbm>> -> memref<32xi32, #tpu.memory_space<hbm>>
      tpu.enqueue_dma source(%dma_start3A_60 : memref<32xi32, #tpu.memory_space<hbm>>) target(%arg5 : memref<32xi32, #tpu.memory_space<vmem>>) target_semaphore(%run_scoped3A : memref<!tpu.dma_semaphore, #tpu.memory_space<semaphore_mem>>)
      %dma_wait3A_61 = tpu.memref_slice %arg2[%add3A_52] : memref<6144xi32, #tpu.memory_space<hbm>> -> memref<32xi32, #tpu.memory_space<hbm>>
      %dma_wait3A_62 = tpu.memref_slice %arg2[%add3A_52] : memref<6144xi32, #tpu.memory_space<hbm>> -> memref<32xi32, #tpu.memory_space<hbm>>
      tpu.wait_dma2 semaphore(%run_scoped3A : memref<!tpu.dma_semaphore, #tpu.memory_space<semaphore_mem>>) src(%dma_wait3A_62 : memref<32xi32, #tpu.memory_space<hbm>>) dst(%arg5 : memref<32xi32, #tpu.memory_space<vmem>>)
      tpu.yield
    }) : () -> ()
    %dma_start3A_53 = arith.constant 0 : i32
    %dma_start3A_54 = arith.constant 0 : i32
    %dma_start3A_55 = tpu.memref_slice %arg3[%dma_start3A_53, %dma_start3A_54] : memref<2048x768xf32, #tpu.memory_space<hbm>> -> memref<2048x768xf32, #tpu.memory_space<hbm>>
    tpu.enqueue_indirect_dma source(%dma_start3A_55 : memref<2048x768xf32, #tpu.memory_space<hbm>>) target(%arg6 : memref<32x768xf32, #tpu.memory_space<vmem>>) offsets(%arg5 : memref<32xi32, #tpu.memory_space<vmem>>) semaphore(%arg7 : memref<!tpu.dma_semaphore, #tpu.memory_space<semaphore_mem>>)
    %dma_wait3A_56 = arith.constant 0 : i32
    %dma_wait3A_57 = arith.constant 0 : i32
    %dma_wait3A_58 = tpu.memref_slice %arg3[%dma_wait3A_56, %dma_wait3A_57] : memref<2048x768xf32, #tpu.memory_space<hbm>> -> memref<2048x768xf32, #tpu.memory_space<hbm>>
    tpu.wait_indirect_dma semaphore(%arg7 : memref<!tpu.dma_semaphore, #tpu.memory_space<semaphore_mem>>) src(%dma_wait3A_58 : memref<2048x768xf32, #tpu.memory_space<hbm>>) dst(%arg6 : memref<32x768xf32, #tpu.memory_space<vmem>>)
    "tpu.region"() ({
      %run_scoped3A = tpu.sem_alloc : memref<!tpu.dma_semaphore, #tpu.memory_space<semaphore_mem>>
      %dma_start3A_59 = arith.constant 0 : i32
      %dma_start3A_60 = tpu.memref_slice %arg4[%add3A_52, %dma_start3A_59] : memref<6144x768xf32, #tpu.memory_space<hbm>> -> memref<32x768xf32, #tpu.memory_space<hbm>>
      %dma_start3A_61 = arith.constant 0 : i32
      %dma_start3A_62 = tpu.memref_slice %arg4[%add3A_52, %dma_start3A_61] : memref<6144x768xf32, #tpu.memory_space<hbm>> -> memref<32x768xf32, #tpu.memory_space<hbm>>
      tpu.enqueue_dma source(%arg6 : memref<32x768xf32, #tpu.memory_space<vmem>>) target(%dma_start3A_62 : memref<32x768xf32, #tpu.memory_space<hbm>>) target_semaphore(%run_scoped3A : memref<!tpu.dma_semaphore, #tpu.memory_space<semaphore_mem>>)
      %dma_wait3A_63 = arith.constant 0 : i32
      %dma_wait3A_64 = tpu.memref_slice %arg4[%add3A_52, %dma_wait3A_63] : memref<6144x768xf32, #tpu.memory_space<hbm>> -> memref<32x768xf32, #tpu.memory_space<hbm>>
      %dma_wait3A_65 = arith.constant 0 : i32
      %dma_wait3A_66 = tpu.memref_slice %arg4[%add3A_52, %dma_wait3A_65] : memref<6144x768xf32, #tpu.memory_space<hbm>> -> memref<32x768xf32, #tpu.memory_space<hbm>>
      tpu.wait_dma2 semaphore(%run_scoped3A : memref<!tpu.dma_semaphore, #tpu.memory_space<semaphore_mem>>) src(%arg6 : memref<32x768xf32, #tpu.memory_space<vmem>>) dst(%dma_wait3A_66 : memref<32x768xf32, #tpu.memory_space<hbm>>)
      tpu.yield
    }) : () -> ()
    return
  }
}

#map = affine_map<(d0, d1) -> (0)>
module attributes {stable_mosaic.version = 14 : i64} {
  func.func @_scatter_rows_body(%arg0: i32, %arg1: i32, %arg2: memref<2048xi32, #tpu.memory_space<hbm>>, %arg3: memref<2048xi32, #tpu.memory_space<hbm>>, %arg4: memref<2048xf32, #tpu.memory_space<hbm>>, %arg5: memref<2048xf32, #tpu.memory_space<hbm>>, %arg6: memref<6144xi32, #tpu.memory_space<hbm>>, %arg7: memref<6144xf32, #tpu.memory_space<hbm>>, %arg8: memref<128xi32, #tpu.memory_space<vmem>>, %arg9: memref<128xi32, #tpu.memory_space<vmem>>, %arg10: memref<128xf32, #tpu.memory_space<vmem>>, %arg11: memref<128xf32, #tpu.memory_space<vmem>>, %arg12: memref<128xi32, #tpu.memory_space<vmem>>, %arg13: memref<384xi32, #tpu.memory_space<vmem>>, %arg14: memref<384xf32, #tpu.memory_space<vmem>>, %arg15: memref<!tpu.dma_semaphore, #tpu.memory_space<semaphore_mem>>) attributes {dimension_semantics = [#tpu.dimension_semantics<core_parallel>, #tpu.dimension_semantics<subcore_parallel>], iteration_bounds = array<i64: 2, 16>, scalar_prefetch = 0 : i64, scratch_operands = 8 : i64, tpu.core_type = #tpu.core_type<sc_vector_subcore>, window_params = [{transform_indices = #map}, {transform_indices = #map}, {transform_indices = #map}, {transform_indices = #map}, {transform_indices = #map}, {transform_indices = #map}]} {
    %mul3A = arith.constant 128 : i32
    %mul3A_0 = arith.muli %arg1, %mul3A : i32
    %iota3A = tpu.iota {dimensions = array<i32: 0>} : vector<16xi32>
    %eq3A = arith.constant 0 : i32
    %eq3A_1 = arith.cmpi eq, %arg0, %eq3A : i32
    %convert_element_type3A = arith.extui %eq3A_1 : i1 to i32
    %cond3A = arith.constant 0 : i32
    %cond3A_2 = arith.cmpi ne, %convert_element_type3A, %cond3A : i32
    scf.if %cond3A_2 {
      %broadcast_in_dim3A = arith.constant 0 : i32
      %broadcast_in_dim3A_8 = vector.broadcast %broadcast_in_dim3A : i32 to vector<16xi32>
      %swap3A = arith.constant 0 : index
      %swap3A_9 = tpu.vector_load %arg13[%swap3A] {strides = array<i32>} : memref<384xi32, #tpu.memory_space<vmem>>, vector<16xi32>,
      %swap3A_10 = vector.shape_cast %swap3A_9 : vector<16xi32> to vector<16xi32>
      %swap3A_11 = vector.shape_cast %broadcast_in_dim3A_8 : vector<16xi32> to vector<16xi32>
      tpu.vector_store %arg13[%swap3A], %swap3A_11 {strides = array<i32>} : memref<384xi32, #tpu.memory_space<vmem>>, vector<16xi32>,
      %broadcast_in_dim3A_12 = arith.constant 0.000000e+00 : f32
      %broadcast_in_dim3A_13 = vector.broadcast %broadcast_in_dim3A_12 : f32 to vector<16xf32>
      %swap3A_14 = arith.constant 0 : index
      %swap3A_15 = tpu.vector_load %arg14[%swap3A_14] {strides = array<i32>} : memref<384xf32, #tpu.memory_space<vmem>>, vector<16xf32>,
      %swap3A_16 = vector.shape_cast %swap3A_15 : vector<16xf32> to vector<16xf32>
      %swap3A_17 = vector.shape_cast %broadcast_in_dim3A_13 : vector<16xf32> to vector<16xf32>
      tpu.vector_store %arg14[%swap3A_14], %swap3A_17 {strides = array<i32>} : memref<384xf32, #tpu.memory_space<vmem>>, vector<16xf32>,
      %broadcast_in_dim3A_18 = arith.constant 0 : i32
      %broadcast_in_dim3A_19 = vector.broadcast %broadcast_in_dim3A_18 : i32 to vector<16xi32>
      %swap3A_20 = arith.constant 16 : index
      %swap3A_21 = tpu.vector_load %arg13[%swap3A_20] {strides = array<i32>} : memref<384xi32, #tpu.memory_space<vmem>>, vector<16xi32>,
      %swap3A_22 = vector.shape_cast %swap3A_21 : vector<16xi32> to vector<16xi32>
      %swap3A_23 = vector.shape_cast %broadcast_in_dim3A_19 : vector<16xi32> to vector<16xi32>
      tpu.vector_store %arg13[%swap3A_20], %swap3A_23 {strides = array<i32>} : memref<384xi32, #tpu.memory_space<vmem>>, vector<16xi32>,
      %broadcast_in_dim3A_24 = arith.constant 0.000000e+00 : f32
      %broadcast_in_dim3A_25 = vector.broadcast %broadcast_in_dim3A_24 : f32 to vector<16xf32>
      %swap3A_26 = arith.constant 16 : index
      %swap3A_27 = tpu.vector_load %arg14[%swap3A_26] {strides = array<i32>} : memref<384xf32, #tpu.memory_space<vmem>>, vector<16xf32>,
      %swap3A_28 = vector.shape_cast %swap3A_27 : vector<16xf32> to vector<16xf32>
      %swap3A_29 = vector.shape_cast %broadcast_in_dim3A_25 : vector<16xf32> to vector<16xf32>
      tpu.vector_store %arg14[%swap3A_26], %swap3A_29 {strides = array<i32>} : memref<384xf32, #tpu.memory_space<vmem>>, vector<16xf32>,
      %broadcast_in_dim3A_30 = arith.constant 0 : i32
      %broadcast_in_dim3A_31 = vector.broadcast %broadcast_in_dim3A_30 : i32 to vector<16xi32>
      %swap3A_32 = arith.constant 32 : index
      %swap3A_33 = tpu.vector_load %arg13[%swap3A_32] {strides = array<i32>} : memref<384xi32, #tpu.memory_space<vmem>>, vector<16xi32>,
      %swap3A_34 = vector.shape_cast %swap3A_33 : vector<16xi32> to vector<16xi32>
      %swap3A_35 = vector.shape_cast %broadcast_in_dim3A_31 : vector<16xi32> to vector<16xi32>
      tpu.vector_store %arg13[%swap3A_32], %swap3A_35 {strides = array<i32>} : memref<384xi32, #tpu.memory_space<vmem>>, vector<16xi32>,
      %broadcast_in_dim3A_36 = arith.constant 0.000000e+00 : f32
      %broadcast_in_dim3A_37 = vector.broadcast %broadcast_in_dim3A_36 : f32 to vector<16xf32>
      %swap3A_38 = arith.constant 32 : index
      %swap3A_39 = tpu.vector_load %arg14[%swap3A_38] {strides = array<i32>} : memref<384xf32, #tpu.memory_space<vmem>>, vector<16xf32>,
      %swap3A_40 = vector.shape_cast %swap3A_39 : vector<16xf32> to vector<16xf32>
      %swap3A_41 = vector.shape_cast %broadcast_in_dim3A_37 : vector<16xf32> to vector<16xf32>
      tpu.vector_store %arg14[%swap3A_38], %swap3A_41 {strides = array<i32>} : memref<384xf32, #tpu.memory_space<vmem>>, vector<16xf32>,
      %broadcast_in_dim3A_42 = arith.constant 0 : i32
      %broadcast_in_dim3A_43 = vector.broadcast %broadcast_in_dim3A_42 : i32 to vector<16xi32>
      %swap3A_44 = arith.constant 48 : index
      %swap3A_45 = tpu.vector_load %arg13[%swap3A_44] {strides = array<i32>} : memref<384xi32, #tpu.memory_space<vmem>>, vector<16xi32>,
      %swap3A_46 = vector.shape_cast %swap3A_45 : vector<16xi32> to vector<16xi32>
      %swap3A_47 = vector.shape_cast %broadcast_in_dim3A_43 : vector<16xi32> to vector<16xi32>
      tpu.vector_store %arg13[%swap3A_44], %swap3A_47 {strides = array<i32>} : memref<384xi32, #tpu.memory_space<vmem>>, vector<16xi32>,
      %broadcast_in_dim3A_48 = arith.constant 0.000000e+00 : f32
      %broadcast_in_dim3A_49 = vector.broadcast %broadcast_in_dim3A_48 : f32 to vector<16xf32>
      %swap3A_50 = arith.constant 48 : index
      %swap3A_51 = tpu.vector_load %arg14[%swap3A_50] {strides = array<i32>} : memref<384xf32, #tpu.memory_space<vmem>>, vector<16xf32>,
      %swap3A_52 = vector.shape_cast %swap3A_51 : vector<16xf32> to vector<16xf32>
      %swap3A_53 = vector.shape_cast %broadcast_in_dim3A_49 : vector<16xf32> to vector<16xf32>
      tpu.vector_store %arg14[%swap3A_50], %swap3A_53 {strides = array<i32>} : memref<384xf32, #tpu.memory_space<vmem>>, vector<16xf32>,
      %broadcast_in_dim3A_54 = arith.constant 0 : i32
      %broadcast_in_dim3A_55 = vector.broadcast %broadcast_in_dim3A_54 : i32 to vector<16xi32>
      %swap3A_56 = arith.constant 64 : index
      %swap3A_57 = tpu.vector_load %arg13[%swap3A_56] {strides = array<i32>} : memref<384xi32, #tpu.memory_space<vmem>>, vector<16xi32>,
      %swap3A_58 = vector.shape_cast %swap3A_57 : vector<16xi32> to vector<16xi32>
      %swap3A_59 = vector.shape_cast %broadcast_in_dim3A_55 : vector<16xi32> to vector<16xi32>
      tpu.vector_store %arg13[%swap3A_56], %swap3A_59 {strides = array<i32>} : memref<384xi32, #tpu.memory_space<vmem>>, vector<16xi32>,
      %broadcast_in_dim3A_60 = arith.constant 0.000000e+00 : f32
      %broadcast_in_dim3A_61 = vector.broadcast %broadcast_in_dim3A_60 : f32 to vector<16xf32>
      %swap3A_62 = arith.constant 64 : index
      %swap3A_63 = tpu.vector_load %arg14[%swap3A_62] {strides = array<i32>} : memref<384xf32, #tpu.memory_space<vmem>>, vector<16xf32>,
      %swap3A_64 = vector.shape_cast %swap3A_63 : vector<16xf32> to vector<16xf32>
      %swap3A_65 = vector.shape_cast %broadcast_in_dim3A_61 : vector<16xf32> to vector<16xf32>
      tpu.vector_store %arg14[%swap3A_62], %swap3A_65 {strides = array<i32>} : memref<384xf32, #tpu.memory_space<vmem>>, vector<16xf32>,
      %broadcast_in_dim3A_66 = arith.constant 0 : i32
      %broadcast_in_dim3A_67 = vector.broadcast %broadcast_in_dim3A_66 : i32 to vector<16xi32>
      %swap3A_68 = arith.constant 80 : index
      %swap3A_69 = tpu.vector_load %arg13[%swap3A_68] {strides = array<i32>} : memref<384xi32, #tpu.memory_space<vmem>>, vector<16xi32>,
      %swap3A_70 = vector.shape_cast %swap3A_69 : vector<16xi32> to vector<16xi32>
      %swap3A_71 = vector.shape_cast %broadcast_in_dim3A_67 : vector<16xi32> to vector<16xi32>
      tpu.vector_store %arg13[%swap3A_68], %swap3A_71 {strides = array<i32>} : memref<384xi32, #tpu.memory_space<vmem>>, vector<16xi32>,
      %broadcast_in_dim3A_72 = arith.constant 0.000000e+00 : f32
      %broadcast_in_dim3A_73 = vector.broadcast %broadcast_in_dim3A_72 : f32 to vector<16xf32>
      %swap3A_74 = arith.constant 80 : index
      %swap3A_75 = tpu.vector_load %arg14[%swap3A_74] {strides = array<i32>} : memref<384xf32, #tpu.memory_space<vmem>>, vector<16xf32>,
      %swap3A_76 = vector.shape_cast %swap3A_75 : vector<16xf32> to vector<16xf32>
      %swap3A_77 = vector.shape_cast %broadcast_in_dim3A_73 : vector<16xf32> to vector<16xf32>
      tpu.vector_store %arg14[%swap3A_74], %swap3A_77 {strides = array<i32>} : memref<384xf32, #tpu.memory_space<vmem>>, vector<16xf32>,
      %broadcast_in_dim3A_78 = arith.constant 0 : i32
      %broadcast_in_dim3A_79 = vector.broadcast %broadcast_in_dim3A_78 : i32 to vector<16xi32>
      %swap3A_80 = arith.constant 96 : index
      %swap3A_81 = tpu.vector_load %arg13[%swap3A_80] {strides = array<i32>} : memref<384xi32, #tpu.memory_space<vmem>>, vector<16xi32>,
      %swap3A_82 = vector.shape_cast %swap3A_81 : vector<16xi32> to vector<16xi32>
      %swap3A_83 = vector.shape_cast %broadcast_in_dim3A_79 : vector<16xi32> to vector<16xi32>
      tpu.vector_store %arg13[%swap3A_80], %swap3A_83 {strides = array<i32>} : memref<384xi32, #tpu.memory_space<vmem>>, vector<16xi32>,
      %broadcast_in_dim3A_84 = arith.constant 0.000000e+00 : f32
      %broadcast_in_dim3A_85 = vector.broadcast %broadcast_in_dim3A_84 : f32 to vector<16xf32>
      %swap3A_86 = arith.constant 96 : index
      %swap3A_87 = tpu.vector_load %arg14[%swap3A_86] {strides = array<i32>} : memref<384xf32, #tpu.memory_space<vmem>>, vector<16xf32>,
      %swap3A_88 = vector.shape_cast %swap3A_87 : vector<16xf32> to vector<16xf32>
      %swap3A_89 = vector.shape_cast %broadcast_in_dim3A_85 : vector<16xf32> to vector<16xf32>
      tpu.vector_store %arg14[%swap3A_86], %swap3A_89 {strides = array<i32>} : memref<384xf32, #tpu.memory_space<vmem>>, vector<16xf32>,
      %broadcast_in_dim3A_90 = arith.constant 0 : i32
      %broadcast_in_dim3A_91 = vector.broadcast %broadcast_in_dim3A_90 : i32 to vector<16xi32>
      %swap3A_92 = arith.constant 112 : index
      %swap3A_93 = tpu.vector_load %arg13[%swap3A_92] {strides = array<i32>} : memref<384xi32, #tpu.memory_space<vmem>>, vector<16xi32>,
      %swap3A_94 = vector.shape_cast %swap3A_93 : vector<16xi32> to vector<16xi32>
      %swap3A_95 = vector.shape_cast %broadcast_in_dim3A_91 : vector<16xi32> to vector<16xi32>
      tpu.vector_store %arg13[%swap3A_92], %swap3A_95 {strides = array<i32>} : memref<384xi32, #tpu.memory_space<vmem>>, vector<16xi32>,
      %broadcast_in_dim3A_96 = arith.constant 0.000000e+00 : f32
      %broadcast_in_dim3A_97 = vector.broadcast %broadcast_in_dim3A_96 : f32 to vector<16xf32>
      %swap3A_98 = arith.constant 112 : index
      %swap3A_99 = tpu.vector_load %arg14[%swap3A_98] {strides = array<i32>} : memref<384xf32, #tpu.memory_space<vmem>>, vector<16xf32>,
      %swap3A_100 = vector.shape_cast %swap3A_99 : vector<16xf32> to vector<16xf32>
      %swap3A_101 = vector.shape_cast %broadcast_in_dim3A_97 : vector<16xf32> to vector<16xf32>
      tpu.vector_store %arg14[%swap3A_98], %swap3A_101 {strides = array<i32>} : memref<384xf32, #tpu.memory_space<vmem>>, vector<16xf32>,
      %broadcast_in_dim3A_102 = arith.constant 0 : i32
      %broadcast_in_dim3A_103 = vector.broadcast %broadcast_in_dim3A_102 : i32 to vector<16xi32>
      %swap3A_104 = arith.constant 128 : index
      %swap3A_105 = tpu.vector_load %arg13[%swap3A_104] {strides = array<i32>} : memref<384xi32, #tpu.memory_space<vmem>>, vector<16xi32>,
      %swap3A_106 = vector.shape_cast %swap3A_105 : vector<16xi32> to vector<16xi32>
      %swap3A_107 = vector.shape_cast %broadcast_in_dim3A_103 : vector<16xi32> to vector<16xi32>
      tpu.vector_store %arg13[%swap3A_104], %swap3A_107 {strides = array<i32>} : memref<384xi32, #tpu.memory_space<vmem>>, vector<16xi32>,
      %broadcast_in_dim3A_108 = arith.constant 0.000000e+00 : f32
      %broadcast_in_dim3A_109 = vector.broadcast %broadcast_in_dim3A_108 : f32 to vector<16xf32>
      %swap3A_110 = arith.constant 128 : index
      %swap3A_111 = tpu.vector_load %arg14[%swap3A_110] {strides = array<i32>} : memref<384xf32, #tpu.memory_space<vmem>>, vector<16xf32>,
      %swap3A_112 = vector.shape_cast %swap3A_111 : vector<16xf32> to vector<16xf32>
      %swap3A_113 = vector.shape_cast %broadcast_in_dim3A_109 : vector<16xf32> to vector<16xf32>
      tpu.vector_store %arg14[%swap3A_110], %swap3A_113 {strides = array<i32>} : memref<384xf32, #tpu.memory_space<vmem>>, vector<16xf32>,
      %broadcast_in_dim3A_114 = arith.constant 0 : i32
      %broadcast_in_dim3A_115 = vector.broadcast %broadcast_in_dim3A_114 : i32 to vector<16xi32>
      %swap3A_116 = arith.constant 144 : index
      %swap3A_117 = tpu.vector_load %arg13[%swap3A_116] {strides = array<i32>} : memref<384xi32, #tpu.memory_space<vmem>>, vector<16xi32>,
      %swap3A_118 = vector.shape_cast %swap3A_117 : vector<16xi32> to vector<16xi32>
      %swap3A_119 = vector.shape_cast %broadcast_in_dim3A_115 : vector<16xi32> to vector<16xi32>
      tpu.vector_store %arg13[%swap3A_116], %swap3A_119 {strides = array<i32>} : memref<384xi32, #tpu.memory_space<vmem>>, vector<16xi32>,
      %broadcast_in_dim3A_120 = arith.constant 0.000000e+00 : f32
      %broadcast_in_dim3A_121 = vector.broadcast %broadcast_in_dim3A_120 : f32 to vector<16xf32>
      %swap3A_122 = arith.constant 144 : index
      %swap3A_123 = tpu.vector_load %arg14[%swap3A_122] {strides = array<i32>} : memref<384xf32, #tpu.memory_space<vmem>>, vector<16xf32>,
      %swap3A_124 = vector.shape_cast %swap3A_123 : vector<16xf32> to vector<16xf32>
      %swap3A_125 = vector.shape_cast %broadcast_in_dim3A_121 : vector<16xf32> to vector<16xf32>
      tpu.vector_store %arg14[%swap3A_122], %swap3A_125 {strides = array<i32>} : memref<384xf32, #tpu.memory_space<vmem>>, vector<16xf32>,
      %broadcast_in_dim3A_126 = arith.constant 0 : i32
      %broadcast_in_dim3A_127 = vector.broadcast %broadcast_in_dim3A_126 : i32 to vector<16xi32>
      %swap3A_128 = arith.constant 160 : index
      %swap3A_129 = tpu.vector_load %arg13[%swap3A_128] {strides = array<i32>} : memref<384xi32, #tpu.memory_space<vmem>>, vector<16xi32>,
      %swap3A_130 = vector.shape_cast %swap3A_129 : vector<16xi32> to vector<16xi32>
      %swap3A_131 = vector.shape_cast %broadcast_in_dim3A_127 : vector<16xi32> to vector<16xi32>
      tpu.vector_store %arg13[%swap3A_128], %swap3A_131 {strides = array<i32>} : memref<384xi32, #tpu.memory_space<vmem>>, vector<16xi32>,
      %broadcast_in_dim3A_132 = arith.constant 0.000000e+00 : f32
      %broadcast_in_dim3A_133 = vector.broadcast %broadcast_in_dim3A_132 : f32 to vector<16xf32>
      %swap3A_134 = arith.constant 160 : index
      %swap3A_135 = tpu.vector_load %arg14[%swap3A_134] {strides = array<i32>} : memref<384xf32, #tpu.memory_space<vmem>>, vector<16xf32>,
      %swap3A_136 = vector.shape_cast %swap3A_135 : vector<16xf32> to vector<16xf32>
      %swap3A_137 = vector.shape_cast %broadcast_in_dim3A_133 : vector<16xf32> to vector<16xf32>
      tpu.vector_store %arg14[%swap3A_134], %swap3A_137 {strides = array<i32>} : memref<384xf32, #tpu.memory_space<vmem>>, vector<16xf32>,
      %broadcast_in_dim3A_138 = arith.constant 0 : i32
      %broadcast_in_dim3A_139 = vector.broadcast %broadcast_in_dim3A_138 : i32 to vector<16xi32>
      %swap3A_140 = arith.constant 176 : index
      %swap3A_141 = tpu.vector_load %arg13[%swap3A_140] {strides = array<i32>} : memref<384xi32, #tpu.memory_space<vmem>>, vector<16xi32>,
      %swap3A_142 = vector.shape_cast %swap3A_141 : vector<16xi32> to vector<16xi32>
      %swap3A_143 = vector.shape_cast %broadcast_in_dim3A_139 : vector<16xi32> to vector<16xi32>
      tpu.vector_store %arg13[%swap3A_140], %swap3A_143 {strides = array<i32>} : memref<384xi32, #tpu.memory_space<vmem>>, vector<16xi32>,
      %broadcast_in_dim3A_144 = arith.constant 0.000000e+00 : f32
      %broadcast_in_dim3A_145 = vector.broadcast %broadcast_in_dim3A_144 : f32 to vector<16xf32>
      %swap3A_146 = arith.constant 176 : index
      %swap3A_147 = tpu.vector_load %arg14[%swap3A_146] {strides = array<i32>} : memref<384xf32, #tpu.memory_space<vmem>>, vector<16xf32>,
      %swap3A_148 = vector.shape_cast %swap3A_147 : vector<16xf32> to vector<16xf32>
      %swap3A_149 = vector.shape_cast %broadcast_in_dim3A_145 : vector<16xf32> to vector<16xf32>
      tpu.vector_store %arg14[%swap3A_146], %swap3A_149 {strides = array<i32>} : memref<384xf32, #tpu.memory_space<vmem>>, vector<16xf32>,
      %broadcast_in_dim3A_150 = arith.constant 0 : i32
      %broadcast_in_dim3A_151 = vector.broadcast %broadcast_in_dim3A_150 : i32 to vector<16xi32>
      %swap3A_152 = arith.constant 192 : index
      %swap3A_153 = tpu.vector_load %arg13[%swap3A_152] {strides = array<i32>} : memref<384xi32, #tpu.memory_space<vmem>>, vector<16xi32>,
      %swap3A_154 = vector.shape_cast %swap3A_153 : vector<16xi32> to vector<16xi32>
      %swap3A_155 = vector.shape_cast %broadcast_in_dim3A_151 : vector<16xi32> to vector<16xi32>
      tpu.vector_store %arg13[%swap3A_152], %swap3A_155 {strides = array<i32>} : memref<384xi32, #tpu.memory_space<vmem>>, vector<16xi32>,
      %broadcast_in_dim3A_156 = arith.constant 0.000000e+00 : f32
      %broadcast_in_dim3A_157 = vector.broadcast %broadcast_in_dim3A_156 : f32 to vector<16xf32>
      %swap3A_158 = arith.constant 192 : index
      %swap3A_159 = tpu.vector_load %arg14[%swap3A_158] {strides = array<i32>} : memref<384xf32, #tpu.memory_space<vmem>>, vector<16xf32>,
      %swap3A_160 = vector.shape_cast %swap3A_159 : vector<16xf32> to vector<16xf32>
      %swap3A_161 = vector.shape_cast %broadcast_in_dim3A_157 : vector<16xf32> to vector<16xf32>
      tpu.vector_store %arg14[%swap3A_158], %swap3A_161 {strides = array<i32>} : memref<384xf32, #tpu.memory_space<vmem>>, vector<16xf32>,
      %broadcast_in_dim3A_162 = arith.constant 0 : i32
      %broadcast_in_dim3A_163 = vector.broadcast %broadcast_in_dim3A_162 : i32 to vector<16xi32>
      %swap3A_164 = arith.constant 208 : index
      %swap3A_165 = tpu.vector_load %arg13[%swap3A_164] {strides = array<i32>} : memref<384xi32, #tpu.memory_space<vmem>>, vector<16xi32>,
      %swap3A_166 = vector.shape_cast %swap3A_165 : vector<16xi32> to vector<16xi32>
      %swap3A_167 = vector.shape_cast %broadcast_in_dim3A_163 : vector<16xi32> to vector<16xi32>
      tpu.vector_store %arg13[%swap3A_164], %swap3A_167 {strides = array<i32>} : memref<384xi32, #tpu.memory_space<vmem>>, vector<16xi32>,
      %broadcast_in_dim3A_168 = arith.constant 0.000000e+00 : f32
      %broadcast_in_dim3A_169 = vector.broadcast %broadcast_in_dim3A_168 : f32 to vector<16xf32>
      %swap3A_170 = arith.constant 208 : index
      %swap3A_171 = tpu.vector_load %arg14[%swap3A_170] {strides = array<i32>} : memref<384xf32, #tpu.memory_space<vmem>>, vector<16xf32>,
      %swap3A_172 = vector.shape_cast %swap3A_171 : vector<16xf32> to vector<16xf32>
      %swap3A_173 = vector.shape_cast %broadcast_in_dim3A_169 : vector<16xf32> to vector<16xf32>
      tpu.vector_store %arg14[%swap3A_170], %swap3A_173 {strides = array<i32>} : memref<384xf32, #tpu.memory_space<vmem>>, vector<16xf32>,
      %broadcast_in_dim3A_174 = arith.constant 0 : i32
      %broadcast_in_dim3A_175 = vector.broadcast %broadcast_in_dim3A_174 : i32 to vector<16xi32>
      %swap3A_176 = arith.constant 224 : index
      %swap3A_177 = tpu.vector_load %arg13[%swap3A_176] {strides = array<i32>} : memref<384xi32, #tpu.memory_space<vmem>>, vector<16xi32>,
      %swap3A_178 = vector.shape_cast %swap3A_177 : vector<16xi32> to vector<16xi32>
      %swap3A_179 = vector.shape_cast %broadcast_in_dim3A_175 : vector<16xi32> to vector<16xi32>
      tpu.vector_store %arg13[%swap3A_176], %swap3A_179 {strides = array<i32>} : memref<384xi32, #tpu.memory_space<vmem>>, vector<16xi32>,
      %broadcast_in_dim3A_180 = arith.constant 0.000000e+00 : f32
      %broadcast_in_dim3A_181 = vector.broadcast %broadcast_in_dim3A_180 : f32 to vector<16xf32>
      %swap3A_182 = arith.constant 224 : index
      %swap3A_183 = tpu.vector_load %arg14[%swap3A_182] {strides = array<i32>} : memref<384xf32, #tpu.memory_space<vmem>>, vector<16xf32>,
      %swap3A_184 = vector.shape_cast %swap3A_183 : vector<16xf32> to vector<16xf32>
      %swap3A_185 = vector.shape_cast %broadcast_in_dim3A_181 : vector<16xf32> to vector<16xf32>
      tpu.vector_store %arg14[%swap3A_182], %swap3A_185 {strides = array<i32>} : memref<384xf32, #tpu.memory_space<vmem>>, vector<16xf32>,
      %broadcast_in_dim3A_186 = arith.constant 0 : i32
      %broadcast_in_dim3A_187 = vector.broadcast %broadcast_in_dim3A_186 : i32 to vector<16xi32>
      %swap3A_188 = arith.constant 240 : index
      %swap3A_189 = tpu.vector_load %arg13[%swap3A_188] {strides = array<i32>} : memref<384xi32, #tpu.memory_space<vmem>>, vector<16xi32>,
      %swap3A_190 = vector.shape_cast %swap3A_189 : vector<16xi32> to vector<16xi32>
      %swap3A_191 = vector.shape_cast %broadcast_in_dim3A_187 : vector<16xi32> to vector<16xi32>
      tpu.vector_store %arg13[%swap3A_188], %swap3A_191 {strides = array<i32>} : memref<384xi32, #tpu.memory_space<vmem>>, vector<16xi32>,
      %broadcast_in_dim3A_192 = arith.constant 0.000000e+00 : f32
      %broadcast_in_dim3A_193 = vector.broadcast %broadcast_in_dim3A_192 : f32 to vector<16xf32>
      %swap3A_194 = arith.constant 240 : index
      %swap3A_195 = tpu.vector_load %arg14[%swap3A_194] {strides = array<i32>} : memref<384xf32, #tpu.memory_space<vmem>>, vector<16xf32>,
      %swap3A_196 = vector.shape_cast %swap3A_195 : vector<16xf32> to vector<16xf32>
      %swap3A_197 = vector.shape_cast %broadcast_in_dim3A_193 : vector<16xf32> to vector<16xf32>
      tpu.vector_store %arg14[%swap3A_194], %swap3A_197 {strides = array<i32>} : memref<384xf32, #tpu.memory_space<vmem>>, vector<16xf32>,
      %broadcast_in_dim3A_198 = arith.constant 0 : i32
      %broadcast_in_dim3A_199 = vector.broadcast %broadcast_in_dim3A_198 : i32 to vector<16xi32>
      %swap3A_200 = arith.constant 256 : index
      %swap3A_201 = tpu.vector_load %arg13[%swap3A_200] {strides = array<i32>} : memref<384xi32, #tpu.memory_space<vmem>>, vector<16xi32>,
      %swap3A_202 = vector.shape_cast %swap3A_201 : vector<16xi32> to vector<16xi32>
      %swap3A_203 = vector.shape_cast %broadcast_in_dim3A_199 : vector<16xi32> to vector<16xi32>
      tpu.vector_store %arg13[%swap3A_200], %swap3A_203 {strides = array<i32>} : memref<384xi32, #tpu.memory_space<vmem>>, vector<16xi32>,
      %broadcast_in_dim3A_204 = arith.constant 0.000000e+00 : f32
      %broadcast_in_dim3A_205 = vector.broadcast %broadcast_in_dim3A_204 : f32 to vector<16xf32>
      %swap3A_206 = arith.constant 256 : index
      %swap3A_207 = tpu.vector_load %arg14[%swap3A_206] {strides = array<i32>} : memref<384xf32, #tpu.memory_space<vmem>>, vector<16xf32>,
      %swap3A_208 = vector.shape_cast %swap3A_207 : vector<16xf32> to vector<16xf32>
      %swap3A_209 = vector.shape_cast %broadcast_in_dim3A_205 : vector<16xf32> to vector<16xf32>
      tpu.vector_store %arg14[%swap3A_206], %swap3A_209 {strides = array<i32>} : memref<384xf32, #tpu.memory_space<vmem>>, vector<16xf32>,
      %broadcast_in_dim3A_210 = arith.constant 0 : i32
      %broadcast_in_dim3A_211 = vector.broadcast %broadcast_in_dim3A_210 : i32 to vector<16xi32>
      %swap3A_212 = arith.constant 272 : index
      %swap3A_213 = tpu.vector_load %arg13[%swap3A_212] {strides = array<i32>} : memref<384xi32, #tpu.memory_space<vmem>>, vector<16xi32>,
      %swap3A_214 = vector.shape_cast %swap3A_213 : vector<16xi32> to vector<16xi32>
      %swap3A_215 = vector.shape_cast %broadcast_in_dim3A_211 : vector<16xi32> to vector<16xi32>
      tpu.vector_store %arg13[%swap3A_212], %swap3A_215 {strides = array<i32>} : memref<384xi32, #tpu.memory_space<vmem>>, vector<16xi32>,
      %broadcast_in_dim3A_216 = arith.constant 0.000000e+00 : f32
      %broadcast_in_dim3A_217 = vector.broadcast %broadcast_in_dim3A_216 : f32 to vector<16xf32>
      %swap3A_218 = arith.constant 272 : index
      %swap3A_219 = tpu.vector_load %arg14[%swap3A_218] {strides = array<i32>} : memref<384xf32, #tpu.memory_space<vmem>>, vector<16xf32>,
      %swap3A_220 = vector.shape_cast %swap3A_219 : vector<16xf32> to vector<16xf32>
      %swap3A_221 = vector.shape_cast %broadcast_in_dim3A_217 : vector<16xf32> to vector<16xf32>
      tpu.vector_store %arg14[%swap3A_218], %swap3A_221 {strides = array<i32>} : memref<384xf32, #tpu.memory_space<vmem>>, vector<16xf32>,
      %broadcast_in_dim3A_222 = arith.constant 0 : i32
      %broadcast_in_dim3A_223 = vector.broadcast %broadcast_in_dim3A_222 : i32 to vector<16xi32>
      %swap3A_224 = arith.constant 288 : index
      %swap3A_225 = tpu.vector_load %arg13[%swap3A_224] {strides = array<i32>} : memref<384xi32, #tpu.memory_space<vmem>>, vector<16xi32>,
      %swap3A_226 = vector.shape_cast %swap3A_225 : vector<16xi32> to vector<16xi32>
      %swap3A_227 = vector.shape_cast %broadcast_in_dim3A_223 : vector<16xi32> to vector<16xi32>
      tpu.vector_store %arg13[%swap3A_224], %swap3A_227 {strides = array<i32>} : memref<384xi32, #tpu.memory_space<vmem>>, vector<16xi32>,
      %broadcast_in_dim3A_228 = arith.constant 0.000000e+00 : f32
      %broadcast_in_dim3A_229 = vector.broadcast %broadcast_in_dim3A_228 : f32 to vector<16xf32>
      %swap3A_230 = arith.constant 288 : index
      %swap3A_231 = tpu.vector_load %arg14[%swap3A_230] {strides = array<i32>} : memref<384xf32, #tpu.memory_space<vmem>>, vector<16xf32>,
      %swap3A_232 = vector.shape_cast %swap3A_231 : vector<16xf32> to vector<16xf32>
      %swap3A_233 = vector.shape_cast %broadcast_in_dim3A_229 : vector<16xf32> to vector<16xf32>
      tpu.vector_store %arg14[%swap3A_230], %swap3A_233 {strides = array<i32>} : memref<384xf32, #tpu.memory_space<vmem>>, vector<16xf32>,
      %broadcast_in_dim3A_234 = arith.constant 0 : i32
      %broadcast_in_dim3A_235 = vector.broadcast %broadcast_in_dim3A_234 : i32 to vector<16xi32>
      %swap3A_236 = arith.constant 304 : index
      %swap3A_237 = tpu.vector_load %arg13[%swap3A_236] {strides = array<i32>} : memref<384xi32, #tpu.memory_space<vmem>>, vector<16xi32>,
      %swap3A_238 = vector.shape_cast %swap3A_237 : vector<16xi32> to vector<16xi32>
      %swap3A_239 = vector.shape_cast %broadcast_in_dim3A_235 : vector<16xi32> to vector<16xi32>
      tpu.vector_store %arg13[%swap3A_236], %swap3A_239 {strides = array<i32>} : memref<384xi32, #tpu.memory_space<vmem>>, vector<16xi32>,
      %broadcast_in_dim3A_240 = arith.constant 0.000000e+00 : f32
      %broadcast_in_dim3A_241 = vector.broadcast %broadcast_in_dim3A_240 : f32 to vector<16xf32>
      %swap3A_242 = arith.constant 304 : index
      %swap3A_243 = tpu.vector_load %arg14[%swap3A_242] {strides = array<i32>} : memref<384xf32, #tpu.memory_space<vmem>>, vector<16xf32>,
      %swap3A_244 = vector.shape_cast %swap3A_243 : vector<16xf32> to vector<16xf32>
      %swap3A_245 = vector.shape_cast %broadcast_in_dim3A_241 : vector<16xf32> to vector<16xf32>
      tpu.vector_store %arg14[%swap3A_242], %swap3A_245 {strides = array<i32>} : memref<384xf32, #tpu.memory_space<vmem>>, vector<16xf32>,
      %broadcast_in_dim3A_246 = arith.constant 0 : i32
      %broadcast_in_dim3A_247 = vector.broadcast %broadcast_in_dim3A_246 : i32 to vector<16xi32>
      %swap3A_248 = arith.constant 320 : index
      %swap3A_249 = tpu.vector_load %arg13[%swap3A_248] {strides = array<i32>} : memref<384xi32, #tpu.memory_space<vmem>>, vector<16xi32>,
      %swap3A_250 = vector.shape_cast %swap3A_249 : vector<16xi32> to vector<16xi32>
      %swap3A_251 = vector.shape_cast %broadcast_in_dim3A_247 : vector<16xi32> to vector<16xi32>
      tpu.vector_store %arg13[%swap3A_248], %swap3A_251 {strides = array<i32>} : memref<384xi32, #tpu.memory_space<vmem>>, vector<16xi32>,
      %broadcast_in_dim3A_252 = arith.constant 0.000000e+00 : f32
      %broadcast_in_dim3A_253 = vector.broadcast %broadcast_in_dim3A_252 : f32 to vector<16xf32>
      %swap3A_254 = arith.constant 320 : index
      %swap3A_255 = tpu.vector_load %arg14[%swap3A_254] {strides = array<i32>} : memref<384xf32, #tpu.memory_space<vmem>>, vector<16xf32>,
      %swap3A_256 = vector.shape_cast %swap3A_255 : vector<16xf32> to vector<16xf32>
      %swap3A_257 = vector.shape_cast %broadcast_in_dim3A_253 : vector<16xf32> to vector<16xf32>
      tpu.vector_store %arg14[%swap3A_254], %swap3A_257 {strides = array<i32>} : memref<384xf32, #tpu.memory_space<vmem>>, vector<16xf32>,
      %broadcast_in_dim3A_258 = arith.constant 0 : i32
      %broadcast_in_dim3A_259 = vector.broadcast %broadcast_in_dim3A_258 : i32 to vector<16xi32>
      %swap3A_260 = arith.constant 336 : index
      %swap3A_261 = tpu.vector_load %arg13[%swap3A_260] {strides = array<i32>} : memref<384xi32, #tpu.memory_space<vmem>>, vector<16xi32>,
      %swap3A_262 = vector.shape_cast %swap3A_261 : vector<16xi32> to vector<16xi32>
      %swap3A_263 = vector.shape_cast %broadcast_in_dim3A_259 : vector<16xi32> to vector<16xi32>
      tpu.vector_store %arg13[%swap3A_260], %swap3A_263 {strides = array<i32>} : memref<384xi32, #tpu.memory_space<vmem>>, vector<16xi32>,
      %broadcast_in_dim3A_264 = arith.constant 0.000000e+00 : f32
      %broadcast_in_dim3A_265 = vector.broadcast %broadcast_in_dim3A_264 : f32 to vector<16xf32>
      %swap3A_266 = arith.constant 336 : index
      %swap3A_267 = tpu.vector_load %arg14[%swap3A_266] {strides = array<i32>} : memref<384xf32, #tpu.memory_space<vmem>>, vector<16xf32>,
      %swap3A_268 = vector.shape_cast %swap3A_267 : vector<16xf32> to vector<16xf32>
      %swap3A_269 = vector.shape_cast %broadcast_in_dim3A_265 : vector<16xf32> to vector<16xf32>
      tpu.vector_store %arg14[%swap3A_266], %swap3A_269 {strides = array<i32>} : memref<384xf32, #tpu.memory_space<vmem>>, vector<16xf32>,
      %broadcast_in_dim3A_270 = arith.constant 0 : i32
      %broadcast_in_dim3A_271 = vector.broadcast %broadcast_in_dim3A_270 : i32 to vector<16xi32>
      %swap3A_272 = arith.constant 352 : index
      %swap3A_273 = tpu.vector_load %arg13[%swap3A_272] {strides = array<i32>} : memref<384xi32, #tpu.memory_space<vmem>>, vector<16xi32>,
      %swap3A_274 = vector.shape_cast %swap3A_273 : vector<16xi32> to vector<16xi32>
      %swap3A_275 = vector.shape_cast %broadcast_in_dim3A_271 : vector<16xi32> to vector<16xi32>
      tpu.vector_store %arg13[%swap3A_272], %swap3A_275 {strides = array<i32>} : memref<384xi32, #tpu.memory_space<vmem>>, vector<16xi32>,
      %broadcast_in_dim3A_276 = arith.constant 0.000000e+00 : f32
      %broadcast_in_dim3A_277 = vector.broadcast %broadcast_in_dim3A_276 : f32 to vector<16xf32>
      %swap3A_278 = arith.constant 352 : index
      %swap3A_279 = tpu.vector_load %arg14[%swap3A_278] {strides = array<i32>} : memref<384xf32, #tpu.memory_space<vmem>>, vector<16xf32>,
      %swap3A_280 = vector.shape_cast %swap3A_279 : vector<16xf32> to vector<16xf32>
      %swap3A_281 = vector.shape_cast %broadcast_in_dim3A_277 : vector<16xf32> to vector<16xf32>
      tpu.vector_store %arg14[%swap3A_278], %swap3A_281 {strides = array<i32>} : memref<384xf32, #tpu.memory_space<vmem>>, vector<16xf32>,
      %broadcast_in_dim3A_282 = arith.constant 0 : i32
      %broadcast_in_dim3A_283 = vector.broadcast %broadcast_in_dim3A_282 : i32 to vector<16xi32>
      %swap3A_284 = arith.constant 368 : index
      %swap3A_285 = tpu.vector_load %arg13[%swap3A_284] {strides = array<i32>} : memref<384xi32, #tpu.memory_space<vmem>>, vector<16xi32>,
      %swap3A_286 = vector.shape_cast %swap3A_285 : vector<16xi32> to vector<16xi32>
      %swap3A_287 = vector.shape_cast %broadcast_in_dim3A_283 : vector<16xi32> to vector<16xi32>
      tpu.vector_store %arg13[%swap3A_284], %swap3A_287 {strides = array<i32>} : memref<384xi32, #tpu.memory_space<vmem>>, vector<16xi32>,
      %broadcast_in_dim3A_288 = arith.constant 0.000000e+00 : f32
      %broadcast_in_dim3A_289 = vector.broadcast %broadcast_in_dim3A_288 : f32 to vector<16xf32>
      %swap3A_290 = arith.constant 368 : index
      %swap3A_291 = tpu.vector_load %arg14[%swap3A_290] {strides = array<i32>} : memref<384xf32, #tpu.memory_space<vmem>>, vector<16xf32>,
      %swap3A_292 = vector.shape_cast %swap3A_291 : vector<16xf32> to vector<16xf32>
      %swap3A_293 = vector.shape_cast %broadcast_in_dim3A_289 : vector<16xf32> to vector<16xf32>
      tpu.vector_store %arg14[%swap3A_290], %swap3A_293 {strides = array<i32>} : memref<384xf32, #tpu.memory_space<vmem>>, vector<16xf32>,
      %mul3A_294 = arith.constant 384 : i32
      %mul3A_295 = arith.muli %arg1, %mul3A_294 : i32
      "tpu.region"() ({
        %run_scoped3A = tpu.sem_alloc : memref<!tpu.dma_semaphore, #tpu.memory_space<semaphore_mem>>
        %dma_start3A = tpu.memref_slice %arg6[%mul3A_295] : memref<6144xi32, #tpu.memory_space<hbm>> -> memref<384xi32, #tpu.memory_space<hbm>>
        %dma_start3A_298 = tpu.memref_slice %arg6[%mul3A_295] : memref<6144xi32, #tpu.memory_space<hbm>> -> memref<384xi32, #tpu.memory_space<hbm>>
        tpu.enqueue_dma source(%arg13 : memref<384xi32, #tpu.memory_space<vmem>>) target(%dma_start3A_298 : memref<384xi32, #tpu.memory_space<hbm>>) target_semaphore(%run_scoped3A : memref<!tpu.dma_semaphore, #tpu.memory_space<semaphore_mem>>)
        %dma_wait3A = tpu.memref_slice %arg6[%mul3A_295] : memref<6144xi32, #tpu.memory_space<hbm>> -> memref<384xi32, #tpu.memory_space<hbm>>
        %dma_wait3A_299 = tpu.memref_slice %arg6[%mul3A_295] : memref<6144xi32, #tpu.memory_space<hbm>> -> memref<384xi32, #tpu.memory_space<hbm>>
        tpu.wait_dma2 semaphore(%run_scoped3A : memref<!tpu.dma_semaphore, #tpu.memory_space<semaphore_mem>>) src(%arg13 : memref<384xi32, #tpu.memory_space<vmem>>) dst(%dma_wait3A_299 : memref<384xi32, #tpu.memory_space<hbm>>)
        tpu.yield
      }) : () -> ()
      %mul3A_296 = arith.constant 384 : i32
      %mul3A_297 = arith.muli %arg1, %mul3A_296 : i32
      "tpu.region"() ({
        %run_scoped3A = tpu.sem_alloc : memref<!tpu.dma_semaphore, #tpu.memory_space<semaphore_mem>>
        %dma_start3A = tpu.memref_slice %arg7[%mul3A_297] : memref<6144xf32, #tpu.memory_space<hbm>> -> memref<384xf32, #tpu.memory_space<hbm>>
        %dma_start3A_298 = tpu.memref_slice %arg7[%mul3A_297] : memref<6144xf32, #tpu.memory_space<hbm>> -> memref<384xf32, #tpu.memory_space<hbm>>
        tpu.enqueue_dma source(%arg14 : memref<384xf32, #tpu.memory_space<vmem>>) target(%dma_start3A_298 : memref<384xf32, #tpu.memory_space<hbm>>) target_semaphore(%run_scoped3A : memref<!tpu.dma_semaphore, #tpu.memory_space<semaphore_mem>>)
        %dma_wait3A = tpu.memref_slice %arg7[%mul3A_297] : memref<6144xf32, #tpu.memory_space<hbm>> -> memref<384xf32, #tpu.memory_space<hbm>>
        %dma_wait3A_299 = tpu.memref_slice %arg7[%mul3A_297] : memref<6144xf32, #tpu.memory_space<hbm>> -> memref<384xf32, #tpu.memory_space<hbm>>
        tpu.wait_dma2 semaphore(%run_scoped3A : memref<!tpu.dma_semaphore, #tpu.memory_space<semaphore_mem>>) src(%arg14 : memref<384xf32, #tpu.memory_space<vmem>>) dst(%dma_wait3A_299 : memref<384xf32, #tpu.memory_space<hbm>>)
        tpu.yield
      }) : () -> ()
    } else {
    }
    %barrier3A = arith.constant 0 : index
    tpu.barrier barrier_id(%barrier3A)
    %eq3A_3 = arith.constant 0 : i32
    %eq3A_4 = arith.cmpi eq, %arg0, %eq3A_3 : i32
    %convert_element_type3A_5 = arith.extui %eq3A_4 : i1 to i32
    %cond3A_6 = arith.constant 0 : i32
    %cond3A_7 = arith.cmpi ne, %convert_element_type3A_5, %cond3A_6 : i32
    scf.if %cond3A_7 {
      "tpu.region"() ({
        %run_scoped3A = tpu.sem_alloc : memref<!tpu.dma_semaphore, #tpu.memory_space<semaphore_mem>>
        %dma_start3A_84 = tpu.memref_slice %arg2[%mul3A_0] : memref<2048xi32, #tpu.memory_space<hbm>> -> memref<128xi32, #tpu.memory_space<hbm>>
        %dma_start3A_85 = tpu.memref_slice %arg2[%mul3A_0] : memref<2048xi32, #tpu.memory_space<hbm>> -> memref<128xi32, #tpu.memory_space<hbm>>
        tpu.enqueue_dma source(%dma_start3A_85 : memref<128xi32, #tpu.memory_space<hbm>>) target(%arg8 : memref<128xi32, #tpu.memory_space<vmem>>) target_semaphore(%run_scoped3A : memref<!tpu.dma_semaphore, #tpu.memory_space<semaphore_mem>>)
        %dma_wait3A_86 = tpu.memref_slice %arg2[%mul3A_0] : memref<2048xi32, #tpu.memory_space<hbm>> -> memref<128xi32, #tpu.memory_space<hbm>>
        %dma_wait3A_87 = tpu.memref_slice %arg2[%mul3A_0] : memref<2048xi32, #tpu.memory_space<hbm>> -> memref<128xi32, #tpu.memory_space<hbm>>
        tpu.wait_dma2 semaphore(%run_scoped3A : memref<!tpu.dma_semaphore, #tpu.memory_space<semaphore_mem>>) src(%dma_wait3A_87 : memref<128xi32, #tpu.memory_space<hbm>>) dst(%arg8 : memref<128xi32, #tpu.memory_space<vmem>>)
        tpu.yield
      }) : () -> ()
      "tpu.region"() ({
        %run_scoped3A = tpu.sem_alloc : memref<!tpu.dma_semaphore, #tpu.memory_space<semaphore_mem>>
        %dma_start3A_84 = tpu.memref_slice %arg3[%mul3A_0] : memref<2048xi32, #tpu.memory_space<hbm>> -> memref<128xi32, #tpu.memory_space<hbm>>
        %dma_start3A_85 = tpu.memref_slice %arg3[%mul3A_0] : memref<2048xi32, #tpu.memory_space<hbm>> -> memref<128xi32, #tpu.memory_space<hbm>>
        tpu.enqueue_dma source(%dma_start3A_85 : memref<128xi32, #tpu.memory_space<hbm>>) target(%arg9 : memref<128xi32, #tpu.memory_space<vmem>>) target_semaphore(%run_scoped3A : memref<!tpu.dma_semaphore, #tpu.memory_space<semaphore_mem>>)
        %dma_wait3A_86 = tpu.memref_slice %arg3[%mul3A_0] : memref<2048xi32, #tpu.memory_space<hbm>> -> memref<128xi32, #tpu.memory_space<hbm>>
        %dma_wait3A_87 = tpu.memref_slice %arg3[%mul3A_0] : memref<2048xi32, #tpu.memory_space<hbm>> -> memref<128xi32, #tpu.memory_space<hbm>>
        tpu.wait_dma2 semaphore(%run_scoped3A : memref<!tpu.dma_semaphore, #tpu.memory_space<semaphore_mem>>) src(%dma_wait3A_87 : memref<128xi32, #tpu.memory_space<hbm>>) dst(%arg9 : memref<128xi32, #tpu.memory_space<vmem>>)
        tpu.yield
      }) : () -> ()
      "tpu.region"() ({
        %run_scoped3A = tpu.sem_alloc : memref<!tpu.dma_semaphore, #tpu.memory_space<semaphore_mem>>
        %dma_start3A_84 = tpu.memref_slice %arg4[%mul3A_0] : memref<2048xf32, #tpu.memory_space<hbm>> -> memref<128xf32, #tpu.memory_space<hbm>>
        %dma_start3A_85 = tpu.memref_slice %arg4[%mul3A_0] : memref<2048xf32, #tpu.memory_space<hbm>> -> memref<128xf32, #tpu.memory_space<hbm>>
        tpu.enqueue_dma source(%dma_start3A_85 : memref<128xf32, #tpu.memory_space<hbm>>) target(%arg10 : memref<128xf32, #tpu.memory_space<vmem>>) target_semaphore(%run_scoped3A : memref<!tpu.dma_semaphore, #tpu.memory_space<semaphore_mem>>)
        %dma_wait3A_86 = tpu.memref_slice %arg4[%mul3A_0] : memref<2048xf32, #tpu.memory_space<hbm>> -> memref<128xf32, #tpu.memory_space<hbm>>
        %dma_wait3A_87 = tpu.memref_slice %arg4[%mul3A_0] : memref<2048xf32, #tpu.memory_space<hbm>> -> memref<128xf32, #tpu.memory_space<hbm>>
        tpu.wait_dma2 semaphore(%run_scoped3A : memref<!tpu.dma_semaphore, #tpu.memory_space<semaphore_mem>>) src(%dma_wait3A_87 : memref<128xf32, #tpu.memory_space<hbm>>) dst(%arg10 : memref<128xf32, #tpu.memory_space<vmem>>)
        tpu.yield
      }) : () -> ()
      "tpu.region"() ({
        %run_scoped3A = tpu.sem_alloc : memref<!tpu.dma_semaphore, #tpu.memory_space<semaphore_mem>>
        %dma_start3A_84 = tpu.memref_slice %arg5[%mul3A_0] : memref<2048xf32, #tpu.memory_space<hbm>> -> memref<128xf32, #tpu.memory_space<hbm>>
        %dma_start3A_85 = tpu.memref_slice %arg5[%mul3A_0] : memref<2048xf32, #tpu.memory_space<hbm>> -> memref<128xf32, #tpu.memory_space<hbm>>
        tpu.enqueue_dma source(%dma_start3A_85 : memref<128xf32, #tpu.memory_space<hbm>>) target(%arg11 : memref<128xf32, #tpu.memory_space<vmem>>) target_semaphore(%run_scoped3A : memref<!tpu.dma_semaphore, #tpu.memory_space<semaphore_mem>>)
        %dma_wait3A_86 = tpu.memref_slice %arg5[%mul3A_0] : memref<2048xf32, #tpu.memory_space<hbm>> -> memref<128xf32, #tpu.memory_space<hbm>>
        %dma_wait3A_87 = tpu.memref_slice %arg5[%mul3A_0] : memref<2048xf32, #tpu.memory_space<hbm>> -> memref<128xf32, #tpu.memory_space<hbm>>
        tpu.wait_dma2 semaphore(%run_scoped3A : memref<!tpu.dma_semaphore, #tpu.memory_space<semaphore_mem>>) src(%dma_wait3A_87 : memref<128xf32, #tpu.memory_space<hbm>>) dst(%arg11 : memref<128xf32, #tpu.memory_space<vmem>>)
        tpu.yield
      }) : () -> ()
      %add3A = arith.constant 0 : i32
      %add3A_8 = arith.addi %mul3A_0, %add3A : i32
      %add3A_9 = vector.broadcast %add3A_8 : i32 to vector<16xi32>
      %add3A_10 = arith.addi %add3A_9, %iota3A : vector<16xi32>
      %swap3A = arith.constant 0 : index
      %swap3A_11 = tpu.vector_load %arg12[%swap3A] {strides = array<i32>} : memref<128xi32, #tpu.memory_space<vmem>>, vector<16xi32>,
      %swap3A_12 = vector.shape_cast %swap3A_11 : vector<16xi32> to vector<16xi32>
      %swap3A_13 = vector.shape_cast %add3A_10 : vector<16xi32> to vector<16xi32>
      tpu.vector_store %arg12[%swap3A], %swap3A_13 {strides = array<i32>} : memref<128xi32, #tpu.memory_space<vmem>>, vector<16xi32>,
      %add3A_14 = arith.constant 16 : i32
      %add3A_15 = arith.addi %mul3A_0, %add3A_14 : i32
      %add3A_16 = vector.broadcast %add3A_15 : i32 to vector<16xi32>
      %add3A_17 = arith.addi %add3A_16, %iota3A : vector<16xi32>
      %swap3A_18 = arith.constant 16 : index
      %swap3A_19 = tpu.vector_load %arg12[%swap3A_18] {strides = array<i32>} : memref<128xi32, #tpu.memory_space<vmem>>, vector<16xi32>,
      %swap3A_20 = vector.shape_cast %swap3A_19 : vector<16xi32> to vector<16xi32>
      %swap3A_21 = vector.shape_cast %add3A_17 : vector<16xi32> to vector<16xi32>
      tpu.vector_store %arg12[%swap3A_18], %swap3A_21 {strides = array<i32>} : memref<128xi32, #tpu.memory_space<vmem>>, vector<16xi32>,
      %add3A_22 = arith.constant 32 : i32
      %add3A_23 = arith.addi %mul3A_0, %add3A_22 : i32
      %add3A_24 = vector.broadcast %add3A_23 : i32 to vector<16xi32>
      %add3A_25 = arith.addi %add3A_24, %iota3A : vector<16xi32>
      %swap3A_26 = arith.constant 32 : index
      %swap3A_27 = tpu.vector_load %arg12[%swap3A_26] {strides = array<i32>} : memref<128xi32, #tpu.memory_space<vmem>>, vector<16xi32>,
      %swap3A_28 = vector.shape_cast %swap3A_27 : vector<16xi32> to vector<16xi32>
      %swap3A_29 = vector.shape_cast %add3A_25 : vector<16xi32> to vector<16xi32>
      tpu.vector_store %arg12[%swap3A_26], %swap3A_29 {strides = array<i32>} : memref<128xi32, #tpu.memory_space<vmem>>, vector<16xi32>,
      %add3A_30 = arith.constant 48 : i32
      %add3A_31 = arith.addi %mul3A_0, %add3A_30 : i32
      %add3A_32 = vector.broadcast %add3A_31 : i32 to vector<16xi32>
      %add3A_33 = arith.addi %add3A_32, %iota3A : vector<16xi32>
      %swap3A_34 = arith.constant 48 : index
      %swap3A_35 = tpu.vector_load %arg12[%swap3A_34] {strides = array<i32>} : memref<128xi32, #tpu.memory_space<vmem>>, vector<16xi32>,
      %swap3A_36 = vector.shape_cast %swap3A_35 : vector<16xi32> to vector<16xi32>
      %swap3A_37 = vector.shape_cast %add3A_33 : vector<16xi32> to vector<16xi32>
      tpu.vector_store %arg12[%swap3A_34], %swap3A_37 {strides = array<i32>} : memref<128xi32, #tpu.memory_space<vmem>>, vector<16xi32>,
      %add3A_38 = arith.constant 64 : i32
      %add3A_39 = arith.addi %mul3A_0, %add3A_38 : i32
      %add3A_40 = vector.broadcast %add3A_39 : i32 to vector<16xi32>
      %add3A_41 = arith.addi %add3A_40, %iota3A : vector<16xi32>
      %swap3A_42 = arith.constant 64 : index
      %swap3A_43 = tpu.vector_load %arg12[%swap3A_42] {strides = array<i32>} : memref<128xi32, #tpu.memory_space<vmem>>, vector<16xi32>,
      %swap3A_44 = vector.shape_cast %swap3A_43 : vector<16xi32> to vector<16xi32>
      %swap3A_45 = vector.shape_cast %add3A_41 : vector<16xi32> to vector<16xi32>
      tpu.vector_store %arg12[%swap3A_42], %swap3A_45 {strides = array<i32>} : memref<128xi32, #tpu.memory_space<vmem>>, vector<16xi32>,
      %add3A_46 = arith.constant 80 : i32
      %add3A_47 = arith.addi %mul3A_0, %add3A_46 : i32
      %add3A_48 = vector.broadcast %add3A_47 : i32 to vector<16xi32>
      %add3A_49 = arith.addi %add3A_48, %iota3A : vector<16xi32>
      %swap3A_50 = arith.constant 80 : index
      %swap3A_51 = tpu.vector_load %arg12[%swap3A_50] {strides = array<i32>} : memref<128xi32, #tpu.memory_space<vmem>>, vector<16xi32>,
      %swap3A_52 = vector.shape_cast %swap3A_51 : vector<16xi32> to vector<16xi32>
      %swap3A_53 = vector.shape_cast %add3A_49 : vector<16xi32> to vector<16xi32>
      tpu.vector_store %arg12[%swap3A_50], %swap3A_53 {strides = array<i32>} : memref<128xi32, #tpu.memory_space<vmem>>, vector<16xi32>,
      %add3A_54 = arith.constant 96 : i32
      %add3A_55 = arith.addi %mul3A_0, %add3A_54 : i32
      %add3A_56 = vector.broadcast %add3A_55 : i32 to vector<16xi32>
      %add3A_57 = arith.addi %add3A_56, %iota3A : vector<16xi32>
      %swap3A_58 = arith.constant 96 : index
      %swap3A_59 = tpu.vector_load %arg12[%swap3A_58] {strides = array<i32>} : memref<128xi32, #tpu.memory_space<vmem>>, vector<16xi32>,
      %swap3A_60 = vector.shape_cast %swap3A_59 : vector<16xi32> to vector<16xi32>
      %swap3A_61 = vector.shape_cast %add3A_57 : vector<16xi32> to vector<16xi32>
      tpu.vector_store %arg12[%swap3A_58], %swap3A_61 {strides = array<i32>} : memref<128xi32, #tpu.memory_space<vmem>>, vector<16xi32>,
      %add3A_62 = arith.constant 112 : i32
      %add3A_63 = arith.addi %mul3A_0, %add3A_62 : i32
      %add3A_64 = vector.broadcast %add3A_63 : i32 to vector<16xi32>
      %add3A_65 = arith.addi %add3A_64, %iota3A : vector<16xi32>
      %swap3A_66 = arith.constant 112 : index
      %swap3A_67 = tpu.vector_load %arg12[%swap3A_66] {strides = array<i32>} : memref<128xi32, #tpu.memory_space<vmem>>, vector<16xi32>,
      %swap3A_68 = vector.shape_cast %swap3A_67 : vector<16xi32> to vector<16xi32>
      %swap3A_69 = vector.shape_cast %add3A_65 : vector<16xi32> to vector<16xi32>
      tpu.vector_store %arg12[%swap3A_66], %swap3A_69 {strides = array<i32>} : memref<128xi32, #tpu.memory_space<vmem>>, vector<16xi32>,
      %dma_start3A = arith.constant 0 : i32
      %dma_start3A_70 = tpu.memref_slice %arg6[%dma_start3A] : memref<6144xi32, #tpu.memory_space<hbm>> -> memref<6144xi32, #tpu.memory_space<hbm>>
      tpu.enqueue_indirect_dma source(%arg12 : memref<128xi32, #tpu.memory_space<vmem>>) target(%dma_start3A_70 : memref<6144xi32, #tpu.memory_space<hbm>>) offsets(%arg8 : memref<128xi32, #tpu.memory_space<vmem>>) semaphore(%arg15 : memref<!tpu.dma_semaphore, #tpu.memory_space<semaphore_mem>>)
      %dma_wait3A = arith.constant 0 : i32
      %dma_wait3A_71 = tpu.memref_slice %arg6[%dma_wait3A] : memref<6144xi32, #tpu.memory_space<hbm>> -> memref<6144xi32, #tpu.memory_space<hbm>>
      tpu.wait_indirect_dma semaphore(%arg15 : memref<!tpu.dma_semaphore, #tpu.memory_space<semaphore_mem>>) src(%arg12 : memref<128xi32, #tpu.memory_space<vmem>>) dst(%dma_wait3A_71 : memref<6144xi32, #tpu.memory_space<hbm>>)
      %dma_start3A_72 = arith.constant 0 : i32
      %dma_start3A_73 = tpu.memref_slice %arg7[%dma_start3A_72] : memref<6144xf32, #tpu.memory_space<hbm>> -> memref<6144xf32, #tpu.memory_space<hbm>>
      tpu.enqueue_indirect_dma source(%arg10 : memref<128xf32, #tpu.memory_space<vmem>>) target(%dma_start3A_73 : memref<6144xf32, #tpu.memory_space<hbm>>) offsets(%arg8 : memref<128xi32, #tpu.memory_space<vmem>>) semaphore(%arg15 : memref<!tpu.dma_semaphore, #tpu.memory_space<semaphore_mem>>)
      %dma_wait3A_74 = arith.constant 0 : i32
      %dma_wait3A_75 = tpu.memref_slice %arg7[%dma_wait3A_74] : memref<6144xf32, #tpu.memory_space<hbm>> -> memref<6144xf32, #tpu.memory_space<hbm>>
      tpu.wait_indirect_dma semaphore(%arg15 : memref<!tpu.dma_semaphore, #tpu.memory_space<semaphore_mem>>) src(%arg10 : memref<128xf32, #tpu.memory_space<vmem>>) dst(%dma_wait3A_75 : memref<6144xf32, #tpu.memory_space<hbm>>)
      %dma_start3A_76 = arith.constant 0 : i32
      %dma_start3A_77 = tpu.memref_slice %arg6[%dma_start3A_76] : memref<6144xi32, #tpu.memory_space<hbm>> -> memref<6144xi32, #tpu.memory_space<hbm>>
      tpu.enqueue_indirect_dma source(%arg12 : memref<128xi32, #tpu.memory_space<vmem>>) target(%dma_start3A_77 : memref<6144xi32, #tpu.memory_space<hbm>>) offsets(%arg9 : memref<128xi32, #tpu.memory_space<vmem>>) semaphore(%arg15 : memref<!tpu.dma_semaphore, #tpu.memory_space<semaphore_mem>>)
      %dma_wait3A_78 = arith.constant 0 : i32
      %dma_wait3A_79 = tpu.memref_slice %arg6[%dma_wait3A_78] : memref<6144xi32, #tpu.memory_space<hbm>> -> memref<6144xi32, #tpu.memory_space<hbm>>
      tpu.wait_indirect_dma semaphore(%arg15 : memref<!tpu.dma_semaphore, #tpu.memory_space<semaphore_mem>>) src(%arg12 : memref<128xi32, #tpu.memory_space<vmem>>) dst(%dma_wait3A_79 : memref<6144xi32, #tpu.memory_space<hbm>>)
      %dma_start3A_80 = arith.constant 0 : i32
      %dma_start3A_81 = tpu.memref_slice %arg7[%dma_start3A_80] : memref<6144xf32, #tpu.memory_space<hbm>> -> memref<6144xf32, #tpu.memory_space<hbm>>
      tpu.enqueue_indirect_dma source(%arg11 : memref<128xf32, #tpu.memory_space<vmem>>) target(%dma_start3A_81 : memref<6144xf32, #tpu.memory_space<hbm>>) offsets(%arg9 : memref<128xi32, #tpu.memory_space<vmem>>) semaphore(%arg15 : memref<!tpu.dma_semaphore, #tpu.memory_space<semaphore_mem>>)
      %dma_wait3A_82 = arith.constant 0 : i32
      %dma_wait3A_83 = tpu.memref_slice %arg7[%dma_wait3A_82] : memref<6144xf32, #tpu.memory_space<hbm>> -> memref<6144xf32, #tpu.memory_space<hbm>>
      tpu.wait_indirect_dma semaphore(%arg15 : memref<!tpu.dma_semaphore, #tpu.memory_space<semaphore_mem>>) src(%arg11 : memref<128xf32, #tpu.memory_space<vmem>>) dst(%dma_wait3A_83 : memref<6144xf32, #tpu.memory_space<hbm>>)
    } else {
    }
    return
  }
}

module attributes {stable_mosaic.version = 14 : i64} {
  func.func @_gate_body(%arg0: i32, %arg1: memref<1x2048x768xf32, #tpu.memory_space<vmem>>, %arg2: memref<1xi32, #tpu.memory_space<smem>>, %arg3: memref<16x768xf32, #tpu.memory_space<vmem>>, %arg4: memref<1536x8xf32, #tpu.memory_space<vmem>>, %arg5: memref<8xf32, #tpu.memory_space<vmem>>, %arg6: memref<1x2048x8xf32, #tpu.memory_space<vmem>>, %arg7: memref<2048x1xi32, #tpu.memory_space<vmem>>, %arg8: memref<2048x1xi32, #tpu.memory_space<vmem>>, %arg9: memref<2048x1xf32, #tpu.memory_space<vmem>>, %arg10: memref<2048x1xf32, #tpu.memory_space<vmem>>, %arg11: memref<1x32xi32, #tpu.memory_space<vmem>>, %arg12: memref<2048x1xf32, #tpu.memory_space<vmem>>) attributes {dimension_semantics = [#tpu.dimension_semantics<arbitrary>], iteration_bounds = array<i64: 1>, scalar_prefetch = 0 : i64, scratch_operands = 0 : i64, tpu.core_type = #tpu.core_type<tc>, window_params = [{pipeline_mode = #tpu.pipeline_mode<synchronous>, transform_indices = @transform_0, window_bounds = array<i64: 1, 2048, 768>}, {transform_indices = @transform_1, window_bounds = array<i64: 1>}, {pipeline_mode = #tpu.pipeline_mode<synchronous>, transform_indices = @transform_2, window_bounds = array<i64: 16, 768>}, {pipeline_mode = #tpu.pipeline_mode<synchronous>, transform_indices = @transform_3, window_bounds = array<i64: 1536, 8>}, {pipeline_mode = #tpu.pipeline_mode<synchronous>, transform_indices = @transform_4, window_bounds = array<i64: 8>}, {pipeline_mode = #tpu.pipeline_mode<synchronous>, transform_indices = @transform_5, window_bounds = array<i64: 1, 2048, 8>}, {pipeline_mode = #tpu.pipeline_mode<synchronous>, transform_indices = @transform_6, window_bounds = array<i64: 2048, 1>}, {pipeline_mode = #tpu.pipeline_mode<synchronous>, transform_indices = @transform_7, window_bounds = array<i64: 2048, 1>}, {pipeline_mode = #tpu.pipeline_mode<synchronous>, transform_indices = @transform_8, window_bounds = array<i64: 2048, 1>}, {pipeline_mode = #tpu.pipeline_mode<synchronous>, transform_indices = @transform_9, window_bounds = array<i64: 2048, 1>}, {pipeline_mode = #tpu.pipeline_mode<synchronous>, transform_indices = @transform_10, window_bounds = array<i64: 1, 32>}, {pipeline_mode = #tpu.pipeline_mode<synchronous>, transform_indices = @transform_11, window_bounds = array<i64: 2048, 1>}]} {
    %get3A = arith.constant 0 : index
    %get3A_0 = arith.constant 0 : index
    %get3A_1 = arith.constant 0 : index
    %get3A_2 = vector.load %arg1[%get3A, %get3A_0, %get3A_1] : memref<1x2048x768xf32, #tpu.memory_space<vmem>>, vector<1x2048x768xf32>
    %get3A_3 = vector.shape_cast %get3A_2 : vector<1x2048x768xf32> to vector<2048x768xf32>
    %get3A_4 = arith.constant 0 : index
    %get3A_5 = memref.load %arg2[%get3A_4] : memref<1xi32, #tpu.memory_space<smem>>
    %get3A_6 = arith.constant 0 : index
    %get3A_7 = arith.constant 0 : index
    %get3A_8 = vector.load %arg3[%get3A_6, %get3A_7] : memref<16x768xf32, #tpu.memory_space<vmem>>, vector<16x768xf32>
    %get3A_9 = arith.constant 768 : index
    %get3A_10 = arith.constant 0 : index
    %get3A_11 = vector.load %arg4[%get3A_9, %get3A_10] : memref<1536x8xf32, #tpu.memory_space<vmem>>, vector<768x8xf32>
    %dot_general3A = arith.constant dense<0.000000e+00> : vector<16x8xf32>
    %dot_general3A_12 = tpu.matmul %get3A_8, %get3A_11, %dot_general3A {dimension_numbers = #tpu.dot_dimension_numbers<[1], [0], [0], [1], [0, 0, 1, 1], [], []>, transpose_lhs_hint = false} : vector<16x768xf32>, vector<768x8xf32>, vector<16x8xf32> -> vector<16x8xf32>
    %iota3A = tpu.iota {dimensions = array<i32: 0>} : vector<16x8xi32>
    %eq3A = vector.broadcast %get3A_5 : i32 to vector<16x8xi32>
    %eq3A_13 = arith.cmpi eq, %iota3A, %eq3A : vector<16x8xi32>
    %jit3A = arith.constant 0.000000e+00 : f32
    %broadcast_in_dim3A = vector.broadcast %jit3A : f32 to vector<16x8xf32>
    %select_n3A = arith.select %eq3A_13, %dot_general3A_12, %broadcast_in_dim3A : vector<16x8xi1>, vector<16x8xf32>
    %reduce_sum3A = arith.constant dense<0.000000e+00> : vector<8xf32>
    %reduce_sum3A_14 = vector.multi_reduction <add>, %select_n3A, %reduce_sum3A [0] : vector<16x8xf32> to vector<8xf32>
    %broadcast_in_dim3A_15 = vector.shape_cast %reduce_sum3A_14 : vector<8xf32> to vector<1x8xf32>
    %get3A_16 = arith.constant 0 : index
    %get3A_17 = arith.constant 0 : index
    %get3A_18 = vector.load %arg4[%get3A_16, %get3A_17] : memref<1536x8xf32, #tpu.memory_space<vmem>>, vector<768x8xf32>
    %dot_general3A_19 = arith.constant dense<0.000000e+00> : vector<2048x8xf32>
    %dot_general3A_20 = tpu.matmul %get3A_3, %get3A_18, %dot_general3A_19 {dimension_numbers = #tpu.dot_dimension_numbers<[1], [0], [0], [1], [0, 0, 1, 1], [], []>, transpose_lhs_hint = false} : vector<2048x768xf32>, vector<768x8xf32>, vector<2048x8xf32> -> vector<2048x8xf32>
    %add3A = vector.broadcast %broadcast_in_dim3A_15 : vector<1x8xf32> to vector<2048x8xf32>
    %add3A_21 = arith.addf %dot_general3A_20, %add3A : vector<2048x8xf32>
    %get3A_22 = arith.constant 0 : index
    %get3A_23 = vector.load %arg5[%get3A_22] : memref<8xf32, #tpu.memory_space<vmem>>, vector<8xf32>
    %broadcast_in_dim3A_24 = vector.shape_cast %get3A_23 : vector<8xf32> to vector<1x8xf32>
    %add3A_25 = vector.broadcast %broadcast_in_dim3A_24 : vector<1x8xf32> to vector<2048x8xf32>
    %add3A_26 = arith.addf %add3A_21, %add3A_25 : vector<2048x8xf32>
    %swap3A = arith.constant 0 : index
    %swap3A_27 = arith.constant 0 : index
    %swap3A_28 = arith.constant 0 : index
    %swap3A_29 = vector.load %arg6[%swap3A, %swap3A_27, %swap3A_28] : memref<1x2048x8xf32, #tpu.memory_space<vmem>>, vector<1x2048x8xf32>
    %swap3A_30 = vector.shape_cast %swap3A_29 : vector<1x2048x8xf32> to vector<2048x8xf32>
    %swap3A_31 = vector.shape_cast %add3A_26 : vector<2048x8xf32> to vector<1x2048x8xf32>
    tpu.vector_store %arg6[%swap3A, %swap3A_27, %swap3A_28], %swap3A_31 {strides = array<i32>} : memref<1x2048x8xf32, #tpu.memory_space<vmem>>, vector<1x2048x8xf32>,
    %iota3A_32 = tpu.iota {dimensions = array<i32: 1>} : vector<2048x8xi32>
    %reduce_max3A = arith.constant dense<0xFF800000> : vector<2048xf32>
    %reduce_max3A_33 = vector.multi_reduction <maximumf>, %add3A_26, %reduce_max3A [1] : vector<2048x8xf32> to vector<2048xf32>
    %broadcast_in_dim3A_34 = vector.shape_cast %reduce_max3A_33 : vector<2048xf32> to vector<2048x1xf32>
    %eq3A_35 = vector.broadcast %broadcast_in_dim3A_34 : vector<2048x1xf32> to vector<2048x8xf32>
    %eq3A_36 = arith.cmpf oeq, %add3A_26, %eq3A_35 : vector<2048x8xf32>
    %jit3A_37 = arith.constant 8 : i32
    %broadcast_in_dim3A_38 = vector.broadcast %jit3A_37 : i32 to vector<2048x8xi32>
    %select_n3A_39 = arith.select %eq3A_36, %iota3A_32, %broadcast_in_dim3A_38 : vector<2048x8xi1>, vector<2048x8xi32>
    %reduce_min3A = arith.constant dense<2147483647> : vector<2048xi32>
    %reduce_min3A_40 = vector.multi_reduction <minsi>, %select_n3A_39, %reduce_min3A [1] : vector<2048x8xi32> to vector<2048xi32>
    %broadcast_in_dim3A_41 = vector.shape_cast %reduce_min3A_40 : vector<2048xi32> to vector<2048x1xi32>
    %eq3A_42 = vector.broadcast %broadcast_in_dim3A_41 : vector<2048x1xi32> to vector<2048x8xi32>
    %eq3A_43 = arith.cmpi eq, %iota3A_32, %eq3A_42 : vector<2048x8xi32>
    %jit3A_44 = arith.constant 0xFF800000 : f32
    %broadcast_in_dim3A_45 = vector.broadcast %jit3A_44 : f32 to vector<2048x8xf32>
    %select_n3A_46 = arith.select %eq3A_43, %broadcast_in_dim3A_45, %add3A_26 : vector<2048x8xi1>, vector<2048x8xf32>
    %reduce_max3A_47 = arith.constant dense<0xFF800000> : vector<2048xf32>
    %reduce_max3A_48 = vector.multi_reduction <maximumf>, %select_n3A_46, %reduce_max3A_47 [1] : vector<2048x8xf32> to vector<2048xf32>
    %broadcast_in_dim3A_49 = vector.shape_cast %reduce_max3A_48 : vector<2048xf32> to vector<2048x1xf32>
    %eq3A_50 = vector.broadcast %broadcast_in_dim3A_49 : vector<2048x1xf32> to vector<2048x8xf32>
    %eq3A_51 = arith.cmpf oeq, %select_n3A_46, %eq3A_50 : vector<2048x8xf32>
    %jit3A_52 = arith.constant 8 : i32
    %broadcast_in_dim3A_53 = vector.broadcast %jit3A_52 : i32 to vector<2048x8xi32>
    %select_n3A_54 = arith.select %eq3A_51, %iota3A_32, %broadcast_in_dim3A_53 : vector<2048x8xi1>, vector<2048x8xi32>
    %reduce_min3A_55 = arith.constant dense<2147483647> : vector<2048xi32>
    %reduce_min3A_56 = vector.multi_reduction <minsi>, %select_n3A_54, %reduce_min3A_55 [1] : vector<2048x8xi32> to vector<2048xi32>
    %broadcast_in_dim3A_57 = vector.shape_cast %reduce_min3A_56 : vector<2048xi32> to vector<2048x1xi32>
    %eq3A_58 = vector.broadcast %broadcast_in_dim3A_57 : vector<2048x1xi32> to vector<2048x8xi32>
    %eq3A_59 = arith.cmpi eq, %iota3A_32, %eq3A_58 : vector<2048x8xi32>
    %sub3A = arith.subf %broadcast_in_dim3A_49, %broadcast_in_dim3A_34 : vector<2048x1xf32>
    %exp3A = math.exp %sub3A : vector<2048x1xf32>
    %add3A_60 = arith.constant 1.000000e+00 : f32
    %add3A_61 = vector.broadcast %add3A_60 : f32 to vector<2048x1xf32>
    %add3A_62 = arith.addf %add3A_61, %exp3A : vector<2048x1xf32>
    %div3A = arith.constant 1.000000e+00 : f32
    %div3A_63 = vector.broadcast %div3A : f32 to vector<2048x1xf32>
    %div3A_64 = arith.divf %div3A_63, %add3A_62 : vector<2048x1xf32>
    %swap3A_65 = arith.constant 0 : index
    %swap3A_66 = arith.constant 0 : index
    %swap3A_67 = vector.load %arg9[%swap3A_65, %swap3A_66] : memref<2048x1xf32, #tpu.memory_space<vmem>>, vector<2048x1xf32>
    tpu.vector_store %arg9[%swap3A_65, %swap3A_66], %div3A_64 {strides = array<i32>} : memref<2048x1xf32, #tpu.memory_space<vmem>>, vector<2048x1xf32>,
    %mul3A = arith.mulf %exp3A, %div3A_64 : vector<2048x1xf32>
    %swap3A_68 = arith.constant 0 : index
    %swap3A_69 = arith.constant 0 : index
    %swap3A_70 = vector.load %arg10[%swap3A_68, %swap3A_69] : memref<2048x1xf32, #tpu.memory_space<vmem>>, vector<2048x1xf32>
    tpu.vector_store %arg10[%swap3A_68, %swap3A_69], %mul3A {strides = array<i32>} : memref<2048x1xf32, #tpu.memory_space<vmem>>, vector<2048x1xf32>,
    %sub3A_71 = arith.constant 1.000000e+00 : f32
    %sub3A_72 = vector.broadcast %sub3A_71 : f32 to vector<2048x1xf32>
    %sub3A_73 = arith.subf %sub3A_72, %div3A_64 : vector<2048x1xf32>
    %swap3A_74 = arith.constant 0 : index
    %swap3A_75 = arith.constant 0 : index
    %swap3A_76 = vector.load %arg12[%swap3A_74, %swap3A_75] : memref<2048x1xf32, #tpu.memory_space<vmem>>, vector<2048x1xf32>
    tpu.vector_store %arg12[%swap3A_74, %swap3A_75], %sub3A_73 {strides = array<i32>} : memref<2048x1xf32, #tpu.memory_space<vmem>>, vector<2048x1xf32>,
    %or3A = arith.ori %eq3A_43, %eq3A_59 : vector<2048x8xi1>
    %jit3A_77 = arith.constant 1.000000e+00 : f32
    %jit3A_78 = arith.constant 0.000000e+00 : f32
    %broadcast_in_dim3A_79 = vector.broadcast %jit3A_77 : f32 to vector<2048x8xf32>
    %broadcast_in_dim3A_80 = vector.broadcast %jit3A_78 : f32 to vector<2048x8xf32>
    %select_n3A_81 = arith.select %or3A, %broadcast_in_dim3A_79, %broadcast_in_dim3A_80 : vector<2048x8xi1>, vector<2048x8xf32>
    %broadcast_in_dim3A_82 = arith.constant 0.000000e+00 : f32
    %broadcast_in_dim3A_83 = vector.broadcast %broadcast_in_dim3A_82 : f32 to vector<1x8xf32>
    %slice3A = vector.extract_strided_slice %select_n3A_81 {offsets = [0, 0], sizes = [2047, 8], strides = [1, 1]} : vector<2048x8xf32> to vector<2047x8xf32>
    %concatenate3A = tpu.concatenate %broadcast_in_dim3A_83, %slice3A in 0 : vector<1x8xf32>, vector<2047x8xf32> -> vector<2048x8xf32>
    %add3A_84 = arith.addf %select_n3A_81, %concatenate3A : vector<2048x8xf32>
    %broadcast_in_dim3A_85 = arith.constant 0.000000e+00 : f32
    %broadcast_in_dim3A_86 = vector.broadcast %broadcast_in_dim3A_85 : f32 to vector<2x8xf32>
    %slice3A_87 = vector.extract_strided_slice %add3A_84 {offsets = [0, 0], sizes = [2046, 8], strides = [1, 1]} : vector<2048x8xf32> to vector<2046x8xf32>
    %concatenate3A_88 = tpu.concatenate %broadcast_in_dim3A_86, %slice3A_87 in 0 : vector<2x8xf32>, vector<2046x8xf32> -> vector<2048x8xf32>
    %add3A_89 = arith.addf %add3A_84, %concatenate3A_88 : vector<2048x8xf32>
    %broadcast_in_dim3A_90 = arith.constant 0.000000e+00 : f32
    %broadcast_in_dim3A_91 = vector.broadcast %broadcast_in_dim3A_90 : f32 to vector<4x8xf32>
    %slice3A_92 = vector.extract_strided_slice %add3A_89 {offsets = [0, 0], sizes = [2044, 8], strides = [1, 1]} : vector<2048x8xf32> to vector<2044x8xf32>
    %concatenate3A_93 = tpu.concatenate %broadcast_in_dim3A_91, %slice3A_92 in 0 : vector<4x8xf32>, vector<2044x8xf32> -> vector<2048x8xf32>
    %add3A_94 = arith.addf %add3A_89, %concatenate3A_93 : vector<2048x8xf32>
    %broadcast_in_dim3A_95 = arith.constant 0.000000e+00 : f32
    %broadcast_in_dim3A_96 = vector.broadcast %broadcast_in_dim3A_95 : f32 to vector<8x8xf32>
    %slice3A_97 = vector.extract_strided_slice %add3A_94 {offsets = [0, 0], sizes = [2040, 8], strides = [1, 1]} : vector<2048x8xf32> to vector<2040x8xf32>
    %concatenate3A_98 = tpu.concatenate %broadcast_in_dim3A_96, %slice3A_97 in 0 : vector<8x8xf32>, vector<2040x8xf32> -> vector<2048x8xf32>
    %add3A_99 = arith.addf %add3A_94, %concatenate3A_98 : vector<2048x8xf32>
    %broadcast_in_dim3A_100 = arith.constant 0.000000e+00 : f32
    %broadcast_in_dim3A_101 = vector.broadcast %broadcast_in_dim3A_100 : f32 to vector<16x8xf32>
    %slice3A_102 = vector.extract_strided_slice %add3A_99 {offsets = [0, 0], sizes = [2032, 8], strides = [1, 1]} : vector<2048x8xf32> to vector<2032x8xf32>
    %concatenate3A_103 = tpu.concatenate %broadcast_in_dim3A_101, %slice3A_102 in 0 : vector<16x8xf32>, vector<2032x8xf32> -> vector<2048x8xf32>
    %add3A_104 = arith.addf %add3A_99, %concatenate3A_103 : vector<2048x8xf32>
    %broadcast_in_dim3A_105 = arith.constant 0.000000e+00 : f32
    %broadcast_in_dim3A_106 = vector.broadcast %broadcast_in_dim3A_105 : f32 to vector<32x8xf32>
    %slice3A_107 = vector.extract_strided_slice %add3A_104 {offsets = [0, 0], sizes = [2016, 8], strides = [1, 1]} : vector<2048x8xf32> to vector<2016x8xf32>
    %concatenate3A_108 = tpu.concatenate %broadcast_in_dim3A_106, %slice3A_107 in 0 : vector<32x8xf32>, vector<2016x8xf32> -> vector<2048x8xf32>
    %add3A_109 = arith.addf %add3A_104, %concatenate3A_108 : vector<2048x8xf32>
    %broadcast_in_dim3A_110 = arith.constant 0.000000e+00 : f32
    %broadcast_in_dim3A_111 = vector.broadcast %broadcast_in_dim3A_110 : f32 to vector<64x8xf32>
    %slice3A_112 = vector.extract_strided_slice %add3A_109 {offsets = [0, 0], sizes = [1984, 8], strides = [1, 1]} : vector<2048x8xf32> to vector<1984x8xf32>
    %concatenate3A_113 = tpu.concatenate %broadcast_in_dim3A_111, %slice3A_112 in 0 : vector<64x8xf32>, vector<1984x8xf32> -> vector<2048x8xf32>
    %add3A_114 = arith.addf %add3A_109, %concatenate3A_113 : vector<2048x8xf32>
    %broadcast_in_dim3A_115 = arith.constant 0.000000e+00 : f32
    %broadcast_in_dim3A_116 = vector.broadcast %broadcast_in_dim3A_115 : f32 to vector<128x8xf32>
    %slice3A_117 = vector.extract_strided_slice %add3A_114 {offsets = [0, 0], sizes = [1920, 8], strides = [1, 1]} : vector<2048x8xf32> to vector<1920x8xf32>
    %concatenate3A_118 = tpu.concatenate %broadcast_in_dim3A_116, %slice3A_117 in 0 : vector<128x8xf32>, vector<1920x8xf32> -> vector<2048x8xf32>
    %add3A_119 = arith.addf %add3A_114, %concatenate3A_118 : vector<2048x8xf32>
    %broadcast_in_dim3A_120 = arith.constant 0.000000e+00 : f32
    %broadcast_in_dim3A_121 = vector.broadcast %broadcast_in_dim3A_120 : f32 to vector<256x8xf32>
    %slice3A_122 = vector.extract_strided_slice %add3A_119 {offsets = [0, 0], sizes = [1792, 8], strides = [1, 1]} : vector<2048x8xf32> to vector<1792x8xf32>
    %concatenate3A_123 = tpu.concatenate %broadcast_in_dim3A_121, %slice3A_122 in 0 : vector<256x8xf32>, vector<1792x8xf32> -> vector<2048x8xf32>
    %add3A_124 = arith.addf %add3A_119, %concatenate3A_123 : vector<2048x8xf32>
    %broadcast_in_dim3A_125 = arith.constant 0.000000e+00 : f32
    %broadcast_in_dim3A_126 = vector.broadcast %broadcast_in_dim3A_125 : f32 to vector<512x8xf32>
    %slice3A_127 = vector.extract_strided_slice %add3A_124 {offsets = [0, 0], sizes = [1536, 8], strides = [1, 1]} : vector<2048x8xf32> to vector<1536x8xf32>
    %concatenate3A_128 = tpu.concatenate %broadcast_in_dim3A_126, %slice3A_127 in 0 : vector<512x8xf32>, vector<1536x8xf32> -> vector<2048x8xf32>
    %add3A_129 = arith.addf %add3A_124, %concatenate3A_128 : vector<2048x8xf32>
    %broadcast_in_dim3A_130 = arith.constant 0.000000e+00 : f32
    %broadcast_in_dim3A_131 = vector.broadcast %broadcast_in_dim3A_130 : f32 to vector<1024x8xf32>
    %slice3A_132 = vector.extract_strided_slice %add3A_129 {offsets = [0, 0], sizes = [1024, 8], strides = [1, 1]} : vector<2048x8xf32> to vector<1024x8xf32>
    %concatenate3A_133 = tpu.concatenate %broadcast_in_dim3A_131, %slice3A_132 in 0 : vector<1024x8xf32>, vector<1024x8xf32> -> vector<2048x8xf32>
    %add3A_134 = arith.addf %add3A_129, %concatenate3A_133 : vector<2048x8xf32>
    %sub3A_135 = arith.subf %add3A_134, %select_n3A_81 : vector<2048x8xf32>
    %slice3A_136 = vector.extract_strided_slice %add3A_134 {offsets = [2047, 0], sizes = [1, 8], strides = [1, 1]} : vector<2048x8xf32> to vector<1x8xf32>
    %add3A_137 = arith.constant 2.550000e+02 : f32
    %add3A_138 = vector.broadcast %add3A_137 : f32 to vector<1x8xf32>
    %add3A_139 = arith.addf %slice3A_136, %add3A_138 : vector<1x8xf32>
    %mul3A_140 = arith.constant 3.906250e-03 : f32
    %mul3A_141 = vector.broadcast %mul3A_140 : f32 to vector<1x8xf32>
    %mul3A_142 = arith.mulf %add3A_139, %mul3A_141 : vector<1x8xf32>
    %floor3A = math.floor %mul3A_142 : vector<1x8xf32>
    %mul3A_143 = arith.constant 2.560000e+02 : f32
    %mul3A_144 = vector.broadcast %mul3A_143 : f32 to vector<1x8xf32>
    %mul3A_145 = arith.mulf %floor3A, %mul3A_144 : vector<1x8xf32>
    %broadcast_in_dim3A_146 = arith.constant 0.000000e+00 : f32
    %broadcast_in_dim3A_147 = vector.broadcast %broadcast_in_dim3A_146 : f32 to vector<1x1xf32>
    %slice3A_148 = vector.extract_strided_slice %mul3A_145 {offsets = [0, 0], sizes = [1, 7], strides = [1, 1]} : vector<1x8xf32> to vector<1x7xf32>
    %concatenate3A_149 = tpu.concatenate %broadcast_in_dim3A_147, %slice3A_148 in 1 : vector<1x1xf32>, vector<1x7xf32> -> vector<1x8xf32>
    %add3A_150 = arith.addf %mul3A_145, %concatenate3A_149 : vector<1x8xf32>
    %broadcast_in_dim3A_151 = arith.constant 0.000000e+00 : f32
    %broadcast_in_dim3A_152 = vector.broadcast %broadcast_in_dim3A_151 : f32 to vector<1x2xf32>
    %slice3A_153 = vector.extract_strided_slice %add3A_150 {offsets = [0, 0], sizes = [1, 6], strides = [1, 1]} : vector<1x8xf32> to vector<1x6xf32>
    %concatenate3A_154 = tpu.concatenate %broadcast_in_dim3A_152, %slice3A_153 in 1 : vector<1x2xf32>, vector<1x6xf32> -> vector<1x8xf32>
    %add3A_155 = arith.addf %add3A_150, %concatenate3A_154 : vector<1x8xf32>
    %broadcast_in_dim3A_156 = arith.constant 0.000000e+00 : f32
    %broadcast_in_dim3A_157 = vector.broadcast %broadcast_in_dim3A_156 : f32 to vector<1x4xf32>
    %slice3A_158 = vector.extract_strided_slice %add3A_155 {offsets = [0, 0], sizes = [1, 4], strides = [1, 1]} : vector<1x8xf32> to vector<1x4xf32>
    %concatenate3A_159 = tpu.concatenate %broadcast_in_dim3A_157, %slice3A_158 in 1 : vector<1x4xf32>, vector<1x4xf32> -> vector<1x8xf32>
    %add3A_160 = arith.addf %add3A_155, %concatenate3A_159 : vector<1x8xf32>
    %sub3A_161 = arith.subf %add3A_160, %mul3A_145 : vector<1x8xf32>
    %add3A_162 = vector.broadcast %sub3A_161 : vector<1x8xf32> to vector<2048x8xf32>
    %add3A_163 = arith.addf %add3A_162, %sub3A_135 : vector<2048x8xf32>
    %jit3A_164 = arith.constant 0.000000e+00 : f32
    %broadcast_in_dim3A_165 = vector.broadcast %jit3A_164 : f32 to vector<2048x8xf32>
    %select_n3A_166 = arith.select %eq3A_43, %add3A_163, %broadcast_in_dim3A_165 : vector<2048x8xi1>, vector<2048x8xf32>
    %reduce_sum3A_167 = arith.constant dense<0.000000e+00> : vector<2048xf32>
    %reduce_sum3A_168 = vector.multi_reduction <add>, %select_n3A_166, %reduce_sum3A_167 [1] : vector<2048x8xf32> to vector<2048xf32>
    %broadcast_in_dim3A_169 = vector.shape_cast %reduce_sum3A_168 : vector<2048xf32> to vector<2048x1xf32>
    %add3A_170 = vector.broadcast %sub3A_161 : vector<1x8xf32> to vector<2048x8xf32>
    %add3A_171 = arith.addf %add3A_170, %sub3A_135 : vector<2048x8xf32>
    %jit3A_172 = arith.constant 0.000000e+00 : f32
    %broadcast_in_dim3A_173 = vector.broadcast %jit3A_172 : f32 to vector<2048x8xf32>
    %select_n3A_174 = arith.select %eq3A_59, %add3A_171, %broadcast_in_dim3A_173 : vector<2048x8xi1>, vector<2048x8xf32>
    %reduce_sum3A_175 = arith.constant dense<0.000000e+00> : vector<2048xf32>
    %reduce_sum3A_176 = vector.multi_reduction <add>, %select_n3A_174, %reduce_sum3A_175 [1] : vector<2048x8xf32> to vector<2048xf32>
    %broadcast_in_dim3A_177 = vector.shape_cast %reduce_sum3A_176 : vector<2048xf32> to vector<2048x1xf32>
    %convert_element_type3A = arith.fptosi %broadcast_in_dim3A_169 : vector<2048x1xf32> to vector<2048x1xi32>
    %swap3A_178 = arith.constant 0 : index
    %swap3A_179 = arith.constant 0 : index
    %swap3A_180 = vector.load %arg7[%swap3A_178, %swap3A_179] : memref<2048x1xi32, #tpu.memory_space<vmem>>, vector<2048x1xi32>
    tpu.vector_store %arg7[%swap3A_178, %swap3A_179], %convert_element_type3A {strides = array<i32>} : memref<2048x1xi32, #tpu.memory_space<vmem>>, vector<2048x1xi32>,
    %convert_element_type3A_181 = arith.fptosi %broadcast_in_dim3A_177 : vector<2048x1xf32> to vector<2048x1xi32>
    %swap3A_182 = arith.constant 0 : index
    %swap3A_183 = arith.constant 0 : index
    %swap3A_184 = vector.load %arg8[%swap3A_182, %swap3A_183] : memref<2048x1xi32, #tpu.memory_space<vmem>>, vector<2048x1xi32>
    tpu.vector_store %arg8[%swap3A_182, %swap3A_183], %convert_element_type3A_181 {strides = array<i32>} : memref<2048x1xi32, #tpu.memory_space<vmem>>, vector<2048x1xi32>,
    %iota3A_185 = tpu.iota {dimensions = array<i32: 1>} : vector<1x32xi32>
    %mul3A_186 = arith.constant 256 : i32
    %mul3A_187 = vector.broadcast %mul3A_186 : i32 to vector<1x32xi32>
    %mul3A_188 = arith.muli %iota3A_185, %mul3A_187 : vector<1x32xi32>
    %convert_element_type3A_189 = arith.sitofp %mul3A_188 : vector<1x32xi32> to vector<1x32xf32>
    %broadcast_in_dim3A_190 = arith.constant 0.000000e+00 : f32
    %broadcast_in_dim3A_191 = vector.broadcast %broadcast_in_dim3A_190 : f32 to vector<1x32xf32>
    %slice3A_192 = vector.extract_strided_slice %add3A_160 {offsets = [0, 0], sizes = [1, 1], strides = [1, 1]} : vector<1x8xf32> to vector<1x1xf32>
    %ge3A = vector.broadcast %slice3A_192 : vector<1x1xf32> to vector<1x32xf32>
    %ge3A_193 = arith.cmpf oge, %convert_element_type3A_189, %ge3A : vector<1x32xf32>
    %jit3A_194 = arith.constant 1.000000e+00 : f32
    %jit3A_195 = arith.constant 0.000000e+00 : f32
    %broadcast_in_dim3A_196 = vector.broadcast %jit3A_194 : f32 to vector<1x32xf32>
    %broadcast_in_dim3A_197 = vector.broadcast %jit3A_195 : f32 to vector<1x32xf32>
    %select_n3A_198 = arith.select %ge3A_193, %broadcast_in_dim3A_196, %broadcast_in_dim3A_197 : vector<1x32xi1>, vector<1x32xf32>
    %add3A_199 = arith.addf %broadcast_in_dim3A_191, %select_n3A_198 : vector<1x32xf32>
    %slice3A_200 = vector.extract_strided_slice %add3A_160 {offsets = [0, 1], sizes = [1, 1], strides = [1, 1]} : vector<1x8xf32> to vector<1x1xf32>
    %ge3A_201 = vector.broadcast %slice3A_200 : vector<1x1xf32> to vector<1x32xf32>
    %ge3A_202 = arith.cmpf oge, %convert_element_type3A_189, %ge3A_201 : vector<1x32xf32>
    %jit3A_203 = arith.constant 1.000000e+00 : f32
    %jit3A_204 = arith.constant 0.000000e+00 : f32
    %broadcast_in_dim3A_205 = vector.broadcast %jit3A_203 : f32 to vector<1x32xf32>
    %broadcast_in_dim3A_206 = vector.broadcast %jit3A_204 : f32 to vector<1x32xf32>
    %select_n3A_207 = arith.select %ge3A_202, %broadcast_in_dim3A_205, %broadcast_in_dim3A_206 : vector<1x32xi1>, vector<1x32xf32>
    %add3A_208 = arith.addf %add3A_199, %select_n3A_207 : vector<1x32xf32>
    %slice3A_209 = vector.extract_strided_slice %add3A_160 {offsets = [0, 2], sizes = [1, 1], strides = [1, 1]} : vector<1x8xf32> to vector<1x1xf32>
    %ge3A_210 = vector.broadcast %slice3A_209 : vector<1x1xf32> to vector<1x32xf32>
    %ge3A_211 = arith.cmpf oge, %convert_element_type3A_189, %ge3A_210 : vector<1x32xf32>
    %jit3A_212 = arith.constant 1.000000e+00 : f32
    %jit3A_213 = arith.constant 0.000000e+00 : f32
    %broadcast_in_dim3A_214 = vector.broadcast %jit3A_212 : f32 to vector<1x32xf32>
    %broadcast_in_dim3A_215 = vector.broadcast %jit3A_213 : f32 to vector<1x32xf32>
    %select_n3A_216 = arith.select %ge3A_211, %broadcast_in_dim3A_214, %broadcast_in_dim3A_215 : vector<1x32xi1>, vector<1x32xf32>
    %add3A_217 = arith.addf %add3A_208, %select_n3A_216 : vector<1x32xf32>
    %slice3A_218 = vector.extract_strided_slice %add3A_160 {offsets = [0, 3], sizes = [1, 1], strides = [1, 1]} : vector<1x8xf32> to vector<1x1xf32>
    %ge3A_219 = vector.broadcast %slice3A_218 : vector<1x1xf32> to vector<1x32xf32>
    %ge3A_220 = arith.cmpf oge, %convert_element_type3A_189, %ge3A_219 : vector<1x32xf32>
    %jit3A_221 = arith.constant 1.000000e+00 : f32
    %jit3A_222 = arith.constant 0.000000e+00 : f32
    %broadcast_in_dim3A_223 = vector.broadcast %jit3A_221 : f32 to vector<1x32xf32>
    %broadcast_in_dim3A_224 = vector.broadcast %jit3A_222 : f32 to vector<1x32xf32>
    %select_n3A_225 = arith.select %ge3A_220, %broadcast_in_dim3A_223, %broadcast_in_dim3A_224 : vector<1x32xi1>, vector<1x32xf32>
    %add3A_226 = arith.addf %add3A_217, %select_n3A_225 : vector<1x32xf32>
    %slice3A_227 = vector.extract_strided_slice %add3A_160 {offsets = [0, 4], sizes = [1, 1], strides = [1, 1]} : vector<1x8xf32> to vector<1x1xf32>
    %ge3A_228 = vector.broadcast %slice3A_227 : vector<1x1xf32> to vector<1x32xf32>
    %ge3A_229 = arith.cmpf oge, %convert_element_type3A_189, %ge3A_228 : vector<1x32xf32>
    %jit3A_230 = arith.constant 1.000000e+00 : f32
    %jit3A_231 = arith.constant 0.000000e+00 : f32
    %broadcast_in_dim3A_232 = vector.broadcast %jit3A_230 : f32 to vector<1x32xf32>
    %broadcast_in_dim3A_233 = vector.broadcast %jit3A_231 : f32 to vector<1x32xf32>
    %select_n3A_234 = arith.select %ge3A_229, %broadcast_in_dim3A_232, %broadcast_in_dim3A_233 : vector<1x32xi1>, vector<1x32xf32>
    %add3A_235 = arith.addf %add3A_226, %select_n3A_234 : vector<1x32xf32>
    %slice3A_236 = vector.extract_strided_slice %add3A_160 {offsets = [0, 5], sizes = [1, 1], strides = [1, 1]} : vector<1x8xf32> to vector<1x1xf32>
    %ge3A_237 = vector.broadcast %slice3A_236 : vector<1x1xf32> to vector<1x32xf32>
    %ge3A_238 = arith.cmpf oge, %convert_element_type3A_189, %ge3A_237 : vector<1x32xf32>
    %jit3A_239 = arith.constant 1.000000e+00 : f32
    %jit3A_240 = arith.constant 0.000000e+00 : f32
    %broadcast_in_dim3A_241 = vector.broadcast %jit3A_239 : f32 to vector<1x32xf32>
    %broadcast_in_dim3A_242 = vector.broadcast %jit3A_240 : f32 to vector<1x32xf32>
    %select_n3A_243 = arith.select %ge3A_238, %broadcast_in_dim3A_241, %broadcast_in_dim3A_242 : vector<1x32xi1>, vector<1x32xf32>
    %add3A_244 = arith.addf %add3A_235, %select_n3A_243 : vector<1x32xf32>
    %slice3A_245 = vector.extract_strided_slice %add3A_160 {offsets = [0, 6], sizes = [1, 1], strides = [1, 1]} : vector<1x8xf32> to vector<1x1xf32>
    %ge3A_246 = vector.broadcast %slice3A_245 : vector<1x1xf32> to vector<1x32xf32>
    %ge3A_247 = arith.cmpf oge, %convert_element_type3A_189, %ge3A_246 : vector<1x32xf32>
    %jit3A_248 = arith.constant 1.000000e+00 : f32
    %jit3A_249 = arith.constant 0.000000e+00 : f32
    %broadcast_in_dim3A_250 = vector.broadcast %jit3A_248 : f32 to vector<1x32xf32>
    %broadcast_in_dim3A_251 = vector.broadcast %jit3A_249 : f32 to vector<1x32xf32>
    %select_n3A_252 = arith.select %ge3A_247, %broadcast_in_dim3A_250, %broadcast_in_dim3A_251 : vector<1x32xi1>, vector<1x32xf32>
    %add3A_253 = arith.addf %add3A_244, %select_n3A_252 : vector<1x32xf32>
    %slice3A_254 = vector.extract_strided_slice %add3A_160 {offsets = [0, 7], sizes = [1, 1], strides = [1, 1]} : vector<1x8xf32> to vector<1x1xf32>
    %ge3A_255 = vector.broadcast %slice3A_254 : vector<1x1xf32> to vector<1x32xf32>
    %ge3A_256 = arith.cmpf oge, %convert_element_type3A_189, %ge3A_255 : vector<1x32xf32>
    %jit3A_257 = arith.constant 1.000000e+00 : f32
    %jit3A_258 = arith.constant 0.000000e+00 : f32
    %broadcast_in_dim3A_259 = vector.broadcast %jit3A_257 : f32 to vector<1x32xf32>
    %broadcast_in_dim3A_260 = vector.broadcast %jit3A_258 : f32 to vector<1x32xf32>
    %select_n3A_261 = arith.select %ge3A_256, %broadcast_in_dim3A_259, %broadcast_in_dim3A_260 : vector<1x32xi1>, vector<1x32xf32>
    %add3A_262 = arith.addf %add3A_253, %select_n3A_261 : vector<1x32xf32>
    %convert_element_type3A_263 = arith.fptosi %add3A_262 : vector<1x32xf32> to vector<1x32xi32>
    %swap3A_264 = arith.constant 0 : index
    %swap3A_265 = arith.constant 0 : index
    %swap3A_266 = vector.load %arg11[%swap3A_264, %swap3A_265] : memref<1x32xi32, #tpu.memory_space<vmem>>, vector<1x32xi32>
    tpu.vector_store %arg11[%swap3A_264, %swap3A_265], %convert_element_type3A_263 {strides = array<i32>} : memref<1x32xi32, #tpu.memory_space<vmem>>, vector<1x32xi32>,
    return
  }
  func.func @transform_0(%arg0: i32) -> (i32, i32, i32) {
    %c0_i32 = arith.constant 0 : i32
    %c0_i32_0 = arith.constant 0 : i32
    %c0_i32_1 = arith.constant 0 : i32
    %c0_i32_2 = arith.constant 0 : i32
    return %c0_i32, %c0_i32_0, %c0_i32_1 : i32, i32, i32
  }
  func.func @transform_1(%arg0: i32) -> i32 {
    %c0_i32 = arith.constant 0 : i32
    %c0_i32_0 = arith.constant 0 : i32
    return %c0_i32 : i32
  }
  func.func @transform_2(%arg0: i32) -> (i32, i32) {
    %c0_i32 = arith.constant 0 : i32
    %c0_i32_0 = arith.constant 0 : i32
    %c0_i32_1 = arith.constant 0 : i32
    return %c0_i32, %c0_i32_0 : i32, i32
  }
  func.func @transform_3(%arg0: i32) -> (i32, i32) {
    %c0_i32 = arith.constant 0 : i32
    %c0_i32_0 = arith.constant 0 : i32
    %c0_i32_1 = arith.constant 0 : i32
    return %c0_i32, %c0_i32_0 : i32, i32
  }
  func.func @transform_4(%arg0: i32) -> i32 {
    %c0_i32 = arith.constant 0 : i32
    %c0_i32_0 = arith.constant 0 : i32
    return %c0_i32 : i32
  }
  func.func @transform_5(%arg0: i32) -> (i32, i32, i32) {
    %c0_i32 = arith.constant 0 : i32
    %c0_i32_0 = arith.constant 0 : i32
    %c0_i32_1 = arith.constant 0 : i32
    %c0_i32_2 = arith.constant 0 : i32
    return %c0_i32, %c0_i32_0, %c0_i32_1 : i32, i32, i32
  }
  func.func @transform_6(%arg0: i32) -> (i32, i32) {
    %c0_i32 = arith.constant 0 : i32
    %c0_i32_0 = arith.constant 0 : i32
    %c0_i32_1 = arith.constant 0 : i32
    return %c0_i32, %c0_i32_0 : i32, i32
  }
  func.func @transform_7(%arg0: i32) -> (i32, i32) {
    %c0_i32 = arith.constant 0 : i32
    %c0_i32_0 = arith.constant 0 : i32
    %c0_i32_1 = arith.constant 0 : i32
    return %c0_i32, %c0_i32_0 : i32, i32
  }
  func.func @transform_8(%arg0: i32) -> (i32, i32) {
    %c0_i32 = arith.constant 0 : i32
    %c0_i32_0 = arith.constant 0 : i32
    %c0_i32_1 = arith.constant 0 : i32
    return %c0_i32, %c0_i32_0 : i32, i32
  }
  func.func @transform_9(%arg0: i32) -> (i32, i32) {
    %c0_i32 = arith.constant 0 : i32
    %c0_i32_0 = arith.constant 0 : i32
    %c0_i32_1 = arith.constant 0 : i32
    return %c0_i32, %c0_i32_0 : i32, i32
  }
  func.func @transform_10(%arg0: i32) -> (i32, i32) {
    %c0_i32 = arith.constant 0 : i32
    %c0_i32_0 = arith.constant 0 : i32
    %c0_i32_1 = arith.constant 0 : i32
    return %c0_i32, %c0_i32_0 : i32, i32
  }
  func.func @transform_11(%arg0: i32) -> (i32, i32) {
    %c0_i32 = arith.constant 0 : i32
    %c0_i32_0 = arith.constant 0 : i32
    %c0_i32_1 = arith.constant 0 : i32
    return %c0_i32, %c0_i32_0 : i32, i32
  }
}

module attributes {stable_mosaic.version = 14 : i64} {
  func.func @_univ_body(%arg0: i32, %arg1: memref<1x2048x768xf32, #tpu.memory_space<vmem>>, %arg2: memref<2048x1xf32, #tpu.memory_space<vmem>>, %arg3: memref<768x1024xf32, #tpu.memory_space<vmem>>, %arg4: memref<1x1x1024xf32, #tpu.memory_space<vmem>>, %arg5: memref<1024x768xf32, #tpu.memory_space<vmem>>, %arg6: memref<1x1x768xf32, #tpu.memory_space<vmem>>, %arg7: memref<1x2048x768xf32, #tpu.memory_space<vmem>>, %arg8: memref<2048x768xbf16, #tpu.memory_space<vmem>>) attributes {dimension_semantics = [#tpu.dimension_semantics<arbitrary>], iteration_bounds = array<i64: 3>, scalar_prefetch = 0 : i64, scratch_operands = 1 : i64, tpu.core_type = #tpu.core_type<tc>, window_params = [{pipeline_mode = #tpu.pipeline_mode<synchronous>, transform_indices = @transform_0, window_bounds = array<i64: 1, 2048, 768>}, {pipeline_mode = #tpu.pipeline_mode<synchronous>, transform_indices = @transform_1, window_bounds = array<i64: 2048, 1>}, {transform_indices = @transform_2, window_bounds = array<i64: 768, 1024>}, {transform_indices = @transform_3, window_bounds = array<i64: 1, 1, 1024>}, {transform_indices = @transform_4, window_bounds = array<i64: 1024, 768>}, {pipeline_mode = #tpu.pipeline_mode<synchronous>, transform_indices = @transform_5, window_bounds = array<i64: 1, 1, 768>}, {pipeline_mode = #tpu.pipeline_mode<synchronous>, transform_indices = @transform_6, window_bounds = array<i64: 1, 2048, 768>}]} {
    %eq3A = arith.constant 0 : i32
    %eq3A_0 = arith.cmpi eq, %arg0, %eq3A : i32
    %convert_element_type3A = arith.extui %eq3A_0 : i1 to i32
    %cond3A = arith.constant 0 : i32
    %cond3A_1 = arith.cmpi ne, %convert_element_type3A, %cond3A : i32
    scf.if %cond3A_1 {
      %get3A_55 = arith.constant 0 : index
      %get3A_56 = arith.constant 0 : index
      %get3A_57 = arith.constant 0 : index
      %get3A_58 = vector.load %arg1[%get3A_55, %get3A_56, %get3A_57] : memref<1x2048x768xf32, #tpu.memory_space<vmem>>, vector<1x2048x768xf32>
      %get3A_59 = vector.shape_cast %get3A_58 : vector<1x2048x768xf32> to vector<2048x768xf32>
      %convert_element_type3A_60 = arith.truncf %get3A_59 : vector<2048x768xf32> to vector<2048x768xbf16>
      %swap3A = arith.constant 0 : index
      %swap3A_61 = arith.constant 0 : index
      %swap3A_62 = vector.load %arg8[%swap3A, %swap3A_61] : memref<2048x768xbf16, #tpu.memory_space<vmem>>, vector<2048x768xbf16>
      tpu.vector_store %arg8[%swap3A, %swap3A_61], %convert_element_type3A_60 {strides = array<i32>} : memref<2048x768xbf16, #tpu.memory_space<vmem>>, vector<2048x768xbf16>,
    } else {
    }
    %get3A = arith.constant 0 : index
    %get3A_2 = arith.constant 0 : index
    %get3A_3 = vector.load %arg8[%get3A, %get3A_2] : memref<2048x768xbf16, #tpu.memory_space<vmem>>, vector<2048x768xbf16>
    %get3A_4 = arith.constant 0 : index
    %get3A_5 = arith.constant 0 : index
    %get3A_6 = vector.load %arg3[%get3A_4, %get3A_5] : memref<768x1024xf32, #tpu.memory_space<vmem>>, vector<768x1024xf32>
    %convert_element_type3A_7 = arith.truncf %get3A_6 : vector<768x1024xf32> to vector<768x1024xbf16>
    %dot_general3A = arith.constant dense<0.000000e+00> : vector<2048x1024xf32>
    %dot_general3A_8 = tpu.matmul %get3A_3, %convert_element_type3A_7, %dot_general3A {dimension_numbers = #tpu.dot_dimension_numbers<[1], [0], [0], [1], [0, 0, 1, 1], [], []>, transpose_lhs_hint = false} : vector<2048x768xbf16>, vector<768x1024xbf16>, vector<2048x1024xf32> -> vector<2048x1024xf32>
    %get3A_9 = arith.constant 0 : index
    %get3A_10 = arith.constant 0 : index
    %get3A_11 = arith.constant 0 : index
    %get3A_12 = vector.load %arg4[%get3A_9, %get3A_10, %get3A_11] : memref<1x1x1024xf32, #tpu.memory_space<vmem>>, vector<1x1x1024xf32>
    %get3A_13 = vector.shape_cast %get3A_12 : vector<1x1x1024xf32> to vector<1024xf32>
    %broadcast_in_dim3A = vector.shape_cast %get3A_13 : vector<1024xf32> to vector<1x1024xf32>
    %add3A = vector.broadcast %broadcast_in_dim3A : vector<1x1024xf32> to vector<2048x1024xf32>
    %add3A_14 = arith.addf %dot_general3A_8, %add3A : vector<2048x1024xf32>
    %mul3A = arith.constant 5.000000e-01 : f32
    %mul3A_15 = vector.broadcast %mul3A : f32 to vector<2048x1024xf32>
    %mul3A_16 = arith.mulf %mul3A_15, %add3A_14 : vector<2048x1024xf32>
    %mul3A_17 = arith.constant 0.707106769 : f32
    %mul3A_18 = vector.broadcast %mul3A_17 : f32 to vector<2048x1024xf32>
    %mul3A_19 = arith.mulf %add3A_14, %mul3A_18 : vector<2048x1024xf32>
    %erf3A = math.erf %mul3A_19 : vector<2048x1024xf32>
    %add3A_20 = arith.constant 1.000000e+00 : f32
    %add3A_21 = vector.broadcast %add3A_20 : f32 to vector<2048x1024xf32>
    %add3A_22 = arith.addf %add3A_21, %erf3A : vector<2048x1024xf32>
    %mul3A_23 = arith.mulf %mul3A_16, %add3A_22 : vector<2048x1024xf32>
    %convert_element_type3A_24 = arith.truncf %mul3A_23 : vector<2048x1024xf32> to vector<2048x1024xbf16>
    %get3A_25 = arith.constant 0 : index
    %get3A_26 = arith.constant 0 : index
    %get3A_27 = vector.load %arg5[%get3A_25, %get3A_26] : memref<1024x768xf32, #tpu.memory_space<vmem>>, vector<1024x768xf32>
    %convert_element_type3A_28 = arith.truncf %get3A_27 : vector<1024x768xf32> to vector<1024x768xbf16>
    %dot_general3A_29 = arith.constant dense<0.000000e+00> : vector<2048x768xf32>
    %dot_general3A_30 = tpu.matmul %convert_element_type3A_24, %convert_element_type3A_28, %dot_general3A_29 {dimension_numbers = #tpu.dot_dimension_numbers<[1], [0], [0], [1], [0, 0, 1, 1], [], []>, transpose_lhs_hint = false} : vector<2048x1024xbf16>, vector<1024x768xbf16>, vector<2048x768xf32> -> vector<2048x768xf32>
    %eq3A_31 = arith.constant 0 : i32
    %eq3A_32 = arith.cmpi eq, %arg0, %eq3A_31 : i32
    %get3A_33 = arith.constant 0 : index
    %get3A_34 = arith.constant 0 : index
    %get3A_35 = arith.constant 0 : index
    %get3A_36 = vector.load %arg6[%get3A_33, %get3A_34, %get3A_35] : memref<1x1x768xf32, #tpu.memory_space<vmem>>, vector<1x1x768xf32>
    %get3A_37 = vector.shape_cast %get3A_36 : vector<1x1x768xf32> to vector<768xf32>
    %broadcast_in_dim3A_38 = vector.shape_cast %get3A_37 : vector<768xf32> to vector<1x768xf32>
    %add3A_39 = vector.broadcast %broadcast_in_dim3A_38 : vector<1x768xf32> to vector<2048x768xf32>
    %add3A_40 = arith.addf %dot_general3A_30, %add3A_39 : vector<2048x768xf32>
    %select_n3A = arith.select %eq3A_32, %add3A_40, %dot_general3A_30 : vector<2048x768xf32>
    %get3A_41 = arith.constant 0 : index
    %get3A_42 = arith.constant 0 : index
    %get3A_43 = vector.load %arg2[%get3A_41, %get3A_42] : memref<2048x1xf32, #tpu.memory_space<vmem>>, vector<2048x1xf32>
    %mul3A_44 = vector.broadcast %get3A_43 : vector<2048x1xf32> to vector<2048x768xf32>
    %mul3A_45 = arith.mulf %mul3A_44, %select_n3A : vector<2048x768xf32>
    %eq3A_46 = arith.constant 0 : i32
    %eq3A_47 = arith.cmpi eq, %arg0, %eq3A_46 : i32
    %convert_element_type3A_48 = arith.extui %eq3A_47 : i1 to i32
    %cond3A_49 = arith.constant 0 : i32
    %cond3A_50 = arith.cmpi ne, %convert_element_type3A_48, %cond3A_49 : i32
    scf.if %cond3A_50 {
      %swap3A = arith.constant 0 : index
      %swap3A_55 = arith.constant 0 : index
      %swap3A_56 = arith.constant 0 : index
      %swap3A_57 = vector.load %arg7[%swap3A, %swap3A_55, %swap3A_56] : memref<1x2048x768xf32, #tpu.memory_space<vmem>>, vector<1x2048x768xf32>
      %swap3A_58 = vector.shape_cast %swap3A_57 : vector<1x2048x768xf32> to vector<2048x768xf32>
      %swap3A_59 = vector.shape_cast %mul3A_45 : vector<2048x768xf32> to vector<1x2048x768xf32>
      tpu.vector_store %arg7[%swap3A, %swap3A_55, %swap3A_56], %swap3A_59 {strides = array<i32>} : memref<1x2048x768xf32, #tpu.memory_space<vmem>>, vector<1x2048x768xf32>,
    } else {
    }
    %ne3A = arith.constant 0 : i32
    %ne3A_51 = arith.cmpi ne, %arg0, %ne3A : i32
    %convert_element_type3A_52 = arith.extui %ne3A_51 : i1 to i32
    %cond3A_53 = arith.constant 0 : i32
    %cond3A_54 = arith.cmpi ne, %convert_element_type3A_52, %cond3A_53 : i32
    scf.if %cond3A_54 {
      %get3A_55 = arith.constant 0 : index
      %get3A_56 = arith.constant 0 : index
      %get3A_57 = arith.constant 0 : index
      %get3A_58 = vector.load %arg7[%get3A_55, %get3A_56, %get3A_57] : memref<1x2048x768xf32, #tpu.memory_space<vmem>>, vector<1x2048x768xf32>
      %get3A_59 = vector.shape_cast %get3A_58 : vector<1x2048x768xf32> to vector<2048x768xf32>
      %add3A_60 = arith.addf %get3A_59, %mul3A_45 : vector<2048x768xf32>
      %swap3A = arith.constant 0 : index
      %swap3A_61 = arith.constant 0 : index
      %swap3A_62 = arith.constant 0 : index
      %swap3A_63 = vector.load %arg7[%swap3A, %swap3A_61, %swap3A_62] : memref<1x2048x768xf32, #tpu.memory_space<vmem>>, vector<1x2048x768xf32>
      %swap3A_64 = vector.shape_cast %swap3A_63 : vector<1x2048x768xf32> to vector<2048x768xf32>
      %swap3A_65 = vector.shape_cast %add3A_60 : vector<2048x768xf32> to vector<1x2048x768xf32>
      tpu.vector_store %arg7[%swap3A, %swap3A_61, %swap3A_62], %swap3A_65 {strides = array<i32>} : memref<1x2048x768xf32, #tpu.memory_space<vmem>>, vector<1x2048x768xf32>,
    } else {
    }
    return
  }
  func.func @transform_0(%arg0: i32) -> (i32, i32, i32) {
    %c0_i32 = arith.constant 0 : i32
    %c0_i32_0 = arith.constant 0 : i32
    %c0_i32_1 = arith.constant 0 : i32
    %c0_i32_2 = arith.constant 0 : i32
    return %c0_i32, %c0_i32_0, %c0_i32_1 : i32, i32, i32
  }
  func.func @transform_1(%arg0: i32) -> (i32, i32) {
    %c0_i32 = arith.constant 0 : i32
    %c0_i32_0 = arith.constant 0 : i32
    %c0_i32_1 = arith.constant 0 : i32
    return %c0_i32, %c0_i32_0 : i32, i32
  }
  func.func @transform_2(%arg0: i32) -> (i32, i32) {
    %c0_i32 = arith.constant 0 : i32
    %c0_i32_0 = arith.constant 0 : i32
    return %c0_i32, %arg0 : i32, i32
  }
  func.func @transform_3(%arg0: i32) -> (i32, i32, i32) {
    %c0_i32 = arith.constant 0 : i32
    %c0_i32_0 = arith.constant 0 : i32
    %c0_i32_1 = arith.constant 0 : i32
    return %c0_i32, %c0_i32_0, %arg0 : i32, i32, i32
  }
  func.func @transform_4(%arg0: i32) -> (i32, i32) {
    %c0_i32 = arith.constant 0 : i32
    %c0_i32_0 = arith.constant 0 : i32
    return %arg0, %c0_i32 : i32, i32
  }
  func.func @transform_5(%arg0: i32) -> (i32, i32, i32) {
    %c0_i32 = arith.constant 0 : i32
    %c0_i32_0 = arith.constant 0 : i32
    %c0_i32_1 = arith.constant 0 : i32
    %c0_i32_2 = arith.constant 0 : i32
    return %c0_i32, %c0_i32_0, %c0_i32_1 : i32, i32, i32
  }
  func.func @transform_6(%arg0: i32) -> (i32, i32, i32) {
    %c0_i32 = arith.constant 0 : i32
    %c0_i32_0 = arith.constant 0 : i32
    %c0_i32_1 = arith.constant 0 : i32
    %c0_i32_2 = arith.constant 0 : i32
    return %c0_i32, %c0_i32_0, %c0_i32_1 : i32, i32, i32
  }
}

module attributes {stable_mosaic.version = 14 : i64} {
  func.func @_grouped_body(%arg0: i32, %arg1: i32, %arg2: memref<32xi32, #tpu.memory_space<smem>>, %arg3: memref<256x768xf32, #tpu.memory_space<vmem>>, %arg4: memref<256x1xf32, #tpu.memory_space<vmem>>, %arg5: memref<1x768x1024xf32, #tpu.memory_space<vmem>>, %arg6: memref<1x1x1024xf32, #tpu.memory_space<vmem>>, %arg7: memref<1x1024x768xf32, #tpu.memory_space<vmem>>, %arg8: memref<1x1x768xf32, #tpu.memory_space<vmem>>, %arg9: memref<256x768xf32, #tpu.memory_space<vmem>>) attributes {dimension_semantics = [#tpu.dimension_semantics<arbitrary>, #tpu.dimension_semantics<arbitrary>], iteration_bounds = array<i64: 24, 3>, scalar_prefetch = 1 : i64, scratch_operands = 0 : i64, tpu.core_type = #tpu.core_type<tc>, window_params = [{transform_indices = @transform_0, window_bounds = array<i64: 256, 768>}, {transform_indices = @transform_1, window_bounds = array<i64: 256, 1>}, {transform_indices = @transform_2, window_bounds = array<i64: 1, 768, 1024>}, {transform_indices = @transform_3, window_bounds = array<i64: 1, 1, 1024>}, {transform_indices = @transform_4, window_bounds = array<i64: 1, 1024, 768>}, {transform_indices = @transform_5, window_bounds = array<i64: 1, 1, 768>}, {transform_indices = @transform_6, window_bounds = array<i64: 256, 768>}]} {
    %get3A = arith.index_cast %arg0 : i32 to index
    %get3A_0 = memref.load %arg2[%get3A] : memref<32xi32, #tpu.memory_space<smem>>
    %lt3A = arith.constant 8 : i32
    %lt3A_1 = arith.cmpi slt, %get3A_0, %lt3A : i32
    %convert_element_type3A = arith.extui %lt3A_1 : i1 to i32
    %cond3A = arith.constant 0 : i32
    %cond3A_2 = arith.cmpi ne, %convert_element_type3A, %cond3A : i32
    scf.if %cond3A_2 {
      %get3A_3 = arith.constant 0 : index
      %get3A_4 = arith.constant 0 : index
      %get3A_5 = vector.load %arg3[%get3A_3, %get3A_4] : memref<256x768xf32, #tpu.memory_space<vmem>>, vector<256x768xf32>
      %convert_element_type3A_6 = arith.truncf %get3A_5 : vector<256x768xf32> to vector<256x768xbf16>
      %get3A_7 = arith.constant 0 : index
      %get3A_8 = arith.constant 0 : index
      %get3A_9 = arith.constant 0 : index
      %get3A_10 = vector.load %arg5[%get3A_7, %get3A_8, %get3A_9] : memref<1x768x1024xf32, #tpu.memory_space<vmem>>, vector<1x768x1024xf32>
      %get3A_11 = vector.shape_cast %get3A_10 : vector<1x768x1024xf32> to vector<768x1024xf32>
      %convert_element_type3A_12 = arith.truncf %get3A_11 : vector<768x1024xf32> to vector<768x1024xbf16>
      %dot_general3A = arith.constant dense<0.000000e+00> : vector<256x1024xf32>
      %dot_general3A_13 = tpu.matmul %convert_element_type3A_6, %convert_element_type3A_12, %dot_general3A {dimension_numbers = #tpu.dot_dimension_numbers<[1], [0], [0], [1], [0, 0, 1, 1], [], []>, transpose_lhs_hint = false} : vector<256x768xbf16>, vector<768x1024xbf16>, vector<256x1024xf32> -> vector<256x1024xf32>
      %get3A_14 = arith.constant 0 : index
      %get3A_15 = arith.constant 0 : index
      %get3A_16 = arith.constant 0 : index
      %get3A_17 = vector.load %arg6[%get3A_14, %get3A_15, %get3A_16] : memref<1x1x1024xf32, #tpu.memory_space<vmem>>, vector<1x1x1024xf32>
      %get3A_18 = vector.shape_cast %get3A_17 : vector<1x1x1024xf32> to vector<1024xf32>
      %broadcast_in_dim3A = vector.shape_cast %get3A_18 : vector<1024xf32> to vector<1x1024xf32>
      %add3A = vector.broadcast %broadcast_in_dim3A : vector<1x1024xf32> to vector<256x1024xf32>
      %add3A_19 = arith.addf %dot_general3A_13, %add3A : vector<256x1024xf32>
      %mul3A = arith.constant 5.000000e-01 : f32
      %mul3A_20 = vector.broadcast %mul3A : f32 to vector<256x1024xf32>
      %mul3A_21 = arith.mulf %mul3A_20, %add3A_19 : vector<256x1024xf32>
      %mul3A_22 = arith.constant 0.707106769 : f32
      %mul3A_23 = vector.broadcast %mul3A_22 : f32 to vector<256x1024xf32>
      %mul3A_24 = arith.mulf %add3A_19, %mul3A_23 : vector<256x1024xf32>
      %erf3A = math.erf %mul3A_24 : vector<256x1024xf32>
      %add3A_25 = arith.constant 1.000000e+00 : f32
      %add3A_26 = vector.broadcast %add3A_25 : f32 to vector<256x1024xf32>
      %add3A_27 = arith.addf %add3A_26, %erf3A : vector<256x1024xf32>
      %mul3A_28 = arith.mulf %mul3A_21, %add3A_27 : vector<256x1024xf32>
      %convert_element_type3A_29 = arith.truncf %mul3A_28 : vector<256x1024xf32> to vector<256x1024xbf16>
      %get3A_30 = arith.constant 0 : index
      %get3A_31 = arith.constant 0 : index
      %get3A_32 = arith.constant 0 : index
      %get3A_33 = vector.load %arg7[%get3A_30, %get3A_31, %get3A_32] : memref<1x1024x768xf32, #tpu.memory_space<vmem>>, vector<1x1024x768xf32>
      %get3A_34 = vector.shape_cast %get3A_33 : vector<1x1024x768xf32> to vector<1024x768xf32>
      %convert_element_type3A_35 = arith.truncf %get3A_34 : vector<1024x768xf32> to vector<1024x768xbf16>
      %dot_general3A_36 = arith.constant dense<0.000000e+00> : vector<256x768xf32>
      %dot_general3A_37 = tpu.matmul %convert_element_type3A_29, %convert_element_type3A_35, %dot_general3A_36 {dimension_numbers = #tpu.dot_dimension_numbers<[1], [0], [0], [1], [0, 0, 1, 1], [], []>, transpose_lhs_hint = false} : vector<256x1024xbf16>, vector<1024x768xbf16>, vector<256x768xf32> -> vector<256x768xf32>
      %eq3A = arith.constant 0 : i32
      %eq3A_38 = arith.cmpi eq, %arg1, %eq3A : i32
      %get3A_39 = arith.constant 0 : index
      %get3A_40 = arith.constant 0 : index
      %get3A_41 = arith.constant 0 : index
      %get3A_42 = vector.load %arg8[%get3A_39, %get3A_40, %get3A_41] : memref<1x1x768xf32, #tpu.memory_space<vmem>>, vector<1x1x768xf32>
      %get3A_43 = vector.shape_cast %get3A_42 : vector<1x1x768xf32> to vector<768xf32>
      %broadcast_in_dim3A_44 = vector.shape_cast %get3A_43 : vector<768xf32> to vector<1x768xf32>
      %add3A_45 = vector.broadcast %broadcast_in_dim3A_44 : vector<1x768xf32> to vector<256x768xf32>
      %add3A_46 = arith.addf %dot_general3A_37, %add3A_45 : vector<256x768xf32>
      %select_n3A = arith.select %eq3A_38, %add3A_46, %dot_general3A_37 : vector<256x768xf32>
      %get3A_47 = arith.constant 0 : index
      %get3A_48 = arith.constant 0 : index
      %get3A_49 = vector.load %arg4[%get3A_47, %get3A_48] : memref<256x1xf32, #tpu.memory_space<vmem>>, vector<256x1xf32>
      %mul3A_50 = vector.broadcast %get3A_49 : vector<256x1xf32> to vector<256x768xf32>
      %mul3A_51 = arith.mulf %mul3A_50, %select_n3A : vector<256x768xf32>
      %eq3A_52 = arith.constant 0 : i32
      %eq3A_53 = arith.cmpi eq, %arg1, %eq3A_52 : i32
      %convert_element_type3A_54 = arith.extui %eq3A_53 : i1 to i32
      %cond3A_55 = arith.constant 0 : i32
      %cond3A_56 = arith.cmpi ne, %convert_element_type3A_54, %cond3A_55 : i32
      scf.if %cond3A_56 {
        %swap3A = arith.constant 0 : index
        %swap3A_61 = arith.constant 0 : index
        %swap3A_62 = vector.load %arg9[%swap3A, %swap3A_61] : memref<256x768xf32, #tpu.memory_space<vmem>>, vector<256x768xf32>
        tpu.vector_store %arg9[%swap3A, %swap3A_61], %mul3A_51 {strides = array<i32>} : memref<256x768xf32, #tpu.memory_space<vmem>>, vector<256x768xf32>,
      } else {
      }
      %ne3A = arith.constant 0 : i32
      %ne3A_57 = arith.cmpi ne, %arg1, %ne3A : i32
      %convert_element_type3A_58 = arith.extui %ne3A_57 : i1 to i32
      %cond3A_59 = arith.constant 0 : i32
      %cond3A_60 = arith.cmpi ne, %convert_element_type3A_58, %cond3A_59 : i32
      scf.if %cond3A_60 {
        %get3A_61 = arith.constant 0 : index
        %get3A_62 = arith.constant 0 : index
        %get3A_63 = vector.load %arg9[%get3A_61, %get3A_62] : memref<256x768xf32, #tpu.memory_space<vmem>>, vector<256x768xf32>
        %add3A_64 = arith.addf %get3A_63, %mul3A_51 : vector<256x768xf32>
        %swap3A = arith.constant 0 : index
        %swap3A_65 = arith.constant 0 : index
        %swap3A_66 = vector.load %arg9[%swap3A, %swap3A_65] : memref<256x768xf32, #tpu.memory_space<vmem>>, vector<256x768xf32>
        tpu.vector_store %arg9[%swap3A, %swap3A_65], %add3A_64 {strides = array<i32>} : memref<256x768xf32, #tpu.memory_space<vmem>>, vector<256x768xf32>,
      } else {
      }
    } else {
    }
    return
  }
  func.func @transform_0(%arg0: i32, %arg1: i32, %arg2: memref<32xi32, #tpu.memory_space<smem>>) -> (i32, i32) {
    %c0_i32 = arith.constant 0 : i32
    %c0_i32_0 = arith.constant 0 : i32
    return %arg0, %c0_i32 : i32, i32
  }
  func.func @transform_1(%arg0: i32, %arg1: i32, %arg2: memref<32xi32, #tpu.memory_space<smem>>) -> (i32, i32) {
    %c0_i32 = arith.constant 0 : i32
    %c0_i32_0 = arith.constant 0 : i32
    return %arg0, %c0_i32 : i32, i32
  }
  func.func @transform_2(%arg0: i32, %arg1: i32, %arg2: memref<32xi32, #tpu.memory_space<smem>>) -> (i32, i32, i32) {
    %get3A = arith.index_cast %arg0 : i32 to index
    %get3A_0 = memref.load %arg2[%get3A] : memref<32xi32, #tpu.memory_space<smem>>
    %min3A = arith.constant 7 : i32
    %min3A_1 = arith.minsi %get3A_0, %min3A : i32
    %c0_i32 = arith.constant 0 : i32
    %c0_i32_2 = arith.constant 0 : i32
    return %min3A_1, %c0_i32, %arg1 : i32, i32, i32
  }
  func.func @transform_3(%arg0: i32, %arg1: i32, %arg2: memref<32xi32, #tpu.memory_space<smem>>) -> (i32, i32, i32) {
    %get3A = arith.index_cast %arg0 : i32 to index
    %get3A_0 = memref.load %arg2[%get3A] : memref<32xi32, #tpu.memory_space<smem>>
    %min3A = arith.constant 7 : i32
    %min3A_1 = arith.minsi %get3A_0, %min3A : i32
    %c0_i32 = arith.constant 0 : i32
    %c0_i32_2 = arith.constant 0 : i32
    return %min3A_1, %c0_i32, %arg1 : i32, i32, i32
  }
  func.func @transform_4(%arg0: i32, %arg1: i32, %arg2: memref<32xi32, #tpu.memory_space<smem>>) -> (i32, i32, i32) {
    %get3A = arith.index_cast %arg0 : i32 to index
    %get3A_0 = memref.load %arg2[%get3A] : memref<32xi32, #tpu.memory_space<smem>>
    %min3A = arith.constant 7 : i32
    %min3A_1 = arith.minsi %get3A_0, %min3A : i32
    %c0_i32 = arith.constant 0 : i32
    %c0_i32_2 = arith.constant 0 : i32
    return %min3A_1, %arg1, %c0_i32 : i32, i32, i32
  }
  func.func @transform_5(%arg0: i32, %arg1: i32, %arg2: memref<32xi32, #tpu.memory_space<smem>>) -> (i32, i32, i32) {
    %get3A = arith.index_cast %arg0 : i32 to index
    %get3A_0 = memref.load %arg2[%get3A] : memref<32xi32, #tpu.memory_space<smem>>
    %min3A = arith.constant 7 : i32
    %min3A_1 = arith.minsi %get3A_0, %min3A : i32
    %c0_i32 = arith.constant 0 : i32
    %c0_i32_2 = arith.constant 0 : i32
    %c0_i32_3 = arith.constant 0 : i32
    return %min3A_1, %c0_i32, %c0_i32_2 : i32, i32, i32
  }
  func.func @transform_6(%arg0: i32, %arg1: i32, %arg2: memref<32xi32, #tpu.memory_space<smem>>) -> (i32, i32) {
    %c0_i32 = arith.constant 0 : i32
    %c0_i32_0 = arith.constant 0 : i32
    return %arg0, %c0_i32 : i32, i32
  }
}

</mosaic_0001>

<sc_bundles>
// kernel: kernel.11.cloned.1.call-start
scs
__scs_entry_jumppad:
0x0: {  	(pc) =	sbr.rel $0x88, $3  }
0x1: {  	(tag) =	ssettag $0x0;
	lr =	simm.s32 $0x1  }
0x2: {  	[smem:$0x3F94] =	sst lr;
	_ =	strace $0xD0000000  }
0x3: {  	_ = 	snop  }
0x4: {  	_ = 	snop  }
0x5: {  	_ = 	snop  }
0x6: {  	_ = 	snop  }
0x7: {  	_ = 	snop  }
__scs_overlays_trampoline_lowered:
0x8: {  	[smem:$0x3FA3] =	sst s0  }
0x9: {  	[smem:$0x3FA4] =	sst s1  }
0xa: {  	[smem:$0x3FA5] =	sst s2  }
0xb: {  	[smem:$0x3FA6] =	sst s3  }
0xc: {  	[smem:$0x3FA7] =	sst s4  }
0xd: {  	[smem:$0x3FA8] =	sst s5  }
0xe: {  	[smem:$0x3FA9] =	sst s6  }
0xf: {  	[smem:$0x3FAA] =	sst s7  }
0x10: {  	[smem:$0x3FAB] =	sst s8  }
0x11: {  	[smem:$0x3FAC] =	sst s9;
	s0 =	simm.s32 @!p0 $0x0  }
0x12: {  	s1 =	sld [smem:$0x3F92];
	s0 =	simm.s32 @p0 $0x1  }
0x13: {  	[smem:$0x3FAD] =	sst s0;
	s0 =	simm.s32 @!p1 $0x0  }
0x14: {  	s2 =	sld [smem:$0x3F91];
	s0 =	simm.s32 @p1 $0x1  }
0x15: {  	[smem:$0x3FAE] =	sst s0;
	s0 =	simm.s32 @!p2 $0x0  }
0x16: {  	s3 =	sld [smem:$0x3FDB];
	s0 =	simm.s32 @p2 $0x1  }
0x17: {  	s4 =	simm.s32 $0x1BF5;
	[smem:$0x3FB0] =	sst s0  }
0x18: {  	s0 =	sld [smem:$0x3F93];
	_ =	swait.ge [sflag:s4], $0x0  }
0x19: {  	s7 =	sld [smem:$0x3F94]  }
0x1a: {  	s8 =	sadd.s32 $0xFFFFE003, lr  }
0x1b: {  	s9 =	sadd.s32 $0xFFFFFEF7, lr;
	s5 =	simm.s32 $0xFFFFFFFF;
	p2 =	slt.u32 s8, $0xFFFFF086  }
0x1c: {  	p1 =	slt.u32 s9, $0xF7A;
	s5 =	simm.s32 @!p2 $0x0  }
0x1d: {  	s5 =	simm.s32 @p1 $0x1;
	p0 =	seq.s32 s7, s2  }
0x1e: {  	s7 =	smul.u32 @!p0 $0xF7A, s2;
	p2 =	seq.s32 @!p0 s5, $0x0  }
0x1f: {  	s9 =	smul.u32 $0xF7A, s1;
	s8 =	simm.s32 @!p0 $0x1BF5;
	p2 =	por !p2, p0  }
0x20: {  	[sflag:s8] =	ssyncset.s32 @!p0 $0xFFFFF086;
	s6 =	sadd.s32 @!p0 s3, s7;
	s7 =	simm.s32 @!p0 $0x108  }
0x21: {  	s3 =	sadd.s32 s3, s9;
	s6 =	sadd.s32 @!p0 $0x88, s6;
	s7 =	simm.s32 @p2 $0x1082  }
0x22: {  	[simem:s7], [sflag:s8] =	dma.local @!p0 [hbm:s6], $0xF7A  }
0x23: {  	s9 =	sor.u32 $0xD0000000, s2;
	s6 =	simm.s32 $0x108;
	_ =	swait.ge @!p0 [sflag:s8], $0x0  }
0x24: {  	s3 =	sadd.s32 $0x88, s3;
	s6 =	simm.s32 @!p1 $0x1082;
	[sflag:s4] =	ssyncset.s32 $0xFFFFF086  }
0x25: {  	[simem:s6], [sflag:s4] =	dma.local [hbm:s3], $0xF7A  }
0x26: {  	[smem:$0x3F94] =	sst s1;
	(tag) =	ssettag s2;
	_ =	strace s9  }
0x27: {  	s1 =	sld [smem:$0x3FA4]  }
0x28: {  	s2 =	sld [smem:$0x3FA5]  }
0x29: {  	s4 =	sld [smem:$0x3FA7]  }
0x2a: {  	p0 =	seq.s32 s5, $0x0;
	s5 =	sld [smem:$0x3FA8]  }
0x2b: {  	s6 =	sld [smem:$0x3FA9]  }
0x2c: {  	s7 =	sld [smem:$0x3FAA]  }
0x2d: {  	s3 =	simm.s32 $0x108;
	s8 =	sld [smem:$0x3FAB]  }
0x2e: {  	s3 =	simm.s32 @!p0 $0x1082;
	s9 =	sld [smem:$0x3FAC]  }
0x2f: {  	lr =	sadd.s32 s0, s3;
	s0 =	sld [smem:$0x3FA3]  }
0x30: {  	s3 =	sld [smem:$0x3FA6]  }
0x31: {  	[smem:$0x3FAF] =	sst s10  }
0x32: {  	s10 =	sld [smem:$0x3FAD];
	_ =	sdelay $0x3  }
0x33: {  	p0 =	seq.s32 s10, $0x1;
	s10 =	sld [smem:$0x3FAF];
	_ =	sdelay $0x3  }
0x34: {  	[smem:$0x3FAF] =	sst s10  }
0x35: {  	s10 =	sld [smem:$0x3FAE];
	_ =	sdelay $0x3  }
0x36: {  	p1 =	seq.s32 s10, $0x1;
	s10 =	sld [smem:$0x3FAF];
	_ =	sdelay $0x3  }
0x37: {  	[smem:$0x3FAF] =	sst s10  }
0x38: {  	s10 =	sld [smem:$0x3FB0]  }
0x39: {  	_ = 	snop;
	(pc) =	sbr.ind lr, $3  }
0x3a: {  	_ = 	snop  }
0x3b: {  	_ = 	snop  }
0x3c: {  	p2 =	seq.s32 s10, $0x1;
	s10 =	sld [smem:$0x3FAF]  }
0x3d: {  	_ =	shalt  }
0x3e: {  	_ =	shalt  }
0x3f: {  	_ =	shalt  }
0x40: {  	_ =	shalt  }
0x41: {  	_ =	shalt  }
0x42: {  	_ =	shalt  }
0x43: {  	_ =	shalt  }
0x44: {  	_ =	shalt  }
0x45: {  	_ =	shalt  }
0x46: {  	_ =	shalt  }
0x47: {  	_ =	shalt  }
0x48: {  	_ =	shalt  }
0x49: {  	_ =	shalt  }
0x4a: {  	_ =	shalt  }
0x4b: {  	_ =	shalt  }
0x4c: {  	_ =	shalt  }
0x4d: {  	_ =	shalt  }
0x4e: {  	_ =	shalt  }
0x4f: {  	_ =	shalt  }
0x50: {  	_ =	shalt  }
0x51: {  	_ =	shalt  }
0x52: {  	_ =	shalt  }
0x53: {  	_ =	shalt  }
0x54: {  	_ =	shalt  }
0x55: {  	_ =	shalt  }
0x56: {  	_ =	shalt  }
0x57: {  	_ =	shalt  }
0x58: {  	_ =	shalt  }
0x59: {  	_ =	shalt  }
0x5a: {  	_ =	shalt  }
0x5b: {  	_ =	shalt  }
0x5c: {  	_ =	shalt  }
0x5d: {  	_ =	shalt  }
0x5e: {  	_ =	shalt  }
0x5f: {  	_ =	shalt  }
0x60: {  	_ =	shalt  }
0x61: {  	_ =	shalt  }
0x62: {  	_ =	shalt  }
0x63: {  	_ =	shalt  }
0x64: {  	_ =	shalt  }
0x65: {  	_ =	shalt  }
0x66: {  	_ =	shalt  }
0x67: {  	_ =	shalt  }
0x68: {  	_ =	shalt  }
0x69: {  	_ =	shalt  }
0x6a: {  	_ =	shalt  }
0x6b: {  	_ =	shalt  }
0x6c: {  	_ =	shalt  }
0x6d: {  	_ =	shalt  }
0x6e: {  	_ =	shalt  }
0x6f: {  	_ =	shalt  }
0x70: {  	_ =	shalt  }
0x71: {  	_ =	shalt  }
0x72: {  	_ =	shalt  }
0x73: {  	_ =	shalt  }
0x74: {  	_ =	shalt  }
0x75: {  	_ =	shalt  }
0x76: {  	_ =	shalt  }
0x77: {  	_ =	shalt  }
0x78: {  	_ =	shalt  }
0x79: {  	_ =	shalt  }
0x7a: {  	_ =	shalt  }
0x7b: {  	_ =	shalt  }
0x7c: {  	_ =	shalt  }
0x7d: {  	_ =	shalt  }
0x7e: {  	_ =	shalt  }
0x7f: {  	_ =	shalt  }
0x80: {  	_ =	shalt  }
0x81: {  	_ =	shalt  }
0x82: {  	_ =	shalt  }
0x83: {  	_ =	shalt  }
0x84: {  	_ =	shalt  }
0x85: {  	_ =	shalt  }
0x86: {  	_ =	shalt  }
0x87: {  	_ =	shalt  }
.Lfunc_end0:
.L_simem_size_0:
called_computation.1_lowered:
.L_overlay_start_0:
0x88: {  	s2 =	sld [smem:$0x3FD9]  }
0x89: {  	s3 =	sld [smem:$0x3FFE];
	_ =	sdelay $0x1  }
0x8a: {  	s1 =	srdreg.scid  }
0x8b: {  	s0 =	sand.u32 $0x1, s1  }
0x8c: {  	s14 =	sshll.u32 s0, $0xA;
	s2 =	sadd.s32 s3, s2  }
0x8d: {  	s2 =	sadd.s32 s2, s14  }
0x8e: {  	[smem:$0x3FBB] =	sst s2  }
0x8f: {  	_ = 	snop  }
0x90: {  	s2 =	sld [smem:$0x3FD0];
	_ =	sdelay $0x2  }
0x91: {  	s4 =	simm.s32 $0xA;
	s5 =	simm.s32 $0x10;
	s15 =	sld [smem:$0x3FC9]  }
0x92: {  	[smem:s5], [sflag:s4] =	dma.local [hbm:s2], $0x1  }
0x93: {  	_ =	swait.eq [sflag:s4], $0x1  }
0x94: {  	[sflag:s4] =	ssyncset.done $0x0  }
0x95: {  	[sflag:s4] =	ssyncadd.s32 $0xFFFFFFFF  }
0x96: {  	s16 =	sld [smem:$0x11];
	(tm) =	ssettm $0x1  }
0x97: {  	s17 =	sld [smem:$0x3FFB];
	_ =	sdelay $0x3  }
0x98: {  	_ =	strace s17  }
0x99: {  	s4 =	sld [smem:$0x3FFC];
	_ =	sdelay $0x3  }
0x9a: {  	_ =	strace s4  }
0x9b: {  	s4 =	sld [smem:$0x3FFD];
	_ =	sdelay $0x3  }
0x9c: {  	_ =	strace s4  }
0x9d: {  	_ =	strace $0x8FFFFFFF  }
0x9e: {  	s18 =	sld [smem:$0x3FDB];
	_ =	sdelay $0x1  }
0x9f: {  	s19 =	simm.s32 $_scs_section_size  }
0xa0: {  	s6 =	simm.s32 $_size__tile_overlayer_lowered;
	s7 =	simm.s32 $_tile_overlayer_lowered  }
0xa1: {  	s22 =	simm.s32 $0x1BFF;
	s21 =	sshll.u32 s7, $0x1;
	s4 =	sadd.s32 s19, s18  }
0xa2: {  	s8 =	simm.s32 $0x0;
	s20 =	sshll.u32 s6, $0x1;
	s6 =	sadd.s32 s21, s4  }
0xa3: {  	[timem:s8], [sflag:s22] =	dma.local [hbm:s6], s20  }
0xa4: {  	_ =	swait.ge [sflag:s22], s20  }
0xa5: {  	s5 =	ssub.s32 $0x0, s20;
	[sflag:s22] =	ssyncset.done $0x0  }
0xa6: {  	[sflag:s22] =	ssyncadd.s32 s5;
	_ =	sdelay $0x1  }
0xa7: {  	s23 =	simm.s32 $0x1B8B  }
0xa8: {  	_ =	swait.ge [sflag:s23], $0x1  }
0xa9: {  	[sflag:s23] =	ssyncset.done $0x0  }
0xaa: {  	s25 =	simm.s32 $0x1B8E;
	s24 =	sld [smem:$0x3FFE];
	[sflag:s23] =	ssyncadd.s32 $0xFFFFFFFF  }
0xab: {  	s26 =	simm.s32 $execute0_lowered;
	[smem:$0x3FD2] =	sst s25  }
0xac: {  	s6 =	sshll.u32 s26, $0x1;
	_ =	strace $0x80000049;
	[dreg:$0x1] =	wrdreg $0xFFFFFFFF  }
0xad: {  	s28 =	simm.s32 $_size_execute0_lowered;
	s4 =	sadd.s32 s4, s6;
	[dreg:$0x0] =	wrdreg $0x0  }
0xae: {  	s6 =	sshll.u32 s28, $0x1;
	[dreg:$0x2] =	wrdreg s4  }
0xaf: {  	[dreg:$0x3] =	wrdreg s6  }
0xb0: {  	[dreg:$0x4] =	wrdreg $0xC0  }
0xb1: {  	_ =	task [dreg:s8], $0x5FFFF  }
0xb2: {  	[dreg:$0x1] =	wrdreg $0xFFFFFFFF  }
0xb3: {  	[dreg:$0x0] =	wrdreg $0x60  }
0xb4: {  	[dreg:$0x2] =	wrdreg s16  }
0xb5: {  	[dreg:$0x3] =	wrdreg s15  }
0xb6: {  	[dreg:$0x4] =	wrdreg s24  }
0xb7: {  	[dreg:$0x5] =	wrdreg $0x9  }
0xb8: {  	_ =	task.clear_ibuf [dreg:s8], $0x6FFFF;
	_ =	strace $0x90000049  }
0xb9: {  	s29 =	simm.s32 $0x9;
	_ =	strace $0x8000004B  }
0xba: {  	_ =	swait.ge [sflag:s29], $0x1  }
0xbb: {  	[sflag:s29] =	ssyncadd.s32 $0xFFFFFFFF  }
0xbc: {  	_ =	strace $0x9000004B  }
0xbd: {  	_ =	sfence  }
0xbe: {  	s30 =	sld [smem:$0x0];
	_ =	sdelay $0x2  }
0xbf: {  	s31 =	sshll.u32 s1, $0xD;
	s1 =	sshrl.u32 s1, $0x2  }
0xc0: {  	s3 =	sand.u32 $0x4000, s31;
	s1 =	sadd.s32 s1, s30  }
0xc1: {  	s0 =	sor.u32 s3, s0;
	s1 =	sshll.u32 s1, $0x11  }
0xc2: {  	s0 =	sor.u32 s1, s0  }
0xc3: {  	s0 =	sadd.s32 $0x8F2B, s0  }
0xc4: {  	[sflag:s0] =	ssyncadd.remote.s32 $0x1  }
0xc5: {  	_ =	sfence.sel $0xFFFF  }
0xc6: {  	[dreg:$0x0] =	wrdreg $0xFFFFFFFF;
	(pc) =	sbr.abs _section_cstart, $3  }
0xc7: {  	[dreg:$0x1] =	wrdreg $0xFFFFFFFF  }
0xc8: {  	_ =	task.clear_ibuf [dreg:s8], $0x2FFFF;
	_ =	strace $0x9FFFFFFF  }
0xc9: {  	(tm) =	ssettm $0x7FFFFFFF  }
tec
execute0_lowered:
.L_overlay_start_1:
0x0: {  	(tag) =	ssettag $0x1  }
0x1: {  	s1 =	rddreg [dreg:$0x0]  }
0x2: {  	s2 =	rddreg [dreg:$0x1];
	s3 =	srdreg.scid  }
0x3: {  	s0 =	stileid.u32;
	s4 =	rddreg [dreg:$0x2]  }
0x4: {  	s18 =	simm.s32 $0x2;
	s19 =	simm.s32 $0x80;
	s20 =	simm.s32 $0x880  }
0x5: {  	s21 =	simm.s32 $0x1080;
	s22 =	simm.s32 $0x1880;
	s23 =	simm.s32 $0x2080  }
0x6: {  	s24 =	simm.s32 $0x2880;
	s28 =	simm.s32 $0x4080;
	s29 =	simm.s32 $0x4880  }
0x7: {  	s30 =	simm.s32 $0x5080;
	s5 =	sand.u32 $0x1, s3;
	s6 =	sshll.u32 s0, $0x1  }
0x8: {  	s31 =	simm.s32 $0x5880;
	s3 =	simm.s32 $0x0;
	s6 =	sor.u32 s5, s6  }
0x9: {  	[smem:$0x7FF] =	sst s3;
	s5 =	ssub.s32 $0x2, s5;
	s6 =	smul.u32 $0xC0, s6  }
0xa: {  	s8 =	sadd.s32 $0x1C00, s4;
	_ =	strace $0x8000004A;
	s7 =	sshrl.u32 s5, $0x1  }
0xb: {  	s17 =	ssub.s32 s5, s7;
	s5 =	sadd.s32 $0x100, s2;
	s25 =	sshrl.u32 s6, $0x3  }
0xc: {  	s17 =	smax.u32 s17, $0x1;
	s4 =	sadd.s32 s1, s25;
	s6 =	sor.u32 $0x4, s25  }
0xd: {  	s26 =	smul.u32 $0x300, s25;
	s25 =	simm.s32 $0x3080;
	s1 =	sadd.s32 s1, s6  }
0xe: {  	s9 =	smul.u32 $0x300, s6;
	s6 =	sadd.s32 $0x200, s2;
	s11 =	sadd.s32 $0xC, s4  }
0xf: {  	s13 =	sadd.s32 $0x10, s4;
	s15 =	sadd.s32 $0x14, s4;
	s7 =	sadd.s32 s8, s26  }
0x10: {  	v2 =	vlaneseq.u32;
	[dreg:$0x4] =	wrdreg s1;
	s26 =	simm.s32 $0x3880;
	s1 =	simm.s32 $0x1  }
0x11: {  	vm0 =	vmmov $0xffff;
	v1 =	vshrl.u32 v2, $0x3;
	s8 =	sadd.s32 s8, s9;
	s9 =	sadd.s32 $0x8, s4;
	s10 =	sadd.s32 $0x1800, s7  }
0x12: {  	v0 =	vand.u32 $0x7, v2;
	v2 =	vor.u32 $0x8, v2;
	v1 =	vmul.u32 $0x8, v1;
	s12 =	sadd.s32 $0x2400, s7;
	s14 =	sadd.s32 $0x3000, s7;
	s16 =	sadd.s32 $0x3C00, s7  }
.LBB2_1:
0x13: {  	[tilespmem:s3], [sflag:$0x2] =	stream.linear.gather [hbm4b:s4+s3], $0x20, $0x38;
	[tilespmem:$0x6080] =	vst v63  }
0x14: {  	_ =	swait.ge [sflag:s18], $0x20  }
0x15: {  	[sflag:s18] =	ssyncset.done $0x0  }
0x16: {  	[sflag:s18] =	ssyncadd.s32 $0xFFFFFFE0  }
0x17: {  	v3 =	vld [tilespmem:$0x0];
	_ =	sdelay $0x4  }
0x18: {  	v4 =	vshrl.u32 v3, $0x3  }
0x19: {  	v4 =	vmul.u32 $0x30, v4  }
0x1a: {  	v3 =	vand.u32 $0x7, v3  }
0x1b: {  	v3 =	vor.u32 v3, v4  }
0x1c: {  	v4 =	vperm.xlane v3, v0;
	_ =	sdelay $0x1  }
0x1d: {  	v4 =	vadd.s32 v1, v4;
	_ =	sdelay $0x3  }
0x1e: {  	v3 =	vperm.xlane v3, v2  }
0x1f: {  	[tilespmem:s19], [sflag:$0x1] =	stream.indirect_vreg.gather [hbm4b:s2+s3], $0x80, v4, vm0, $0xb8;
	[tilespmem:$0x6080] =	vst v63  }
0x20: {  	v3 =	vadd.s32 v1, v3  }
0x21: {  	[tilespmem:s20], [sflag:$0x1] =	stream.indirect_vreg.gather [hbm4b:s5+s3], $0x80, v4, vm0, $0xb8;
	[tilespmem:$0x6080] =	vst v63  }
0x22: {  	_ = 	snop  }
0x23: {  	[tilespmem:s21], [sflag:$0x1] =	stream.indirect_vreg.gather [hbm4b:s6+s3], $0x80, v4, vm0, $0xb8;
	[tilespmem:$0x6080] =	vst v63  }
0x24: {  	_ = 	snop  }
0x25: {  	[tilespmem:s22], [sflag:$0x1] =	stream.indirect_vreg.gather [hbm4b:s2+s3], $0x80, v3, vm0, $0xb8;
	[tilespmem:$0x6080] =	vst v63  }
0x26: {  	_ = 	snop  }
0x27: {  	[tilespmem:s23], [sflag:$0x1] =	stream.indirect_vreg.gather [hbm4b:s5+s3], $0x80, v3, vm0, $0xb8;
	[tilespmem:$0x6080] =	vst v63  }
0x28: {  	_ = 	snop  }
0x29: {  	[tilespmem:s24], [sflag:$0x1] =	stream.indirect_vreg.gather [hbm4b:s6+s3], $0x80, v3, vm0, $0xb8;
	[tilespmem:$0x6080] =	vst v63  }
0x2a: {  	v3 =	vld [tilespmem:$0x10];
	_ =	sdelay $0x4  }
0x2b: {  	v53 =	vshrl.u32 v3, $0x3  }
0x2c: {  	v4 =	vmul.u32 $0x30, v53  }
0x2d: {  	v3 =	vand.u32 $0x7, v3  }
0x2e: {  	v3 =	vor.u32 v3, v4  }
0x2f: {  	v4 =	vperm.xlane v3, v0;
	_ =	sdelay $0x1  }
0x30: {  	v4 =	vadd.s32 v1, v4;
	_ =	sdelay $0x3  }
0x31: {  	v3 =	vperm.xlane v3, v2  }
0x32: {  	[tilespmem:s25], [sflag:$0x1] =	stream.indirect_vreg.gather [hbm4b:s2+s3], $0x80, v4, vm0, $0xb8;
	[tilespmem:$0x6080] =	vst v63  }
0x33: {  	v3 =	vadd.s32 v1, v3  }
0x34: {  	[tilespmem:s26], [sflag:$0x1] =	stream.indirect_vreg.gather [hbm4b:s5+s3], $0x80, v4, vm0, $0xb8;
	[tilespmem:$0x6080] =	vst v63  }
0x35: {  	_ = 	snop  }
0x36: {  	[tilespmem:s28], [sflag:$0x1] =	stream.indirect_vreg.gather [hbm4b:s6+s3], $0x80, v4, vm0, $0xb8;
	[tilespmem:$0x6080] =	vst v63  }
0x37: {  	_ = 	snop  }
0x38: {  	[tilespmem:s29], [sflag:$0x1] =	stream.indirect_vreg.gather [hbm4b:s2+s3], $0x80, v3, vm0, $0xb8;
	[tilespmem:$0x6080] =	vst v63  }
0x39: {  	_ = 	snop  }
0x3a: {  	[tilespmem:s30], [sflag:$0x1] =	stream.indirect_vreg.gather [hbm4b:s5+s3], $0x80, v3, vm0, $0xb8;
	[tilespmem:$0x6080] =	vst v63  }
0x3b: {  	_ = 	snop  }
0x3c: {  	[tilespmem:s31], [sflag:$0x1] =	stream.indirect_vreg.gather [hbm4b:s6+s3], $0x80, v3, vm0, $0xb8;
	[tilespmem:$0x6080] =	vst v63  }
0x3d: {  	_ =	swait.ge [sflag:s1], $0x6000  }
0x3e: {  	[sflag:s1] =	ssyncset.done $0x0  }
0x3f: {  	[sflag:s1] =	ssyncadd.s32 $0xFFFFA000  }
0x40: {  	[hbm4b:s7+s3] =	stream.linear.scatter [tilespmem:s19], [sflag:$0x2], $0x6000, $0x38;
	[tilespmem:$0x6080] =	vst v63  }
0x41: {  	_ =	swait.ge [sflag:s18], $0x6000  }
0x42: {  	[sflag:s18] =	ssyncset.done $0x0  }
0x43: {  	s0 =	rddreg [dreg:$0x4];
	[sflag:s18] =	ssyncadd.s32 $0xFFFFA000  }
0x44: {  	[tilespmem:s3], [sflag:$0x2] =	stream.linear.gather [hbm4b:s0+s3], $0x20, $0x38;
	[tilespmem:$0x6080] =	vst v63  }
0x45: {  	_ =	swait.ge [sflag:s18], $0x20  }
0x46: {  	[sflag:s18] =	ssyncset.done $0x0  }
0x47: {  	[sflag:s18] =	ssyncadd.s32 $0xFFFFFFE0  }
0x48: {  	v3 =	vld [tilespmem:$0x0];
	_ =	sdelay $0x4  }
0x49: {  	v54 =	vshrl.u32 v3, $0x3  }
0x4a: {  	v4 =	vmul.u32 $0x30, v54  }
0x4b: {  	v3 =	vand.u32 $0x7, v3  }
0x4c: {  	v3 =	vor.u32 v3, v4  }
0x4d: {  	v4 =	vperm.xlane v3, v0;
	_ =	sdelay $0x1  }
0x4e: {  	v4 =	vadd.s32 v1, v4;
	_ =	sdelay $0x3  }
0x4f: {  	v3 =	vperm.xlane v3, v2  }
0x50: {  	[tilespmem:s19], [sflag:$0x1] =	stream.indirect_vreg.gather [hbm4b:s2+s3], $0x80, v4, vm0, $0xb8;
	[tilespmem:$0x6080] =	vst v63  }
0x51: {  	v3 =	vadd.s32 v1, v3  }
0x52: {  	[tilespmem:s20], [sflag:$0x1] =	stream.indirect_vreg.gather [hbm4b:s5+s3], $0x80, v4, vm0, $0xb8;
	[tilespmem:$0x6080] =	vst v63  }
0x53: {  	_ = 	snop  }
0x54: {  	[tilespmem:s21], [sflag:$0x1] =	stream.indirect_vreg.gather [hbm4b:s6+s3], $0x80, v4, vm0, $0xb8;
	[tilespmem:$0x6080] =	vst v63  }
0x55: {  	_ = 	snop  }
0x56: {  	[tilespmem:s22], [sflag:$0x1] =	stream.indirect_vreg.gather [hbm4b:s2+s3], $0x80, v3, vm0, $0xb8;
	[tilespmem:$0x6080] =	vst v63  }
0x57: {  	_ = 	snop  }
0x58: {  	[tilespmem:s23], [sflag:$0x1] =	stream.indirect_vreg.gather [hbm4b:s5+s3], $0x80, v3, vm0, $0xb8;
	[tilespmem:$0x6080] =	vst v63  }
0x59: {  	_ = 	snop  }
0x5a: {  	[tilespmem:s24], [sflag:$0x1] =	stream.indirect_vreg.gather [hbm4b:s6+s3], $0x80, v3, vm0, $0xb8;
	[tilespmem:$0x6080] =	vst v63  }
0x5b: {  	v3 =	vld [tilespmem:$0x10];
	_ =	sdelay $0x4  }
0x5c: {  	v55 =	vshrl.u32 v3, $0x3  }
0x5d: {  	v4 =	vmul.u32 $0x30, v55  }
0x5e: {  	v3 =	vand.u32 $0x7, v3  }
0x5f: {  	v3 =	vor.u32 v3, v4  }
0x60: {  	v4 =	vperm.xlane v3, v0;
	_ =	sdelay $0x1  }
0x61: {  	v4 =	vadd.s32 v1, v4;
	_ =	sdelay $0x3  }
0x62: {  	v3 =	vperm.xlane v3, v2  }
0x63: {  	[tilespmem:s25], [sflag:$0x1] =	stream.indirect_vreg.gather [hbm4b:s2+s3], $0x80, v4, vm0, $0xb8;
	[tilespmem:$0x6080] =	vst v63  }
0x64: {  	v3 =	vadd.s32 v1, v3  }
0x65: {  	[tilespmem:s26], [sflag:$0x1] =	stream.indirect_vreg.gather [hbm4b:s5+s3], $0x80, v4, vm0, $0xb8;
	[tilespmem:$0x6080] =	vst v63  }
0x66: {  	_ = 	snop  }
0x67: {  	[tilespmem:s28], [sflag:$0x1] =	stream.indirect_vreg.gather [hbm4b:s6+s3], $0x80, v4, vm0, $0xb8;
	[tilespmem:$0x6080] =	vst v63  }
0x68: {  	_ = 	snop  }
0x69: {  	[tilespmem:s29], [sflag:$0x1] =	stream.indirect_vreg.gather [hbm4b:s2+s3], $0x80, v3, vm0, $0xb8;
	[tilespmem:$0x6080] =	vst v63  }
0x6a: {  	_ = 	snop  }
0x6b: {  	[tilespmem:s30], [sflag:$0x1] =	stream.indirect_vreg.gather [hbm4b:s5+s3], $0x80, v3, vm0, $0xb8;
	[tilespmem:$0x6080] =	vst v63  }
0x6c: {  	_ = 	snop  }
0x6d: {  	[tilespmem:s31], [sflag:$0x1] =	stream.indirect_vreg.gather [hbm4b:s6+s3], $0x80, v3, vm0, $0xb8;
	[tilespmem:$0x6080] =	vst v63  }
0x6e: {  	_ =	swait.ge [sflag:s1], $0x6000  }
0x6f: {  	[sflag:s1] =	ssyncset.done $0x0  }
0x70: {  	[sflag:s1] =	ssyncadd.s32 $0xFFFFA000  }
0x71: {  	[hbm4b:s8+s3] =	stream.linear.scatter [tilespmem:s19], [sflag:$0x2], $0x6000, $0x38;
	[tilespmem:$0x6080] =	vst v63  }
0x72: {  	_ =	swait.ge [sflag:s18], $0x6000  }
0x73: {  	[sflag:s18] =	ssyncset.done $0x0  }
0x74: {  	[sflag:s18] =	ssyncadd.s32 $0xFFFFA000  }
0x75: {  	[tilespmem:s3], [sflag:$0x2] =	stream.linear.gather [hbm4b:s9+s3], $0x20, $0x38;
	[tilespmem:$0x6080] =	vst v63  }
0x76: {  	_ =	swait.ge [sflag:s18], $0x20  }
0x77: {  	[sflag:s18] =	ssyncset.done $0x0  }
0x78: {  	[sflag:s18] =	ssyncadd.s32 $0xFFFFFFE0  }
0x79: {  	v3 =	vld [tilespmem:$0x0];
	_ =	sdelay $0x4  }
0x7a: {  	v56 =	vshrl.u32 v3, $0x3  }
0x7b: {  	v4 =	vmul.u32 $0x30, v56  }
0x7c: {  	v3 =	vand.u32 $0x7, v3  }
0x7d: {  	v3 =	vor.u32 v3, v4  }
0x7e: {  	v4 =	vperm.xlane v3, v0;
	_ =	sdelay $0x1  }
0x7f: {  	v4 =	vadd.s32 v1, v4;
	_ =	sdelay $0x3  }
0x80: {  	v3 =	vperm.xlane v3, v2  }
0x81: {  	[tilespmem:s19], [sflag:$0x1] =	stream.indirect_vreg.gather [hbm4b:s2+s3], $0x80, v4, vm0, $0xb8;
	[tilespmem:$0x6080] =	vst v63  }
0x82: {  	v3 =	vadd.s32 v1, v3  }
0x83: {  	[tilespmem:s20], [sflag:$0x1] =	stream.indirect_vreg.gather [hbm4b:s5+s3], $0x80, v4, vm0, $0xb8;
	[tilespmem:$0x6080] =	vst v63  }
0x84: {  	_ = 	snop  }
0x85: {  	[tilespmem:s21], [sflag:$0x1] =	stream.indirect_vreg.gather [hbm4b:s6+s3], $0x80, v4, vm0, $0xb8;
	[tilespmem:$0x6080] =	vst v63  }
0x86: {  	_ = 	snop  }
0x87: {  	[tilespmem:s22], [sflag:$0x1] =	stream.indirect_vreg.gather [hbm4b:s2+s3], $0x80, v3, vm0, $0xb8;
	[tilespmem:$0x6080] =	vst v63  }
0x88: {  	_ = 	snop  }
0x89: {  	[tilespmem:s23], [sflag:$0x1] =	stream.indirect_vreg.gather [hbm4b:s5+s3], $0x80, v3, vm0, $0xb8;
	[tilespmem:$0x6080] =	vst v63  }
0x8a: {  	_ = 	snop  }
0x8b: {  	[tilespmem:s24], [sflag:$0x1] =	stream.indirect_vreg.gather [hbm4b:s6+s3], $0x80, v3, vm0, $0xb8;
	[tilespmem:$0x6080] =	vst v63  }
0x8c: {  	v3 =	vld [tilespmem:$0x10];
	_ =	sdelay $0x4  }
0x8d: {  	v57 =	vshrl.u32 v3, $0x3  }
0x8e: {  	v4 =	vmul.u32 $0x30, v57  }
0x8f: {  	v3 =	vand.u32 $0x7, v3  }
0x90: {  	v3 =	vor.u32 v3, v4  }
0x91: {  	v4 =	vperm.xlane v3, v0;
	_ =	sdelay $0x1  }
0x92: {  	v4 =	vadd.s32 v1, v4;
	_ =	sdelay $0x3  }
0x93: {  	v3 =	vperm.xlane v3, v2  }
0x94: {  	[tilespmem:s25], [sflag:$0x1] =	stream.indirect_vreg.gather [hbm4b:s2+s3], $0x80, v4, vm0, $0xb8;
	[tilespmem:$0x6080] =	vst v63  }
0x95: {  	v3 =	vadd.s32 v1, v3  }
0x96: {  	[tilespmem:s26], [sflag:$0x1] =	stream.indirect_vreg.gather [hbm4b:s5+s3], $0x80, v4, vm0, $0xb8;
	[tilespmem:$0x6080] =	vst v63  }
0x97: {  	_ = 	snop  }
0x98: {  	[tilespmem:s28], [sflag:$0x1] =	stream.indirect_vreg.gather [hbm4b:s6+s3], $0x80, v4, vm0, $0xb8;
	[tilespmem:$0x6080] =	vst v63  }
0x99: {  	_ = 	snop  }
0x9a: {  	[tilespmem:s29], [sflag:$0x1] =	stream.indirect_vreg.gather [hbm4b:s2+s3], $0x80, v3, vm0, $0xb8;
	[tilespmem:$0x6080] =	vst v63  }
0x9b: {  	_ = 	snop  }
0x9c: {  	[tilespmem:s30], [sflag:$0x1] =	stream.indirect_vreg.gather [hbm4b:s5+s3], $0x80, v3, vm0, $0xb8;
	[tilespmem:$0x6080] =	vst v63  }
0x9d: {  	_ = 	snop  }
0x9e: {  	[tilespmem:s31], [sflag:$0x1] =	stream.indirect_vreg.gather [hbm4b:s6+s3], $0x80, v3, vm0, $0xb8;
	[tilespmem:$0x6080] =	vst v63  }
0x9f: {  	_ =	swait.ge [sflag:s1], $0x6000  }
0xa0: {  	[sflag:s1] =	ssyncset.done $0x0  }
0xa1: {  	[sflag:s1] =	ssyncadd.s32 $0xFFFFA000  }
0xa2: {  	[hbm4b:s10+s3] =	stream.linear.scatter [tilespmem:s19], [sflag:$0x2], $0x6000, $0x38;
	[tilespmem:$0x6080] =	vst v63  }
0xa3: {  	_ =	swait.ge [sflag:s18], $0x6000  }
0xa4: {  	[sflag:s18] =	ssyncset.done $0x0  }
0xa5: {  	[sflag:s18] =	ssyncadd.s32 $0xFFFFA000  }
0xa6: {  	[tilespmem:s3], [sflag:$0x2] =	stream.linear.gather [hbm4b:s11+s3], $0x20, $0x38;
	[tilespmem:$0x6080] =	vst v63  }
0xa7: {  	_ =	swait.ge [sflag:s18], $0x20  }
0xa8: {  	[sflag:s18] =	ssyncset.done $0x0  }
0xa9: {  	[sflag:s18] =	ssyncadd.s32 $0xFFFFFFE0  }
0xaa: {  	v3 =	vld [tilespmem:$0x0];
	_ =	sdelay $0x4  }
0xab: {  	v58 =	vshrl.u32 v3, $0x3  }
0xac: {  	v4 =	vmul.u32 $0x30, v58  }
0xad: {  	v3 =	vand.u32 $0x7, v3  }
0xae: {  	v3 =	vor.u32 v3, v4  }
0xaf: {  	v4 =	vperm.xlane v3, v0;
	_ =	sdelay $0x1  }
0xb0: {  	v4 =	vadd.s32 v1, v4;
	_ =	sdelay $0x3  }
0xb1: {  	v3 =	vperm.xlane v3, v2  }
0xb2: {  	[tilespmem:s19], [sflag:$0x1] =	stream.indirect_vreg.gather [hbm4b:s2+s3], $0x80, v4, vm0, $0xb8;
	[tilespmem:$0x6080] =	vst v63  }
0xb3: {  	v3 =	vadd.s32 v1, v3  }
0xb4: {  	[tilespmem:s20], [sflag:$0x1] =	stream.indirect_vreg.gather [hbm4b:s5+s3], $0x80, v4, vm0, $0xb8;
	[tilespmem:$0x6080] =	vst v63  }
0xb5: {  	_ = 	snop  }
0xb6: {  	[tilespmem:s21], [sflag:$0x1] =	stream.indirect_vreg.gather [hbm4b:s6+s3], $0x80, v4, vm0, $0xb8;
	[tilespmem:$0x6080] =	vst v63  }
0xb7: {  	_ = 	snop  }
0xb8: {  	[tilespmem:s22], [sflag:$0x1] =	stream.indirect_vreg.gather [hbm4b:s2+s3], $0x80, v3, vm0, $0xb8;
	[tilespmem:$0x6080] =	vst v63  }
0xb9: {  	_ = 	snop  }
0xba: {  	[tilespmem:s23], [sflag:$0x1] =	stream.indirect_vreg.gather [hbm4b:s5+s3], $0x80, v3, vm0, $0xb8;
	[tilespmem:$0x6080] =	vst v63  }
0xbb: {  	_ = 	snop  }
0xbc: {  	[tilespmem:s24], [sflag:$0x1] =	stream.indirect_vreg.gather [hbm4b:s6+s3], $0x80, v3, vm0, $0xb8;
	[tilespmem:$0x6080] =	vst v63  }
0xbd: {  	v3 =	vld [tilespmem:$0x10];
	_ =	sdelay $0x4  }
0xbe: {  	v59 =	vshrl.u32 v3, $0x3  }
0xbf: {  	v4 =	vmul.u32 $0x30, v59  }
0xc0: {  	v3 =	vand.u32 $0x7, v3  }
0xc1: {  	v3 =	vor.u32 v3, v4  }
0xc2: {  	v4 =	vperm.xlane v3, v0;
	_ =	sdelay $0x1  }
0xc3: {  	v4 =	vadd.s32 v1, v4;
	_ =	sdelay $0x3  }
0xc4: {  	v3 =	vperm.xlane v3, v2  }
0xc5: {  	[tilespmem:s25], [sflag:$0x1] =	stream.indirect_vreg.gather [hbm4b:s2+s3], $0x80, v4, vm0, $0xb8;
	[tilespmem:$0x6080] =	vst v63  }
0xc6: {  	v3 =	vadd.s32 v1, v3  }
0xc7: {  	[tilespmem:s26], [sflag:$0x1] =	stream.indirect_vreg.gather [hbm4b:s5+s3], $0x80, v4, vm0, $0xb8;
	[tilespmem:$0x6080] =	vst v63  }
0xc8: {  	_ = 	snop  }
0xc9: {  	[tilespmem:s28], [sflag:$0x1] =	stream.indirect_vreg.gather [hbm4b:s6+s3], $0x80, v4, vm0, $0xb8;
	[tilespmem:$0x6080] =	vst v63  }
0xca: {  	_ = 	snop  }
0xcb: {  	[tilespmem:s29], [sflag:$0x1] =	stream.indirect_vreg.gather [hbm4b:s2+s3], $0x80, v3, vm0, $0xb8;
	[tilespmem:$0x6080] =	vst v63  }
0xcc: {  	_ = 	snop  }
0xcd: {  	[tilespmem:s30], [sflag:$0x1] =	stream.indirect_vreg.gather [hbm4b:s5+s3], $0x80, v3, vm0, $0xb8;
	[tilespmem:$0x6080] =	vst v63  }
0xce: {  	_ = 	snop  }
0xcf: {  	[tilespmem:s31], [sflag:$0x1] =	stream.indirect_vreg.gather [hbm4b:s6+s3], $0x80, v3, vm0, $0xb8;
	[tilespmem:$0x6080] =	vst v63  }
0xd0: {  	_ =	swait.ge [sflag:s1], $0x6000  }
0xd1: {  	[sflag:s1] =	ssyncset.done $0x0  }
0xd2: {  	[sflag:s1] =	ssyncadd.s32 $0xFFFFA000  }
0xd3: {  	[hbm4b:s12+s3] =	stream.linear.scatter [tilespmem:s19], [sflag:$0x2], $0x6000, $0x38;
	[tilespmem:$0x6080] =	vst v63  }
0xd4: {  	_ =	swait.ge [sflag:s18], $0x6000  }
0xd5: {  	[sflag:s18] =	ssyncset.done $0x0  }
0xd6: {  	[sflag:s18] =	ssyncadd.s32 $0xFFFFA000  }
0xd7: {  	[tilespmem:s3], [sflag:$0x2] =	stream.linear.gather [hbm4b:s13+s3], $0x20, $0x38;
	[tilespmem:$0x6080] =	vst v63  }
0xd8: {  	_ =	swait.ge [sflag:s18], $0x20  }
0xd9: {  	[sflag:s18] =	ssyncset.done $0x0  }
0xda: {  	[sflag:s18] =	ssyncadd.s32 $0xFFFFFFE0  }
0xdb: {  	v3 =	vld [tilespmem:$0x0];
	_ =	sdelay $0x4  }
0xdc: {  	v60 =	vshrl.u32 v3, $0x3  }
0xdd: {  	v4 =	vmul.u32 $0x30, v60  }
0xde: {  	v3 =	vand.u32 $0x7, v3  }
0xdf: {  	v3 =	vor.u32 v3, v4  }
0xe0: {  	v4 =	vperm.xlane v3, v0;
	_ =	sdelay $0x1  }
0xe1: {  	v4 =	vadd.s32 v1, v4;
	_ =	sdelay $0x3  }
0xe2: {  	v3 =	vperm.xlane v3, v2  }
0xe3: {  	[tilespmem:s19], [sflag:$0x1] =	stream.indirect_vreg.gather [hbm4b:s2+s3], $0x80, v4, vm0, $0xb8;
	[tilespmem:$0x6080] =	vst v63  }
0xe4: {  	v3 =	vadd.s32 v1, v3  }
0xe5: {  	[tilespmem:s20], [sflag:$0x1] =	stream.indirect_vreg.gather [hbm4b:s5+s3], $0x80, v4, vm0, $0xb8;
	[tilespmem:$0x6080] =	vst v63  }
0xe6: {  	_ = 	snop  }
0xe7: {  	[tilespmem:s21], [sflag:$0x1] =	stream.indirect_vreg.gather [hbm4b:s6+s3], $0x80, v4, vm0, $0xb8;
	[tilespmem:$0x6080] =	vst v63  }
0xe8: {  	_ = 	snop  }
0xe9: {  	[tilespmem:s22], [sflag:$0x1] =	stream.indirect_vreg.gather [hbm4b:s2+s3], $0x80, v3, vm0, $0xb8;
	[tilespmem:$0x6080] =	vst v63  }
0xea: {  	_ = 	snop  }
0xeb: {  	[tilespmem:s23], [sflag:$0x1] =	stream.indirect_vreg.gather [hbm4b:s5+s3], $0x80, v3, vm0, $0xb8;
	[tilespmem:$0x6080] =	vst v63  }
0xec: {  	_ = 	snop  }
0xed: {  	[tilespmem:s24], [sflag:$0x1] =	stream.indirect_vreg.gather [hbm4b:s6+s3], $0x80, v3, vm0, $0xb8;
	[tilespmem:$0x6080] =	vst v63  }
0xee: {  	v3 =	vld [tilespmem:$0x10];
	_ =	sdelay $0x4  }
0xef: {  	v61 =	vshrl.u32 v3, $0x3  }
0xf0: {  	v4 =	vmul.u32 $0x30, v61  }
0xf1: {  	v3 =	vand.u32 $0x7, v3  }
0xf2: {  	v3 =	vor.u32 v3, v4  }
0xf3: {  	v4 =	vperm.xlane v3, v0;
	_ =	sdelay $0x1  }
0xf4: {  	v4 =	vadd.s32 v1, v4;
	_ =	sdelay $0x3  }
0xf5: {  	v3 =	vperm.xlane v3, v2  }
0xf6: {  	[tilespmem:s25], [sflag:$0x1] =	stream.indirect_vreg.gather [hbm4b:s2+s3], $0x80, v4, vm0, $0xb8;
	[tilespmem:$0x6080] =	vst v63  }
0xf7: {  	v3 =	vadd.s32 v1, v3  }
0xf8: {  	[tilespmem:s26], [sflag:$0x1] =	stream.indirect_vreg.gather [hbm4b:s5+s3], $0x80, v4, vm0, $0xb8;
	[tilespmem:$0x6080] =	vst v63  }
0xf9: {  	_ = 	snop  }
0xfa: {  	[tilespmem:s28], [sflag:$0x1] =	stream.indirect_vreg.gather [hbm4b:s6+s3], $0x80, v4, vm0, $0xb8;
	[tilespmem:$0x6080] =	vst v63  }
0xfb: {  	_ = 	snop  }
0xfc: {  	[tilespmem:s29], [sflag:$0x1] =	stream.indirect_vreg.gather [hbm4b:s2+s3], $0x80, v3, vm0, $0xb8;
	[tilespmem:$0x6080] =	vst v63  }
0xfd: {  	_ = 	snop  }
0xfe: {  	[tilespmem:s30], [sflag:$0x1] =	stream.indirect_vreg.gather [hbm4b:s5+s3], $0x80, v3, vm0, $0xb8;
	[tilespmem:$0x6080] =	vst v63  }
0xff: {  	_ = 	snop  }
0x100: {  	[tilespmem:s31], [sflag:$0x1] =	stream.indirect_vreg.gather [hbm4b:s6+s3], $0x80, v3, vm0, $0xb8;
	[tilespmem:$0x6080] =	vst v63  }
0x101: {  	_ =	swait.ge [sflag:s1], $0x6000  }
0x102: {  	[sflag:s1] =	ssyncset.done $0x0  }
0x103: {  	[sflag:s1] =	ssyncadd.s32 $0xFFFFA000  }
0x104: {  	[hbm4b:s14+s3] =	stream.linear.scatter [tilespmem:s19], [sflag:$0x2], $0x6000, $0x38;
	[tilespmem:$0x6080] =	vst v63  }
0x105: {  	_ =	swait.ge [sflag:s18], $0x6000  }
0x106: {  	[sflag:s18] =	ssyncset.done $0x0  }
0x107: {  	[sflag:s18] =	ssyncadd.s32 $0xFFFFA000  }
0x108: {  	[tilespmem:s3], [sflag:$0x2] =	stream.linear.gather [hbm4b:s15+s3], $0x20, $0x38;
	[tilespmem:$0x6080] =	vst v63  }
0x109: {  	_ =	swait.ge [sflag:s18], $0x20  }
0x10a: {  	[sflag:s18] =	ssyncset.done $0x0  }
0x10b: {  	[sflag:s18] =	ssyncadd.s32 $0xFFFFFFE0  }
0x10c: {  	v3 =	vld [tilespmem:$0x0];
	_ =	sdelay $0x4  }
0x10d: {  	v62 =	vshrl.u32 v3, $0x3  }
0x10e: {  	v4 =	vmul.u32 $0x30, v62  }
0x10f: {  	v3 =	vand.u32 $0x7, v3  }
0x110: {  	v3 =	vor.u32 v3, v4  }
0x111: {  	v4 =	vperm.xlane v3, v0;
	_ =	sdelay $0x1  }
0x112: {  	v4 =	vadd.s32 v1, v4;
	_ =	sdelay $0x3  }
0x113: {  	v3 =	vperm.xlane v3, v2  }
0x114: {  	[tilespmem:s19], [sflag:$0x1] =	stream.indirect_vreg.gather [hbm4b:s2+s3], $0x80, v4, vm0, $0xb8;
	[tilespmem:$0x6080] =	vst v63  }
0x115: {  	v3 =	vadd.s32 v1, v3  }
0x116: {  	[tilespmem:s20], [sflag:$0x1] =	stream.indirect_vreg.gather [hbm4b:s5+s3], $0x80, v4, vm0, $0xb8;
	[tilespmem:$0x6080] =	vst v63  }
0x117: {  	_ = 	snop  }
0x118: {  	[tilespmem:s21], [sflag:$0x1] =	stream.indirect_vreg.gather [hbm4b:s6+s3], $0x80, v4, vm0, $0xb8;
	[tilespmem:$0x6080] =	vst v63  }
0x119: {  	_ = 	snop  }
0x11a: {  	[tilespmem:s22], [sflag:$0x1] =	stream.indirect_vreg.gather [hbm4b:s2+s3], $0x80, v3, vm0, $0xb8;
	[tilespmem:$0x6080] =	vst v63  }
0x11b: {  	_ = 	snop  }
0x11c: {  	[tilespmem:s23], [sflag:$0x1] =	stream.indirect_vreg.gather [hbm4b:s5+s3], $0x80, v3, vm0, $0xb8;
	[tilespmem:$0x6080] =	vst v63  }
0x11d: {  	_ = 	snop  }
0x11e: {  	[tilespmem:s24], [sflag:$0x1] =	stream.indirect_vreg.gather [hbm4b:s6+s3], $0x80, v3, vm0, $0xb8;
	[tilespmem:$0x6080] =	vst v63  }
0x11f: {  	v3 =	vld [tilespmem:$0x10];
	_ =	sdelay $0x4  }
0x120: {  	v63 =	vshrl.u32 v3, $0x3  }
0x121: {  	v4 =	vmul.u32 $0x30, v63  }
0x122: {  	v3 =	vand.u32 $0x7, v3  }
0x123: {  	v3 =	vor.u32 v3, v4  }
0x124: {  	v4 =	vperm.xlane v3, v0;
	_ =	sdelay $0x1  }
0x125: {  	v4 =	vadd.s32 v1, v4;
	_ =	sdelay $0x3  }
0x126: {  	v3 =	vperm.xlane v3, v2  }
0x127: {  	[tilespmem:s25], [sflag:$0x1] =	stream.indirect_vreg.gather [hbm4b:s2+s3], $0x80, v4, vm0, $0xb8;
	[tilespmem:$0x6080] =	vst v63  }
0x128: {  	v3 =	vadd.s32 v1, v3  }
0x129: {  	[tilespmem:s26], [sflag:$0x1] =	stream.indirect_vreg.gather [hbm4b:s5+s3], $0x80, v4, vm0, $0xb8;
	[tilespmem:$0x6080] =	vst v63  }
0x12a: {  	_ = 	snop  }
0x12b: {  	[tilespmem:s28], [sflag:$0x1] =	stream.indirect_vreg.gather [hbm4b:s6+s3], $0x80, v4, vm0, $0xb8;
	[tilespmem:$0x6080] =	vst v63  }
0x12c: {  	_ = 	snop  }
0x12d: {  	[tilespmem:s29], [sflag:$0x1] =	stream.indirect_vreg.gather [hbm4b:s2+s3], $0x80, v3, vm0, $0xb8;
	[tilespmem:$0x6080] =	vst v63  }
0x12e: {  	_ = 	snop  }
0x12f: {  	[tilespmem:s30], [sflag:$0x1] =	stream.indirect_vreg.gather [hbm4b:s5+s3], $0x80, v3, vm0, $0xb8;
	[tilespmem:$0x6080] =	vst v63  }
0x130: {  	_ = 	snop  }
0x131: {  	[tilespmem:s31], [sflag:$0x1] =	stream.indirect_vreg.gather [hbm4b:s6+s3], $0x80, v3, vm0, $0xb8;
	[tilespmem:$0x6080] =	vst v63  }
0x132: {  	_ =	swait.ge [sflag:s1], $0x6000  }
0x133: {  	p0 =	sne.s32 s17, $0x1;
	[sflag:s1] =	ssyncset.done $0x0  }
.Ltmp0:
0x134: {  	[sflag:s1] =	ssyncadd.s32 $0xFFFFA000;
	(pc) =	sbr.rel @p0 .LBB2_1-.Ltmp0, $4  }
0x135: {  	[hbm4b:s16+s3] =	stream.linear.scatter [tilespmem:s19], [sflag:$0x2], $0x6000, $0x38;
	[tilespmem:$0x6080] =	vst v63  }
0x136: {  	_ =	swait.ge [sflag:s18], $0x6000  }
0x137: {  	[sflag:s18] =	ssyncset.done $0x0  }
0x138: {  	s17 =	sadd.s32 $0xFFFFFFFF, s17;
	[sflag:s18] =	ssyncadd.s32 $0xFFFFA000  }
0x139: {  	_ =	sfence.sel $0x180000  }
0x13a: {  	[bflag:$0x0] =	sbarrier.arrive $0xFFFF  }
0x13b: {  	_ =	strace $0x9000004A  }
0x13c: {  	s0 =	stileid.u32;
	[bflag:$0x2] =	sbarrier.arrive $0xFFFF  }
0x13d: {  	p0 =	sne.s32 s0, $0x0;
	s0 =	rddreg [dreg:$0x3]  }
0x13e: {  	s0 =	sadd.s32 @!p0 $0x100000, s0  }
0x13f: {  	[sflag:s0] =	ssyncadd.tile.s32 @!p0 $0x1;
	_ =	shalt  }
.Lfunc_end2:
_tile_overlayer_lowered:
.L_overlay_start_2:
0x140: {  	(tag) =	ssettag $0x2  }
0x141: {  	s0 =	rddreg [dreg:$0x0];
	s2 =	stileid.u32  }
0x142: {  	s1 =	rddreg [dreg:$0x1];
	p0 =	sne.s32 s2, $0x0  }
0x143: {  	s3 =	rddreg [dreg:$0x2];
	[bflag:$0x3] =	sbarrier.arrive $0xFFFF;
	s2 =	simm.s32 @!p0 $0x1C02  }
0x144: {  	[timem:s3], [sflag:s2] =	dma.local @!p0 [hbm:s0], s1  }
0x145: {  	s0 =	simm.s32 @!p0 $0x2  }
0x146: {  	_ =	swait.ge @!p0 [sflag:s0], s1  }
0x147: {  	s1 =	ssub.s32 @!p0 $0x0, s1;
	[sflag:s0] =	ssyncset.done @!p0 $0x0  }
0x148: {  	[sflag:s0] =	ssyncadd.s32 @!p0 s1  }
0x149: {  	[bflag:$0x3] =	sbarrier.arrive $0xFFFF  }
0x14a: {  	_ =	shalt  }

// kernel: kernel.14.cloned.1.call-start
scs
__scs_entry_jumppad:
0x0: {  	(pc) =	sbr.rel $0x88, $3  }
0x1: {  	(tag) =	ssettag $0x0;
	lr =	simm.s32 $0x1  }
0x2: {  	[smem:$0x3F94] =	sst lr;
	_ =	strace $0xD0000000  }
0x3: {  	_ = 	snop  }
0x4: {  	_ = 	snop  }
0x5: {  	_ = 	snop  }
0x6: {  	_ = 	snop  }
0x7: {  	_ = 	snop  }
__scs_overlays_trampoline_lowered:
0x8: {  	[smem:$0x3FA3] =	sst s0  }
0x9: {  	[smem:$0x3FA4] =	sst s1  }
0xa: {  	[smem:$0x3FA5] =	sst s2  }
0xb: {  	[smem:$0x3FA6] =	sst s3  }
0xc: {  	[smem:$0x3FA7] =	sst s4  }
0xd: {  	[smem:$0x3FA8] =	sst s5  }
0xe: {  	[smem:$0x3FA9] =	sst s6  }
0xf: {  	[smem:$0x3FAA] =	sst s7  }
0x10: {  	[smem:$0x3FAB] =	sst s8  }
0x11: {  	[smem:$0x3FAC] =	sst s9;
	s0 =	simm.s32 @!p0 $0x0  }
0x12: {  	s1 =	sld [smem:$0x3F92];
	s0 =	simm.s32 @p0 $0x1  }
0x13: {  	[smem:$0x3FAD] =	sst s0;
	s0 =	simm.s32 @!p1 $0x0  }
0x14: {  	s2 =	sld [smem:$0x3F91];
	s0 =	simm.s32 @p1 $0x1  }
0x15: {  	[smem:$0x3FAE] =	sst s0;
	s0 =	simm.s32 @!p2 $0x0  }
0x16: {  	s3 =	sld [smem:$0x3FDB];
	s0 =	simm.s32 @p2 $0x1  }
0x17: {  	s4 =	simm.s32 $0x1BF5;
	[smem:$0x3FB0] =	sst s0  }
0x18: {  	s0 =	sld [smem:$0x3F93];
	_ =	swait.ge [sflag:s4], $0x0  }
0x19: {  	s7 =	sld [smem:$0x3F94]  }
0x1a: {  	s8 =	sadd.s32 $0xFFFFE003, lr  }
0x1b: {  	s9 =	sadd.s32 $0xFFFFFEF7, lr;
	s5 =	simm.s32 $0xFFFFFFFF;
	p2 =	slt.u32 s8, $0xFFFFF086  }
0x1c: {  	p1 =	slt.u32 s9, $0xF7A;
	s5 =	simm.s32 @!p2 $0x0  }
0x1d: {  	s5 =	simm.s32 @p1 $0x1;
	p0 =	seq.s32 s7, s2  }
0x1e: {  	s7 =	smul.u32 @!p0 $0xF7A, s2;
	p2 =	seq.s32 @!p0 s5, $0x0  }
0x1f: {  	s9 =	smul.u32 $0xF7A, s1;
	s8 =	simm.s32 @!p0 $0x1BF5;
	p2 =	por !p2, p0  }
0x20: {  	[sflag:s8] =	ssyncset.s32 @!p0 $0xFFFFF086;
	s6 =	sadd.s32 @!p0 s3, s7;
	s7 =	simm.s32 @!p0 $0x108  }
0x21: {  	s3 =	sadd.s32 s3, s9;
	s6 =	sadd.s32 @!p0 $0x88, s6;
	s7 =	simm.s32 @p2 $0x1082  }
0x22: {  	[simem:s7], [sflag:s8] =	dma.local @!p0 [hbm:s6], $0xF7A  }
0x23: {  	s9 =	sor.u32 $0xD0000000, s2;
	s6 =	simm.s32 $0x108;
	_ =	swait.ge @!p0 [sflag:s8], $0x0  }
0x24: {  	s3 =	sadd.s32 $0x88, s3;
	s6 =	simm.s32 @!p1 $0x1082;
	[sflag:s4] =	ssyncset.s32 $0xFFFFF086  }
0x25: {  	[simem:s6], [sflag:s4] =	dma.local [hbm:s3], $0xF7A  }
0x26: {  	[smem:$0x3F94] =	sst s1;
	(tag) =	ssettag s2;
	_ =	strace s9  }
0x27: {  	s1 =	sld [smem:$0x3FA4]  }
0x28: {  	s2 =	sld [smem:$0x3FA5]  }
0x29: {  	s4 =	sld [smem:$0x3FA7]  }
0x2a: {  	p0 =	seq.s32 s5, $0x0;
	s5 =	sld [smem:$0x3FA8]  }
0x2b: {  	s6 =	sld [smem:$0x3FA9]  }
0x2c: {  	s7 =	sld [smem:$0x3FAA]  }
0x2d: {  	s3 =	simm.s32 $0x108;
	s8 =	sld [smem:$0x3FAB]  }
0x2e: {  	s3 =	simm.s32 @!p0 $0x1082;
	s9 =	sld [smem:$0x3FAC]  }
0x2f: {  	lr =	sadd.s32 s0, s3;
	s0 =	sld [smem:$0x3FA3]  }
0x30: {  	s3 =	sld [smem:$0x3FA6]  }
0x31: {  	[smem:$0x3FAF] =	sst s10  }
0x32: {  	s10 =	sld [smem:$0x3FAD];
	_ =	sdelay $0x3  }
0x33: {  	p0 =	seq.s32 s10, $0x1;
	s10 =	sld [smem:$0x3FAF];
	_ =	sdelay $0x3  }
0x34: {  	[smem:$0x3FAF] =	sst s10  }
0x35: {  	s10 =	sld [smem:$0x3FAE];
	_ =	sdelay $0x3  }
0x36: {  	p1 =	seq.s32 s10, $0x1;
	s10 =	sld [smem:$0x3FAF];
	_ =	sdelay $0x3  }
0x37: {  	[smem:$0x3FAF] =	sst s10  }
0x38: {  	s10 =	sld [smem:$0x3FB0]  }
0x39: {  	_ = 	snop;
	(pc) =	sbr.ind lr, $3  }
0x3a: {  	_ = 	snop  }
0x3b: {  	_ = 	snop  }
0x3c: {  	p2 =	seq.s32 s10, $0x1;
	s10 =	sld [smem:$0x3FAF]  }
0x3d: {  	_ =	shalt  }
0x3e: {  	_ =	shalt  }
0x3f: {  	_ =	shalt  }
0x40: {  	_ =	shalt  }
0x41: {  	_ =	shalt  }
0x42: {  	_ =	shalt  }
0x43: {  	_ =	shalt  }
0x44: {  	_ =	shalt  }
0x45: {  	_ =	shalt  }
0x46: {  	_ =	shalt  }
0x47: {  	_ =	shalt  }
0x48: {  	_ =	shalt  }
0x49: {  	_ =	shalt  }
0x4a: {  	_ =	shalt  }
0x4b: {  	_ =	shalt  }
0x4c: {  	_ =	shalt  }
0x4d: {  	_ =	shalt  }
0x4e: {  	_ =	shalt  }
0x4f: {  	_ =	shalt  }
0x50: {  	_ =	shalt  }
0x51: {  	_ =	shalt  }
0x52: {  	_ =	shalt  }
0x53: {  	_ =	shalt  }
0x54: {  	_ =	shalt  }
0x55: {  	_ =	shalt  }
0x56: {  	_ =	shalt  }
0x57: {  	_ =	shalt  }
0x58: {  	_ =	shalt  }
0x59: {  	_ =	shalt  }
0x5a: {  	_ =	shalt  }
0x5b: {  	_ =	shalt  }
0x5c: {  	_ =	shalt  }
0x5d: {  	_ =	shalt  }
0x5e: {  	_ =	shalt  }
0x5f: {  	_ =	shalt  }
0x60: {  	_ =	shalt  }
0x61: {  	_ =	shalt  }
0x62: {  	_ =	shalt  }
0x63: {  	_ =	shalt  }
0x64: {  	_ =	shalt  }
0x65: {  	_ =	shalt  }
0x66: {  	_ =	shalt  }
0x67: {  	_ =	shalt  }
0x68: {  	_ =	shalt  }
0x69: {  	_ =	shalt  }
0x6a: {  	_ =	shalt  }
0x6b: {  	_ =	shalt  }
0x6c: {  	_ =	shalt  }
0x6d: {  	_ =	shalt  }
0x6e: {  	_ =	shalt  }
0x6f: {  	_ =	shalt  }
0x70: {  	_ =	shalt  }
0x71: {  	_ =	shalt  }
0x72: {  	_ =	shalt  }
0x73: {  	_ =	shalt  }
0x74: {  	_ =	shalt  }
0x75: {  	_ =	shalt  }
0x76: {  	_ =	shalt  }
0x77: {  	_ =	shalt  }
0x78: {  	_ =	shalt  }
0x79: {  	_ =	shalt  }
0x7a: {  	_ =	shalt  }
0x7b: {  	_ =	shalt  }
0x7c: {  	_ =	shalt  }
0x7d: {  	_ =	shalt  }
0x7e: {  	_ =	shalt  }
0x7f: {  	_ =	shalt  }
0x80: {  	_ =	shalt  }
0x81: {  	_ =	shalt  }
0x82: {  	_ =	shalt  }
0x83: {  	_ =	shalt  }
0x84: {  	_ =	shalt  }
0x85: {  	_ =	shalt  }
0x86: {  	_ =	shalt  }
0x87: {  	_ =	shalt  }
.Lfunc_end0:
.L_simem_size_0:
called_computation.2_lowered:
.L_overlay_start_0:
0x88: {  	s2 =	sld [smem:$0x3FD9]  }
0x89: {  	s3 =	sld [smem:$0x3FFE];
	_ =	sdelay $0x1  }
0x8a: {  	s1 =	srdreg.scid  }
0x8b: {  	s0 =	sand.u32 $0x1, s1  }
0x8c: {  	s14 =	sshll.u32 s0, $0xA;
	s2 =	sadd.s32 s3, s2  }
0x8d: {  	s2 =	sadd.s32 s2, s14  }
0x8e: {  	[smem:$0x3FBB] =	sst s2  }
0x8f: {  	_ = 	snop  }
0x90: {  	s2 =	sld [smem:$0x3FD0];
	_ =	sdelay $0x2  }
0x91: {  	s15 =	simm.s32 $0xA;
	s4 =	simm.s32 $0x10  }
0x92: {  	[smem:s4], [sflag:s15] =	dma.local [hbm:s2], $0x1  }
0x93: {  	_ =	swait.eq [sflag:s15], $0x1  }
0x94: {  	[sflag:s15] =	ssyncset.done $0x0  }
0x95: {  	[sflag:s15] =	ssyncadd.s32 $0xFFFFFFFF  }
0x96: {  	s16 =	sld [smem:$0x10];
	(tm) =	ssettm $0x1  }
0x97: {  	s17 =	sld [smem:$0x3FFB];
	_ =	sdelay $0x3  }
0x98: {  	_ =	strace s17  }
0x99: {  	s3 =	sld [smem:$0x3FFC];
	_ =	sdelay $0x3  }
0x9a: {  	_ =	strace s3  }
0x9b: {  	s3 =	sld [smem:$0x3FFD];
	_ =	sdelay $0x3  }
0x9c: {  	_ =	strace s3  }
0x9d: {  	_ =	strace $0x8FFFFFFF  }
0x9e: {  	s18 =	sld [smem:$0x3FDB];
	_ =	sdelay $0x1  }
0x9f: {  	s19 =	simm.s32 $_scs_section_size  }
0xa0: {  	s5 =	simm.s32 $_size__tile_overlayer_lowered;
	s6 =	simm.s32 $_tile_overlayer_lowered  }
0xa1: {  	s22 =	simm.s32 $0x1BFF;
	s21 =	sshll.u32 s6, $0x1;
	s3 =	sadd.s32 s19, s18  }
0xa2: {  	s7 =	simm.s32 $0x0;
	s20 =	sshll.u32 s5, $0x1;
	s5 =	sadd.s32 s21, s3  }
0xa3: {  	[timem:s7], [sflag:s22] =	dma.local [hbm:s5], s20  }
0xa4: {  	_ =	swait.ge [sflag:s22], s20  }
0xa5: {  	s4 =	ssub.s32 $0x0, s20;
	[sflag:s22] =	ssyncset.done $0x0  }
0xa6: {  	[sflag:s22] =	ssyncadd.s32 s4;
	_ =	sdelay $0x1  }
0xa7: {  	s23 =	simm.s32 $0x1B8B  }
0xa8: {  	_ =	swait.ge [sflag:s23], $0x1  }
0xa9: {  	[sflag:s23] =	ssyncset.done $0x0  }
0xaa: {  	s25 =	simm.s32 $0x1B8E;
	s24 =	sld [smem:$0x3FFE];
	[sflag:s23] =	ssyncadd.s32 $0xFFFFFFFF  }
0xab: {  	s26 =	simm.s32 $execute0_lowered;
	[smem:$0x3FD2] =	sst s25  }
0xac: {  	s5 =	sshll.u32 s26, $0x1;
	_ =	strace $0x8000004C;
	[dreg:$0x1] =	wrdreg $0xFFFFFFFF  }
0xad: {  	s28 =	simm.s32 $_size_execute0_lowered;
	s3 =	sadd.s32 s3, s5;
	[dreg:$0x0] =	wrdreg $0x0  }
0xae: {  	s5 =	sshll.u32 s28, $0x1;
	[dreg:$0x2] =	wrdreg s3  }
0xaf: {  	[dreg:$0x3] =	wrdreg s5  }
0xb0: {  	[dreg:$0x4] =	wrdreg $0xC0  }
0xb1: {  	_ =	task [dreg:s7], $0x5FFFF  }
0xb2: {  	[dreg:$0x1] =	wrdreg $0xFFFFFFFF  }
0xb3: {  	[dreg:$0x0] =	wrdreg $0x60  }
0xb4: {  	[dreg:$0x2] =	wrdreg s24  }
0xb5: {  	[dreg:$0x3] =	wrdreg s16  }
0xb6: {  	[dreg:$0x4] =	wrdreg $0x9  }
0xb7: {  	_ =	task.clear_ibuf [dreg:s7], $0x5FFFF;
	_ =	strace $0x9000004C  }
0xb8: {  	s29 =	simm.s32 $0x9;
	_ =	strace $0x8000004E  }
0xb9: {  	_ =	swait.ge [sflag:s29], $0x1  }
0xba: {  	[sflag:s29] =	ssyncadd.s32 $0xFFFFFFFF  }
0xbb: {  	_ =	strace $0x9000004E  }
0xbc: {  	_ =	sfence  }
0xbd: {  	s30 =	sld [smem:$0x0];
	_ =	sdelay $0x2  }
0xbe: {  	s31 =	sshll.u32 s1, $0xD;
	s1 =	sshrl.u32 s1, $0x2  }
0xbf: {  	s3 =	sand.u32 $0x4000, s31;
	s1 =	sadd.s32 s1, s30  }
0xc0: {  	s0 =	sor.u32 s3, s0;
	s1 =	sshll.u32 s1, $0x11  }
0xc1: {  	s0 =	sor.u32 s1, s0  }
0xc2: {  	s0 =	sadd.s32 $0x8F2B, s0  }
0xc3: {  	[sflag:s0] =	ssyncadd.remote.s32 $0x1  }
0xc4: {  	_ =	sfence.sel $0xFFFF  }
0xc5: {  	[dreg:$0x0] =	wrdreg $0xFFFFFFFF;
	(pc) =	sbr.abs _section_cstart, $3  }
0xc6: {  	[dreg:$0x1] =	wrdreg $0xFFFFFFFF  }
0xc7: {  	_ =	task.clear_ibuf [dreg:s7], $0x2FFFF;
	_ =	strace $0x9FFFFFFF  }
0xc8: {  	(tm) =	ssettm $0x7FFFFFFF  }
0xc9: {  	_ =	shalt  }
tec
execute0_lowered:
.L_overlay_start_1:
0x0: {  	(tag) =	ssettag $0x1  }
0x1: {  	s0 =	rddreg [dreg:$0x0]  }
0x2: {  	s2 =	rddreg [dreg:$0x1];
	s1 =	simm.s32 $0x0;
	s4 =	srdreg.scid  }
0x3: {  	s6 =	stileid.u32;
	s15 =	simm.s32 $0x2;
	s30 =	simm.s32 $0x1  }
0x4: {  	s16 =	simm.s32 $0x7900;
	s17 =	simm.s32 $0x8100;
	s18 =	simm.s32 $0x8900  }
0x5: {  	s19 =	simm.s32 $0x9100;
	s20 =	simm.s32 $0x9900;
	s21 =	simm.s32 $0xA100  }
0x6: {  	s22 =	simm.s32 $0xA900;
	s23 =	simm.s32 $0xB100;
	s24 =	simm.s32 $0xB900  }
0x7: {  	s25 =	simm.s32 $0xC100;
	s26 =	simm.s32 $0x0;
	[smem:$0x7FF] =	sst s1  }
0x8: {  	s3 =	sadd.s32 $0x1C00, s0;
	s12 =	sadd.s32 $0x91C00, s0;
	s4 =	sand.u32 $0x1, s4  }
0x9: {  	s6 =	sshll.u32 s6, $0x4;
	s10 =	sadd.s32 $0x1800, s0;
	s11 =	sadd.s32 $0x1A00, s0  }
0xa: {  	_ =	strace $0x8000004D;
	s5 =	ssub.s32 $0x2, s4;
	s4 =	sshll.u32 s4, $0x3  }
0xb: {  	s7 =	sshrl.u32 s5, $0x1;
	s4 =	sor.u32 s4, s6;
	s6 =	sadd.s32 $0x1D00, s0  }
0xc: {  	s14 =	ssub.s32 s5, s7;
	s28 =	sadd.s32 s10, s4;
	s29 =	sadd.s32 s11, s4  }
0xd: {  	v0 =	vlaneseq.u32;
	s9 =	smul.u32 $0x300, s4;
	s4 =	sor.u32 $0x4, s4;
	[dreg:$0x3] =	wrdreg s28  }
0xe: {  	v1 =	vand.u32 $0x7, v0;
	v63 =	vshrl.u32 v0, $0x3;
	s7 =	sadd.s32 $0x1E00, s0;
	s0 =	simm.s32 $0x6900;
	[dreg:$0x4] =	wrdreg s29  }
0xf: {  	v0 =	vor.u32 $0x8, v0;
	[tilespmem:$0x1FFD0] =	vst v1;
	v1 =	vmul.u32 $0x8, v63;
	s31 =	smul.u32 $0x300, s4;
	s10 =	sadd.s32 s10, s4;
	s11 =	sadd.s32 s11, s4  }
0x10: {  	[tilespmem:$0x1FFF0] =	vst v0;
	s14 =	smax.u32 s14, $0x1;
	s8 =	sadd.s32 s12, s9;
	s9 =	sadd.s32 s2, s9  }
0x11: {  	vm0 =	vmmov $0xffff;
	[tilespmem:$0x1FFE0] =	vst v1;
	s12 =	sadd.s32 s12, s31;
	s13 =	sadd.s32 s2, s31;
	s2 =	simm.s32 $0x7100  }
.LBB2_1:
0x12: {  	s4 =	rddreg [dreg:$0x3]  }
0x13: {  	[tilespmem:s1], [sflag:$0x2] =	stream.linear.gather [hbm4b:s4+s1], $0x20, $0x38;
	[tilespmem:$0x12100] =	vst v63  }
0x14: {  	_ =	swait.ge [sflag:s15], $0x20  }
0x15: {  	[sflag:s15] =	ssyncset.done $0x0  }
0x16: {  	s5 =	simm.s32 $0x80;
	s31 =	rddreg [dreg:$0x4];
	[sflag:s15] =	ssyncadd.s32 $0xFFFFFFE0  }
0x17: {  	[tilespmem:s5], [sflag:$0x2] =	stream.linear.gather [hbm4b:s31+s1], $0x20, $0x38;
	[tilespmem:$0x12100] =	vst v63  }
0x18: {  	_ =	swait.ge [sflag:s15], $0x20  }
0x19: {  	[sflag:s15] =	ssyncset.done $0x0  }
0x1a: {  	[sflag:s15] =	ssyncadd.s32 $0xFFFFFFE0  }
0x1b: {  	v0 =	vld [tilespmem:$0x0];
	_ =	sdelay $0x3  }
0x1c: {  	v2 =	vld [tilespmem:$0x1FFD0]  }
0x1d: {  	v1 =	vshrl.u32 v0, $0x3  }
0x1e: {  	v3 =	vld [tilespmem:$0x1FFE0];
	v1 =	vmul.u32 $0x30, v1  }
0x1f: {  	v0 =	vand.u32 $0x7, v0  }
0x20: {  	v0 =	vor.u32 v0, v1  }
0x21: {  	v1 =	vperm.xlane v0, v2  }
0x22: {  	v4 =	vld [tilespmem:$0x1FFF0]  }
0x23: {  	v1 =	vadd.s32 v3, v1;
	_ =	sdelay $0x3  }
0x24: {  	s5 =	simm.s32 $0x100;
	v0 =	vperm.xlane v0, v4  }
0x25: {  	[tilespmem:s5], [sflag:$0x1] =	stream.indirect_vreg.gather [hbm4b:s3+s1], $0x80, v1, vm0, $0xb8;
	[tilespmem:$0x12100] =	vst v63  }
0x26: {  	s31 =	simm.s32 $0x900;
	v0 =	vadd.s32 v3, v0  }
0x27: {  	[tilespmem:s31], [sflag:$0x1] =	stream.indirect_vreg.gather [hbm4b:s6+s1], $0x80, v1, vm0, $0xb8;
	[tilespmem:$0x12100] =	vst v63  }
0x28: {  	s5 =	simm.s32 $0x1100  }
0x29: {  	[tilespmem:s5], [sflag:$0x1] =	stream.indirect_vreg.gather [hbm4b:s7+s1], $0x80, v1, vm0, $0xb8;
	[tilespmem:$0x12100] =	vst v63  }
0x2a: {  	s31 =	simm.s32 $0x1900  }
0x2b: {  	[tilespmem:s31], [sflag:$0x1] =	stream.indirect_vreg.gather [hbm4b:s3+s1], $0x80, v0, vm0, $0xb8;
	[tilespmem:$0x12100] =	vst v63  }
0x2c: {  	s5 =	simm.s32 $0x2100  }
0x2d: {  	[tilespmem:s5], [sflag:$0x1] =	stream.indirect_vreg.gather [hbm4b:s6+s1], $0x80, v0, vm0, $0xb8;
	[tilespmem:$0x12100] =	vst v63  }
0x2e: {  	s31 =	simm.s32 $0x2900  }
0x2f: {  	[tilespmem:s31], [sflag:$0x1] =	stream.indirect_vreg.gather [hbm4b:s7+s1], $0x80, v0, vm0, $0xb8;
	[tilespmem:$0x12100] =	vst v63  }
0x30: {  	v0 =	vld [tilespmem:$0x10];
	_ =	sdelay $0x4  }
0x31: {  	v1 =	vshrl.u32 v0, $0x3  }
0x32: {  	v1 =	vmul.u32 $0x30, v1  }
0x33: {  	v0 =	vand.u32 $0x7, v0  }
0x34: {  	v0 =	vor.u32 v0, v1  }
0x35: {  	v1 =	vperm.xlane v0, v2;
	_ =	sdelay $0x1  }
0x36: {  	v1 =	vadd.s32 v3, v1;
	_ =	sdelay $0x3  }
0x37: {  	s5 =	simm.s32 $0x3100;
	v0 =	vperm.xlane v0, v4  }
0x38: {  	[tilespmem:s5], [sflag:$0x1] =	stream.indirect_vreg.gather [hbm4b:s3+s1], $0x80, v1, vm0, $0xb8;
	[tilespmem:$0x12100] =	vst v63  }
0x39: {  	s31 =	simm.s32 $0x3900;
	v0 =	vadd.s32 v3, v0  }
0x3a: {  	[tilespmem:s31], [sflag:$0x1] =	stream.indirect_vreg.gather [hbm4b:s6+s1], $0x80, v1, vm0, $0xb8;
	[tilespmem:$0x12100] =	vst v63  }
0x3b: {  	s5 =	simm.s32 $0x4100  }
0x3c: {  	[tilespmem:s5], [sflag:$0x1] =	stream.indirect_vreg.gather [hbm4b:s7+s1], $0x80, v1, vm0, $0xb8;
	[tilespmem:$0x12100] =	vst v63  }
0x3d: {  	s31 =	simm.s32 $0x4900  }
0x3e: {  	[tilespmem:s31], [sflag:$0x1] =	stream.indirect_vreg.gather [hbm4b:s3+s1], $0x80, v0, vm0, $0xb8;
	[tilespmem:$0x12100] =	vst v63  }
0x3f: {  	s5 =	simm.s32 $0x5100  }
0x40: {  	[tilespmem:s5], [sflag:$0x1] =	stream.indirect_vreg.gather [hbm4b:s6+s1], $0x80, v0, vm0, $0xb8;
	[tilespmem:$0x12100] =	vst v63  }
0x41: {  	s31 =	simm.s32 $0x5900  }
0x42: {  	[tilespmem:s31], [sflag:$0x1] =	stream.indirect_vreg.gather [hbm4b:s7+s1], $0x80, v0, vm0, $0xb8;
	[tilespmem:$0x12100] =	vst v63  }
0x43: {  	_ =	swait.ge [sflag:s30], $0x6000  }
0x44: {  	[sflag:s30] =	ssyncset.done $0x0  }
0x45: {  	[sflag:s30] =	ssyncadd.s32 $0xFFFFA000  }
0x46: {  	v0 =	vld [tilespmem:$0x80];
	_ =	sdelay $0x4  }
0x47: {  	v1 =	vshrl.u32 v0, $0x3  }
0x48: {  	v1 =	vmul.u32 $0x30, v1  }
0x49: {  	v0 =	vand.u32 $0x7, v0  }
0x4a: {  	v0 =	vor.u32 v0, v1  }
0x4b: {  	v1 =	vperm.xlane v0, v2;
	_ =	sdelay $0x1  }
0x4c: {  	v1 =	vadd.s32 v3, v1;
	_ =	sdelay $0x3  }
0x4d: {  	s5 =	simm.s32 $0x6100;
	v0 =	vperm.xlane v0, v4  }
0x4e: {  	[tilespmem:s5], [sflag:$0x1] =	stream.indirect_vreg.gather [hbm4b:s3+s1], $0x80, v1, vm0, $0xb8;
	[tilespmem:$0x12100] =	vst v63  }
0x4f: {  	v0 =	vadd.s32 v3, v0  }
0x50: {  	[tilespmem:s0], [sflag:$0x1] =	stream.indirect_vreg.gather [hbm4b:s6+s1], $0x80, v1, vm0, $0xb8;
	[tilespmem:$0x12100] =	vst v63  }
0x51: {  	_ = 	snop  }
0x52: {  	[tilespmem:s2], [sflag:$0x1] =	stream.indirect_vreg.gather [hbm4b:s7+s1], $0x80, v1, vm0, $0xb8;
	[tilespmem:$0x12100] =	vst v63  }
0x53: {  	_ = 	snop  }
0x54: {  	[tilespmem:s16], [sflag:$0x1] =	stream.indirect_vreg.gather [hbm4b:s3+s1], $0x80, v0, vm0, $0xb8;
	[tilespmem:$0x12100] =	vst v63  }
0x55: {  	_ = 	snop  }
0x56: {  	[tilespmem:s17], [sflag:$0x1] =	stream.indirect_vreg.gather [hbm4b:s6+s1], $0x80, v0, vm0, $0xb8;
	[tilespmem:$0x12100] =	vst v63  }
0x57: {  	_ = 	snop  }
0x58: {  	[tilespmem:s18], [sflag:$0x1] =	stream.indirect_vreg.gather [hbm4b:s7+s1], $0x80, v0, vm0, $0xb8;
	[tilespmem:$0x12100] =	vst v63  }
0x59: {  	v0 =	vld [tilespmem:$0x90];
	_ =	sdelay $0x4  }
0x5a: {  	v1 =	vshrl.u32 v0, $0x3  }
0x5b: {  	v1 =	vmul.u32 $0x30, v1  }
0x5c: {  	v0 =	vand.u32 $0x7, v0  }
0x5d: {  	v0 =	vor.u32 v0, v1  }
0x5e: {  	v1 =	vperm.xlane v0, v2;
	_ =	sdelay $0x1  }
0x5f: {  	v1 =	vadd.s32 v3, v1;
	_ =	sdelay $0x3  }
0x60: {  	v0 =	vperm.xlane v0, v4  }
0x61: {  	[tilespmem:s19], [sflag:$0x1] =	stream.indirect_vreg.gather [hbm4b:s3+s1], $0x80, v1, vm0, $0xb8;
	[tilespmem:$0x12100] =	vst v63  }
0x62: {  	v0 =	vadd.s32 v3, v0  }
0x63: {  	[tilespmem:s20], [sflag:$0x1] =	stream.indirect_vreg.gather [hbm4b:s6+s1], $0x80, v1, vm0, $0xb8;
	[tilespmem:$0x12100] =	vst v63  }
0x64: {  	_ = 	snop  }
0x65: {  	[tilespmem:s21], [sflag:$0x1] =	stream.indirect_vreg.gather [hbm4b:s7+s1], $0x80, v1, vm0, $0xb8;
	[tilespmem:$0x12100] =	vst v63  }
0x66: {  	_ = 	snop  }
0x67: {  	[tilespmem:s22], [sflag:$0x1] =	stream.indirect_vreg.gather [hbm4b:s3+s1], $0x80, v0, vm0, $0xb8;
	[tilespmem:$0x12100] =	vst v63  }
0x68: {  	_ = 	snop  }
0x69: {  	[tilespmem:s23], [sflag:$0x1] =	stream.indirect_vreg.gather [hbm4b:s6+s1], $0x80, v0, vm0, $0xb8;
	[tilespmem:$0x12100] =	vst v63  }
0x6a: {  	_ = 	snop  }
0x6b: {  	[tilespmem:s24], [sflag:$0x1] =	stream.indirect_vreg.gather [hbm4b:s7+s1], $0x80, v0, vm0, $0xb8;
	[tilespmem:$0x12100] =	vst v63  }
0x6c: {  	_ =	swait.ge [sflag:s30], $0x6000  }
0x6d: {  	[sflag:s30] =	ssyncset.done $0x0  }
0x6e: {  	s31 =	simm.s32 $0x0;
	[sflag:s30] =	ssyncadd.s32 $0xFFFFA000  }
0x6f: {  	[tilespmem:s25], [sflag:$0x2] =	stream.linear.gather [hbm4b:s8+s1], $0x6000, $0x38;
	[tilespmem:$0x12100] =	vst v63  }
0x70: {  	s4 =	smul.u32 $0x1800, s31;
	_ =	swait.ge [sflag:s15], $0x6000  }
0x71: {  	s28 =	sand.u32 $0x380, s1;
	[sflag:s15] =	ssyncset.done $0x0  }
0x72: {  	s28 =	sor.u32 s28, s4;
	[sflag:s15] =	ssyncadd.s32 $0xFFFFA000  }
0x73: {  	v0 =	vld [tilespmem:s28+$0x6570];
	_ =	sdelay $0x4  }
0x74: {  	[tilespmem:$0x1FE00] =	vst v0;
	v0 =	vld [tilespmem:s28+$0x6900];
	_ =	sdelay $0x4  }
0x75: {  	[tilespmem:$0x1FE10] =	vst v0;
	v0 =	vld [tilespmem:s28+$0x6910];
	_ =	sdelay $0x4  }
0x76: {  	[tilespmem:$0x1FE20] =	vst v0;
	v0 =	vld [tilespmem:s28+$0x6920];
	_ =	sdelay $0x4  }
0x77: {  	[tilespmem:$0x1FE30] =	vst v0;
	v0 =	vld [tilespmem:s28+$0x6930];
	_ =	sdelay $0x4  }
0x78: {  	[tilespmem:$0x1FE40] =	vst v0;
	v0 =	vld [tilespmem:s28+$0x6940];
	_ =	sdelay $0x4  }
0x79: {  	[tilespmem:$0x1FE50] =	vst v0;
	v0 =	vld [tilespmem:s28+$0x6950];
	_ =	sdelay $0x4  }
0x7a: {  	[tilespmem:$0x1FE60] =	vst v0;
	v0 =	vld [tilespmem:s28+$0x6960];
	_ =	sdelay $0x4  }
0x7b: {  	[tilespmem:$0x1FE70] =	vst v0;
	v0 =	vld [tilespmem:s28+$0x6970];
	_ =	sdelay $0x4  }
0x7c: {  	[tilespmem:$0x1FE80] =	vst v0;
	v0 =	vld [tilespmem:s28+$0x6D00];
	_ =	sdelay $0x4  }
0x7d: {  	[tilespmem:$0x1FE90] =	vst v0;
	v0 =	vld [tilespmem:s28+$0x6D10];
	_ =	sdelay $0x4  }
0x7e: {  	[tilespmem:$0x1FEA0] =	vst v0;
	v0 =	vld [tilespmem:s28+$0x6D20];
	_ =	sdelay $0x4  }
0x7f: {  	[tilespmem:$0x1FEB0] =	vst v0;
	v0 =	vld [tilespmem:s28+$0x6D30];
	_ =	sdelay $0x4  }
0x80: {  	[tilespmem:$0x1FEC0] =	vst v0;
	v0 =	vld [tilespmem:s28+$0x6D40];
	_ =	sdelay $0x4  }
0x81: {  	[tilespmem:$0x1FED0] =	vst v0;
	v0 =	vld [tilespmem:s28+$0x6D50];
	_ =	sdelay $0x4  }
0x82: {  	[tilespmem:$0x1FEE0] =	vst v0;
	v0 =	vld [tilespmem:s28+$0x6D60];
	_ =	sdelay $0x4  }
0x83: {  	[tilespmem:$0x1FEF0] =	vst v0;
	v0 =	vld [tilespmem:s28+$0x6D70];
	_ =	sdelay $0x4  }
0x84: {  	[tilespmem:$0x1FF10] =	vst v0;
	v0 =	vld [tilespmem:s28+$0x7100];
	_ =	sdelay $0x4  }
0x85: {  	[tilespmem:$0x1FF30] =	vst v0;
	v0 =	vld [tilespmem:s28+$0x7110];
	_ =	sdelay $0x4  }
0x86: {  	[tilespmem:$0x1FF50] =	vst v0;
	v0 =	vld [tilespmem:s28+$0x7120];
	_ =	sdelay $0x4  }
0x87: {  	[tilespmem:$0x1FF70] =	vst v0;
	v0 =	vld [tilespmem:s28+$0x7130];
	_ =	sdelay $0x4  }
0x88: {  	[tilespmem:$0x1FF90] =	vst v0;
	v0 =	vld [tilespmem:s28+$0x7140];
	_ =	sdelay $0x4  }
0x89: {  	[tilespmem:$0x1FFB0] =	vst v0;
	v0 =	vld [tilespmem:s28+$0x7150];
	_ =	sdelay $0x2  }
0x8a: {  	v14 =	vld [tilespmem:s28+$0x6100]  }
0x8b: {  	v53 =	vld [tilespmem:s28+$0x6110]  }
0x8c: {  	[tilespmem:$0x1FDB0] =	vst v0;
	v0 =	vld [tilespmem:s28+$0x7160]  }
0x8d: {  	v54 =	vld [tilespmem:s28+$0x6120]  }
0x8e: {  	v55 =	vld [tilespmem:s28+$0x6130]  }
0x8f: {  	v56 =	vld [tilespmem:s28+$0x6140]  }
0x90: {  	v57 =	vld [tilespmem:s28+$0x6150]  }
0x91: {  	[tilespmem:$0x1FDC0] =	vst v0;
	v0 =	vld [tilespmem:s28+$0x7170]  }
0x92: {  	v58 =	vld [tilespmem:s28+$0x6160]  }
0x93: {  	v59 =	vld [tilespmem:s28+$0x6170]  }
0x94: {  	v60 =	vld [tilespmem:s28+$0x6500]  }
0x95: {  	v61 =	vld [tilespmem:s28+$0x6510]  }
0x96: {  	[tilespmem:$0x1FDD0] =	vst v0;
	v0 =	vld [tilespmem:s28+$0x7500]  }
0x97: {  	v51 =	vld [tilespmem:s28+$0x6520]  }
0x98: {  	v37 =	vld [tilespmem:s28+$0x6530]  }
0x99: {  	v38 =	vld [tilespmem:s28+$0x6540]  }
0x9a: {  	v41 =	vld [tilespmem:s28+$0x6550]  }
0x9b: {  	[tilespmem:$0x1FDE0] =	vst v0;
	v0 =	vld [tilespmem:s28+$0x7510]  }
0x9c: {  	v39 =	vld [tilespmem:s28+$0x6560]  }
0x9d: {  	v48 =	vld [tilespmem:s28+$0x7520]  }
0x9e: {  	v46 =	vld [tilespmem:s28+$0x7530]  }
0x9f: {  	v44 =	vld [tilespmem:s28+$0x7540]  }
0xa0: {  	[tilespmem:$0x1FDF0] =	vst v0;
	v0 =	vld [tilespmem:s28+$0x1100]  }
0xa1: {  	v42 =	vld [tilespmem:s28+$0x7550]  }
0xa2: {  	v62 =	vld [tilespmem:s28+$0x100]  }
0xa3: {  	v63 =	vld [tilespmem:s28+$0x110]  }
0xa4: {  	v5 =	vld [tilespmem:s28+$0x120]  }
0xa5: {  	[tilespmem:$0x1FF00] =	vst v0;
	v0 =	vld [tilespmem:s28+$0x1110]  }
0xa6: {  	v6 =	vld [tilespmem:s28+$0x130]  }
0xa7: {  	v7 =	vld [tilespmem:s28+$0x140]  }
0xa8: {  	v8 =	vld [tilespmem:s28+$0x150]  }
0xa9: {  	v21 =	vld [tilespmem:s28+$0x160]  }
0xaa: {  	[tilespmem:$0x1FF20] =	vst v0;
	v0 =	vld [tilespmem:s28+$0x1120]  }
0xab: {  	v22 =	vld [tilespmem:s28+$0x170]  }
0xac: {  	v23 =	vld [tilespmem:s28+$0x500]  }
0xad: {  	v24 =	vld [tilespmem:s28+$0x510]  }
0xae: {  	v25 =	vld [tilespmem:s28+$0x520]  }
0xaf: {  	[tilespmem:$0x1FF40] =	vst v0;
	v0 =	vld [tilespmem:s28+$0x1130]  }
0xb0: {  	v26 =	vld [tilespmem:s28+$0x530]  }
0xb1: {  	v27 =	vld [tilespmem:s28+$0x540]  }
0xb2: {  	v28 =	vld [tilespmem:s28+$0x550]  }
0xb3: {  	v29 =	vld [tilespmem:s28+$0x560]  }
0xb4: {  	[tilespmem:$0x1FF60] =	vst v0;
	v0 =	vld [tilespmem:s28+$0x1140]  }
0xb5: {  	v30 =	vld [tilespmem:s28+$0x570]  }
0xb6: {  	v31 =	vld [tilespmem:s28+$0x900]  }
0xb7: {  	v32 =	vld [tilespmem:s28+$0x910]  }
0xb8: {  	v33 =	vld [tilespmem:s28+$0x920]  }
0xb9: {  	[tilespmem:$0x1FF80] =	vst v0;
	v0 =	vld [tilespmem:s28+$0x1150]  }
0xba: {  	v34 =	vld [tilespmem:s28+$0x930]  }
0xbb: {  	v35 =	vld [tilespmem:s28+$0x940]  }
0xbc: {  	v9 =	vld [tilespmem:s28+$0x950]  }
0xbd: {  	v10 =	vld [tilespmem:s28+$0x960]  }
0xbe: {  	[tilespmem:$0x1FFA0] =	vst v0;
	v0 =	vld [tilespmem:s28+$0x1160]  }
0xbf: {  	v11 =	vld [tilespmem:s28+$0x970]  }
0xc0: {  	v12 =	vld [tilespmem:s28+$0xD00]  }
0xc1: {  	v36 =	vld [tilespmem:s28+$0xD10]  }
0xc2: {  	v52 =	vld [tilespmem:s28+$0xD20]  }
0xc3: {  	[tilespmem:$0x1FFC0] =	vst v0;
	v0 =	vld [tilespmem:s28+$0xC100]  }
0xc4: {  	v1 =	vld [tilespmem:s28+$0xC110]  }
0xc5: {  	v2 =	vld [tilespmem:s28+$0xC120]  }
0xc6: {  	v49 =	vld [tilespmem:s28+$0xD30]  }
0xc7: {  	v4 =	vld [tilespmem:s28+$0xC140]  }
0xc8: {  	v47 =	vld [tilespmem:s28+$0xD40];
	v0 =	vadd.f32 v62, v0  }
0xc9: {  	v1 =	vadd.f32 v63, v1;
	v63 =	vld [tilespmem:s28+$0xC160]  }
0xca: {  	v45 =	vld [tilespmem:s28+$0xD50];
	v2 =	vadd.f32 v5, v2;
	v0 =	vadd.f32 v14, v0  }
0xcb: {  	v3 =	vld [tilespmem:s28+$0xC130]  }
0xcc: {  	v43 =	vld [tilespmem:s28+$0xD60];
	[tilespmem:s28+$0xC100] =	vst v0;
	v0 =	vadd.f32 v54, v2;
	v2 =	vadd.f32 v7, v4  }
0xcd: {  	v62 =	vld [tilespmem:s28+$0xC150]  }
0xce: {  	v40 =	vld [tilespmem:s28+$0xD70];
	[tilespmem:s28+$0xC120] =	vst v0;
	v0 =	vadd.f32 v56, v2;
	v2 =	vadd.f32 v21, v63  }
0xcf: {  	v5 =	vld [tilespmem:s28+$0xC170];
	v1 =	vadd.f32 v53, v1  }
0xd0: {  	v20 =	vld [tilespmem:s28+$0x1170];
	v3 =	vadd.f32 v6, v3;
	[tilespmem:s28+$0xC140] =	vst v0;
	v0 =	vadd.f32 v58, v2  }
0xd1: {  	v6 =	vld [tilespmem:s28+$0xC510];
	[tilespmem:s28+$0xC110] =	vst v1  }
0xd2: {  	v1 =	vadd.f32 v55, v3;
	v3 =	vadd.f32 v8, v62;
	[tilespmem:s28+$0xC160] =	vst v0;
	v0 =	vld [tilespmem:s28+$0xC530]  }
0xd3: {  	v19 =	vld [tilespmem:s28+$0x1500]  }
0xd4: {  	v18 =	vld [tilespmem:s28+$0x1510];
	[tilespmem:s28+$0xC130] =	vst v1;
	v1 =	vadd.f32 v57, v3;
	v3 =	vadd.f32 v22, v5  }
0xd5: {  	v4 =	vld [tilespmem:s28+$0xC500]  }
0xd6: {  	v17 =	vld [tilespmem:s28+$0x1520];
	[tilespmem:s28+$0xC150] =	vst v1;
	v1 =	vadd.f32 v59, v3;
	v3 =	vadd.f32 v24, v6  }
0xd7: {  	v16 =	vld [tilespmem:s28+$0x1530];
	v0 =	vadd.f32 v26, v0  }
0xd8: {  	v2 =	vld [tilespmem:s28+$0xC520];
	v3 =	vadd.f32 v61, v3  }
0xd9: {  	v15 =	vld [tilespmem:s28+$0x1540];
	v0 =	vadd.f32 v37, v0  }
0xda: {  	v4 =	vadd.f32 v23, v4;
	[tilespmem:s28+$0xC510] =	vst v3;
	v3 =	vld [tilespmem:s28+$0xC560]  }
0xdb: {  	[tilespmem:s28+$0xC530] =	vst v0;
	v0 =	vld [tilespmem:s28+$0xC940]  }
0xdc: {  	v13 =	vld [tilespmem:s28+$0x1550];
	v4 =	vadd.f32 v60, v4  }
0xdd: {  	v53 =	vld [tilespmem:$0x1FE50];
	v2 =	vadd.f32 v25, v2  }
0xde: {  	[tilespmem:s28+$0xC500] =	vst v4;
	v4 =	vld [tilespmem:s28+$0xC550]  }
0xdf: {  	v50 =	vld [tilespmem:s28+$0x1560];
	v2 =	vadd.f32 v51, v2;
	v3 =	vadd.f32 v29, v3  }
0xe0: {  	v62 =	vld [tilespmem:$0x1FEE0];
	v0 =	vadd.f32 v35, v0  }
0xe1: {  	[tilespmem:s28+$0xC520] =	vst v2;
	v2 =	vld [tilespmem:s28+$0xC570];
	v3 =	vadd.f32 v39, v3  }
0xe2: {  	v21 =	vld [tilespmem:$0x1FE00];
	v0 =	vadd.f32 v53, v0  }
0xe3: {  	v4 =	vadd.f32 v28, v4;
	[tilespmem:s28+$0xC560] =	vst v3;
	v3 =	vld [tilespmem:s28+$0xC970]  }
0xe4: {  	[tilespmem:s28+$0xC940] =	vst v0;
	v0 =	vld [tilespmem:s28+$0xCD50]  }
0xe5: {  	v56 =	vld [tilespmem:$0x1FE80];
	v4 =	vadd.f32 v41, v4  }
0xe6: {  	v5 =	vld [tilespmem:s28+$0xC900];
	v2 =	vadd.f32 v30, v2  }
0xe7: {  	[tilespmem:s28+$0xC550] =	vst v4;
	v4 =	vld [tilespmem:s28+$0xC960]  }
0xe8: {  	v2 =	vadd.f32 v21, v2;
	v21 =	vld [tilespmem:$0x1FE10];
	v3 =	vadd.f32 v11, v3  }
0xe9: {  	v55 =	vld [tilespmem:$0x1FE70];
	v0 =	vadd.f32 v45, v0  }
0xea: {  	v58 =	vld [tilespmem:$0x1FEA0];
	v3 =	vadd.f32 v56, v3  }
0xeb: {  	v6 =	vld [tilespmem:s28+$0xC910];
	v5 =	vadd.f32 v31, v5;
	v0 =	vadd.f32 v62, v0  }
0xec: {  	v4 =	vadd.f32 v10, v4;
	[tilespmem:s28+$0xC970] =	vst v3;
	v3 =	vld [tilespmem:s28+$0xD100]  }
0xed: {  	v5 =	vadd.f32 v21, v5;
	[tilespmem:s28+$0xCD50] =	vst v0;
	v0 =	vld [tilespmem:$0x1FF00]  }
0xee: {  	v21 =	vld [tilespmem:$0x1FE20];
	v4 =	vadd.f32 v55, v4  }
0xef: {  	[tilespmem:s28+$0xC900] =	vst v5;
	v5 =	vld [tilespmem:s28+$0xCD10]  }
0xf0: {  	[tilespmem:s28+$0xC960] =	vst v4;
	v4 =	vld [tilespmem:s28+$0xCD70]  }
0xf1: {  	[tilespmem:s28+$0xC570] =	vst v2;
	v2 =	vld [tilespmem:s28+$0xCD00]  }
0xf2: {  	v0 =	vadd.f32 v0, v3;
	v3 =	vld [tilespmem:$0x1FF10]  }
0xf3: {  	v7 =	vld [tilespmem:s28+$0xC920];
	v6 =	vadd.f32 v32, v6  }
0xf4: {  	v57 =	vld [tilespmem:$0x1FE90];
	v5 =	vadd.f32 v36, v5  }
0xf5: {  	v59 =	vld [tilespmem:$0x1FEB0];
	v6 =	vadd.f32 v21, v6;
	v4 =	vadd.f32 v40, v4  }
0xf6: {  	[tilespmem:s28+$0xC170] =	vst v1;
	v1 =	vld [tilespmem:s28+$0xC540];
	v5 =	vadd.f32 v58, v5  }
0xf7: {  	v2 =	vadd.f32 v12, v2;
	[tilespmem:s28+$0xC910] =	vst v6;
	v6 =	vld [tilespmem:s28+$0xCD20];
	v3 =	vadd.f32 v3, v4  }
0xf8: {  	[tilespmem:s28+$0xCD10] =	vst v5;
	v5 =	vld [tilespmem:s28+$0xD120]  }
0xf9: {  	v2 =	vadd.f32 v57, v2;
	[tilespmem:s28+$0xCD70] =	vst v3;
	v3 =	vld [tilespmem:$0x1FF40]  }
0xfa: {  	v21 =	vld [tilespmem:$0x1FE30]  }
0xfb: {  	v1 =	vadd.f32 v27, v1;
	[tilespmem:s28+$0xCD00] =	vst v2;
	v2 =	vld [tilespmem:s28+$0xD110]  }
0xfc: {  	v4 =	vld [tilespmem:$0x1FF20]  }
0xfd: {  	v8 =	vld [tilespmem:s28+$0xC930];
	v7 =	vadd.f32 v33, v7;
	v1 =	vadd.f32 v38, v1  }
0xfe: {  	v6 =	vadd.f32 v52, v6;
	v3 =	vadd.f32 v3, v5;
	v5 =	vld [tilespmem:$0x1FF50]  }
0xff: {  	[tilespmem:s28+$0xC540] =	vst v1;
	v1 =	vld [tilespmem:s28+$0xC950];
	v7 =	vadd.f32 v21, v7  }
0x100: {  	v21 =	vld [tilespmem:$0x1FE40];
	v6 =	vadd.f32 v59, v6  }
0x101: {  	[tilespmem:s28+$0xC920] =	vst v7;
	v7 =	vld [tilespmem:s28+$0xCD30];
	v4 =	vadd.f32 v4, v2  }
0x102: {  	[tilespmem:s28+$0xCD20] =	vst v6;
	v6 =	vld [tilespmem:s28+$0xD130]  }
0x103: {  	v4 =	vadd.f32 v5, v4;
	v5 =	vld [tilespmem:$0x1FF60]  }
0x104: {  	v54 =	vld [tilespmem:$0x1FE60]  }
0x105: {  	v8 =	vadd.f32 v34, v8;
	v60 =	vld [tilespmem:$0x1FEC0]  }
0x106: {  	v14 =	vld [tilespmem:s28+$0x1570]  }
0x107: {  	v63 =	vld [tilespmem:$0x1FEF0];
	v1 =	vadd.f32 v9, v1;
	v8 =	vadd.f32 v21, v8  }
0x108: {  	v7 =	vadd.f32 v49, v7;
	v5 =	vadd.f32 v5, v6;
	v6 =	vld [tilespmem:$0x1FF70]  }
0x109: {  	v1 =	vadd.f32 v54, v1;
	[tilespmem:s28+$0xC930] =	vst v8;
	v8 =	vld [tilespmem:s28+$0xCD40]  }
0x10a: {  	v61 =	vld [tilespmem:$0x1FED0];
	v7 =	vadd.f32 v60, v7  }
0x10b: {  	[tilespmem:s28+$0xC950] =	vst v1;
	v1 =	vld [tilespmem:s28+$0xCD60]  }
0x10c: {  	[tilespmem:s28+$0xCD30] =	vst v7;
	v7 =	vld [tilespmem:s28+$0xD140]  }
0x10d: {  	[tilespmem:s28+$0xD110] =	vst v4;
	v4 =	vld [tilespmem:$0x1FF80];
	v3 =	vadd.f32 v6, v3  }
0x10e: {  	v8 =	vadd.f32 v47, v8;
	v6 =	vld [tilespmem:$0x1FF90]  }
0x10f: {  	[tilespmem:s28+$0xD120] =	vst v3;
	v3 =	vld [tilespmem:$0x1FFB0]  }
0x110: {  	v2 =	vld [tilespmem:$0x1FF30];
	v8 =	vadd.f32 v61, v8  }
0x111: {  	v22 =	vld [tilespmem:s28+$0xD160];
	v1 =	vadd.f32 v43, v1  }
0x112: {  	[tilespmem:s28+$0xCD40] =	vst v8;
	v8 =	vld [tilespmem:s28+$0xD150];
	v21 =	vadd.f32 v4, v7  }
0x113: {  	v1 =	vadd.f32 v63, v1;
	v7 =	vadd.f32 v6, v5;
	v5 =	vld [tilespmem:$0x1FFA0]  }
0x114: {  	v21 =	vadd.f32 v3, v21;
	v3 =	vld [tilespmem:$0x1FFC0]  }
0x115: {  	[tilespmem:s28+$0xCD60] =	vst v1;
	v1 =	vld [tilespmem:s28+$0xD170];
	v0 =	vadd.f32 v2, v0  }
0x116: {  	v2 =	vld [tilespmem:s28+$0xD500]  }
0x117: {  	[tilespmem:s28+$0xD100] =	vst v0;
	v0 =	vld [tilespmem:s28+$0xD510]  }
0x118: {  	v4 =	vld [tilespmem:s28+$0xD520]  }
0x119: {  	s29 =	simm.s32 $0x0;
	s4 =	simm.s32 $0x1;
	v6 =	vadd.f32 v5, v8;
	v5 =	vadd.f32 v3, v22;
	v3 =	vld [tilespmem:s28+$0xD530]  }
.LBB2_2:
0x11a: {  	[tilespmem:s28+$0xD130] =	vst v7;
	v7 =	vld [tilespmem:$0x1FDB0];
	_ =	sdelay $0x4  }
0x11b: {  	v6 =	vadd.f32 v7, v6  }
0x11c: {  	v8 =	vld [tilespmem:$0x1FDC0]  }
0x11d: {  	[tilespmem:s28+$0xD150] =	vst v6;
	v6 =	vld [tilespmem:$0x1FDD0];
	_ =	sdelay $0x2  }
0x11e: {  	v1 =	vadd.f32 v20, v1  }
0x11f: {  	v5 =	vadd.f32 v8, v5  }
0x120: {  	v1 =	vadd.f32 v6, v1  }
0x121: {  	[tilespmem:s28+$0xD160] =	vst v5;
	v5 =	vld [tilespmem:$0x1FDE0]  }
0x122: {  	[tilespmem:s28+$0xD170] =	vst v1;
	v1 =	vld [tilespmem:$0x1FDF0]  }
0x123: {  	v7 =	vld [tilespmem:s28+$0xD540]  }
0x124: {  	v2 =	vadd.f32 v19, v2;
	v8 =	vld [tilespmem:s28+$0xD550]  }
0x125: {  	s5 =	sshrl.u32 s4, $0x3;
	v0 =	vadd.f32 v18, v0;
	v6 =	vld [tilespmem:s28+$0xD560]  }
0x126: {  	s29 =	sadd.s32 $0x80, s29;
	s5 =	smul.u32 $0x1800, s5;
	v4 =	vadd.f32 v17, v4;
	v2 =	vadd.f32 v5, v2;
	v5 =	vld [tilespmem:s28+$0xD570]  }
0x127: {  	[tilespmem:s28+$0xD140] =	vst v21;
	s31 =	sand.u32 $0x380, s29;
	v0 =	vadd.f32 v1, v0;
	v1 =	vadd.f32 v16, v3;
	v3 =	vld [tilespmem:s28+$0x7560]  }
0x128: {  	s5 =	sor.u32 s31, s5;
	[tilespmem:s28+$0xD500] =	vst v2;
	v2 =	vadd.f32 v48, v4;
	v4 =	vadd.f32 v15, v7;
	v7 =	vld [tilespmem:s28+$0x7570]  }
0x129: {  	v53 =	vld [tilespmem:s5+$0x6100];
	[tilespmem:s28+$0xD510] =	vst v0;
	v0 =	vadd.f32 v46, v1;
	v1 =	vadd.f32 v13, v8  }
0x12a: {  	v55 =	vld [tilespmem:s5+$0x6110];
	[tilespmem:s28+$0xD520] =	vst v2;
	v2 =	vadd.f32 v44, v4;
	v4 =	vadd.f32 v50, v6  }
0x12b: {  	v56 =	vld [tilespmem:s5+$0x6120];
	[tilespmem:s28+$0xD530] =	vst v0;
	v0 =	vadd.f32 v42, v1;
	v1 =	vadd.f32 v14, v5  }
0x12c: {  	v57 =	vld [tilespmem:s5+$0x6130];
	[tilespmem:s28+$0xD540] =	vst v2;
	v2 =	vadd.f32 v3, v4  }
0x12d: {  	v54 =	vld [tilespmem:s5+$0x6140];
	[tilespmem:s28+$0xD550] =	vst v0;
	v0 =	vadd.f32 v7, v1  }
0x12e: {  	v52 =	vld [tilespmem:s5+$0x6150];
	[tilespmem:s28+$0xD560] =	vst v2  }
0x12f: {  	v51 =	vld [tilespmem:s5+$0x6160];
	[tilespmem:s28+$0xD570] =	vst v0;
	s28 =	smov.u32 s5  }
0x130: {  	v0 =	vld [tilespmem:s28+$0x6170];
	_ =	sdelay $0x4  }
0x131: {  	[tilespmem:$0x1FBD0] =	vst v0;
	v0 =	vld [tilespmem:s28+$0x6500];
	_ =	sdelay $0x4  }
0x132: {  	[tilespmem:$0x1FBE0] =	vst v0;
	v0 =	vld [tilespmem:s28+$0x6510];
	_ =	sdelay $0x4  }
0x133: {  	[tilespmem:$0x1FBF0] =	vst v0;
	v0 =	vld [tilespmem:s28+$0x6520];
	_ =	sdelay $0x4  }
0x134: {  	[tilespmem:$0x1FC00] =	vst v0;
	v0 =	vld [tilespmem:s28+$0x6530];
	_ =	sdelay $0x4  }
0x135: {  	[tilespmem:$0x1FC10] =	vst v0;
	v0 =	vld [tilespmem:s28+$0x6540];
	_ =	sdelay $0x4  }
0x136: {  	[tilespmem:$0x1FC20] =	vst v0;
	v0 =	vld [tilespmem:s28+$0x6550];
	_ =	sdelay $0x4  }
0x137: {  	[tilespmem:$0x1FC30] =	vst v0;
	v0 =	vld [tilespmem:s28+$0x6560];
	_ =	sdelay $0x4  }
0x138: {  	[tilespmem:$0x1FC40] =	vst v0;
	v0 =	vld [tilespmem:s28+$0x6570];
	_ =	sdelay $0x2  }
0x139: {  	v49 =	vld [tilespmem:s28+$0x7520]  }
0x13a: {  	v48 =	vld [tilespmem:s28+$0x7530]  }
0x13b: {  	[tilespmem:$0x1FC50] =	vst v0;
	v0 =	vld [tilespmem:s28+$0x6900]  }
0x13c: {  	v47 =	vld [tilespmem:s28+$0x7540]  }
0x13d: {  	v46 =	vld [tilespmem:s28+$0x7550]  }
0x13e: {  	v36 =	vld [tilespmem:s28+$0x100]  }
0x13f: {  	v9 =	vld [tilespmem:s28+$0x110]  }
0x140: {  	[tilespmem:$0x1FC60] =	vst v0;
	v0 =	vld [tilespmem:s28+$0x6910]  }
0x141: {  	v37 =	vld [tilespmem:s28+$0x120]  }
0x142: {  	v10 =	vld [tilespmem:s28+$0x130]  }
0x143: {  	v38 =	vld [tilespmem:s28+$0x140]  }
0x144: {  	v11 =	vld [tilespmem:s28+$0x150]  }
0x145: {  	[tilespmem:$0x1FC70] =	vst v0;
	v0 =	vld [tilespmem:s28+$0x6920]  }
0x146: {  	v39 =	vld [tilespmem:s28+$0x160]  }
0x147: {  	v12 =	vld [tilespmem:s28+$0x170]  }
0x148: {  	v40 =	vld [tilespmem:s28+$0x500]  }
0x149: {  	v35 =	vld [tilespmem:s28+$0x510]  }
0x14a: {  	[tilespmem:$0x1FC80] =	vst v0;
	v0 =	vld [tilespmem:s28+$0x6930]  }
0x14b: {  	v8 =	vld [tilespmem:s28+$0x520]  }
0x14c: {  	v34 =	vld [tilespmem:s28+$0x530]  }
0x14d: {  	v7 =	vld [tilespmem:s28+$0x540]  }
0x14e: {  	v33 =	vld [tilespmem:s28+$0x550]  }
0x14f: {  	[tilespmem:$0x1FC90] =	vst v0;
	v0 =	vld [tilespmem:s28+$0x6940]  }
0x150: {  	v6 =	vld [tilespmem:s28+$0x560]  }
0x151: {  	v32 =	vld [tilespmem:s28+$0x570]  }
0x152: {  	v5 =	vld [tilespmem:s28+$0x900]  }
0x153: {  	v4 =	vld [tilespmem:s28+$0x910]  }
0x154: {  	[tilespmem:$0x1FCA0] =	vst v0;
	v0 =	vld [tilespmem:s28+$0x6950]  }
0x155: {  	v31 =	vld [tilespmem:s28+$0x920]  }
0x156: {  	v30 =	vld [tilespmem:s28+$0x930]  }
0x157: {  	v29 =	vld [tilespmem:s28+$0x940]  }
0x158: {  	v28 =	vld [tilespmem:s28+$0x950]  }
0x159: {  	[tilespmem:$0x1FCB0] =	vst v0;
	v0 =	vld [tilespmem:s28+$0x6960]  }
0x15a: {  	v41 =	vld [tilespmem:s28+$0xC100]  }
0x15b: {  	v42 =	vld [tilespmem:s28+$0xC110]  }
0x15c: {  	v43 =	vld [tilespmem:s28+$0xC120]  }
0x15d: {  	v44 =	vld [tilespmem:s28+$0xC130]  }
0x15e: {  	[tilespmem:$0x1FCC0] =	vst v0;
	v0 =	vld [tilespmem:s28+$0x6970]  }
0x15f: {  	v45 =	vld [tilespmem:s28+$0xC140]  }
0x160: {  	v36 =	vadd.f32 v36, v41;
	v41 =	vld [tilespmem:s28+$0xC150]  }
0x161: {  	v27 =	vld [tilespmem:s28+$0x960]  }
0x162: {  	v26 =	vld [tilespmem:s28+$0x970];
	v9 =	vadd.f32 v9, v42  }
0x163: {  	v37 =	vadd.f32 v37, v43;
	v36 =	vadd.f32 v53, v36;
	[tilespmem:$0x1FCD0] =	vst v0;
	v0 =	vld [tilespmem:s28+$0x6D00]  }
0x164: {  	v25 =	vld [tilespmem:s28+$0xD00];
	v10 =	vadd.f32 v10, v44;
	v53 =	vadd.f32 v38, v45  }
0x165: {  	v44 =	vld [tilespmem:s28+$0xC500];
	[tilespmem:s28+$0xC100] =	vst v36;
	v36 =	vadd.f32 v56, v37;
	v56 =	vadd.f32 v11, v41  }
0x166: {  	v24 =	vld [tilespmem:s28+$0xD10];
	v9 =	vadd.f32 v55, v9;
	v55 =	vadd.f32 v57, v10  }
0x167: {  	v57 =	vadd.f32 v54, v53;
	v54 =	vadd.f32 v52, v56;
	v52 =	vld [tilespmem:$0x1FBE0]  }
0x168: {  	[tilespmem:$0x1FCE0] =	vst v0;
	v0 =	vld [tilespmem:s28+$0x6D10]  }
0x169: {  	v23 =	vld [tilespmem:s28+$0xD20]  }
0x16a: {  	v43 =	vld [tilespmem:s28+$0xC170];
	[tilespmem:s28+$0xC140] =	vst v57;
	v57 =	vadd.f32 v40, v44  }
0x16b: {  	v11 =	vld [tilespmem:s28+$0xC520]  }
0x16c: {  	[tilespmem:s28+$0xC120] =	vst v36;
	v36 =	vadd.f32 v52, v57;
	v57 =	vld [tilespmem:$0x1FC00]  }
0x16d: {  	[tilespmem:$0x1FCF0] =	vst v0;
	v0 =	vld [tilespmem:s28+$0x6D20]  }
0x16e: {  	v22 =	vld [tilespmem:s28+$0xD30]  }
0x16f: {  	v21 =	vld [tilespmem:s28+$0xD40]  }
0x170: {  	v42 =	vld [tilespmem:s28+$0xC160];
	v8 =	vadd.f32 v8, v11  }
0x171: {  	[tilespmem:s28+$0xC130] =	vst v55;
	v55 =	vadd.f32 v12, v43;
	v12 =	vld [tilespmem:s28+$0xC540]  }
0x172: {  	v8 =	vadd.f32 v57, v8;
	[tilespmem:$0x1FD00] =	vst v0;
	v0 =	vld [tilespmem:s28+$0x6D30]  }
0x173: {  	v3 =	vld [tilespmem:s28+$0xD50]  }
0x174: {  	[tilespmem:s28+$0xC520] =	vst v8;
	v8 =	vld [tilespmem:$0x1FC20]  }
0x175: {  	v1 =	vld [tilespmem:s28+$0xD60]  }
0x176: {  	v2 =	vld [tilespmem:s28+$0xD70]  }
0x177: {  	v53 =	vadd.f32 v39, v42;
	v7 =	vadd.f32 v7, v12;
	[tilespmem:$0x1FD10] =	vst v0;
	v0 =	vld [tilespmem:s28+$0x6D40]  }
0x178: {  	v63 =	vld [tilespmem:s28+$0x1110]  }
0x179: {  	v56 =	vadd.f32 v51, v53;
	v51 =	vld [tilespmem:s28+$0xC560];
	v7 =	vadd.f32 v8, v7  }
0x17a: {  	v62 =	vld [tilespmem:s28+$0x1120]  }
0x17b: {  	[tilespmem:s28+$0xC540] =	vst v7;
	v7 =	vld [tilespmem:$0x1FC40]  }
0x17c: {  	[tilespmem:$0x1FD20] =	vst v0;
	v0 =	vld [tilespmem:s28+$0x6D50]  }
0x17d: {  	v61 =	vld [tilespmem:s28+$0x1130]  }
0x17e: {  	v45 =	vld [tilespmem:s28+$0xC550];
	v6 =	vadd.f32 v6, v51  }
0x17f: {  	[tilespmem:s28+$0xC160] =	vst v56;
	v56 =	vld [tilespmem:s28+$0xC900]  }
0x180: {  	v12 =	vld [tilespmem:s28+$0xC910];
	v6 =	vadd.f32 v7, v6  }
0x181: {  	[tilespmem:$0x1FD30] =	vst v0;
	v0 =	vld [tilespmem:s28+$0x6D60]  }
0x182: {  	[tilespmem:s28+$0xC560] =	vst v6;
	v6 =	vld [tilespmem:$0x1FC60]  }
0x183: {  	v51 =	vld [tilespmem:$0x1FC70]  }
0x184: {  	v39 =	vld [tilespmem:s28+$0xC530]  }
0x185: {  	v44 =	vmov v47;
	v47 =	vld [tilespmem:$0x1FBD0];
	v5 =	vadd.f32 v5, v56  }
0x186: {  	v4 =	vadd.f32 v4, v12;
	[tilespmem:$0x1FD40] =	vst v0;
	v0 =	vld [tilespmem:s28+$0x6D70]  }
0x187: {  	v40 =	vld [tilespmem:s28+$0xC920];
	v5 =	vadd.f32 v6, v5  }
0x188: {  	v8 =	vld [tilespmem:s28+$0xC930];
	v4 =	vadd.f32 v51, v4  }
0x189: {  	[tilespmem:s28+$0xC900] =	vst v5;
	v5 =	vld [tilespmem:$0x1FC80]  }
0x18a: {  	[tilespmem:s28+$0xC910] =	vst v4;
	v4 =	vld [tilespmem:$0x1FC90]  }
0x18b: {  	[tilespmem:$0x1FD50] =	vst v0;
	v0 =	vld [tilespmem:s28+$0x7100]  }
0x18c: {  	v38 =	vld [tilespmem:s28+$0xC510];
	[tilespmem:s28+$0xC110] =	vst v9;
	v9 =	vadd.f32 v47, v55  }
0x18d: {  	[tilespmem:s28+$0xC150] =	vst v54;
	v54 =	vld [tilespmem:$0x1FBF0];
	v55 =	vadd.f32 v34, v39;
	v6 =	vadd.f32 v31, v40  }
0x18e: {  	v39 =	vadd.f32 v33, v45;
	v45 =	vld [tilespmem:s28+$0xC940];
	v8 =	vadd.f32 v30, v8  }
0x18f: {  	v7 =	vld [tilespmem:s28+$0xC950];
	v5 =	vadd.f32 v5, v6  }
0x190: {  	v4 =	vadd.f32 v4, v8;
	[tilespmem:$0x1FD60] =	vst v0;
	v0 =	vld [tilespmem:s28+$0x7110]  }
0x191: {  	[tilespmem:s28+$0xC920] =	vst v5;
	v5 =	vld [tilespmem:$0x1FCA0]  }
0x192: {  	[tilespmem:s28+$0xC930] =	vst v4;
	v4 =	vld [tilespmem:$0x1FCB0]  }
0x193: {  	v60 =	vld [tilespmem:s28+$0x1140]  }
0x194: {  	v42 =	vmov v46;
	v53 =	vld [tilespmem:s28+$0xC570];
	v6 =	vadd.f32 v29, v45  }
0x195: {  	v46 =	vmovc v48;
	v48 =	vmov v49;
	v49 =	vadd.f32 v35, v38;
	v7 =	vadd.f32 v28, v7;
	[tilespmem:$0x1FD70] =	vst v0;
	v0 =	vld [tilespmem:s28+$0x7120]  }
0x196: {  	v12 =	vld [tilespmem:s28+$0xC970];
	v5 =	vadd.f32 v5, v6  }
0x197: {  	[tilespmem:s28+$0xC170] =	vst v9;
	v9 =	vadd.f32 v54, v49;
	v49 =	vld [tilespmem:s28+$0xC960];
	v4 =	vadd.f32 v4, v7  }
0x198: {  	[tilespmem:s28+$0xC940] =	vst v5;
	v5 =	vld [tilespmem:$0x1FCC0]  }
0x199: {  	[tilespmem:s28+$0xC950] =	vst v4;
	v4 =	vld [tilespmem:$0x1FCD0]  }
0x19a: {  	[tilespmem:$0x1FD80] =	vst v0;
	v0 =	vld [tilespmem:s28+$0x7130]  }
0x19b: {  	v59 =	vld [tilespmem:s28+$0x1150]  }
0x19c: {  	v58 =	vld [tilespmem:s28+$0x1160];
	v6 =	vadd.f32 v27, v49  }
0x19d: {  	v52 =	vld [tilespmem:s28+$0xCD00];
	v7 =	vadd.f32 v26, v12  }
0x19e: {  	v43 =	vadd.f32 v32, v53;
	v53 =	vld [tilespmem:s28+$0xCD10];
	v5 =	vadd.f32 v5, v6  }
0x19f: {  	v4 =	vadd.f32 v4, v7;
	[tilespmem:$0x1FD90] =	vst v0;
	v0 =	vld [tilespmem:s28+$0x7140]  }
0x1a0: {  	[tilespmem:s28+$0xC960] =	vst v5;
	v5 =	vld [tilespmem:$0x1FCE0]  }
0x1a1: {  	[tilespmem:s28+$0xC970] =	vst v4;
	v4 =	vld [tilespmem:$0x1FCF0]  }
0x1a2: {  	v20 =	vld [tilespmem:s28+$0x1170]  }
0x1a3: {  	v54 =	vld [tilespmem:s28+$0xCD30];
	v6 =	vadd.f32 v25, v52  }
0x1a4: {  	v7 =	vadd.f32 v24, v53;
	[tilespmem:$0x1FDA0] =	vst v0;
	v0 =	vld [tilespmem:s28+$0x7150]  }
0x1a5: {  	v38 =	vld [tilespmem:$0x1FC10];
	v5 =	vadd.f32 v5, v6  }
0x1a6: {  	v8 =	vld [tilespmem:s28+$0xCD20];
	v4 =	vadd.f32 v4, v7  }
0x1a7: {  	[tilespmem:s28+$0xCD00] =	vst v5;
	v5 =	vld [tilespmem:$0x1FD00]  }
0x1a8: {  	[tilespmem:s28+$0xCD10] =	vst v4;
	v4 =	vld [tilespmem:$0x1FD10]  }
0x1a9: {  	[tilespmem:$0x1FDB0] =	vst v0;
	v0 =	vld [tilespmem:s28+$0x7160]  }
0x1aa: {  	v19 =	vld [tilespmem:s28+$0x1500]  }
0x1ab: {  	v18 =	vld [tilespmem:s28+$0x1510];
	v6 =	vadd.f32 v23, v8  }
0x1ac: {  	[tilespmem:s28+$0xC510] =	vst v9;
	v9 =	vadd.f32 v38, v55;
	v55 =	vld [tilespmem:s28+$0xCD50];
	v7 =	vadd.f32 v22, v54  }
0x1ad: {  	v12 =	vld [tilespmem:s28+$0xCD40];
	v5 =	vadd.f32 v5, v6  }
0x1ae: {  	v4 =	vadd.f32 v4, v7;
	[tilespmem:$0x1FDC0] =	vst v0;
	v0 =	vld [tilespmem:s28+$0x7170]  }
0x1af: {  	[tilespmem:s28+$0xCD20] =	vst v5;
	v5 =	vld [tilespmem:$0x1FD20]  }
0x1b0: {  	[tilespmem:s28+$0xCD30] =	vst v4;
	v4 =	vld [tilespmem:$0x1FD30]  }
0x1b1: {  	v17 =	vld [tilespmem:s28+$0x1520]  }
0x1b2: {  	v16 =	vld [tilespmem:s28+$0x1530];
	v6 =	vadd.f32 v21, v12  }
0x1b3: {  	v3 =	vadd.f32 v3, v55;
	[tilespmem:$0x1FDD0] =	vst v0;
	v0 =	vld [tilespmem:s28+$0x7500]  }
0x1b4: {  	v56 =	vld [tilespmem:s28+$0xCD60];
	v5 =	vadd.f32 v5, v6  }
0x1b5: {  	v8 =	vld [tilespmem:s28+$0xCD70];
	v3 =	vadd.f32 v4, v3  }
0x1b6: {  	[tilespmem:s28+$0xCD40] =	vst v5;
	v5 =	vld [tilespmem:$0x1FD40]  }
0x1b7: {  	[tilespmem:s28+$0xCD50] =	vst v3;
	v3 =	vld [tilespmem:$0x1FD50]  }
0x1b8: {  	[tilespmem:$0x1FDE0] =	vst v0;
	v0 =	vld [tilespmem:s28+$0x7510]  }
0x1b9: {  	v15 =	vld [tilespmem:s28+$0x1540]  }
0x1ba: {  	v13 =	vld [tilespmem:s28+$0x1550];
	v2 =	vadd.f32 v2, v8  }
0x1bb: {  	v1 =	vadd.f32 v1, v56;
	v57 =	vld [tilespmem:s28+$0xD100]  }
0x1bc: {  	v12 =	vld [tilespmem:s28+$0xD110];
	v2 =	vadd.f32 v3, v2  }
0x1bd: {  	v1 =	vadd.f32 v5, v1;
	[tilespmem:$0x1FDF0] =	vst v0;
	v0 =	vld [tilespmem:s28+$0x1100]  }
0x1be: {  	[tilespmem:s28+$0xCD70] =	vst v2;
	v2 =	vld [tilespmem:$0x1FD70]  }
0x1bf: {  	[tilespmem:s28+$0xCD60] =	vst v1;
	v1 =	vld [tilespmem:$0x1FD60]  }
0x1c0: {  	v50 =	vld [tilespmem:s28+$0x1560]  }
0x1c1: {  	v14 =	vld [tilespmem:s28+$0x1570];
	v3 =	vadd.f32 v63, v12  }
0x1c2: {  	v41 =	vld [tilespmem:$0x1FC30];
	v0 =	vadd.f32 v0, v57  }
0x1c3: {  	v7 =	vld [tilespmem:s28+$0xD120];
	v3 =	vadd.f32 v2, v3  }
0x1c4: {  	v6 =	vld [tilespmem:s28+$0xD130];
	v0 =	vadd.f32 v1, v0  }
0x1c5: {  	[tilespmem:s28+$0xD110] =	vst v3;
	v3 =	vld [tilespmem:$0x1FD90]  }
0x1c6: {  	[tilespmem:s28+$0xD100] =	vst v0;
	v0 =	vld [tilespmem:$0x1FD80]  }
0x1c7: {  	v4 =	vld [tilespmem:s28+$0xD140]  }
0x1c8: {  	v47 =	vld [tilespmem:$0x1FC50]  }
0x1c9: {  	v8 =	vld [tilespmem:s28+$0xD160];
	v7 =	vadd.f32 v62, v7;
	v6 =	vadd.f32 v61, v6  }
0x1ca: {  	[tilespmem:s28+$0xC530] =	vst v9;
	v9 =	vadd.f32 v41, v39;
	v5 =	vld [tilespmem:s28+$0xD150]  }
0x1cb: {  	p0 =	sne.s32 s4, $0x1F;
	v62 =	vadd.f32 v0, v7;
	v7 =	vadd.f32 v3, v6;
	v3 =	vld [tilespmem:$0x1FDA0]  }
.Ltmp0:
0x1cc: {  	v63 =	vadd.f32 v60, v4;
	v4 =	vld [tilespmem:s28+$0xD520];
	(pc) =	sbr.rel @p0 .LBB2_2-.Ltmp0, $4  }
0x1cd: {  	[tilespmem:s28+$0xC550] =	vst v9;
	v9 =	vadd.f32 v47, v43;
	v2 =	vld [tilespmem:s28+$0xD500]  }
0x1ce: {  	[tilespmem:s28+$0xC500] =	vst v36;
	v1 =	vld [tilespmem:s28+$0xD170]  }
0x1cf: {  	[tilespmem:s28+$0xC570] =	vst v9;
	v0 =	vld [tilespmem:s28+$0xD510];
	v6 =	vadd.f32 v59, v5  }
0x1d0: {  	s4 =	sadd.s32 $0x1, s4;
	v5 =	vadd.f32 v58, v8;
	[tilespmem:s28+$0xD120] =	vst v62;
	v21 =	vadd.f32 v3, v63;
	v3 =	vld [tilespmem:s28+$0xD530]  }
0x1d1: {  	v9 =	vld [tilespmem:$0x1FDC0];
	_ =	sdelay $0x4  }
0x1d2: {  	v5 =	vadd.f32 v9, v5;
	v9 =	vld [tilespmem:$0x1FDD0];
	_ =	sdelay $0x2  }
0x1d3: {  	v1 =	vadd.f32 v20, v1  }
0x1d4: {  	v8 =	vld [tilespmem:$0x1FDB0]  }
0x1d5: {  	v1 =	vadd.f32 v9, v1;
	v9 =	vld [tilespmem:$0x1FDE0];
	_ =	sdelay $0x2  }
0x1d6: {  	v2 =	vadd.f32 v19, v2;
	_ =	sdelay $0x1  }
0x1d7: {  	v6 =	vadd.f32 v8, v6;
	v2 =	vadd.f32 v9, v2;
	v9 =	vld [tilespmem:$0x1FDF0]  }
0x1d8: {  	[tilespmem:s28+$0xD130] =	vst v7;
	v7 =	vld [tilespmem:s28+$0xD540]  }
0x1d9: {  	v8 =	vld [tilespmem:s28+$0xD550];
	[tilespmem:s28+$0xD150] =	vst v6  }
0x1da: {  	v0 =	vadd.f32 v18, v0;
	v6 =	vld [tilespmem:s28+$0xD560];
	[tilespmem:s28+$0xD160] =	vst v5  }
0x1db: {  	v5 =	vld [tilespmem:s28+$0xD570];
	[tilespmem:s28+$0xD170] =	vst v1;
	v1 =	vadd.f32 v17, v4  }
0x1dc: {  	[tilespmem:s28+$0xD140] =	vst v21;
	v3 =	vadd.f32 v16, v3;
	v4 =	vld [tilespmem:s28+$0x7560];
	v0 =	vadd.f32 v9, v0  }
0x1dd: {  	v1 =	vadd.f32 v48, v1;
	[tilespmem:s28+$0xD500] =	vst v2;
	v2 =	vadd.f32 v15, v7;
	v7 =	vld [tilespmem:s28+$0x7570]  }
0x1de: {  	[tilespmem:s28+$0xD510] =	vst v0;
	v0 =	vadd.f32 v46, v3;
	v3 =	vadd.f32 v13, v8  }
0x1df: {  	[tilespmem:s28+$0xD520] =	vst v1;
	v1 =	vadd.f32 v44, v2;
	v2 =	vadd.f32 v50, v6  }
0x1e0: {  	[tilespmem:s28+$0xD530] =	vst v0;
	v0 =	vadd.f32 v42, v3;
	v3 =	vadd.f32 v14, v5  }
0x1e1: {  	[tilespmem:s28+$0xD540] =	vst v1;
	v1 =	vadd.f32 v4, v2  }
0x1e2: {  	[tilespmem:s28+$0xD550] =	vst v0;
	v0 =	vadd.f32 v7, v3  }
0x1e3: {  	[tilespmem:s28+$0xD560] =	vst v1  }
0x1e4: {  	[tilespmem:s28+$0xD570] =	vst v0;
	s28 =	simm.s32 $0x0  }
0x1e5: {  	[hbm4b:s9+s28] =	stream.linear.scatter [tilespmem:s25], [sflag:$0x2], $0x6000, $0x38;
	[tilespmem:$0x12100] =	vst v63  }
0x1e6: {  	_ =	swait.ge [sflag:s15], $0x6000  }
0x1e7: {  	[sflag:s15] =	ssyncset.done $0x0  }
0x1e8: {  	[sflag:s15] =	ssyncadd.s32 $0xFFFFA000  }
0x1e9: {  	[tilespmem:s28], [sflag:$0x2] =	stream.linear.gather [hbm4b:s10+s28], $0x20, $0x38;
	[tilespmem:$0x12100] =	vst v63  }
0x1ea: {  	_ =	swait.ge [sflag:s15], $0x20  }
0x1eb: {  	[sflag:s15] =	ssyncset.done $0x0  }
0x1ec: {  	s4 =	simm.s32 $0x80;
	[sflag:s15] =	ssyncadd.s32 $0xFFFFFFE0  }
0x1ed: {  	[tilespmem:s4], [sflag:$0x2] =	stream.linear.gather [hbm4b:s11+s28], $0x20, $0x38;
	[tilespmem:$0x12100] =	vst v63  }
0x1ee: {  	_ =	swait.ge [sflag:s15], $0x20  }
0x1ef: {  	[sflag:s15] =	ssyncset.done $0x0  }
0x1f0: {  	[sflag:s15] =	ssyncadd.s32 $0xFFFFFFE0  }
0x1f1: {  	v0 =	vld [tilespmem:$0x0];
	_ =	sdelay $0x3  }
0x1f2: {  	v2 =	vld [tilespmem:$0x1FFD0]  }
0x1f3: {  	v1 =	vshrl.u32 v0, $0x3  }
0x1f4: {  	v3 =	vld [tilespmem:$0x1FFE0];
	v1 =	vmul.u32 $0x30, v1  }
0x1f5: {  	v0 =	vand.u32 $0x7, v0  }
0x1f6: {  	v0 =	vor.u32 v0, v1  }
0x1f7: {  	v1 =	vperm.xlane v0, v2  }
0x1f8: {  	v4 =	vld [tilespmem:$0x1FFF0]  }
0x1f9: {  	v1 =	vadd.s32 v3, v1;
	_ =	sdelay $0x3  }
0x1fa: {  	s5 =	simm.s32 $0x100;
	v0 =	vperm.xlane v0, v4  }
0x1fb: {  	[tilespmem:s5], [sflag:$0x1] =	stream.indirect_vreg.gather [hbm4b:s3+s28], $0x80, v1, vm0, $0xb8;
	[tilespmem:$0x12100] =	vst v63  }
0x1fc: {  	s31 =	simm.s32 $0x900;
	v0 =	vadd.s32 v3, v0  }
0x1fd: {  	[tilespmem:s31], [sflag:$0x1] =	stream.indirect_vreg.gather [hbm4b:s6+s28], $0x80, v1, vm0, $0xb8;
	[tilespmem:$0x12100] =	vst v63  }
0x1fe: {  	s5 =	simm.s32 $0x1100  }
0x1ff: {  	[tilespmem:s5], [sflag:$0x1] =	stream.indirect_vreg.gather [hbm4b:s7+s28], $0x80, v1, vm0, $0xb8;
	[tilespmem:$0x12100] =	vst v63  }
0x200: {  	s31 =	simm.s32 $0x1900  }
0x201: {  	[tilespmem:s31], [sflag:$0x1] =	stream.indirect_vreg.gather [hbm4b:s3+s28], $0x80, v0, vm0, $0xb8;
	[tilespmem:$0x12100] =	vst v63  }
0x202: {  	s5 =	simm.s32 $0x2100  }
0x203: {  	[tilespmem:s5], [sflag:$0x1] =	stream.indirect_vreg.gather [hbm4b:s6+s28], $0x80, v0, vm0, $0xb8;
	[tilespmem:$0x12100] =	vst v63  }
0x204: {  	s31 =	simm.s32 $0x2900  }
0x205: {  	[tilespmem:s31], [sflag:$0x1] =	stream.indirect_vreg.gather [hbm4b:s7+s28], $0x80, v0, vm0, $0xb8;
	[tilespmem:$0x12100] =	vst v63  }
0x206: {  	v0 =	vld [tilespmem:$0x10];
	_ =	sdelay $0x4  }
0x207: {  	v1 =	vshrl.u32 v0, $0x3  }
0x208: {  	v1 =	vmul.u32 $0x30, v1  }
0x209: {  	v0 =	vand.u32 $0x7, v0  }
0x20a: {  	v0 =	vor.u32 v0, v1  }
0x20b: {  	v1 =	vperm.xlane v0, v2;
	_ =	sdelay $0x1  }
0x20c: {  	v1 =	vadd.s32 v3, v1;
	_ =	sdelay $0x3  }
0x20d: {  	s5 =	simm.s32 $0x3100;
	v0 =	vperm.xlane v0, v4  }
0x20e: {  	[tilespmem:s5], [sflag:$0x1] =	stream.indirect_vreg.gather [hbm4b:s3+s28], $0x80, v1, vm0, $0xb8;
	[tilespmem:$0x12100] =	vst v63  }
0x20f: {  	s31 =	simm.s32 $0x3900;
	v0 =	vadd.s32 v3, v0  }
0x210: {  	[tilespmem:s31], [sflag:$0x1] =	stream.indirect_vreg.gather [hbm4b:s6+s28], $0x80, v1, vm0, $0xb8;
	[tilespmem:$0x12100] =	vst v63  }
0x211: {  	s5 =	simm.s32 $0x4100  }
0x212: {  	[tilespmem:s5], [sflag:$0x1] =	stream.indirect_vreg.gather [hbm4b:s7+s28], $0x80, v1, vm0, $0xb8;
	[tilespmem:$0x12100] =	vst v63  }
0x213: {  	s31 =	simm.s32 $0x4900  }
0x214: {  	[tilespmem:s31], [sflag:$0x1] =	stream.indirect_vreg.gather [hbm4b:s3+s28], $0x80, v0, vm0, $0xb8;
	[tilespmem:$0x12100] =	vst v63  }
0x215: {  	s5 =	simm.s32 $0x5100  }
0x216: {  	[tilespmem:s5], [sflag:$0x1] =	stream.indirect_vreg.gather [hbm4b:s6+s28], $0x80, v0, vm0, $0xb8;
	[tilespmem:$0x12100] =	vst v63  }
0x217: {  	s31 =	simm.s32 $0x5900  }
0x218: {  	[tilespmem:s31], [sflag:$0x1] =	stream.indirect_vreg.gather [hbm4b:s7+s28], $0x80, v0, vm0, $0xb8;
	[tilespmem:$0x12100] =	vst v63  }
0x219: {  	_ =	swait.ge [sflag:s30], $0x6000  }
0x21a: {  	[sflag:s30] =	ssyncset.done $0x0  }
0x21b: {  	[sflag:s30] =	ssyncadd.s32 $0xFFFFA000  }
0x21c: {  	v0 =	vld [tilespmem:$0x80];
	_ =	sdelay $0x4  }
0x21d: {  	v1 =	vshrl.u32 v0, $0x3  }
0x21e: {  	v1 =	vmul.u32 $0x30, v1  }
0x21f: {  	v0 =	vand.u32 $0x7, v0  }
0x220: {  	v0 =	vor.u32 v0, v1  }
0x221: {  	v1 =	vperm.xlane v0, v2;
	_ =	sdelay $0x1  }
0x222: {  	v1 =	vadd.s32 v3, v1;
	_ =	sdelay $0x3  }
0x223: {  	s5 =	simm.s32 $0x6100;
	v0 =	vperm.xlane v0, v4  }
0x224: {  	[tilespmem:s5], [sflag:$0x1] =	stream.indirect_vreg.gather [hbm4b:s3+s28], $0x80, v1, vm0, $0xb8;
	[tilespmem:$0x12100] =	vst v63  }
0x225: {  	v0 =	vadd.s32 v3, v0  }
0x226: {  	[tilespmem:s0], [sflag:$0x1] =	stream.indirect_vreg.gather [hbm4b:s6+s28], $0x80, v1, vm0, $0xb8;
	[tilespmem:$0x12100] =	vst v63  }
0x227: {  	_ = 	snop  }
0x228: {  	[tilespmem:s2], [sflag:$0x1] =	stream.indirect_vreg.gather [hbm4b:s7+s28], $0x80, v1, vm0, $0xb8;
	[tilespmem:$0x12100] =	vst v63  }
0x229: {  	_ = 	snop  }
0x22a: {  	[tilespmem:s16], [sflag:$0x1] =	stream.indirect_vreg.gather [hbm4b:s3+s28], $0x80, v0, vm0, $0xb8;
	[tilespmem:$0x12100] =	vst v63  }
0x22b: {  	_ = 	snop  }
0x22c: {  	[tilespmem:s17], [sflag:$0x1] =	stream.indirect_vreg.gather [hbm4b:s6+s28], $0x80, v0, vm0, $0xb8;
	[tilespmem:$0x12100] =	vst v63  }
0x22d: {  	_ = 	snop  }
0x22e: {  	[tilespmem:s18], [sflag:$0x1] =	stream.indirect_vreg.gather [hbm4b:s7+s28], $0x80, v0, vm0, $0xb8;
	[tilespmem:$0x12100] =	vst v63  }
0x22f: {  	v0 =	vld [tilespmem:$0x90];
	_ =	sdelay $0x4  }
0x230: {  	v1 =	vshrl.u32 v0, $0x3  }
0x231: {  	v1 =	vmul.u32 $0x30, v1  }
0x232: {  	v0 =	vand.u32 $0x7, v0  }
0x233: {  	v0 =	vor.u32 v0, v1  }
0x234: {  	v1 =	vperm.xlane v0, v2;
	_ =	sdelay $0x1  }
0x235: {  	v1 =	vadd.s32 v3, v1;
	_ =	sdelay $0x3  }
0x236: {  	v0 =	vperm.xlane v0, v4  }
0x237: {  	[tilespmem:s19], [sflag:$0x1] =	stream.indirect_vreg.gather [hbm4b:s3+s28], $0x80, v1, vm0, $0xb8;
	[tilespmem:$0x12100] =	vst v63  }
0x238: {  	v0 =	vadd.s32 v3, v0  }
0x239: {  	[tilespmem:s20], [sflag:$0x1] =	stream.indirect_vreg.gather [hbm4b:s6+s28], $0x80, v1, vm0, $0xb8;
	[tilespmem:$0x12100] =	vst v63  }
0x23a: {  	_ = 	snop  }
0x23b: {  	[tilespmem:s21], [sflag:$0x1] =	stream.indirect_vreg.gather [hbm4b:s7+s28], $0x80, v1, vm0, $0xb8;
	[tilespmem:$0x12100] =	vst v63  }
0x23c: {  	_ = 	snop  }
0x23d: {  	[tilespmem:s22], [sflag:$0x1] =	stream.indirect_vreg.gather [hbm4b:s3+s28], $0x80, v0, vm0, $0xb8;
	[tilespmem:$0x12100] =	vst v63  }
0x23e: {  	_ = 	snop  }
0x23f: {  	[tilespmem:s23], [sflag:$0x1] =	stream.indirect_vreg.gather [hbm4b:s6+s28], $0x80, v0, vm0, $0xb8;
	[tilespmem:$0x12100] =	vst v63  }
0x240: {  	_ = 	snop  }
0x241: {  	[tilespmem:s24], [sflag:$0x1] =	stream.indirect_vreg.gather [hbm4b:s7+s28], $0x80, v0, vm0, $0xb8;
	[tilespmem:$0x12100] =	vst v63  }
0x242: {  	_ =	swait.ge [sflag:s30], $0x6000  }
0x243: {  	[sflag:s30] =	ssyncset.done $0x0  }
0x244: {  	s31 =	simm.s32 $0x0;
	[sflag:s30] =	ssyncadd.s32 $0xFFFFA000  }
0x245: {  	[tilespmem:s25], [sflag:$0x2] =	stream.linear.gather [hbm4b:s12+s28], $0x6000, $0x38;
	[tilespmem:$0x12100] =	vst v63  }
0x246: {  	s4 =	smul.u32 $0x1800, s31;
	_ =	swait.ge [sflag:s15], $0x6000  }
0x247: {  	s5 =	sand.u32 $0x380, s28;
	[sflag:s15] =	ssyncset.done $0x0  }
0x248: {  	s4 =	sor.u32 s5, s4;
	[sflag:s15] =	ssyncadd.s32 $0xFFFFA000  }
0x249: {  	v0 =	vld [tilespmem:s4+$0x6570];
	_ =	sdelay $0x4  }
0x24a: {  	[tilespmem:$0x1FA00] =	vst v0;
	v0 =	vld [tilespmem:s4+$0x6900];
	_ =	sdelay $0x4  }
0x24b: {  	[tilespmem:$0x1FA10] =	vst v0;
	v0 =	vld [tilespmem:s4+$0x6910];
	_ =	sdelay $0x4  }
0x24c: {  	[tilespmem:$0x1FA20] =	vst v0;
	v0 =	vld [tilespmem:s4+$0x6920];
	_ =	sdelay $0x4  }
0x24d: {  	[tilespmem:$0x1FA30] =	vst v0;
	v0 =	vld [tilespmem:s4+$0x6930];
	_ =	sdelay $0x4  }
0x24e: {  	[tilespmem:$0x1FA40] =	vst v0;
	v0 =	vld [tilespmem:s4+$0x6940];
	_ =	sdelay $0x4  }
0x24f: {  	[tilespmem:$0x1FA50] =	vst v0;
	v0 =	vld [tilespmem:s4+$0x6950];
	_ =	sdelay $0x4  }
0x250: {  	[tilespmem:$0x1FA60] =	vst v0;
	v0 =	vld [tilespmem:s4+$0x6960];
	_ =	sdelay $0x4  }
0x251: {  	[tilespmem:$0x1FA70] =	vst v0;
	v0 =	vld [tilespmem:s4+$0x6970];
	_ =	sdelay $0x4  }
0x252: {  	[tilespmem:$0x1FA80] =	vst v0;
	v0 =	vld [tilespmem:s4+$0x6D00];
	_ =	sdelay $0x4  }
0x253: {  	[tilespmem:$0x1FA90] =	vst v0;
	v0 =	vld [tilespmem:s4+$0x6D10];
	_ =	sdelay $0x4  }
0x254: {  	[tilespmem:$0x1FAA0] =	vst v0;
	v0 =	vld [tilespmem:s4+$0x6D20];
	_ =	sdelay $0x4  }
0x255: {  	[tilespmem:$0x1FAB0] =	vst v0;
	v0 =	vld [tilespmem:s4+$0x6D30];
	_ =	sdelay $0x4  }
0x256: {  	[tilespmem:$0x1FAC0] =	vst v0;
	v0 =	vld [tilespmem:s4+$0x6D40];
	_ =	sdelay $0x4  }
0x257: {  	[tilespmem:$0x1FAD0] =	vst v0;
	v0 =	vld [tilespmem:s4+$0x6D50];
	_ =	sdelay $0x4  }
0x258: {  	[tilespmem:$0x1FAE0] =	vst v0;
	v0 =	vld [tilespmem:s4+$0x6D60];
	_ =	sdelay $0x4  }
0x259: {  	[tilespmem:$0x1FAF0] =	vst v0;
	v0 =	vld [tilespmem:s4+$0x6D70];
	_ =	sdelay $0x4  }
0x25a: {  	[tilespmem:$0x1FB10] =	vst v0;
	v0 =	vld [tilespmem:s4+$0x7100];
	_ =	sdelay $0x4  }
0x25b: {  	[tilespmem:$0x1FB30] =	vst v0;
	v0 =	vld [tilespmem:s4+$0x7110];
	_ =	sdelay $0x4  }
0x25c: {  	[tilespmem:$0x1FB50] =	vst v0;
	v0 =	vld [tilespmem:s4+$0x7120];
	_ =	sdelay $0x4  }
0x25d: {  	[tilespmem:$0x1FB70] =	vst v0;
	v0 =	vld [tilespmem:s4+$0x7130];
	_ =	sdelay $0x4  }
0x25e: {  	[tilespmem:$0x1FB90] =	vst v0;
	v0 =	vld [tilespmem:s4+$0x7140];
	_ =	sdelay $0x4  }
0x25f: {  	[tilespmem:$0x1FBB0] =	vst v0;
	v0 =	vld [tilespmem:s4+$0x7150];
	_ =	sdelay $0x4  }
0x260: {  	[tilespmem:$0x1F9B0] =	vst v0;
	v0 =	vld [tilespmem:s4+$0x7160];
	_ =	sdelay $0x4  }
0x261: {  	[tilespmem:$0x1F9C0] =	vst v0;
	v0 =	vld [tilespmem:s4+$0x7170];
	_ =	sdelay $0x4  }
0x262: {  	[tilespmem:$0x1F9D0] =	vst v0;
	v0 =	vld [tilespmem:s4+$0x7500];
	_ =	sdelay $0x4  }
0x263: {  	[tilespmem:$0x1F9E0] =	vst v0;
	v0 =	vld [tilespmem:s4+$0x7510];
	_ =	sdelay $0x4  }
0x264: {  	[tilespmem:$0x1F9F0] =	vst v0;
	v0 =	vld [tilespmem:s4+$0x1100];
	_ =	sdelay $0x4  }
0x265: {  	[tilespmem:$0x1FB00] =	vst v0;
	v0 =	vld [tilespmem:s4+$0x1110];
	_ =	sdelay $0x4  }
0x266: {  	[tilespmem:$0x1FB20] =	vst v0;
	v0 =	vld [tilespmem:s4+$0x1120];
	_ =	sdelay $0x1  }
0x267: {  	v14 =	vld [tilespmem:s4+$0x6100]  }
0x268: {  	v53 =	vld [tilespmem:s4+$0x6110]  }
0x269: {  	v54 =	vld [tilespmem:s4+$0x6120]  }
0x26a: {  	[tilespmem:$0x1FB40] =	vst v0;
	v0 =	vld [tilespmem:s4+$0x1130]  }
0x26b: {  	v55 =	vld [tilespmem:s4+$0x6130]  }
0x26c: {  	v56 =	vld [tilespmem:s4+$0x6140]  }
0x26d: {  	v57 =	vld [tilespmem:s4+$0x6150]  }
0x26e: {  	v58 =	vld [tilespmem:s4+$0x6160]  }
0x26f: {  	[tilespmem:$0x1FB60] =	vst v0;
	v0 =	vld [tilespmem:s4+$0x1140]  }
0x270: {  	v59 =	vld [tilespmem:s4+$0x6170]  }
0x271: {  	v60 =	vld [tilespmem:s4+$0x6500]  }
0x272: {  	v61 =	vld [tilespmem:s4+$0x6510]  }
0x273: {  	v37 =	vld [tilespmem:s4+$0x6520]  }
0x274: {  	[tilespmem:$0x1FB80] =	vst v0;
	v0 =	vld [tilespmem:s4+$0x1150]  }
0x275: {  	v49 =	vld [tilespmem:s4+$0x6530]  }
0x276: {  	v45 =	vld [tilespmem:s4+$0x6540]  }
0x277: {  	v41 =	vld [tilespmem:s4+$0x6550]  }
0x278: {  	v62 =	vld [tilespmem:s4+$0x100]  }
0x279: {  	[tilespmem:$0x1FBA0] =	vst v0;
	v0 =	vld [tilespmem:s4+$0x1160]  }
0x27a: {  	v63 =	vld [tilespmem:s4+$0x110]  }
0x27b: {  	v5 =	vld [tilespmem:s4+$0x120]  }
0x27c: {  	v6 =	vld [tilespmem:s4+$0x130]  }
0x27d: {  	v7 =	vld [tilespmem:s4+$0x140]  }
0x27e: {  	[tilespmem:$0x1FBC0] =	vst v0;
	v0 =	vld [tilespmem:s4+$0xC100]  }
0x27f: {  	v1 =	vld [tilespmem:s4+$0xC110]  }
0x280: {  	v2 =	vld [tilespmem:s4+$0xC120]  }
0x281: {  	v3 =	vld [tilespmem:s4+$0xC130]  }
0x282: {  	v8 =	vld [tilespmem:s4+$0x150]  }
0x283: {  	v0 =	vadd.f32 v62, v0;
	v62 =	vld [tilespmem:s4+$0xC150]  }
0x284: {  	v22 =	vld [tilespmem:s4+$0x170];
	v1 =	vadd.f32 v63, v1  }
0x285: {  	v2 =	vadd.f32 v5, v2;
	v5 =	vld [tilespmem:s4+$0xC170]  }
0x286: {  	v4 =	vld [tilespmem:s4+$0xC140];
	v3 =	vadd.f32 v6, v3;
	v1 =	vadd.f32 v53, v1  }
0x287: {  	v21 =	vld [tilespmem:s4+$0x160]  }
0x288: {  	v63 =	vld [tilespmem:s4+$0xC160];
	[tilespmem:s4+$0xC110] =	vst v1;
	v1 =	vadd.f32 v55, v3;
	v3 =	vadd.f32 v8, v62  }
0x289: {  	v39 =	vld [tilespmem:s4+$0x6560];
	v0 =	vadd.f32 v14, v0  }
0x28a: {  	v23 =	vld [tilespmem:s4+$0x500];
	[tilespmem:s4+$0xC130] =	vst v1;
	v1 =	vadd.f32 v57, v3;
	v3 =	vadd.f32 v22, v5  }
0x28b: {  	v24 =	vld [tilespmem:s4+$0x510];
	[tilespmem:s4+$0xC100] =	vst v0;
	v0 =	vadd.f32 v54, v2;
	v2 =	vadd.f32 v7, v4  }
0x28c: {  	v25 =	vld [tilespmem:s4+$0x520];
	[tilespmem:s4+$0xC150] =	vst v1;
	v1 =	vadd.f32 v59, v3  }
0x28d: {  	v27 =	vld [tilespmem:s4+$0x540];
	[tilespmem:s4+$0xC120] =	vst v0;
	v0 =	vadd.f32 v56, v2;
	v2 =	vadd.f32 v21, v63  }
0x28e: {  	[tilespmem:s4+$0xC170] =	vst v1;
	v1 =	vld [tilespmem:s4+$0xC540]  }
0x28f: {  	v26 =	vld [tilespmem:s4+$0x530];
	[tilespmem:s4+$0xC140] =	vst v0;
	v0 =	vadd.f32 v58, v2  }
0x290: {  	v28 =	vld [tilespmem:s4+$0x550]  }
0x291: {  	[tilespmem:s4+$0xC160] =	vst v0;
	v0 =	vld [tilespmem:s4+$0xC530]  }
0x292: {  	v4 =	vld [tilespmem:s4+$0xC500]  }
0x293: {  	v29 =	vld [tilespmem:s4+$0x560];
	v1 =	vadd.f32 v27, v1  }
0x294: {  	v30 =	vld [tilespmem:s4+$0x570]  }
0x295: {  	v9 =	vld [tilespmem:s4+$0x950];
	v1 =	vadd.f32 v45, v1  }
0x296: {  	v6 =	vld [tilespmem:s4+$0xC510];
	v0 =	vadd.f32 v26, v0  }
0x297: {  	v4 =	vadd.f32 v23, v4;
	[tilespmem:s4+$0xC540] =	vst v1;
	v1 =	vld [tilespmem:s4+$0xC950]  }
0x298: {  	v35 =	vld [tilespmem:s4+$0x940];
	v0 =	vadd.f32 v49, v0  }
0x299: {  	v2 =	vld [tilespmem:s4+$0xC520];
	v4 =	vadd.f32 v60, v4  }
0x29a: {  	[tilespmem:s4+$0xC530] =	vst v0;
	v0 =	vld [tilespmem:s4+$0xC940]  }
0x29b: {  	[tilespmem:s4+$0xC500] =	vst v4;
	v4 =	vld [tilespmem:s4+$0xC550]  }
0x29c: {  	v3 =	vadd.f32 v24, v6;
	v1 =	vadd.f32 v9, v1;
	v9 =	vld [tilespmem:$0x1FA50]  }
0x29d: {  	v31 =	vld [tilespmem:s4+$0x900]  }
0x29e: {  	v32 =	vld [tilespmem:s4+$0x910];
	v3 =	vadd.f32 v61, v3  }
0x29f: {  	v33 =	vld [tilespmem:s4+$0x920];
	v0 =	vadd.f32 v35, v0  }
0x2a0: {  	[tilespmem:s4+$0xC510] =	vst v3;
	v3 =	vld [tilespmem:s4+$0xC560];
	v4 =	vadd.f32 v28, v4  }
0x2a1: {  	v2 =	vadd.f32 v25, v2;
	v0 =	vadd.f32 v9, v0;
	v9 =	vld [tilespmem:$0x1FA60]  }
0x2a2: {  	v34 =	vld [tilespmem:s4+$0x930];
	v4 =	vadd.f32 v41, v4  }
0x2a3: {  	v10 =	vld [tilespmem:s4+$0x960];
	v2 =	vadd.f32 v37, v2  }
0x2a4: {  	[tilespmem:s4+$0xC550] =	vst v4;
	v4 =	vld [tilespmem:s4+$0xC960]  }
0x2a5: {  	[tilespmem:s4+$0xC520] =	vst v2;
	v2 =	vld [tilespmem:s4+$0xC570];
	v3 =	vadd.f32 v29, v3  }
0x2a6: {  	v1 =	vadd.f32 v9, v1;
	v9 =	vld [tilespmem:$0x1FA70]  }
0x2a7: {  	v21 =	vld [tilespmem:$0x1FA00];
	v3 =	vadd.f32 v39, v3  }
0x2a8: {  	v11 =	vld [tilespmem:s4+$0x970]  }
0x2a9: {  	[tilespmem:s4+$0xC560] =	vst v3;
	v3 =	vld [tilespmem:s4+$0xC970];
	v4 =	vadd.f32 v10, v4  }
0x2aa: {  	v5 =	vld [tilespmem:s4+$0xC900];
	v2 =	vadd.f32 v30, v2  }
0x2ab: {  	v4 =	vadd.f32 v9, v4;
	v9 =	vld [tilespmem:$0x1FA80]  }
0x2ac: {  	v2 =	vadd.f32 v21, v2;
	v21 =	vld [tilespmem:$0x1FA10]  }
0x2ad: {  	v12 =	vld [tilespmem:s4+$0xD00]  }
0x2ae: {  	[tilespmem:s4+$0xC570] =	vst v2;
	v2 =	vld [tilespmem:s4+$0xCD00];
	v3 =	vadd.f32 v11, v3  }
0x2af: {  	v6 =	vld [tilespmem:s4+$0xC910];
	v5 =	vadd.f32 v31, v5  }
0x2b0: {  	v3 =	vadd.f32 v9, v3;
	v9 =	vld [tilespmem:$0x1FA90]  }
0x2b1: {  	v5 =	vadd.f32 v21, v5;
	v21 =	vld [tilespmem:$0x1FA20]  }
0x2b2: {  	v36 =	vld [tilespmem:s4+$0xD10]  }
0x2b3: {  	[tilespmem:s4+$0xC900] =	vst v5;
	v5 =	vld [tilespmem:s4+$0xCD10];
	v2 =	vadd.f32 v12, v2  }
0x2b4: {  	v7 =	vld [tilespmem:s4+$0xC920];
	v6 =	vadd.f32 v32, v6  }
0x2b5: {  	v2 =	vadd.f32 v9, v2;
	v9 =	vld [tilespmem:$0x1FAA0]  }
0x2b6: {  	v6 =	vadd.f32 v21, v6;
	v21 =	vld [tilespmem:$0x1FA30]  }
0x2b7: {  	v52 =	vld [tilespmem:s4+$0xD20]  }
0x2b8: {  	[tilespmem:s4+$0xC910] =	vst v6;
	v6 =	vld [tilespmem:s4+$0xCD20];
	v5 =	vadd.f32 v36, v5  }
0x2b9: {  	v8 =	vld [tilespmem:s4+$0xC930];
	v7 =	vadd.f32 v33, v7  }
0x2ba: {  	v5 =	vadd.f32 v9, v5;
	v9 =	vld [tilespmem:$0x1FAB0]  }
0x2bb: {  	v7 =	vadd.f32 v21, v7;
	v21 =	vld [tilespmem:$0x1FA40]  }
0x2bc: {  	v51 =	vld [tilespmem:s4+$0xD30]  }
0x2bd: {  	[tilespmem:s4+$0xC920] =	vst v7;
	v7 =	vld [tilespmem:s4+$0xCD30];
	v6 =	vadd.f32 v52, v6  }
0x2be: {  	v8 =	vadd.f32 v34, v8  }
0x2bf: {  	v6 =	vadd.f32 v9, v6;
	v9 =	vld [tilespmem:$0x1FAC0]  }
0x2c0: {  	v8 =	vadd.f32 v21, v8  }
0x2c1: {  	v38 =	vld [tilespmem:s4+$0xD40]  }
0x2c2: {  	[tilespmem:s4+$0xC930] =	vst v8;
	v8 =	vld [tilespmem:s4+$0xCD40];
	v7 =	vadd.f32 v51, v7;
	_ =	sdelay $0x1  }
0x2c3: {  	v7 =	vadd.f32 v9, v7;
	v9 =	vld [tilespmem:$0x1FAD0];
	_ =	sdelay $0x1  }
0x2c4: {  	v47 =	vld [tilespmem:s4+$0xD50]  }
0x2c5: {  	[tilespmem:s4+$0xC940] =	vst v0;
	v0 =	vld [tilespmem:s4+$0xCD50];
	v8 =	vadd.f32 v38, v8;
	_ =	sdelay $0x1  }
0x2c6: {  	v8 =	vadd.f32 v9, v8;
	v9 =	vld [tilespmem:$0x1FAE0];
	_ =	sdelay $0x2  }
0x2c7: {  	v0 =	vadd.f32 v47, v0;
	_ =	sdelay $0x1  }
0x2c8: {  	v0 =	vadd.f32 v9, v0  }
0x2c9: {  	[tilespmem:s4+$0xC970] =	vst v3;
	v3 =	vld [tilespmem:s4+$0xD100]  }
0x2ca: {  	[tilespmem:s4+$0xCD50] =	vst v0;
	v0 =	vld [tilespmem:$0x1FB00];
	_ =	sdelay $0x1  }
0x2cb: {  	v40 =	vld [tilespmem:s4+$0xD70]  }
0x2cc: {  	[tilespmem:s4+$0xC960] =	vst v4;
	v4 =	vld [tilespmem:s4+$0xCD70];
	_ =	sdelay $0x1  }
0x2cd: {  	v0 =	vadd.f32 v0, v3;
	v3 =	vld [tilespmem:$0x1FB10];
	_ =	sdelay $0x2  }
0x2ce: {  	v4 =	vadd.f32 v40, v4;
	_ =	sdelay $0x1  }
0x2cf: {  	v48 =	vld [tilespmem:s4+$0x7520];
	v3 =	vadd.f32 v3, v4  }
0x2d0: {  	[tilespmem:s4+$0xCD10] =	vst v5;
	v5 =	vld [tilespmem:s4+$0xD120]  }
0x2d1: {  	[tilespmem:s4+$0xCD70] =	vst v3;
	v3 =	vld [tilespmem:$0x1FB40]  }
0x2d2: {  	v46 =	vld [tilespmem:s4+$0x7530]  }
0x2d3: {  	[tilespmem:s4+$0xCD00] =	vst v2;
	v2 =	vld [tilespmem:s4+$0xD110]  }
0x2d4: {  	v4 =	vld [tilespmem:$0x1FB20]  }
0x2d5: {  	v44 =	vld [tilespmem:s4+$0x7540]  }
0x2d6: {  	v3 =	vadd.f32 v3, v5;
	v5 =	vld [tilespmem:$0x1FB50]  }
0x2d7: {  	v42 =	vld [tilespmem:s4+$0x7550]  }
0x2d8: {  	v43 =	vld [tilespmem:s4+$0xD60]  }
0x2d9: {  	v20 =	vld [tilespmem:s4+$0x1170];
	v4 =	vadd.f32 v4, v2  }
0x2da: {  	[tilespmem:s4+$0xCD20] =	vst v6;
	v6 =	vld [tilespmem:s4+$0xD130]  }
0x2db: {  	v4 =	vadd.f32 v5, v4;
	v5 =	vld [tilespmem:$0x1FB60]  }
0x2dc: {  	v19 =	vld [tilespmem:s4+$0x1500]  }
0x2dd: {  	v18 =	vld [tilespmem:s4+$0x1510]  }
0x2de: {  	v17 =	vld [tilespmem:s4+$0x1520]  }
0x2df: {  	v16 =	vld [tilespmem:s4+$0x1530]  }
0x2e0: {  	v5 =	vadd.f32 v5, v6;
	v6 =	vld [tilespmem:$0x1FB70]  }
0x2e1: {  	v15 =	vld [tilespmem:s4+$0x1540]  }
0x2e2: {  	v13 =	vld [tilespmem:s4+$0x1550]  }
0x2e3: {  	[tilespmem:s4+$0xC950] =	vst v1;
	v1 =	vld [tilespmem:s4+$0xCD60]  }
0x2e4: {  	[tilespmem:s4+$0xCD30] =	vst v7;
	v7 =	vld [tilespmem:s4+$0xD140]  }
0x2e5: {  	v3 =	vadd.f32 v6, v3;
	v6 =	vld [tilespmem:$0x1FB90]  }
0x2e6: {  	[tilespmem:s4+$0xCD40] =	vst v8;
	v8 =	vld [tilespmem:s4+$0xD150]  }
0x2e7: {  	v9 =	vld [tilespmem:$0x1FAF0]  }
0x2e8: {  	[tilespmem:s4+$0xD110] =	vst v4;
	v4 =	vld [tilespmem:$0x1FB80]  }
0x2e9: {  	[tilespmem:s4+$0xD120] =	vst v3;
	v3 =	vld [tilespmem:$0x1FBB0]  }
0x2ea: {  	v21 =	vadd.f32 v6, v5;
	v5 =	vld [tilespmem:$0x1FBA0]  }
0x2eb: {  	v2 =	vld [tilespmem:$0x1FB30]  }
0x2ec: {  	v50 =	vld [tilespmem:s4+$0x1560];
	v1 =	vadd.f32 v43, v1  }
0x2ed: {  	v14 =	vld [tilespmem:s4+$0x1570];
	v7 =	vadd.f32 v4, v7  }
0x2ee: {  	v22 =	vld [tilespmem:s4+$0xD160];
	v1 =	vadd.f32 v9, v1  }
0x2ef: {  	v6 =	vadd.f32 v5, v8;
	v8 =	vadd.f32 v3, v7;
	v3 =	vld [tilespmem:$0x1FBC0]  }
0x2f0: {  	[tilespmem:s4+$0xCD60] =	vst v1;
	v1 =	vld [tilespmem:s4+$0xD170];
	v0 =	vadd.f32 v2, v0  }
0x2f1: {  	v2 =	vld [tilespmem:s4+$0xD500]  }
0x2f2: {  	[tilespmem:s4+$0xD100] =	vst v0;
	v0 =	vld [tilespmem:s4+$0xD510]  }
0x2f3: {  	v4 =	vld [tilespmem:s4+$0xD520]  }
0x2f4: {  	s29 =	simm.s32 $0x1;
	v5 =	vadd.f32 v3, v22;
	v3 =	vld [tilespmem:s4+$0xD530]  }
.LBB2_4:
0x2f5: {  	v7 =	vld [tilespmem:$0x1F9B0];
	_ =	sdelay $0x4  }
0x2f6: {  	v6 =	vadd.f32 v7, v6  }
0x2f7: {  	[tilespmem:s4+$0xD140] =	vst v8;
	v8 =	vld [tilespmem:$0x1F9C0]  }
0x2f8: {  	[tilespmem:s4+$0xD150] =	vst v6;
	v6 =	vld [tilespmem:$0x1F9D0];
	_ =	sdelay $0x2  }
0x2f9: {  	v1 =	vadd.f32 v20, v1  }
0x2fa: {  	v5 =	vadd.f32 v8, v5  }
0x2fb: {  	v1 =	vadd.f32 v6, v1  }
0x2fc: {  	[tilespmem:s4+$0xD160] =	vst v5;
	v5 =	vld [tilespmem:$0x1F9E0]  }
0x2fd: {  	[tilespmem:s4+$0xD170] =	vst v1;
	v1 =	vld [tilespmem:$0x1F9F0]  }
0x2fe: {  	v7 =	vld [tilespmem:s4+$0xD540]  }
0x2ff: {  	v2 =	vadd.f32 v19, v2;
	v8 =	vld [tilespmem:s4+$0xD550]  }
0x300: {  	s5 =	sshrl.u32 s29, $0x3;
	v0 =	vadd.f32 v18, v0;
	v6 =	vld [tilespmem:s4+$0xD560]  }
0x301: {  	s28 =	sadd.s32 $0x80, s28;
	s5 =	smul.u32 $0x1800, s5;
	v4 =	vadd.f32 v17, v4;
	v2 =	vadd.f32 v5, v2;
	v5 =	vld [tilespmem:s4+$0xD570]  }
0x302: {  	[tilespmem:s4+$0xD130] =	vst v21;
	s31 =	sand.u32 $0x380, s28;
	v0 =	vadd.f32 v1, v0;
	v1 =	vadd.f32 v16, v3;
	v3 =	vld [tilespmem:s4+$0x7560]  }
0x303: {  	s5 =	sor.u32 s31, s5;
	[tilespmem:s4+$0xD500] =	vst v2;
	v2 =	vadd.f32 v48, v4;
	v4 =	vadd.f32 v15, v7;
	v7 =	vld [tilespmem:s4+$0x7570]  }
0x304: {  	v53 =	vld [tilespmem:s5+$0x6100];
	[tilespmem:s4+$0xD510] =	vst v0;
	v0 =	vadd.f32 v46, v1;
	v1 =	vadd.f32 v13, v8  }
0x305: {  	v55 =	vld [tilespmem:s5+$0x6110];
	[tilespmem:s4+$0xD520] =	vst v2;
	v2 =	vadd.f32 v44, v4;
	v4 =	vadd.f32 v50, v6  }
0x306: {  	v56 =	vld [tilespmem:s5+$0x6120];
	[tilespmem:s4+$0xD530] =	vst v0;
	v0 =	vadd.f32 v42, v1;
	v1 =	vadd.f32 v14, v5  }
0x307: {  	v57 =	vld [tilespmem:s5+$0x6130];
	[tilespmem:s4+$0xD540] =	vst v2;
	v2 =	vadd.f32 v3, v4  }
0x308: {  	v54 =	vld [tilespmem:s5+$0x6140];
	[tilespmem:s4+$0xD550] =	vst v0;
	v0 =	vadd.f32 v7, v1  }
0x309: {  	v52 =	vld [tilespmem:s5+$0x6150];
	[tilespmem:s4+$0xD560] =	vst v2  }
0x30a: {  	v51 =	vld [tilespmem:s5+$0x6160];
	[tilespmem:s4+$0xD570] =	vst v0;
	s4 =	smov.u32 s5  }
0x30b: {  	v0 =	vld [tilespmem:s4+$0x6170];
	_ =	sdelay $0x4  }
0x30c: {  	[tilespmem:$0x1F7D0] =	vst v0;
	v0 =	vld [tilespmem:s4+$0x6500];
	_ =	sdelay $0x4  }
0x30d: {  	[tilespmem:$0x1F7E0] =	vst v0;
	v0 =	vld [tilespmem:s4+$0x6510];
	_ =	sdelay $0x4  }
0x30e: {  	[tilespmem:$0x1F7F0] =	vst v0;
	v0 =	vld [tilespmem:s4+$0x6520];
	_ =	sdelay $0x4  }
0x30f: {  	[tilespmem:$0x1F800] =	vst v0;
	v0 =	vld [tilespmem:s4+$0x6530];
	_ =	sdelay $0x4  }
0x310: {  	[tilespmem:$0x1F810] =	vst v0;
	v0 =	vld [tilespmem:s4+$0x6540];
	_ =	sdelay $0x4  }
0x311: {  	[tilespmem:$0x1F820] =	vst v0;
	v0 =	vld [tilespmem:s4+$0x6550];
	_ =	sdelay $0x4  }
0x312: {  	[tilespmem:$0x1F830] =	vst v0;
	v0 =	vld [tilespmem:s4+$0x6560];
	_ =	sdelay $0x3  }
0x313: {  	v49 =	vld [tilespmem:s4+$0x7520]  }
0x314: {  	[tilespmem:$0x1F840] =	vst v0;
	v0 =	vld [tilespmem:s4+$0x6570]  }
0x315: {  	v48 =	vld [tilespmem:s4+$0x7530]  }
0x316: {  	v47 =	vld [tilespmem:s4+$0x7540]  }
0x317: {  	v46 =	vld [tilespmem:s4+$0x7550]  }
0x318: {  	v36 =	vld [tilespmem:s4+$0x100]  }
0x319: {  	[tilespmem:$0x1F850] =	vst v0;
	v0 =	vld [tilespmem:s4+$0x6900]  }
0x31a: {  	v9 =	vld [tilespmem:s4+$0x110]  }
0x31b: {  	v37 =	vld [tilespmem:s4+$0x120]  }
0x31c: {  	v10 =	vld [tilespmem:s4+$0x130]  }
0x31d: {  	v38 =	vld [tilespmem:s4+$0x140]  }
0x31e: {  	[tilespmem:$0x1F860] =	vst v0;
	v0 =	vld [tilespmem:s4+$0x6910]  }
0x31f: {  	v11 =	vld [tilespmem:s4+$0x150]  }
0x320: {  	v39 =	vld [tilespmem:s4+$0x160]  }
0x321: {  	v12 =	vld [tilespmem:s4+$0x170]  }
0x322: {  	v40 =	vld [tilespmem:s4+$0x500]  }
0x323: {  	[tilespmem:$0x1F870] =	vst v0;
	v0 =	vld [tilespmem:s4+$0x6920]  }
0x324: {  	v8 =	vld [tilespmem:s4+$0x510]  }
0x325: {  	v35 =	vld [tilespmem:s4+$0x520]  }
0x326: {  	v7 =	vld [tilespmem:s4+$0x530]  }
0x327: {  	v34 =	vld [tilespmem:s4+$0x540]  }
0x328: {  	[tilespmem:$0x1F880] =	vst v0;
	v0 =	vld [tilespmem:s4+$0x6930]  }
0x329: {  	v33 =	vld [tilespmem:s4+$0x550]  }
0x32a: {  	v41 =	vld [tilespmem:s4+$0xC100]  }
0x32b: {  	v42 =	vld [tilespmem:s4+$0xC110]  }
0x32c: {  	v44 =	vld [tilespmem:s4+$0xC130]  }
0x32d: {  	[tilespmem:$0x1F890] =	vst v0;
	v0 =	vld [tilespmem:s4+$0x6940]  }
0x32e: {  	v6 =	vld [tilespmem:s4+$0x560]  }
0x32f: {  	v5 =	vld [tilespmem:s4+$0x570]  }
0x330: {  	v36 =	vadd.f32 v36, v41;
	v41 =	vld [tilespmem:s4+$0xC150];
	v9 =	vadd.f32 v9, v42  }
0x331: {  	v43 =	vld [tilespmem:s4+$0xC120]  }
0x332: {  	v10 =	vadd.f32 v10, v44;
	v9 =	vadd.f32 v55, v9;
	[tilespmem:$0x1F8A0] =	vst v0;
	v0 =	vld [tilespmem:s4+$0x6950]  }
0x333: {  	v32 =	vld [tilespmem:s4+$0x900]  }
0x334: {  	v4 =	vld [tilespmem:s4+$0x910];
	[tilespmem:s4+$0xC110] =	vst v9;
	v9 =	vadd.f32 v57, v10  }
0x335: {  	v31 =	vld [tilespmem:s4+$0x920];
	v10 =	vadd.f32 v11, v41  }
0x336: {  	v37 =	vadd.f32 v37, v43;
	v43 =	vld [tilespmem:s4+$0xC170];
	[tilespmem:s4+$0xC130] =	vst v9  }
0x337: {  	v9 =	vadd.f32 v52, v10;
	[tilespmem:$0x1F8B0] =	vst v0;
	v0 =	vld [tilespmem:s4+$0x6960]  }
0x338: {  	v30 =	vld [tilespmem:s4+$0x930]  }
0x339: {  	[tilespmem:s4+$0xC150] =	vst v9;
	v9 =	vld [tilespmem:$0x1F7D0]  }
0x33a: {  	v29 =	vld [tilespmem:s4+$0x940]  }
0x33b: {  	v28 =	vld [tilespmem:s4+$0x950]  }
0x33c: {  	v10 =	vadd.f32 v12, v43;
	[tilespmem:$0x1F8C0] =	vst v0;
	v0 =	vld [tilespmem:s4+$0x6970]  }
0x33d: {  	v27 =	vld [tilespmem:s4+$0x960]  }
0x33e: {  	v45 =	vld [tilespmem:s4+$0xC140];
	v9 =	vadd.f32 v9, v10  }
0x33f: {  	v36 =	vadd.f32 v53, v36;
	v53 =	vld [tilespmem:s4+$0xC510]  }
0x340: {  	[tilespmem:s4+$0xC170] =	vst v9;
	v9 =	vld [tilespmem:$0x1F7F0]  }
0x341: {  	[tilespmem:$0x1F8D0] =	vst v0;
	v0 =	vld [tilespmem:s4+$0x6D00]  }
0x342: {  	v26 =	vld [tilespmem:s4+$0x970]  }
0x343: {  	v25 =	vld [tilespmem:s4+$0xD00]  }
0x344: {  	v24 =	vld [tilespmem:s4+$0xD10];
	v8 =	vadd.f32 v8, v53  }
0x345: {  	v57 =	vld [tilespmem:s4+$0xC530]  }
0x346: {  	v45 =	vadd.f32 v38, v45;
	v8 =	vadd.f32 v9, v8;
	[tilespmem:$0x1F8E0] =	vst v0;
	v0 =	vld [tilespmem:s4+$0x6D10]  }
0x347: {  	v23 =	vld [tilespmem:s4+$0xD20]  }
0x348: {  	v55 =	vadd.f32 v54, v45;
	[tilespmem:s4+$0xC510] =	vst v8;
	v8 =	vld [tilespmem:$0x1F810]  }
0x349: {  	v11 =	vld [tilespmem:s4+$0xC520]  }
0x34a: {  	[tilespmem:s4+$0xC140] =	vst v55;
	v55 =	vld [tilespmem:$0x1F800]  }
0x34b: {  	v7 =	vadd.f32 v7, v57;
	[tilespmem:$0x1F8F0] =	vst v0;
	v0 =	vld [tilespmem:s4+$0x6D20]  }
0x34c: {  	v22 =	vld [tilespmem:s4+$0xD30]  }
0x34d: {  	v12 =	vld [tilespmem:s4+$0xC540];
	v7 =	vadd.f32 v8, v7  }
0x34e: {  	v52 =	vld [tilespmem:s4+$0xC550];
	v11 =	vadd.f32 v35, v11  }
0x34f: {  	[tilespmem:s4+$0xC530] =	vst v7;
	v7 =	vld [tilespmem:$0x1F830]  }
0x350: {  	v11 =	vadd.f32 v55, v11;
	[tilespmem:$0x1F900] =	vst v0;
	v0 =	vld [tilespmem:s4+$0x6D30]  }
0x351: {  	v21 =	vld [tilespmem:s4+$0xD40]  }
0x352: {  	[tilespmem:s4+$0xC520] =	vst v11;
	v11 =	vld [tilespmem:$0x1F820]  }
0x353: {  	v42 =	vld [tilespmem:s4+$0xC160];
	v8 =	vadd.f32 v33, v52  }
0x354: {  	v54 =	vld [tilespmem:s4+$0xC570]  }
0x355: {  	v12 =	vadd.f32 v34, v12;
	v7 =	vadd.f32 v7, v8;
	[tilespmem:$0x1F910] =	vst v0;
	v0 =	vld [tilespmem:s4+$0x6D40]  }
0x356: {  	v3 =	vld [tilespmem:s4+$0xD50];
	v56 =	vadd.f32 v56, v37  }
0x357: {  	v11 =	vadd.f32 v11, v12;
	[tilespmem:s4+$0xC550] =	vst v7;
	v7 =	vld [tilespmem:$0x1F850]  }
0x358: {  	[tilespmem:s4+$0xC120] =	vst v56;
	v10 =	vld [tilespmem:s4+$0xC560]  }
0x359: {  	[tilespmem:s4+$0xC540] =	vst v11;
	v11 =	vld [tilespmem:$0x1F840]  }
0x35a: {  	v56 =	vadd.f32 v39, v42;
	v5 =	vadd.f32 v5, v54;
	[tilespmem:$0x1F920] =	vst v0;
	v0 =	vld [tilespmem:s4+$0x6D50]  }
0x35b: {  	v1 =	vld [tilespmem:s4+$0xD60]  }
0x35c: {  	v42 =	vmovc v46;
	v46 =	vmovc v48;
	v48 =	vmov v49;
	v49 =	vadd.f32 v51, v56;
	v56 =	vld [tilespmem:s4+$0xC910];
	v5 =	vadd.f32 v7, v5  }
0x35d: {  	v6 =	vadd.f32 v6, v10;
	v9 =	vld [tilespmem:s4+$0xC900]  }
0x35e: {  	[tilespmem:s4+$0xC570] =	vst v5;
	v5 =	vld [tilespmem:$0x1F870]  }
0x35f: {  	v6 =	vadd.f32 v11, v6;
	[tilespmem:$0x1F930] =	vst v0;
	v0 =	vld [tilespmem:s4+$0x6D60]  }
0x360: {  	v2 =	vld [tilespmem:s4+$0xD70]  }
0x361: {  	[tilespmem:s4+$0xC560] =	vst v6;
	v6 =	vld [tilespmem:$0x1F860]  }
0x362: {  	v63 =	vld [tilespmem:s4+$0x1110];
	v4 =	vadd.f32 v4, v56  }
0x363: {  	v10 =	vld [tilespmem:s4+$0xC930]  }
0x364: {  	v9 =	vadd.f32 v32, v9;
	v4 =	vadd.f32 v5, v4;
	[tilespmem:$0x1F940] =	vst v0;
	v0 =	vld [tilespmem:s4+$0x6D70]  }
0x365: {  	v62 =	vld [tilespmem:s4+$0x1120]  }
0x366: {  	v6 =	vadd.f32 v6, v9;
	[tilespmem:s4+$0xC910] =	vst v4;
	v4 =	vld [tilespmem:$0x1F890]  }
0x367: {  	v57 =	vld [tilespmem:s4+$0xC920]  }
0x368: {  	[tilespmem:s4+$0xC900] =	vst v6;
	v6 =	vld [tilespmem:$0x1F880]  }
0x369: {  	v5 =	vadd.f32 v30, v10;
	[tilespmem:$0x1F950] =	vst v0;
	v0 =	vld [tilespmem:s4+$0x7100]  }
0x36a: {  	v61 =	vld [tilespmem:s4+$0x1130]  }
0x36b: {  	v8 =	vld [tilespmem:s4+$0xC940];
	v4 =	vadd.f32 v4, v5  }
0x36c: {  	v11 =	vld [tilespmem:s4+$0xC950];
	v9 =	vadd.f32 v31, v57  }
0x36d: {  	[tilespmem:s4+$0xC930] =	vst v4;
	v4 =	vld [tilespmem:$0x1F8B0]  }
0x36e: {  	v6 =	vadd.f32 v6, v9;
	[tilespmem:$0x1F960] =	vst v0;
	v0 =	vld [tilespmem:s4+$0x7110]  }
0x36f: {  	v60 =	vld [tilespmem:s4+$0x1140]  }
0x370: {  	[tilespmem:s4+$0xC920] =	vst v6;
	v6 =	vld [tilespmem:$0x1F8A0]  }
0x371: {  	v59 =	vld [tilespmem:s4+$0x1150];
	v5 =	vadd.f32 v28, v11  }
0x372: {  	v12 =	vld [tilespmem:s4+$0xC970]  }
0x373: {  	v8 =	vadd.f32 v29, v8;
	v4 =	vadd.f32 v4, v5;
	[tilespmem:$0x1F970] =	vst v0;
	v0 =	vld [tilespmem:s4+$0x7120]  }
0x374: {  	v58 =	vld [tilespmem:s4+$0x1160]  }
0x375: {  	v6 =	vadd.f32 v6, v8;
	[tilespmem:s4+$0xC950] =	vst v4;
	v4 =	vld [tilespmem:$0x1F8D0]  }
0x376: {  	v7 =	vld [tilespmem:s4+$0xC960]  }
0x377: {  	[tilespmem:s4+$0xC940] =	vst v6;
	v6 =	vld [tilespmem:$0x1F8C0]  }
0x378: {  	v5 =	vadd.f32 v26, v12;
	[tilespmem:$0x1F980] =	vst v0;
	v0 =	vld [tilespmem:s4+$0x7130]  }
0x379: {  	v20 =	vld [tilespmem:s4+$0x1170]  }
0x37a: {  	v10 =	vld [tilespmem:s4+$0xCD00];
	v4 =	vadd.f32 v4, v5  }
0x37b: {  	v7 =	vadd.f32 v27, v7;
	v9 =	vld [tilespmem:s4+$0xCD10]  }
0x37c: {  	[tilespmem:s4+$0xC970] =	vst v4;
	v4 =	vld [tilespmem:$0x1F8F0]  }
0x37d: {  	v6 =	vadd.f32 v6, v7;
	[tilespmem:$0x1F990] =	vst v0;
	v0 =	vld [tilespmem:s4+$0x7140]  }
0x37e: {  	v19 =	vld [tilespmem:s4+$0x1500]  }
0x37f: {  	[tilespmem:s4+$0xC960] =	vst v6;
	v6 =	vld [tilespmem:$0x1F8E0]  }
0x380: {  	v18 =	vld [tilespmem:s4+$0x1510];
	v5 =	vadd.f32 v24, v9  }
0x381: {  	v8 =	vld [tilespmem:s4+$0xCD30]  }
0x382: {  	v7 =	vadd.f32 v25, v10;
	v4 =	vadd.f32 v4, v5;
	[tilespmem:$0x1F9A0] =	vst v0;
	v0 =	vld [tilespmem:s4+$0x7150]  }
0x383: {  	v17 =	vld [tilespmem:s4+$0x1520]  }
0x384: {  	v6 =	vadd.f32 v6, v7;
	[tilespmem:s4+$0xCD10] =	vst v4;
	v4 =	vld [tilespmem:$0x1F910]  }
0x385: {  	v11 =	vld [tilespmem:s4+$0xCD20]  }
0x386: {  	[tilespmem:s4+$0xCD00] =	vst v6;
	v6 =	vld [tilespmem:$0x1F900]  }
0x387: {  	v5 =	vadd.f32 v22, v8;
	[tilespmem:$0x1F9B0] =	vst v0;
	v0 =	vld [tilespmem:s4+$0x7160]  }
0x388: {  	v16 =	vld [tilespmem:s4+$0x1530]  }
0x389: {  	v10 =	vld [tilespmem:s4+$0xCD50];
	v4 =	vadd.f32 v4, v5  }
0x38a: {  	v12 =	vld [tilespmem:s4+$0xCD40];
	v7 =	vadd.f32 v23, v11  }
0x38b: {  	[tilespmem:s4+$0xCD30] =	vst v4;
	v4 =	vld [tilespmem:$0x1F930]  }
0x38c: {  	v6 =	vadd.f32 v6, v7;
	[tilespmem:$0x1F9C0] =	vst v0;
	v0 =	vld [tilespmem:s4+$0x7170]  }
0x38d: {  	v15 =	vld [tilespmem:s4+$0x1540]  }
0x38e: {  	v3 =	vadd.f32 v3, v10;
	[tilespmem:s4+$0xCD20] =	vst v6;
	v6 =	vld [tilespmem:$0x1F920]  }
0x38f: {  	v13 =	vld [tilespmem:s4+$0x1550]  }
0x390: {  	v11 =	vld [tilespmem:s4+$0xCD70];
	v3 =	vadd.f32 v4, v3  }
0x391: {  	v7 =	vadd.f32 v21, v12;
	[tilespmem:$0x1F9D0] =	vst v0;
	v0 =	vld [tilespmem:s4+$0x7500]  }
0x392: {  	[tilespmem:s4+$0xCD50] =	vst v3;
	v3 =	vld [tilespmem:$0x1F950]  }
0x393: {  	v50 =	vld [tilespmem:s4+$0x1560];
	v6 =	vadd.f32 v6, v7  }
0x394: {  	v9 =	vld [tilespmem:s4+$0xCD60]  }
0x395: {  	v2 =	vadd.f32 v2, v11;
	[tilespmem:s4+$0xCD40] =	vst v6;
	v6 =	vld [tilespmem:$0x1F940]  }
0x396: {  	[tilespmem:$0x1F9E0] =	vst v0;
	v0 =	vld [tilespmem:s4+$0x7510]  }
0x397: {  	v12 =	vld [tilespmem:s4+$0xD110];
	v2 =	vadd.f32 v3, v2  }
0x398: {  	v14 =	vld [tilespmem:s4+$0x1570]  }
0x399: {  	v1 =	vadd.f32 v1, v9;
	[tilespmem:s4+$0xCD70] =	vst v2;
	v2 =	vld [tilespmem:$0x1F970]  }
0x39a: {  	v8 =	vld [tilespmem:s4+$0xD100]  }
0x39b: {  	v1 =	vadd.f32 v6, v1;
	[tilespmem:$0x1F9F0] =	vst v0;
	v0 =	vld [tilespmem:s4+$0x1100]  }
0x39c: {  	v44 =	vld [tilespmem:s4+$0xC500];
	v3 =	vadd.f32 v63, v12  }
0x39d: {  	[tilespmem:s4+$0xCD60] =	vst v1;
	v1 =	vld [tilespmem:$0x1F960]  }
0x39e: {  	v7 =	vld [tilespmem:s4+$0xD130];
	v3 =	vadd.f32 v2, v3  }
0x39f: {  	v53 =	vld [tilespmem:$0x1F7E0]  }
0x3a0: {  	[tilespmem:s4+$0xD110] =	vst v3;
	v3 =	vld [tilespmem:$0x1F990];
	v0 =	vadd.f32 v0, v8  }
0x3a1: {  	v9 =	vld [tilespmem:s4+$0xD160]  }
0x3a2: {  	v5 =	vld [tilespmem:s4+$0xD120];
	v0 =	vadd.f32 v1, v0  }
0x3a3: {  	v4 =	vld [tilespmem:s4+$0xD140];
	v7 =	vadd.f32 v61, v7  }
0x3a4: {  	[tilespmem:s4+$0xD100] =	vst v0;
	v0 =	vld [tilespmem:$0x1F980]  }
0x3a5: {  	v21 =	vadd.f32 v3, v7;
	v3 =	vld [tilespmem:$0x1F9A0]  }
0x3a6: {  	p0 =	sne.s32 s29, $0x1F;
	v51 =	vadd.f32 v40, v44;
	v6 =	vld [tilespmem:s4+$0xD150]  }
.Ltmp1:
0x3a7: {  	v5 =	vadd.f32 v62, v5;
	v2 =	vld [tilespmem:s4+$0xD500];
	(pc) =	sbr.rel @p0 .LBB2_4-.Ltmp1, $4  }
0x3a8: {  	[tilespmem:s4+$0xC100] =	vst v36;
	v36 =	vadd.f32 v53, v51;
	v8 =	vadd.f32 v60, v4;
	v4 =	vld [tilespmem:s4+$0xD520]  }
0x3a9: {  	[tilespmem:s4+$0xC160] =	vst v49;
	v1 =	vld [tilespmem:s4+$0xD170];
	v5 =	vadd.f32 v0, v5  }
0x3aa: {  	[tilespmem:s4+$0xC500] =	vst v36;
	v8 =	vadd.f32 v3, v8;
	v3 =	vld [tilespmem:s4+$0xD530]  }
0x3ab: {  	s29 =	sadd.s32 $0x1, s29;
	v44 =	vmov v47;
	v6 =	vadd.f32 v59, v6;
	v0 =	vld [tilespmem:s4+$0xD510];
	[tilespmem:s4+$0xD120] =	vst v5;
	v5 =	vadd.f32 v58, v9  }
0x3ac: {  	v9 =	vld [tilespmem:$0x1F9B0]  }
0x3ad: {  	v41 =	vld [tilespmem:$0x1F9C0]  }
0x3ae: {  	v45 =	vld [tilespmem:$0x1F9D0]  }
0x3af: {  	v49 =	vld [tilespmem:$0x1F9E0]  }
0x3b0: {  	v7 =	vld [tilespmem:s4+$0xD540]  }
0x3b1: {  	[tilespmem:s4+$0xD130] =	vst v21;
	v53 =	vld [tilespmem:$0x1F9F0];
	v1 =	vadd.f32 v20, v1;
	v6 =	vadd.f32 v9, v6  }
0x3b2: {  	[tilespmem:s4+$0xD140] =	vst v8;
	v40 =	vld [tilespmem:s4+$0xD550];
	v2 =	vadd.f32 v19, v2;
	v5 =	vadd.f32 v41, v5  }
0x3b3: {  	v43 =	vld [tilespmem:s4+$0xD560];
	v3 =	vadd.f32 v16, v3;
	v1 =	vadd.f32 v45, v1;
	[tilespmem:s4+$0xD150] =	vst v6  }
0x3b4: {  	v47 =	vld [tilespmem:s4+$0xD570];
	v0 =	vadd.f32 v18, v0;
	v2 =	vadd.f32 v49, v2;
	[tilespmem:s4+$0xD160] =	vst v5  }
0x3b5: {  	v52 =	vld [tilespmem:s4+$0x7560];
	v51 =	vadd.f32 v17, v4;
	v56 =	vadd.f32 v46, v3;
	[tilespmem:s4+$0xD170] =	vst v1  }
0x3b6: {  	v55 =	vld [tilespmem:s4+$0x7570];
	v54 =	vadd.f32 v15, v7;
	v0 =	vadd.f32 v53, v0;
	[tilespmem:s4+$0xD500] =	vst v2  }
0x3b7: {  	v57 =	vadd.f32 v13, v40;
	v1 =	vadd.f32 v48, v51;
	[tilespmem:s4+$0xD530] =	vst v56  }
0x3b8: {  	v59 =	vadd.f32 v50, v43;
	v58 =	vadd.f32 v44, v54;
	[tilespmem:s4+$0xD510] =	vst v0  }
0x3b9: {  	v61 =	vadd.f32 v14, v47;
	v60 =	vadd.f32 v42, v57;
	[tilespmem:s4+$0xD520] =	vst v1  }
0x3ba: {  	v62 =	vadd.f32 v52, v59;
	[tilespmem:s4+$0xD540] =	vst v58  }
0x3bb: {  	s26 =	sadd.s32 $0x1, s26;
	v63 =	vadd.f32 v55, v61;
	[tilespmem:s4+$0xD550] =	vst v60  }
0x3bc: {  	p0 =	sne.s32 s26, s14;
	[tilespmem:s4+$0xD560] =	vst v62  }
.Ltmp2:
0x3bd: {  	[tilespmem:s4+$0xD570] =	vst v63;
	(pc) =	sbr.rel @p0 .LBB2_1-.Ltmp2, $4  }
0x3be: {  	[hbm4b:s13+s1] =	stream.linear.scatter [tilespmem:s25], [sflag:$0x2], $0x6000, $0x38;
	[tilespmem:$0x12100] =	vst v63  }
0x3bf: {  	_ =	swait.ge [sflag:s15], $0x6000  }
0x3c0: {  	[sflag:s15] =	ssyncset.done $0x0  }
0x3c1: {  	[sflag:s15] =	ssyncadd.s32 $0xFFFFA000  }
0x3c2: {  	_ =	sfence.sel $0x180000  }
0x3c3: {  	[bflag:$0x0] =	sbarrier.arrive $0xFFFF  }
0x3c4: {  	_ =	strace $0x9000004D  }
0x3c5: {  	s0 =	stileid.u32;
	[bflag:$0x2] =	sbarrier.arrive $0xFFFF  }
0x3c6: {  	p0 =	sne.s32 s0, $0x0;
	s0 =	rddreg [dreg:$0x2]  }
0x3c7: {  	s0 =	sadd.s32 @!p0 $0x100000, s0  }
0x3c8: {  	[sflag:s0] =	ssyncadd.tile.s32 @!p0 $0x1;
	_ =	shalt  }
.Lfunc_end2:
_tile_overlayer_lowered:
.L_overlay_start_2:
0x3c9: {  	(tag) =	ssettag $0x2  }
0x3ca: {  	s0 =	rddreg [dreg:$0x0];
	s2 =	stileid.u32  }
0x3cb: {  	s1 =	rddreg [dreg:$0x1];
	p0 =	sne.s32 s2, $0x0  }
0x3cc: {  	s3 =	rddreg [dreg:$0x2];
	[bflag:$0x3] =	sbarrier.arrive $0xFFFF;
	s2 =	simm.s32 @!p0 $0x1C02  }
0x3cd: {  	[timem:s3], [sflag:s2] =	dma.local @!p0 [hbm:s0], s1  }
0x3ce: {  	s0 =	simm.s32 @!p0 $0x2  }
0x3cf: {  	_ =	swait.ge @!p0 [sflag:s0], s1  }
0x3d0: {  	s1 =	ssub.s32 @!p0 $0x0, s1;
	[sflag:s0] =	ssyncset.done @!p0 $0x0  }
0x3d1: {  	[sflag:s0] =	ssyncadd.s32 @!p0 s1  }
0x3d2: {  	[bflag:$0x3] =	sbarrier.arrive $0xFFFF  }
0x3d3: {  	_ =	shalt  }

// kernel: kernel.8.cloned.1.call-start
scs
__scs_entry_jumppad:
0x0: {  	(pc) =	sbr.rel $0x88, $3  }
0x1: {  	(tag) =	ssettag $0x0;
	lr =	simm.s32 $0x1  }
0x2: {  	[smem:$0x3F94] =	sst lr;
	_ =	strace $0xD0000000  }
0x3: {  	_ = 	snop  }
0x4: {  	_ = 	snop  }
0x5: {  	_ = 	snop  }
0x6: {  	_ = 	snop  }
0x7: {  	_ = 	snop  }
__scs_overlays_trampoline_lowered:
0x8: {  	[smem:$0x3FA3] =	sst s0  }
0x9: {  	[smem:$0x3FA4] =	sst s1  }
0xa: {  	[smem:$0x3FA5] =	sst s2  }
0xb: {  	[smem:$0x3FA6] =	sst s3  }
0xc: {  	[smem:$0x3FA7] =	sst s4  }
0xd: {  	[smem:$0x3FA8] =	sst s5  }
0xe: {  	[smem:$0x3FA9] =	sst s6  }
0xf: {  	[smem:$0x3FAA] =	sst s7  }
0x10: {  	[smem:$0x3FAB] =	sst s8  }
0x11: {  	[smem:$0x3FAC] =	sst s9;
	s0 =	simm.s32 @!p0 $0x0  }
0x12: {  	s1 =	sld [smem:$0x3F92];
	s0 =	simm.s32 @p0 $0x1  }
0x13: {  	[smem:$0x3FAD] =	sst s0;
	s0 =	simm.s32 @!p1 $0x0  }
0x14: {  	s2 =	sld [smem:$0x3F91];
	s0 =	simm.s32 @p1 $0x1  }
0x15: {  	[smem:$0x3FAE] =	sst s0;
	s0 =	simm.s32 @!p2 $0x0  }
0x16: {  	s3 =	sld [smem:$0x3FDB];
	s0 =	simm.s32 @p2 $0x1  }
0x17: {  	s4 =	simm.s32 $0x1BF5;
	[smem:$0x3FB0] =	sst s0  }
0x18: {  	s0 =	sld [smem:$0x3F93];
	_ =	swait.ge [sflag:s4], $0x0  }
0x19: {  	s7 =	sld [smem:$0x3F94]  }
0x1a: {  	s8 =	sadd.s32 $0xFFFFE003, lr  }
0x1b: {  	s9 =	sadd.s32 $0xFFFFFEF7, lr;
	s5 =	simm.s32 $0xFFFFFFFF;
	p2 =	slt.u32 s8, $0xFFFFF086  }
0x1c: {  	p1 =	slt.u32 s9, $0xF7A;
	s5 =	simm.s32 @!p2 $0x0  }
0x1d: {  	s5 =	simm.s32 @p1 $0x1;
	p0 =	seq.s32 s7, s2  }
0x1e: {  	s7 =	smul.u32 @!p0 $0xF7A, s2;
	p2 =	seq.s32 @!p0 s5, $0x0  }
0x1f: {  	s9 =	smul.u32 $0xF7A, s1;
	s8 =	simm.s32 @!p0 $0x1BF5;
	p2 =	por !p2, p0  }
0x20: {  	[sflag:s8] =	ssyncset.s32 @!p0 $0xFFFFF086;
	s6 =	sadd.s32 @!p0 s3, s7;
	s7 =	simm.s32 @!p0 $0x108  }
0x21: {  	s3 =	sadd.s32 s3, s9;
	s6 =	sadd.s32 @!p0 $0x88, s6;
	s7 =	simm.s32 @p2 $0x1082  }
0x22: {  	[simem:s7], [sflag:s8] =	dma.local @!p0 [hbm:s6], $0xF7A  }
0x23: {  	s9 =	sor.u32 $0xD0000000, s2;
	s6 =	simm.s32 $0x108;
	_ =	swait.ge @!p0 [sflag:s8], $0x0  }
0x24: {  	s3 =	sadd.s32 $0x88, s3;
	s6 =	simm.s32 @!p1 $0x1082;
	[sflag:s4] =	ssyncset.s32 $0xFFFFF086  }
0x25: {  	[simem:s6], [sflag:s4] =	dma.local [hbm:s3], $0xF7A  }
0x26: {  	[smem:$0x3F94] =	sst s1;
	(tag) =	ssettag s2;
	_ =	strace s9  }
0x27: {  	s1 =	sld [smem:$0x3FA4]  }
0x28: {  	s2 =	sld [smem:$0x3FA5]  }
0x29: {  	s4 =	sld [smem:$0x3FA7]  }
0x2a: {  	p0 =	seq.s32 s5, $0x0;
	s5 =	sld [smem:$0x3FA8]  }
0x2b: {  	s6 =	sld [smem:$0x3FA9]  }
0x2c: {  	s7 =	sld [smem:$0x3FAA]  }
0x2d: {  	s3 =	simm.s32 $0x108;
	s8 =	sld [smem:$0x3FAB]  }
0x2e: {  	s3 =	simm.s32 @!p0 $0x1082;
	s9 =	sld [smem:$0x3FAC]  }
0x2f: {  	lr =	sadd.s32 s0, s3;
	s0 =	sld [smem:$0x3FA3]  }
0x30: {  	s3 =	sld [smem:$0x3FA6]  }
0x31: {  	[smem:$0x3FAF] =	sst s10  }
0x32: {  	s10 =	sld [smem:$0x3FAD];
	_ =	sdelay $0x3  }
0x33: {  	p0 =	seq.s32 s10, $0x1;
	s10 =	sld [smem:$0x3FAF];
	_ =	sdelay $0x3  }
0x34: {  	[smem:$0x3FAF] =	sst s10  }
0x35: {  	s10 =	sld [smem:$0x3FAE];
	_ =	sdelay $0x3  }
0x36: {  	p1 =	seq.s32 s10, $0x1;
	s10 =	sld [smem:$0x3FAF];
	_ =	sdelay $0x3  }
0x37: {  	[smem:$0x3FAF] =	sst s10  }
0x38: {  	s10 =	sld [smem:$0x3FB0]  }
0x39: {  	_ = 	snop;
	(pc) =	sbr.ind lr, $3  }
0x3a: {  	_ = 	snop  }
0x3b: {  	_ = 	snop  }
0x3c: {  	p2 =	seq.s32 s10, $0x1;
	s10 =	sld [smem:$0x3FAF]  }
0x3d: {  	_ =	shalt  }
0x3e: {  	_ =	shalt  }
0x3f: {  	_ =	shalt  }
0x40: {  	_ =	shalt  }
0x41: {  	_ =	shalt  }
0x42: {  	_ =	shalt  }
0x43: {  	_ =	shalt  }
0x44: {  	_ =	shalt  }
0x45: {  	_ =	shalt  }
0x46: {  	_ =	shalt  }
0x47: {  	_ =	shalt  }
0x48: {  	_ =	shalt  }
0x49: {  	_ =	shalt  }
0x4a: {  	_ =	shalt  }
0x4b: {  	_ =	shalt  }
0x4c: {  	_ =	shalt  }
0x4d: {  	_ =	shalt  }
0x4e: {  	_ =	shalt  }
0x4f: {  	_ =	shalt  }
0x50: {  	_ =	shalt  }
0x51: {  	_ =	shalt  }
0x52: {  	_ =	shalt  }
0x53: {  	_ =	shalt  }
0x54: {  	_ =	shalt  }
0x55: {  	_ =	shalt  }
0x56: {  	_ =	shalt  }
0x57: {  	_ =	shalt  }
0x58: {  	_ =	shalt  }
0x59: {  	_ =	shalt  }
0x5a: {  	_ =	shalt  }
0x5b: {  	_ =	shalt  }
0x5c: {  	_ =	shalt  }
0x5d: {  	_ =	shalt  }
0x5e: {  	_ =	shalt  }
0x5f: {  	_ =	shalt  }
0x60: {  	_ =	shalt  }
0x61: {  	_ =	shalt  }
0x62: {  	_ =	shalt  }
0x63: {  	_ =	shalt  }
0x64: {  	_ =	shalt  }
0x65: {  	_ =	shalt  }
0x66: {  	_ =	shalt  }
0x67: {  	_ =	shalt  }
0x68: {  	_ =	shalt  }
0x69: {  	_ =	shalt  }
0x6a: {  	_ =	shalt  }
0x6b: {  	_ =	shalt  }
0x6c: {  	_ =	shalt  }
0x6d: {  	_ =	shalt  }
0x6e: {  	_ =	shalt  }
0x6f: {  	_ =	shalt  }
0x70: {  	_ =	shalt  }
0x71: {  	_ =	shalt  }
0x72: {  	_ =	shalt  }
0x73: {  	_ =	shalt  }
0x74: {  	_ =	shalt  }
0x75: {  	_ =	shalt  }
0x76: {  	_ =	shalt  }
0x77: {  	_ =	shalt  }
0x78: {  	_ =	shalt  }
0x79: {  	_ =	shalt  }
0x7a: {  	_ =	shalt  }
0x7b: {  	_ =	shalt  }
0x7c: {  	_ =	shalt  }
0x7d: {  	_ =	shalt  }
0x7e: {  	_ =	shalt  }
0x7f: {  	_ =	shalt  }
0x80: {  	_ =	shalt  }
0x81: {  	_ =	shalt  }
0x82: {  	_ =	shalt  }
0x83: {  	_ =	shalt  }
0x84: {  	_ =	shalt  }
0x85: {  	_ =	shalt  }
0x86: {  	_ =	shalt  }
0x87: {  	_ =	shalt  }
.Lfunc_end0:
.L_simem_size_0:
called_computation_lowered:
.L_overlay_start_0:
0x88: {  	s2 =	sld [smem:$0x3FD9]  }
0x89: {  	s3 =	sld [smem:$0x3FFE];
	_ =	sdelay $0x1  }
0x8a: {  	s1 =	srdreg.scid  }
0x8b: {  	s0 =	sand.u32 $0x1, s1  }
0x8c: {  	s14 =	sshll.u32 s0, $0xA;
	s2 =	sadd.s32 s3, s2  }
0x8d: {  	s2 =	sadd.s32 s2, s14  }
0x8e: {  	[smem:$0x3FBB] =	sst s2  }
0x8f: {  	_ = 	snop  }
0x90: {  	s2 =	sld [smem:$0x3FD0];
	_ =	sdelay $0x2  }
0x91: {  	s15 =	simm.s32 $0xA;
	s4 =	simm.s32 $0x10  }
0x92: {  	[smem:s4], [sflag:s15] =	dma.local [hbm:s2], $0x1  }
0x93: {  	_ =	swait.eq [sflag:s15], $0x1  }
0x94: {  	[sflag:s15] =	ssyncset.done $0x0  }
0x95: {  	s16 =	sld [smem:$0x10];
	[sflag:s15] =	ssyncadd.s32 $0xFFFFFFFF  }
0x96: {  	s17 =	sld [smem:$0x11];
	(tm) =	ssettm $0x1  }
0x97: {  	s18 =	sld [smem:$0x3FFB];
	_ =	sdelay $0x3  }
0x98: {  	_ =	strace s18  }
0x99: {  	s4 =	sld [smem:$0x3FFC];
	_ =	sdelay $0x3  }
0x9a: {  	_ =	strace s4  }
0x9b: {  	s4 =	sld [smem:$0x3FFD];
	_ =	sdelay $0x3  }
0x9c: {  	_ =	strace s4  }
0x9d: {  	_ =	strace $0x8FFFFFFF  }
0x9e: {  	s19 =	sld [smem:$0x3FDB];
	_ =	sdelay $0x1  }
0x9f: {  	s5 =	simm.s32 $_scs_section_size  }
0xa0: {  	s6 =	simm.s32 $_size__tile_overlayer_lowered;
	s7 =	simm.s32 $_tile_overlayer_lowered  }
0xa1: {  	s22 =	simm.s32 $0x1BFF;
	s21 =	sshll.u32 s7, $0x1;
	s4 =	sadd.s32 s5, s19  }
0xa2: {  	s8 =	simm.s32 $0x0;
	s20 =	sshll.u32 s6, $0x1;
	s6 =	sadd.s32 s21, s4  }
0xa3: {  	[timem:s8], [sflag:s22] =	dma.local [hbm:s6], s20  }
0xa4: {  	_ =	swait.ge [sflag:s22], s20  }
0xa5: {  	s5 =	ssub.s32 $0x0, s20;
	[sflag:s22] =	ssyncset.done $0x0  }
0xa6: {  	[sflag:s22] =	ssyncadd.s32 s5;
	_ =	sdelay $0x1  }
0xa7: {  	s23 =	simm.s32 $0x1B8B  }
0xa8: {  	_ =	swait.ge [sflag:s23], $0x1  }
0xa9: {  	[sflag:s23] =	ssyncset.done $0x0  }
0xaa: {  	s25 =	simm.s32 $0x1B8E;
	s24 =	sld [smem:$0x3FFE];
	[sflag:s23] =	ssyncadd.s32 $0xFFFFFFFF  }
0xab: {  	s26 =	simm.s32 $execute0_lowered;
	[smem:$0x3FD2] =	sst s25  }
0xac: {  	s6 =	sshll.u32 s26, $0x1;
	_ =	strace $0x80000046;
	[dreg:$0x1] =	wrdreg $0xFFFFFFFF  }
0xad: {  	s28 =	simm.s32 $_size_execute0_lowered;
	s4 =	sadd.s32 s4, s6;
	[dreg:$0x0] =	wrdreg $0x0  }
0xae: {  	s6 =	sshll.u32 s28, $0x1;
	[dreg:$0x2] =	wrdreg s4  }
0xaf: {  	[dreg:$0x3] =	wrdreg s6  }
0xb0: {  	[dreg:$0x4] =	wrdreg $0xC0  }
0xb1: {  	_ =	task [dreg:s8], $0x5FFFF  }
0xb2: {  	[dreg:$0x1] =	wrdreg $0xFFFFFFFF  }
0xb3: {  	[dreg:$0x0] =	wrdreg $0x60  }
0xb4: {  	[dreg:$0x2] =	wrdreg s24  }
0xb5: {  	[dreg:$0x3] =	wrdreg s17  }
0xb6: {  	[dreg:$0x4] =	wrdreg s16  }
0xb7: {  	[dreg:$0x5] =	wrdreg $0x9  }
0xb8: {  	_ =	task.clear_ibuf [dreg:s8], $0x6FFFF;
	_ =	strace $0x90000046  }
0xb9: {  	s29 =	simm.s32 $0x9;
	_ =	strace $0x80000048  }
0xba: {  	_ =	swait.ge [sflag:s29], $0x1  }
0xbb: {  	[sflag:s29] =	ssyncadd.s32 $0xFFFFFFFF  }
0xbc: {  	_ =	strace $0x90000048  }
0xbd: {  	_ =	sfence  }
0xbe: {  	s30 =	sld [smem:$0x0];
	_ =	sdelay $0x2  }
0xbf: {  	s31 =	sshll.u32 s1, $0xD;
	s1 =	sshrl.u32 s1, $0x2  }
0xc0: {  	s3 =	sand.u32 $0x4000, s31;
	s1 =	sadd.s32 s1, s30  }
0xc1: {  	s0 =	sor.u32 s3, s0;
	s1 =	sshll.u32 s1, $0x11  }
0xc2: {  	s0 =	sor.u32 s1, s0  }
0xc3: {  	s0 =	sadd.s32 $0x8F2B, s0  }
0xc4: {  	[sflag:s0] =	ssyncadd.remote.s32 $0x1  }
0xc5: {  	_ =	sfence.sel $0xFFFF  }
0xc6: {  	[dreg:$0x0] =	wrdreg $0xFFFFFFFF;
	(pc) =	sbr.abs _section_cstart, $3  }
0xc7: {  	[dreg:$0x1] =	wrdreg $0xFFFFFFFF  }
0xc8: {  	_ =	task.clear_ibuf [dreg:s8], $0x2FFFF;
	_ =	strace $0x9FFFFFFF  }
0xc9: {  	(tm) =	ssettm $0x7FFFFFFF  }
tec
execute0_lowered:
.L_overlay_start_1:
0x0: {  	(tag) =	ssettag $0x1  }
0x1: {  	s5 =	rddreg [dreg:$0x0]  }
0x2: {  	s1 =	rddreg [dreg:$0x1]  }
0x3: {  	s2 =	rddreg [dreg:$0x2]  }
0x4: {  	s3 =	srdreg.scid;
	s0 =	rddreg [dreg:$0x3]  }
0x5: {  	s4 =	simm.s32 $0x0;
	s12 =	sand.u32 $0x1, s3;
	s3 =	stileid.u32  }
0x6: {  	[smem:$0x7FF] =	sst s4;
	s6 =	ssub.s32 $0x2, s12;
	s7 =	sshll.u32 s3, $0x4  }
0x7: {  	s9 =	smul.u32 $0x30, s3;
	_ =	strace $0x80000047;
	s13 =	sshll.u32 s3, $0x7  }
0x8: {  	p0 =	sne.s32 s12, $0x0;
	s12 =	simm.s32 $0x280;
	s8 =	sshrl.u32 s6, $0x1  }
0x9: {  	s10 =	sadd.s32 s7, s5;
	s14 =	sor.u32 $0x10, s13;
	s15 =	sor.u32 $0x20, s13  }
0xa: {  	v7 =	vlaneseq.u32;
	s16 =	sor.u32 $0x30, s13;
	s17 =	sor.u32 $0x40, s13;
	s18 =	sor.u32 $0x50, s13  }
0xb: {  	v0 =	vor.u32 s13, v7;
	s19 =	sor.u32 $0x60, s13;
	s20 =	sor.u32 $0x70, s13;
	s13 =	simm.s32 $0x2  }
.Ltmp0:
0xc: {  	s11 =	ssub.s32 s6, s8;
	s5 =	sadd.s32 s1, s9;
	(pc) =	sbr.rel .LBB2_1-.Ltmp0, $4  }
0xd: {  	s6 =	sadd.s32 s2, s9;
	s7 =	sadd.s32 $0x1800, s10;
	s8 =	sadd.s32 $0x1A00, s10  }
0xe: {  	v8 =	vimm.s32 $0x0;
	v9 =	vimm.f32 $0.0e+00;
	s9 =	sadd.s32 $0x1C00, s10;
	s10 =	sadd.s32 $0x1E00, s10;
	v1 =	vor.u32 s14, v7;
	s14 =	simm.s32 $0x400  }
0xf: {  	v2 =	vor.u32 s15, v7;
	v3 =	vor.u32 s16, v7;
	v4 =	vor.u32 s17, v7;
	s15 =	simm.s32 $0x80;
	s16 =	simm.s32 $0x100;
	s17 =	simm.s32 $0x180  }
0x10: {  	v5 =	vor.u32 s18, v7;
	v6 =	vor.u32 s19, v7;
	v7 =	vor.u32 s20, v7;
	s18 =	simm.s32 $0x200;
	s19 =	simm.s32 $0x1;
	s11 =	smax.u32 s11, $0x1  }
.LBB2_3:
0x11: {  	[bflag:$0x0] =	sbarrier.arrive $0xFFFF  }
.LBB2_4:
0x12: {  	s11 =	sadd.s32 $0xFFFFFFFF, s11  }
0x13: {  	p1 =	sne.s32 s11, $0x0  }
.Ltmp1:
0x14: {  	_ = 	snop;
	(pc) =	sbr.rel @!p1 .LBB2_5-.Ltmp1, $1  }
0x15: {  	_ =	sdelay $0x3  }
.LBB2_1:
.Ltmp2:
0x16: {  	(pc) =	sbr.rel @p0 .LBB2_3-.Ltmp2, $1  }
0x17: {  	_ =	sdelay $0x3  }
0x18: {  	[tilespmem:$0x280] =	vst v8  }
0x19: {  	[tilespmem:$0x400] =	vst v9  }
0x1a: {  	[tilespmem:$0x290] =	vst v8  }
0x1b: {  	[tilespmem:$0x410] =	vst v9  }
0x1c: {  	[tilespmem:$0x2A0] =	vst v8  }
0x1d: {  	[tilespmem:$0x420] =	vst v9  }
0x1e: {  	[tilespmem:$0x2B0] =	vst v8  }
0x1f: {  	[tilespmem:$0x430] =	vst v9  }
0x20: {  	[tilespmem:$0x2C0] =	vst v8  }
0x21: {  	[tilespmem:$0x440] =	vst v9  }
0x22: {  	[tilespmem:$0x2D0] =	vst v8  }
0x23: {  	[tilespmem:$0x450] =	vst v9  }
0x24: {  	[tilespmem:$0x2E0] =	vst v8  }
0x25: {  	[tilespmem:$0x460] =	vst v9  }
0x26: {  	[tilespmem:$0x2F0] =	vst v8  }
0x27: {  	[tilespmem:$0x470] =	vst v9  }
0x28: {  	[tilespmem:$0x300] =	vst v8  }
0x29: {  	[tilespmem:$0x480] =	vst v9  }
0x2a: {  	[tilespmem:$0x310] =	vst v8  }
0x2b: {  	[tilespmem:$0x490] =	vst v9  }
0x2c: {  	[tilespmem:$0x320] =	vst v8  }
0x2d: {  	[tilespmem:$0x4A0] =	vst v9  }
0x2e: {  	[tilespmem:$0x330] =	vst v8  }
0x2f: {  	[tilespmem:$0x4B0] =	vst v9  }
0x30: {  	[tilespmem:$0x340] =	vst v8  }
0x31: {  	[tilespmem:$0x4C0] =	vst v9  }
0x32: {  	[tilespmem:$0x350] =	vst v8  }
0x33: {  	[tilespmem:$0x4D0] =	vst v9  }
0x34: {  	[tilespmem:$0x360] =	vst v8  }
0x35: {  	[tilespmem:$0x4E0] =	vst v9  }
0x36: {  	[tilespmem:$0x370] =	vst v8  }
0x37: {  	[tilespmem:$0x4F0] =	vst v9  }
0x38: {  	[tilespmem:$0x380] =	vst v8  }
0x39: {  	[tilespmem:$0x500] =	vst v9  }
0x3a: {  	[tilespmem:$0x390] =	vst v8  }
0x3b: {  	[tilespmem:$0x510] =	vst v9  }
0x3c: {  	[tilespmem:$0x3A0] =	vst v8  }
0x3d: {  	[tilespmem:$0x520] =	vst v9  }
0x3e: {  	[tilespmem:$0x3B0] =	vst v8  }
0x3f: {  	[tilespmem:$0x530] =	vst v9  }
0x40: {  	[tilespmem:$0x3C0] =	vst v8  }
0x41: {  	[tilespmem:$0x540] =	vst v9  }
0x42: {  	[tilespmem:$0x3D0] =	vst v8  }
0x43: {  	[tilespmem:$0x550] =	vst v9  }
0x44: {  	[tilespmem:$0x3E0] =	vst v8  }
0x45: {  	[tilespmem:$0x560] =	vst v9  }
0x46: {  	[tilespmem:$0x3F0] =	vst v8  }
0x47: {  	[tilespmem:$0x570] =	vst v9  }
0x48: {  	[hbm4b:s5+s4] =	stream.linear.scatter [tilespmem:s12], [sflag:$0x2], $0x180, $0x38;
	[tilespmem:$0x580] =	vst v63  }
0x49: {  	_ =	swait.ge [sflag:s13], $0x180  }
0x4a: {  	[sflag:s13] =	ssyncset.done $0x0  }
0x4b: {  	[sflag:s13] =	ssyncadd.s32 $0xFFFFFE80  }
0x4c: {  	[hbm4b:s6+s4] =	stream.linear.scatter [tilespmem:s14], [sflag:$0x2], $0x180, $0x38;
	[tilespmem:$0x580] =	vst v63  }
0x4d: {  	_ =	swait.ge [sflag:s13], $0x180  }
0x4e: {  	[sflag:s13] =	ssyncset.done $0x0  }
0x4f: {  	[sflag:s13] =	ssyncadd.s32 $0xFFFFFE80  }
0x50: {  	[bflag:$0x0] =	sbarrier.arrive $0xFFFF  }
0x51: {  	[tilespmem:s4], [sflag:$0x2] =	stream.linear.gather [hbm4b:s7+s4], $0x80, $0x38;
	[tilespmem:$0x580] =	vst v63  }
0x52: {  	_ =	swait.ge [sflag:s13], $0x80  }
0x53: {  	[sflag:s13] =	ssyncset.done $0x0  }
0x54: {  	[sflag:s13] =	ssyncadd.s32 $0xFFFFFF80  }
0x55: {  	[tilespmem:s15], [sflag:$0x2] =	stream.linear.gather [hbm4b:s8+s4], $0x80, $0x38;
	[tilespmem:$0x580] =	vst v63  }
0x56: {  	_ =	swait.ge [sflag:s13], $0x80  }
0x57: {  	[sflag:s13] =	ssyncset.done $0x0  }
0x58: {  	[sflag:s13] =	ssyncadd.s32 $0xFFFFFF80  }
0x59: {  	[tilespmem:s16], [sflag:$0x2] =	stream.linear.gather [hbm4b:s9+s4], $0x80, $0x38;
	[tilespmem:$0x580] =	vst v63  }
0x5a: {  	_ =	swait.ge [sflag:s13], $0x80  }
0x5b: {  	[sflag:s13] =	ssyncset.done $0x0  }
0x5c: {  	[sflag:s13] =	ssyncadd.s32 $0xFFFFFF80  }
0x5d: {  	[tilespmem:s17], [sflag:$0x2] =	stream.linear.gather [hbm4b:s10+s4], $0x80, $0x38;
	[tilespmem:$0x580] =	vst v63  }
0x5e: {  	_ =	swait.ge [sflag:s13], $0x80  }
0x5f: {  	[sflag:s13] =	ssyncset.done $0x0  }
0x60: {  	[sflag:s13] =	ssyncadd.s32 $0xFFFFFF80  }
0x61: {  	[tilespmem:$0x200] =	vst v0  }
0x62: {  	[tilespmem:$0x210] =	vst v1  }
0x63: {  	[tilespmem:$0x220] =	vst v2  }
0x64: {  	[tilespmem:$0x230] =	vst v3  }
0x65: {  	[tilespmem:$0x240] =	vst v4  }
0x66: {  	[tilespmem:$0x250] =	vst v5  }
0x67: {  	[tilespmem:$0x260] =	vst v6  }
0x68: {  	[tilespmem:$0x270] =	vst v7  }
0x69: {  	[hbm4b:s1+s15] =	stream.indirect.scatter [tilespmem:s18], [sflag:$0x1], $0x1, s4, s15, $0xb8;
	[tilespmem:$0x580] =	vst v63  }
0x6a: {  	_ =	swait.ge [sflag:s19], $0x80  }
0x6b: {  	[sflag:s19] =	ssyncset.done $0x0  }
0x6c: {  	[sflag:s19] =	ssyncadd.s32 $0xFFFFFF80  }
0x6d: {  	[hbm4b:s2+s15] =	stream.indirect.scatter [tilespmem:s16], [sflag:$0x1], $0x1, s4, s15, $0xb8;
	[tilespmem:$0x580] =	vst v63  }
0x6e: {  	_ =	swait.ge [sflag:s19], $0x80  }
0x6f: {  	[sflag:s19] =	ssyncset.done $0x0  }
0x70: {  	[sflag:s19] =	ssyncadd.s32 $0xFFFFFF80  }
0x71: {  	[hbm4b:s1+s15] =	stream.indirect.scatter [tilespmem:s18], [sflag:$0x1], $0x1, s15, s15, $0xb8;
	[tilespmem:$0x580] =	vst v63  }
0x72: {  	_ =	swait.ge [sflag:s19], $0x80  }
0x73: {  	[sflag:s19] =	ssyncset.done $0x0  }
.Ltmp3:
0x74: {  	[sflag:s19] =	ssyncadd.s32 $0xFFFFFF80;
	(pc) =	sbr.rel .LBB2_4-.Ltmp3, $4  }
0x75: {  	[hbm4b:s2+s15] =	stream.indirect.scatter [tilespmem:s17], [sflag:$0x1], $0x1, s15, s15, $0xb8;
	[tilespmem:$0x580] =	vst v63  }
0x76: {  	_ =	swait.ge [sflag:s19], $0x80  }
0x77: {  	[sflag:s19] =	ssyncset.done $0x0  }
0x78: {  	[sflag:s19] =	ssyncadd.s32 $0xFFFFFF80  }
.LBB2_5:
0x79: {  	_ =	sfence.sel $0x180000  }
0x7a: {  	[bflag:$0x0] =	sbarrier.arrive $0xFFFF  }
0x7b: {  	p0 =	sne.s32 s3, $0x0;
	_ =	strace $0x90000047  }
0x7c: {  	s0 =	sadd.s32 @!p0 $0x100000, s0;
	[bflag:$0x2] =	sbarrier.arrive $0xFFFF  }
0x7d: {  	[sflag:s0] =	ssyncadd.tile.s32 @!p0 $0x1;
	_ =	shalt  }
.Lfunc_end2:
_tile_overlayer_lowered:
.L_overlay_start_2:
0x7e: {  	(tag) =	ssettag $0x2  }
0x7f: {  	s0 =	rddreg [dreg:$0x0];
	s2 =	stileid.u32  }
0x80: {  	s1 =	rddreg [dreg:$0x1];
	p0 =	sne.s32 s2, $0x0  }
0x81: {  	s3 =	rddreg [dreg:$0x2];
	[bflag:$0x3] =	sbarrier.arrive $0xFFFF;
	s2 =	simm.s32 @!p0 $0x1C02  }
0x82: {  	[timem:s3], [sflag:s2] =	dma.local @!p0 [hbm:s0], s1  }
0x83: {  	s0 =	simm.s32 @!p0 $0x2  }
0x84: {  	_ =	swait.ge @!p0 [sflag:s0], s1  }
0x85: {  	s1 =	ssub.s32 @!p0 $0x0, s1;
	[sflag:s0] =	ssyncset.done @!p0 $0x0  }
0x86: {  	[sflag:s0] =	ssyncadd.s32 @!p0 s1  }
0x87: {  	[bflag:$0x3] =	sbarrier.arrive $0xFFFF  }
0x88: {  	_ =	shalt  }

</sc_bundles>
